<compile_context>
chip_gen: v7x
topology: tpu7x:2x2x1
jax: 0.10.2.dev20260603
libtpu: 0.0.44.dev20260713+nightly
codegen_flags: <defaults>
</compile_context>

<pallas_src>
import jax
import jax.numpy as jnp
from jax import lax
from jax.experimental import pallas as pl
from jax.experimental.pallas import tpu as pltpu
from jax.experimental.pallas import tpu_sc as plsc

_W = 2048
_OUT_ROWS = 8 * 2048
_NC, _NS = 2, 16
_NW = _NC * _NS
_RPW = _OUT_ROWS // _NW
_CHUNK = 16
_NBUF = 3
_NCHUNKS = _RPW // _CHUNK


def _sc_body(x_hbm, o_hbm, buf, in_sem, out_sem):
    wid = lax.axis_index("s") * _NC + lax.axis_index("c")
    slab = wid // 4
    src_slab = slab + 3 * (slab // 4)
    within = (wid % 4) * _RPW
    src_base = src_slab * 2048 + within
    out_base = wid * _RPW

    def in_copy(k, slot):
        return pltpu.make_async_copy(
            x_hbm.at[pl.ds(src_base + k * _CHUNK, _CHUNK)],
            buf.at[slot], in_sem.at[slot])

    def out_copy(k, slot):
        return pltpu.make_async_copy(
            buf.at[slot], o_hbm.at[pl.ds(out_base + k * _CHUNK, _CHUNK)],
            out_sem.at[slot])

    for b in range(min(_NBUF, _NCHUNKS)):
        in_copy(b, b).start()
    for k in range(_NCHUNKS):
        slot = k % _NBUF
        in_copy(k, slot).wait()
        out_copy(k, slot).start()
        nk = k + _NBUF
        if nk < _NCHUNKS:
            out_copy(k, slot).wait()
            in_copy(nk, slot).start()
    for k in range(max(0, _NCHUNKS - _NBUF), _NCHUNKS):
        out_copy(k, k % _NBUF).wait()


_sc_copy = pl.kernel(
    _sc_body,
    mesh=plsc.VectorSubcoreMesh(core_axis_name="c", subcore_axis_name="s"),
    out_type=jax.ShapeDtypeStruct((_OUT_ROWS, _W), jnp.float32),
    scratch_types=[
        pltpu.VMEM((_NBUF, _CHUNK, _W), jnp.float32),
        pltpu.SemaphoreType.DMA((_NBUF,)),
        pltpu.SemaphoreType.DMA((_NBUF,)),
    ],
)


def kernel(x):
    xf = x.reshape(14 * 2048, _W)
    return _sc_copy(xf).reshape(8, 2048, 2048)

# --- scband reference (transcript-rebuilt; emitter-appended) ---
"""Pipeline reference for scband-my-model-61933428409095 (READ-ONLY COPY).

The authoritative reference and input builder live on the scoring server;
editing this copy changes nothing except your own understanding.
"""

import jax, jax.numpy as jnp
import numpy as np

# Fixed boolean mask baked into the module (shape [2, 7], 4 True per row -> 8 selected rows)
_MASK = np.array([[True, True, True, True, False, False, False],
                  [True, True, True, True, False, False, False]])
_ROWS, _COLS = np.nonzero(_MASK)  # static index arrays, length 8


def setup_inputs(seed: int = 0) -> dict:
    key = jax.random.key(seed)
    x = jax.random.normal(key, (2, 7, 2048, 2048), dtype=jnp.float32)
    return {"x": x}


def reference(x):
    # torch boolean-mask indexing x[mask] with mask shape [2,7] selects the
    # (row, col) positions where mask is True, keeping trailing dims.
    # Equivalent gather with static indices derived from the constant mask.
    return x[_ROWS, _COLS]

if __name__ == "__main__":
    import jax
    _d = setup_inputs()
    print(jax.jit(kernel)(*tuple(_d.values())))

</pallas_src>

<mosaic_0001>
#map = affine_map<(d0, d1) -> (0, 0)>
module attributes {stable_mosaic.version = 14 : i64} {
  func.func @_sc_body(%arg0: i32, %arg1: i32, %arg2: memref<28672x2048xf32, #tpu.memory_space<hbm>>, %arg3: memref<16384x2048xf32, #tpu.memory_space<hbm>>, %arg4: memref<3x16x2048xf32, #tpu.memory_space<vmem>>, %arg5: memref<3x!tpu.dma_semaphore, #tpu.memory_space<semaphore_mem>>, %arg6: memref<3x!tpu.dma_semaphore, #tpu.memory_space<semaphore_mem>>) attributes {dimension_semantics = [#tpu.dimension_semantics<core_parallel>, #tpu.dimension_semantics<subcore_parallel>], iteration_bounds = array<i64: 2, 16>, scalar_prefetch = 0 : i64, scratch_operands = 3 : i64, tpu.core_type = #tpu.core_type<sc_vector_subcore>, window_params = [{transform_indices = #map}, {transform_indices = #map}]} {
    %mul3A = arith.constant 2 : i32
    %mul3A_0 = arith.muli %arg1, %mul3A : i32
    %add3A = arith.addi %mul3A_0, %arg0 : i32
    %jit3A = arith.constant 4 : i32
    %div3A = arith.divsi %add3A, %jit3A : i32
    %sign3A = arith.constant 0 : i32
    %sign3A_1 = arith.cmpi sgt, %add3A, %sign3A : i32
    %sign3A_2 = arith.extui %sign3A_1 : i1 to i32
    %sign3A_3 = arith.constant 0 : i32
    %sign3A_4 = arith.cmpi slt, %add3A, %sign3A_3 : i32
    %sign3A_5 = arith.extui %sign3A_4 : i1 to i32
    %sign3A_6 = arith.subi %sign3A_2, %sign3A_5 : i32
    %sign3A_7 = arith.constant 0 : i32
    %sign3A_8 = arith.cmpi sgt, %jit3A, %sign3A_7 : i32
    %sign3A_9 = arith.extui %sign3A_8 : i1 to i32
    %sign3A_10 = arith.constant 0 : i32
    %sign3A_11 = arith.cmpi slt, %jit3A, %sign3A_10 : i32
    %sign3A_12 = arith.extui %sign3A_11 : i1 to i32
    %sign3A_13 = arith.subi %sign3A_9, %sign3A_12 : i32
    %ne3A = arith.cmpi ne, %sign3A_6, %sign3A_13 : i32
    %rem3A = arith.remsi %add3A, %jit3A : i32
    %ne3A_14 = arith.constant 0 : i32
    %ne3A_15 = arith.cmpi ne, %rem3A, %ne3A_14 : i32
    %and3A = arith.andi %ne3A, %ne3A_15 : i1
    %sub3A = arith.constant 1 : i32
    %sub3A_16 = arith.subi %div3A, %sub3A : i32
    %select_n3A = arith.select %and3A, %sub3A_16, %div3A : i32
    %jit3A_17 = arith.constant 4 : i32
    %div3A_18 = arith.divsi %select_n3A, %jit3A_17 : i32
    %sign3A_19 = arith.constant 0 : i32
    %sign3A_20 = arith.cmpi sgt, %select_n3A, %sign3A_19 : i32
    %sign3A_21 = arith.extui %sign3A_20 : i1 to i32
    %sign3A_22 = arith.constant 0 : i32
    %sign3A_23 = arith.cmpi slt, %select_n3A, %sign3A_22 : i32
    %sign3A_24 = arith.extui %sign3A_23 : i1 to i32
    %sign3A_25 = arith.subi %sign3A_21, %sign3A_24 : i32
    %sign3A_26 = arith.constant 0 : i32
    %sign3A_27 = arith.cmpi sgt, %jit3A_17, %sign3A_26 : i32
    %sign3A_28 = arith.extui %sign3A_27 : i1 to i32
    %sign3A_29 = arith.constant 0 : i32
    %sign3A_30 = arith.cmpi slt, %jit3A_17, %sign3A_29 : i32
    %sign3A_31 = arith.extui %sign3A_30 : i1 to i32
    %sign3A_32 = arith.subi %sign3A_28, %sign3A_31 : i32
    %ne3A_33 = arith.cmpi ne, %sign3A_25, %sign3A_32 : i32
    %rem3A_34 = arith.remsi %select_n3A, %jit3A_17 : i32
    %ne3A_35 = arith.constant 0 : i32
    %ne3A_36 = arith.cmpi ne, %rem3A_34, %ne3A_35 : i32
    %and3A_37 = arith.andi %ne3A_33, %ne3A_36 : i1
    %sub3A_38 = arith.constant 1 : i32
    %sub3A_39 = arith.subi %div3A_18, %sub3A_38 : i32
    %select_n3A_40 = arith.select %and3A_37, %sub3A_39, %div3A_18 : i32
    %mul3A_41 = arith.constant 3 : i32
    %mul3A_42 = arith.muli %mul3A_41, %select_n3A_40 : i32
    %add3A_43 = arith.addi %select_n3A, %mul3A_42 : i32
    %jit3A_44 = arith.constant 4 : i32
    %eq3A = arith.constant 0 : i32
    %eq3A_45 = arith.cmpi eq, %jit3A_44, %eq3A : i32
    %jit3A_46 = arith.constant 1 : i32
    %select_n3A_47 = arith.select %eq3A_45, %jit3A_46, %jit3A_44 : i32
    %rem3A_48 = arith.remsi %add3A, %select_n3A_47 : i32
    %ne3A_49 = arith.constant 0 : i32
    %ne3A_50 = arith.cmpi ne, %rem3A_48, %ne3A_49 : i32
    %lt3A = arith.constant 0 : i32
    %lt3A_51 = arith.cmpi slt, %rem3A_48, %lt3A : i32
    %lt3A_52 = arith.constant 0 : i32
    %lt3A_53 = arith.cmpi slt, %select_n3A_47, %lt3A_52 : i32
    %ne3A_54 = arith.xori %lt3A_51, %lt3A_53 : i1
    %and3A_55 = arith.andi %ne3A_54, %ne3A_50 : i1
    %add3A_56 = arith.addi %rem3A_48, %select_n3A_47 : i32
    %select_n3A_57 = arith.select %and3A_55, %add3A_56, %rem3A_48 : i32
    %mul3A_58 = arith.constant 512 : i32
    %mul3A_59 = arith.muli %select_n3A_57, %mul3A_58 : i32
    %mul3A_60 = arith.constant 2048 : i32
    %mul3A_61 = arith.muli %add3A_43, %mul3A_60 : i32
    %add3A_62 = arith.addi %mul3A_61, %mul3A_59 : i32
    %mul3A_63 = arith.constant 512 : i32
    %mul3A_64 = arith.muli %add3A, %mul3A_63 : i32
    %add3A_65 = arith.constant 0 : i32
    %add3A_66 = arith.addi %add3A_62, %add3A_65 : i32
    %dma_start3A = arith.constant 0 : i32
    %dma_start3A_67 = arith.constant 0 : i32
    %dma_start3A_68 = arith.constant 0 : i32
    %dma_start3A_69 = arith.constant 0 : i32
    %dma_start3A_70 = tpu.memref_slice %arg4[%dma_start3A, %dma_start3A_68, %dma_start3A_69] : memref<3x16x2048xf32, #tpu.memory_space<vmem>> -> memref<1x16x2048xf32, #tpu.memory_space<vmem>>
    %dma_start3A_71 = tpu.memref_squeeze %dma_start3A_70 : memref<1x16x2048xf32, #tpu.memory_space<vmem>> -> memref<16x2048xf32, #tpu.memory_space<vmem>>
    %dma_start3A_72 = arith.constant 0 : i32
    %dma_start3A_73 = tpu.memref_slice %arg2[%add3A_66, %dma_start3A_72] : memref<28672x2048xf32, #tpu.memory_space<hbm>> -> memref<16x2048xf32, #tpu.memory_space<hbm>>
    %dma_start3A_74 = tpu.memref_slice %arg5[%dma_start3A_67] : memref<3x!tpu.dma_semaphore, #tpu.memory_space<semaphore_mem>> -> memref<1x!tpu.dma_semaphore, #tpu.memory_space<semaphore_mem>>
    %dma_start3A_75 = tpu.memref_squeeze %dma_start3A_74 : memref<1x!tpu.dma_semaphore, #tpu.memory_space<semaphore_mem>> -> memref<!tpu.dma_semaphore, #tpu.memory_space<semaphore_mem>>
    %dma_start3A_76 = arith.constant 0 : i32
    %dma_start3A_77 = arith.constant 0 : i32
    %dma_start3A_78 = tpu.memref_slice %arg4[%dma_start3A, %dma_start3A_76, %dma_start3A_77] : memref<3x16x2048xf32, #tpu.memory_space<vmem>> -> memref<1x16x2048xf32, #tpu.memory_space<vmem>>
    %dma_start3A_79 = tpu.memref_squeeze %dma_start3A_78 : memref<1x16x2048xf32, #tpu.memory_space<vmem>> -> memref<16x2048xf32, #tpu.memory_space<vmem>>
    %dma_start3A_80 = arith.constant 0 : i32
    %dma_start3A_81 = tpu.memref_slice %arg2[%add3A_66, %dma_start3A_80] : memref<28672x2048xf32, #tpu.memory_space<hbm>> -> memref<16x2048xf32, #tpu.memory_space<hbm>>
    tpu.enqueue_dma source(%dma_start3A_81 : memref<16x2048xf32, #tpu.memory_space<hbm>>) target(%dma_start3A_79 : memref<16x2048xf32, #tpu.memory_space<vmem>>) target_semaphore(%dma_start3A_75 : memref<!tpu.dma_semaphore, #tpu.memory_space<semaphore_mem>>)
    %add3A_82 = arith.constant 16 : i32
    %add3A_83 = arith.addi %add3A_62, %add3A_82 : i32
    %dma_start3A_84 = arith.constant 1 : i32
    %dma_start3A_85 = arith.constant 1 : i32
    %dma_start3A_86 = arith.constant 0 : i32
    %dma_start3A_87 = arith.constant 0 : i32
    %dma_start3A_88 = tpu.memref_slice %arg4[%dma_start3A_84, %dma_start3A_86, %dma_start3A_87] : memref<3x16x2048xf32, #tpu.memory_space<vmem>> -> memref<1x16x2048xf32, #tpu.memory_space<vmem>>
    %dma_start3A_89 = tpu.memref_squeeze %dma_start3A_88 : memref<1x16x2048xf32, #tpu.memory_space<vmem>> -> memref<16x2048xf32, #tpu.memory_space<vmem>>
    %dma_start3A_90 = arith.constant 0 : i32
    %dma_start3A_91 = tpu.memref_slice %arg2[%add3A_83, %dma_start3A_90] : memref<28672x2048xf32, #tpu.memory_space<hbm>> -> memref<16x2048xf32, #tpu.memory_space<hbm>>
    %dma_start3A_92 = tpu.memref_slice %arg5[%dma_start3A_85] : memref<3x!tpu.dma_semaphore, #tpu.memory_space<semaphore_mem>> -> memref<1x!tpu.dma_semaphore, #tpu.memory_space<semaphore_mem>>
    %dma_start3A_93 = tpu.memref_squeeze %dma_start3A_92 : memref<1x!tpu.dma_semaphore, #tpu.memory_space<semaphore_mem>> -> memref<!tpu.dma_semaphore, #tpu.memory_space<semaphore_mem>>
    %dma_start3A_94 = arith.constant 0 : i32
    %dma_start3A_95 = arith.constant 0 : i32
    %dma_start3A_96 = tpu.memref_slice %arg4[%dma_start3A_84, %dma_start3A_94, %dma_start3A_95] : memref<3x16x2048xf32, #tpu.memory_space<vmem>> -> memref<1x16x2048xf32, #tpu.memory_space<vmem>>
    %dma_start3A_97 = tpu.memref_squeeze %dma_start3A_96 : memref<1x16x2048xf32, #tpu.memory_space<vmem>> -> memref<16x2048xf32, #tpu.memory_space<vmem>>
    %dma_start3A_98 = arith.constant 0 : i32
    %dma_start3A_99 = tpu.memref_slice %arg2[%add3A_83, %dma_start3A_98] : memref<28672x2048xf32, #tpu.memory_space<hbm>> -> memref<16x2048xf32, #tpu.memory_space<hbm>>
    tpu.enqueue_dma source(%dma_start3A_99 : memref<16x2048xf32, #tpu.memory_space<hbm>>) target(%dma_start3A_97 : memref<16x2048xf32, #tpu.memory_space<vmem>>) target_semaphore(%dma_start3A_93 : memref<!tpu.dma_semaphore, #tpu.memory_space<semaphore_mem>>)
    %add3A_100 = arith.constant 32 : i32
    %add3A_101 = arith.addi %add3A_62, %add3A_100 : i32
    %dma_start3A_102 = arith.constant 2 : i32
    %dma_start3A_103 = arith.constant 2 : i32
    %dma_start3A_104 = arith.constant 0 : i32
    %dma_start3A_105 = arith.constant 0 : i32
    %dma_start3A_106 = tpu.memref_slice %arg4[%dma_start3A_102, %dma_start3A_104, %dma_start3A_105] : memref<3x16x2048xf32, #tpu.memory_space<vmem>> -> memref<1x16x2048xf32, #tpu.memory_space<vmem>>
    %dma_start3A_107 = tpu.memref_squeeze %dma_start3A_106 : memref<1x16x2048xf32, #tpu.memory_space<vmem>> -> memref<16x2048xf32, #tpu.memory_space<vmem>>
    %dma_start3A_108 = arith.constant 0 : i32
    %dma_start3A_109 = tpu.memref_slice %arg2[%add3A_101, %dma_start3A_108] : memref<28672x2048xf32, #tpu.memory_space<hbm>> -> memref<16x2048xf32, #tpu.memory_space<hbm>>
    %dma_start3A_110 = tpu.memref_slice %arg5[%dma_start3A_103] : memref<3x!tpu.dma_semaphore, #tpu.memory_space<semaphore_mem>> -> memref<1x!tpu.dma_semaphore, #tpu.memory_space<semaphore_mem>>
    %dma_start3A_111 = tpu.memref_squeeze %dma_start3A_110 : memref<1x!tpu.dma_semaphore, #tpu.memory_space<semaphore_mem>> -> memref<!tpu.dma_semaphore, #tpu.memory_space<semaphore_mem>>
    %dma_start3A_112 = arith.constant 0 : i32
    %dma_start3A_113 = arith.constant 0 : i32
    %dma_start3A_114 = tpu.memref_slice %arg4[%dma_start3A_102, %dma_start3A_112, %dma_start3A_113] : memref<3x16x2048xf32, #tpu.memory_space<vmem>> -> memref<1x16x2048xf32, #tpu.memory_space<vmem>>
    %dma_start3A_115 = tpu.memref_squeeze %dma_start3A_114 : memref<1x16x2048xf32, #tpu.memory_space<vmem>> -> memref<16x2048xf32, #tpu.memory_space<vmem>>
    %dma_start3A_116 = arith.constant 0 : i32
    %dma_start3A_117 = tpu.memref_slice %arg2[%add3A_101, %dma_start3A_116] : memref<28672x2048xf32, #tpu.memory_space<hbm>> -> memref<16x2048xf32, #tpu.memory_space<hbm>>
    tpu.enqueue_dma source(%dma_start3A_117 : memref<16x2048xf32, #tpu.memory_space<hbm>>) target(%dma_start3A_115 : memref<16x2048xf32, #tpu.memory_space<vmem>>) target_semaphore(%dma_start3A_111 : memref<!tpu.dma_semaphore, #tpu.memory_space<semaphore_mem>>)
    %add3A_118 = arith.constant 0 : i32
    %add3A_119 = arith.addi %add3A_62, %add3A_118 : i32
    %dma_wait3A = arith.constant 0 : i32
    %dma_wait3A_120 = arith.constant 0 : i32
    %dma_wait3A_121 = arith.constant 0 : i32
    %dma_wait3A_122 = arith.constant 0 : i32
    %dma_wait3A_123 = tpu.memref_slice %arg4[%dma_wait3A, %dma_wait3A_121, %dma_wait3A_122] : memref<3x16x2048xf32, #tpu.memory_space<vmem>> -> memref<1x16x2048xf32, #tpu.memory_space<vmem>>
    %dma_wait3A_124 = tpu.memref_squeeze %dma_wait3A_123 : memref<1x16x2048xf32, #tpu.memory_space<vmem>> -> memref<16x2048xf32, #tpu.memory_space<vmem>>
    %dma_wait3A_125 = arith.constant 0 : i32
    %dma_wait3A_126 = tpu.memref_slice %arg2[%add3A_119, %dma_wait3A_125] : memref<28672x2048xf32, #tpu.memory_space<hbm>> -> memref<16x2048xf32, #tpu.memory_space<hbm>>
    %dma_wait3A_127 = tpu.memref_slice %arg5[%dma_wait3A_120] : memref<3x!tpu.dma_semaphore, #tpu.memory_space<semaphore_mem>> -> memref<1x!tpu.dma_semaphore, #tpu.memory_space<semaphore_mem>>
    %dma_wait3A_128 = tpu.memref_squeeze %dma_wait3A_127 : memref<1x!tpu.dma_semaphore, #tpu.memory_space<semaphore_mem>> -> memref<!tpu.dma_semaphore, #tpu.memory_space<semaphore_mem>>
    %dma_wait3A_129 = arith.constant 0 : i32
    %dma_wait3A_130 = arith.constant 0 : i32
    %dma_wait3A_131 = tpu.memref_slice %arg4[%dma_wait3A, %dma_wait3A_129, %dma_wait3A_130] : memref<3x16x2048xf32, #tpu.memory_space<vmem>> -> memref<1x16x2048xf32, #tpu.memory_space<vmem>>
    %dma_wait3A_132 = tpu.memref_squeeze %dma_wait3A_131 : memref<1x16x2048xf32, #tpu.memory_space<vmem>> -> memref<16x2048xf32, #tpu.memory_space<vmem>>
    %dma_wait3A_133 = arith.constant 0 : i32
    %dma_wait3A_134 = tpu.memref_slice %arg2[%add3A_119, %dma_wait3A_133] : memref<28672x2048xf32, #tpu.memory_space<hbm>> -> memref<16x2048xf32, #tpu.memory_space<hbm>>
    tpu.wait_dma2 semaphore(%dma_wait3A_128 : memref<!tpu.dma_semaphore, #tpu.memory_space<semaphore_mem>>) src(%dma_wait3A_134 : memref<16x2048xf32, #tpu.memory_space<hbm>>) dst(%dma_wait3A_132 : memref<16x2048xf32, #tpu.memory_space<vmem>>)
    %add3A_135 = arith.constant 0 : i32
    %add3A_136 = arith.addi %mul3A_64, %add3A_135 : i32
    %dma_start3A_137 = arith.constant 0 : i32
    %dma_start3A_138 = arith.constant 0 : i32
    %dma_start3A_139 = arith.constant 0 : i32
    %dma_start3A_140 = arith.constant 0 : i32
    %dma_start3A_141 = tpu.memref_slice %arg4[%dma_start3A_137, %dma_start3A_139, %dma_start3A_140] : memref<3x16x2048xf32, #tpu.memory_space<vmem>> -> memref<1x16x2048xf32, #tpu.memory_space<vmem>>
    %dma_start3A_142 = tpu.memref_squeeze %dma_start3A_141 : memref<1x16x2048xf32, #tpu.memory_space<vmem>> -> memref<16x2048xf32, #tpu.memory_space<vmem>>
    %dma_start3A_143 = arith.constant 0 : i32
    %dma_start3A_144 = tpu.memref_slice %arg3[%add3A_136, %dma_start3A_143] : memref<16384x2048xf32, #tpu.memory_space<hbm>> -> memref<16x2048xf32, #tpu.memory_space<hbm>>
    %dma_start3A_145 = tpu.memref_slice %arg6[%dma_start3A_138] : memref<3x!tpu.dma_semaphore, #tpu.memory_space<semaphore_mem>> -> memref<1x!tpu.dma_semaphore, #tpu.memory_space<semaphore_mem>>
    %dma_start3A_146 = tpu.memref_squeeze %dma_start3A_145 : memref<1x!tpu.dma_semaphore, #tpu.memory_space<semaphore_mem>> -> memref<!tpu.dma_semaphore, #tpu.memory_space<semaphore_mem>>
    %dma_start3A_147 = arith.constant 0 : i32
    %dma_start3A_148 = tpu.memref_slice %arg3[%add3A_136, %dma_start3A_147] : memref<16384x2048xf32, #tpu.memory_space<hbm>> -> memref<16x2048xf32, #tpu.memory_space<hbm>>
    %dma_start3A_149 = arith.constant 0 : i32
    %dma_start3A_150 = arith.constant 0 : i32
    %dma_start3A_151 = tpu.memref_slice %arg4[%dma_start3A_137, %dma_start3A_149, %dma_start3A_150] : memref<3x16x2048xf32, #tpu.memory_space<vmem>> -> memref<1x16x2048xf32, #tpu.memory_space<vmem>>
    %dma_start3A_152 = tpu.memref_squeeze %dma_start3A_151 : memref<1x16x2048xf32, #tpu.memory_space<vmem>> -> memref<16x2048xf32, #tpu.memory_space<vmem>>
    tpu.enqueue_dma source(%dma_start3A_152 : memref<16x2048xf32, #tpu.memory_space<vmem>>) target(%dma_start3A_148 : memref<16x2048xf32, #tpu.memory_space<hbm>>) target_semaphore(%dma_start3A_146 : memref<!tpu.dma_semaphore, #tpu.memory_space<semaphore_mem>>)
    %add3A_153 = arith.constant 0 : i32
    %add3A_154 = arith.addi %mul3A_64, %add3A_153 : i32
    %dma_wait3A_155 = arith.constant 0 : i32
    %dma_wait3A_156 = arith.constant 0 : i32
    %dma_wait3A_157 = arith.constant 0 : i32
    %dma_wait3A_158 = arith.constant 0 : i32
    %dma_wait3A_159 = tpu.memref_slice %arg4[%dma_wait3A_155, %dma_wait3A_157, %dma_wait3A_158] : memref<3x16x2048xf32, #tpu.memory_space<vmem>> -> memref<1x16x2048xf32, #tpu.memory_space<vmem>>
    %dma_wait3A_160 = tpu.memref_squeeze %dma_wait3A_159 : memref<1x16x2048xf32, #tpu.memory_space<vmem>> -> memref<16x2048xf32, #tpu.memory_space<vmem>>
    %dma_wait3A_161 = arith.constant 0 : i32
    %dma_wait3A_162 = tpu.memref_slice %arg3[%add3A_154, %dma_wait3A_161] : memref<16384x2048xf32, #tpu.memory_space<hbm>> -> memref<16x2048xf32, #tpu.memory_space<hbm>>
    %dma_wait3A_163 = tpu.memref_slice %arg6[%dma_wait3A_156] : memref<3x!tpu.dma_semaphore, #tpu.memory_space<semaphore_mem>> -> memref<1x!tpu.dma_semaphore, #tpu.memory_space<semaphore_mem>>
    %dma_wait3A_164 = tpu.memref_squeeze %dma_wait3A_163 : memref<1x!tpu.dma_semaphore, #tpu.memory_space<semaphore_mem>> -> memref<!tpu.dma_semaphore, #tpu.memory_space<semaphore_mem>>
    %dma_wait3A_165 = arith.constant 0 : i32
    %dma_wait3A_166 = tpu.memref_slice %arg3[%add3A_154, %dma_wait3A_165] : memref<16384x2048xf32, #tpu.memory_space<hbm>> -> memref<16x2048xf32, #tpu.memory_space<hbm>>
    %dma_wait3A_167 = arith.constant 0 : i32
    %dma_wait3A_168 = arith.constant 0 : i32
    %dma_wait3A_169 = tpu.memref_slice %arg4[%dma_wait3A_155, %dma_wait3A_167, %dma_wait3A_168] : memref<3x16x2048xf32, #tpu.memory_space<vmem>> -> memref<1x16x2048xf32, #tpu.memory_space<vmem>>
    %dma_wait3A_170 = tpu.memref_squeeze %dma_wait3A_169 : memref<1x16x2048xf32, #tpu.memory_space<vmem>> -> memref<16x2048xf32, #tpu.memory_space<vmem>>
    tpu.wait_dma2 semaphore(%dma_wait3A_164 : memref<!tpu.dma_semaphore, #tpu.memory_space<semaphore_mem>>) src(%dma_wait3A_170 : memref<16x2048xf32, #tpu.memory_space<vmem>>) dst(%dma_wait3A_166 : memref<16x2048xf32, #tpu.memory_space<hbm>>)
    %add3A_171 = arith.constant 48 : i32
    %add3A_172 = arith.addi %add3A_62, %add3A_171 : i32
    %dma_start3A_173 = arith.constant 0 : i32
    %dma_start3A_174 = arith.constant 0 : i32
    %dma_start3A_175 = arith.constant 0 : i32
    %dma_start3A_176 = arith.constant 0 : i32
    %dma_start3A_177 = tpu.memref_slice %arg4[%dma_start3A_173, %dma_start3A_175, %dma_start3A_176] : memref<3x16x2048xf32, #tpu.memory_space<vmem>> -> memref<1x16x2048xf32, #tpu.memory_space<vmem>>
    %dma_start3A_178 = tpu.memref_squeeze %dma_start3A_177 : memref<1x16x2048xf32, #tpu.memory_space<vmem>> -> memref<16x2048xf32, #tpu.memory_space<vmem>>
    %dma_start3A_179 = arith.constant 0 : i32
    %dma_start3A_180 = tpu.memref_slice %arg2[%add3A_172, %dma_start3A_179] : memref<28672x2048xf32, #tpu.memory_space<hbm>> -> memref<16x2048xf32, #tpu.memory_space<hbm>>
    %dma_start3A_181 = tpu.memref_slice %arg5[%dma_start3A_174] : memref<3x!tpu.dma_semaphore, #tpu.memory_space<semaphore_mem>> -> memref<1x!tpu.dma_semaphore, #tpu.memory_space<semaphore_mem>>
    %dma_start3A_182 = tpu.memref_squeeze %dma_start3A_181 : memref<1x!tpu.dma_semaphore, #tpu.memory_space<semaphore_mem>> -> memref<!tpu.dma_semaphore, #tpu.memory_space<semaphore_mem>>
    %dma_start3A_183 = arith.constant 0 : i32
    %dma_start3A_184 = arith.constant 0 : i32
    %dma_start3A_185 = tpu.memref_slice %arg4[%dma_start3A_173, %dma_start3A_183, %dma_start3A_184] : memref<3x16x2048xf32, #tpu.memory_space<vmem>> -> memref<1x16x2048xf32, #tpu.memory_space<vmem>>
    %dma_start3A_186 = tpu.memref_squeeze %dma_start3A_185 : memref<1x16x2048xf32, #tpu.memory_space<vmem>> -> memref<16x2048xf32, #tpu.memory_space<vmem>>
    %dma_start3A_187 = arith.constant 0 : i32
    %dma_start3A_188 = tpu.memref_slice %arg2[%add3A_172, %dma_start3A_187] : memref<28672x2048xf32, #tpu.memory_space<hbm>> -> memref<16x2048xf32, #tpu.memory_space<hbm>>
    tpu.enqueue_dma source(%dma_start3A_188 : memref<16x2048xf32, #tpu.memory_space<hbm>>) target(%dma_start3A_186 : memref<16x2048xf32, #tpu.memory_space<vmem>>) target_semaphore(%dma_start3A_182 : memref<!tpu.dma_semaphore, #tpu.memory_space<semaphore_mem>>)
    %add3A_189 = arith.constant 16 : i32
    %add3A_190 = arith.addi %add3A_62, %add3A_189 : i32
    %dma_wait3A_191 = arith.constant 1 : i32
    %dma_wait3A_192 = arith.constant 1 : i32
    %dma_wait3A_193 = arith.constant 0 : i32
    %dma_wait3A_194 = arith.constant 0 : i32
    %dma_wait3A_195 = tpu.memref_slice %arg4[%dma_wait3A_191, %dma_wait3A_193, %dma_wait3A_194] : memref<3x16x2048xf32, #tpu.memory_space<vmem>> -> memref<1x16x2048xf32, #tpu.memory_space<vmem>>
    %dma_wait3A_196 = tpu.memref_squeeze %dma_wait3A_195 : memref<1x16x2048xf32, #tpu.memory_space<vmem>> -> memref<16x2048xf32, #tpu.memory_space<vmem>>
    %dma_wait3A_197 = arith.constant 0 : i32
    %dma_wait3A_198 = tpu.memref_slice %arg2[%add3A_190, %dma_wait3A_197] : memref<28672x2048xf32, #tpu.memory_space<hbm>> -> memref<16x2048xf32, #tpu.memory_space<hbm>>
    %dma_wait3A_199 = tpu.memref_slice %arg5[%dma_wait3A_192] : memref<3x!tpu.dma_semaphore, #tpu.memory_space<semaphore_mem>> -> memref<1x!tpu.dma_semaphore, #tpu.memory_space<semaphore_mem>>
    %dma_wait3A_200 = tpu.memref_squeeze %dma_wait3A_199 : memref<1x!tpu.dma_semaphore, #tpu.memory_space<semaphore_mem>> -> memref<!tpu.dma_semaphore, #tpu.memory_space<semaphore_mem>>
    %dma_wait3A_201 = arith.constant 0 : i32
    %dma_wait3A_202 = arith.constant 0 : i32
    %dma_wait3A_203 = tpu.memref_slice %arg4[%dma_wait3A_191, %dma_wait3A_201, %dma_wait3A_202] : memref<3x16x2048xf32, #tpu.memory_space<vmem>> -> memref<1x16x2048xf32, #tpu.memory_space<vmem>>
    %dma_wait3A_204 = tpu.memref_squeeze %dma_wait3A_203 : memref<1x16x2048xf32, #tpu.memory_space<vmem>> -> memref<16x2048xf32, #tpu.memory_space<vmem>>
    %dma_wait3A_205 = arith.constant 0 : i32
    %dma_wait3A_206 = tpu.memref_slice %arg2[%add3A_190, %dma_wait3A_205] : memref<28672x2048xf32, #tpu.memory_space<hbm>> -> memref<16x2048xf32, #tpu.memory_space<hbm>>
    tpu.wait_dma2 semaphore(%dma_wait3A_200 : memref<!tpu.dma_semaphore, #tpu.memory_space<semaphore_mem>>) src(%dma_wait3A_206 : memref<16x2048xf32, #tpu.memory_space<hbm>>) dst(%dma_wait3A_204 : memref<16x2048xf32, #tpu.memory_space<vmem>>)
    %add3A_207 = arith.constant 16 : i32
    %add3A_208 = arith.addi %mul3A_64, %add3A_207 : i32
    %dma_start3A_209 = arith.constant 1 : i32
    %dma_start3A_210 = arith.constant 1 : i32
    %dma_start3A_211 = arith.constant 0 : i32
    %dma_start3A_212 = arith.constant 0 : i32
    %dma_start3A_213 = tpu.memref_slice %arg4[%dma_start3A_209, %dma_start3A_211, %dma_start3A_212] : memref<3x16x2048xf32, #tpu.memory_space<vmem>> -> memref<1x16x2048xf32, #tpu.memory_space<vmem>>
    %dma_start3A_214 = tpu.memref_squeeze %dma_start3A_213 : memref<1x16x2048xf32, #tpu.memory_space<vmem>> -> memref<16x2048xf32, #tpu.memory_space<vmem>>
    %dma_start3A_215 = arith.constant 0 : i32
    %dma_start3A_216 = tpu.memref_slice %arg3[%add3A_208, %dma_start3A_215] : memref<16384x2048xf32, #tpu.memory_space<hbm>> -> memref<16x2048xf32, #tpu.memory_space<hbm>>
    %dma_start3A_217 = tpu.memref_slice %arg6[%dma_start3A_210] : memref<3x!tpu.dma_semaphore, #tpu.memory_space<semaphore_mem>> -> memref<1x!tpu.dma_semaphore, #tpu.memory_space<semaphore_mem>>
    %dma_start3A_218 = tpu.memref_squeeze %dma_start3A_217 : memref<1x!tpu.dma_semaphore, #tpu.memory_space<semaphore_mem>> -> memref<!tpu.dma_semaphore, #tpu.memory_space<semaphore_mem>>
    %dma_start3A_219 = arith.constant 0 : i32
    %dma_start3A_220 = tpu.memref_slice %arg3[%add3A_208, %dma_start3A_219] : memref<16384x2048xf32, #tpu.memory_space<hbm>> -> memref<16x2048xf32, #tpu.memory_space<hbm>>
    %dma_start3A_221 = arith.constant 0 : i32
    %dma_start3A_222 = arith.constant 0 : i32
    %dma_start3A_223 = tpu.memref_slice %arg4[%dma_start3A_209, %dma_start3A_221, %dma_start3A_222] : memref<3x16x2048xf32, #tpu.memory_space<vmem>> -> memref<1x16x2048xf32, #tpu.memory_space<vmem>>
    %dma_start3A_224 = tpu.memref_squeeze %dma_start3A_223 : memref<1x16x2048xf32, #tpu.memory_space<vmem>> -> memref<16x2048xf32, #tpu.memory_space<vmem>>
    tpu.enqueue_dma source(%dma_start3A_224 : memref<16x2048xf32, #tpu.memory_space<vmem>>) target(%dma_start3A_220 : memref<16x2048xf32, #tpu.memory_space<hbm>>) target_semaphore(%dma_start3A_218 : memref<!tpu.dma_semaphore, #tpu.memory_space<semaphore_mem>>)
    %add3A_225 = arith.constant 16 : i32
    %add3A_226 = arith.addi %mul3A_64, %add3A_225 : i32
    %dma_wait3A_227 = arith.constant 1 : i32
    %dma_wait3A_228 = arith.constant 1 : i32
    %dma_wait3A_229 = arith.constant 0 : i32
    %dma_wait3A_230 = arith.constant 0 : i32
    %dma_wait3A_231 = tpu.memref_slice %arg4[%dma_wait3A_227, %dma_wait3A_229, %dma_wait3A_230] : memref<3x16x2048xf32, #tpu.memory_space<vmem>> -> memref<1x16x2048xf32, #tpu.memory_space<vmem>>
    %dma_wait3A_232 = tpu.memref_squeeze %dma_wait3A_231 : memref<1x16x2048xf32, #tpu.memory_space<vmem>> -> memref<16x2048xf32, #tpu.memory_space<vmem>>
    %dma_wait3A_233 = arith.constant 0 : i32
    %dma_wait3A_234 = tpu.memref_slice %arg3[%add3A_226, %dma_wait3A_233] : memref<16384x2048xf32, #tpu.memory_space<hbm>> -> memref<16x2048xf32, #tpu.memory_space<hbm>>
    %dma_wait3A_235 = tpu.memref_slice %arg6[%dma_wait3A_228] : memref<3x!tpu.dma_semaphore, #tpu.memory_space<semaphore_mem>> -> memref<1x!tpu.dma_semaphore, #tpu.memory_space<semaphore_mem>>
    %dma_wait3A_236 = tpu.memref_squeeze %dma_wait3A_235 : memref<1x!tpu.dma_semaphore, #tpu.memory_space<semaphore_mem>> -> memref<!tpu.dma_semaphore, #tpu.memory_space<semaphore_mem>>
    %dma_wait3A_237 = arith.constant 0 : i32
    %dma_wait3A_238 = tpu.memref_slice %arg3[%add3A_226, %dma_wait3A_237] : memref<16384x2048xf32, #tpu.memory_space<hbm>> -> memref<16x2048xf32, #tpu.memory_space<hbm>>
    %dma_wait3A_239 = arith.constant 0 : i32
    %dma_wait3A_240 = arith.constant 0 : i32
    %dma_wait3A_241 = tpu.memref_slice %arg4[%dma_wait3A_227, %dma_wait3A_239, %dma_wait3A_240] : memref<3x16x2048xf32, #tpu.memory_space<vmem>> -> memref<1x16x2048xf32, #tpu.memory_space<vmem>>
    %dma_wait3A_242 = tpu.memref_squeeze %dma_wait3A_241 : memref<1x16x2048xf32, #tpu.memory_space<vmem>> -> memref<16x2048xf32, #tpu.memory_space<vmem>>
    tpu.wait_dma2 semaphore(%dma_wait3A_236 : memref<!tpu.dma_semaphore, #tpu.memory_space<semaphore_mem>>) src(%dma_wait3A_242 : memref<16x2048xf32, #tpu.memory_space<vmem>>) dst(%dma_wait3A_238 : memref<16x2048xf32, #tpu.memory_space<hbm>>)
    %add3A_243 = arith.constant 64 : i32
    %add3A_244 = arith.addi %add3A_62, %add3A_243 : i32
    %dma_start3A_245 = arith.constant 1 : i32
    %dma_start3A_246 = arith.constant 1 : i32
    %dma_start3A_247 = arith.constant 0 : i32
    %dma_start3A_248 = arith.constant 0 : i32
    %dma_start3A_249 = tpu.memref_slice %arg4[%dma_start3A_245, %dma_start3A_247, %dma_start3A_248] : memref<3x16x2048xf32, #tpu.memory_space<vmem>> -> memref<1x16x2048xf32, #tpu.memory_space<vmem>>
    %dma_start3A_250 = tpu.memref_squeeze %dma_start3A_249 : memref<1x16x2048xf32, #tpu.memory_space<vmem>> -> memref<16x2048xf32, #tpu.memory_space<vmem>>
    %dma_start3A_251 = arith.constant 0 : i32
    %dma_start3A_252 = tpu.memref_slice %arg2[%add3A_244, %dma_start3A_251] : memref<28672x2048xf32, #tpu.memory_space<hbm>> -> memref<16x2048xf32, #tpu.memory_space<hbm>>
    %dma_start3A_253 = tpu.memref_slice %arg5[%dma_start3A_246] : memref<3x!tpu.dma_semaphore, #tpu.memory_space<semaphore_mem>> -> memref<1x!tpu.dma_semaphore, #tpu.memory_space<semaphore_mem>>
    %dma_start3A_254 = tpu.memref_squeeze %dma_start3A_253 : memref<1x!tpu.dma_semaphore, #tpu.memory_space<semaphore_mem>> -> memref<!tpu.dma_semaphore, #tpu.memory_space<semaphore_mem>>
    %dma_start3A_255 = arith.constant 0 : i32
    %dma_start3A_256 = arith.constant 0 : i32
    %dma_start3A_257 = tpu.memref_slice %arg4[%dma_start3A_245, %dma_start3A_255, %dma_start3A_256] : memref<3x16x2048xf32, #tpu.memory_space<vmem>> -> memref<1x16x2048xf32, #tpu.memory_space<vmem>>
    %dma_start3A_258 = tpu.memref_squeeze %dma_start3A_257 : memref<1x16x2048xf32, #tpu.memory_space<vmem>> -> memref<16x2048xf32, #tpu.memory_space<vmem>>
    %dma_start3A_259 = arith.constant 0 : i32
    %dma_start3A_260 = tpu.memref_slice %arg2[%add3A_244, %dma_start3A_259] : memref<28672x2048xf32, #tpu.memory_space<hbm>> -> memref<16x2048xf32, #tpu.memory_space<hbm>>
    tpu.enqueue_dma source(%dma_start3A_260 : memref<16x2048xf32, #tpu.memory_space<hbm>>) target(%dma_start3A_258 : memref<16x2048xf32, #tpu.memory_space<vmem>>) target_semaphore(%dma_start3A_254 : memref<!tpu.dma_semaphore, #tpu.memory_space<semaphore_mem>>)
    %add3A_261 = arith.constant 32 : i32
    %add3A_262 = arith.addi %add3A_62, %add3A_261 : i32
    %dma_wait3A_263 = arith.constant 2 : i32
    %dma_wait3A_264 = arith.constant 2 : i32
    %dma_wait3A_265 = arith.constant 0 : i32
    %dma_wait3A_266 = arith.constant 0 : i32
    %dma_wait3A_267 = tpu.memref_slice %arg4[%dma_wait3A_263, %dma_wait3A_265, %dma_wait3A_266] : memref<3x16x2048xf32, #tpu.memory_space<vmem>> -> memref<1x16x2048xf32, #tpu.memory_space<vmem>>
    %dma_wait3A_268 = tpu.memref_squeeze %dma_wait3A_267 : memref<1x16x2048xf32, #tpu.memory_space<vmem>> -> memref<16x2048xf32, #tpu.memory_space<vmem>>
    %dma_wait3A_269 = arith.constant 0 : i32
    %dma_wait3A_270 = tpu.memref_slice %arg2[%add3A_262, %dma_wait3A_269] : memref<28672x2048xf32, #tpu.memory_space<hbm>> -> memref<16x2048xf32, #tpu.memory_space<hbm>>
    %dma_wait3A_271 = tpu.memref_slice %arg5[%dma_wait3A_264] : memref<3x!tpu.dma_semaphore, #tpu.memory_space<semaphore_mem>> -> memref<1x!tpu.dma_semaphore, #tpu.memory_space<semaphore_mem>>
    %dma_wait3A_272 = tpu.memref_squeeze %dma_wait3A_271 : memref<1x!tpu.dma_semaphore, #tpu.memory_space<semaphore_mem>> -> memref<!tpu.dma_semaphore, #tpu.memory_space<semaphore_mem>>
    %dma_wait3A_273 = arith.constant 0 : i32
    %dma_wait3A_274 = arith.constant 0 : i32
    %dma_wait3A_275 = tpu.memref_slice %arg4[%dma_wait3A_263, %dma_wait3A_273, %dma_wait3A_274] : memref<3x16x2048xf32, #tpu.memory_space<vmem>> -> memref<1x16x2048xf32, #tpu.memory_space<vmem>>
    %dma_wait3A_276 = tpu.memref_squeeze %dma_wait3A_275 : memref<1x16x2048xf32, #tpu.memory_space<vmem>> -> memref<16x2048xf32, #tpu.memory_space<vmem>>
    %dma_wait3A_277 = arith.constant 0 : i32
    %dma_wait3A_278 = tpu.memref_slice %arg2[%add3A_262, %dma_wait3A_277] : memref<28672x2048xf32, #tpu.memory_space<hbm>> -> memref<16x2048xf32, #tpu.memory_space<hbm>>
    tpu.wait_dma2 semaphore(%dma_wait3A_272 : memref<!tpu.dma_semaphore, #tpu.memory_space<semaphore_mem>>) src(%dma_wait3A_278 : memref<16x2048xf32, #tpu.memory_space<hbm>>) dst(%dma_wait3A_276 : memref<16x2048xf32, #tpu.memory_space<vmem>>)
    %add3A_279 = arith.constant 32 : i32
    %add3A_280 = arith.addi %mul3A_64, %add3A_279 : i32
    %dma_start3A_281 = arith.constant 2 : i32
    %dma_start3A_282 = arith.constant 2 : i32
    %dma_start3A_283 = arith.constant 0 : i32
    %dma_start3A_284 = arith.constant 0 : i32
    %dma_start3A_285 = tpu.memref_slice %arg4[%dma_start3A_281, %dma_start3A_283, %dma_start3A_284] : memref<3x16x2048xf32, #tpu.memory_space<vmem>> -> memref<1x16x2048xf32, #tpu.memory_space<vmem>>
    %dma_start3A_286 = tpu.memref_squeeze %dma_start3A_285 : memref<1x16x2048xf32, #tpu.memory_space<vmem>> -> memref<16x2048xf32, #tpu.memory_space<vmem>>
    %dma_start3A_287 = arith.constant 0 : i32
    %dma_start3A_288 = tpu.memref_slice %arg3[%add3A_280, %dma_start3A_287] : memref<16384x2048xf32, #tpu.memory_space<hbm>> -> memref<16x2048xf32, #tpu.memory_space<hbm>>
    %dma_start3A_289 = tpu.memref_slice %arg6[%dma_start3A_282] : memref<3x!tpu.dma_semaphore, #tpu.memory_space<semaphore_mem>> -> memref<1x!tpu.dma_semaphore, #tpu.memory_space<semaphore_mem>>
    %dma_start3A_290 = tpu.memref_squeeze %dma_start3A_289 : memref<1x!tpu.dma_semaphore, #tpu.memory_space<semaphore_mem>> -> memref<!tpu.dma_semaphore, #tpu.memory_space<semaphore_mem>>
    %dma_start3A_291 = arith.constant 0 : i32
    %dma_start3A_292 = tpu.memref_slice %arg3[%add3A_280, %dma_start3A_291] : memref<16384x2048xf32, #tpu.memory_space<hbm>> -> memref<16x2048xf32, #tpu.memory_space<hbm>>
    %dma_start3A_293 = arith.constant 0 : i32
    %dma_start3A_294 = arith.constant 0 : i32
    %dma_start3A_295 = tpu.memref_slice %arg4[%dma_start3A_281, %dma_start3A_293, %dma_start3A_294] : memref<3x16x2048xf32, #tpu.memory_space<vmem>> -> memref<1x16x2048xf32, #tpu.memory_space<vmem>>
    %dma_start3A_296 = tpu.memref_squeeze %dma_start3A_295 : memref<1x16x2048xf32, #tpu.memory_space<vmem>> -> memref<16x2048xf32, #tpu.memory_space<vmem>>
    tpu.enqueue_dma source(%dma_start3A_296 : memref<16x2048xf32, #tpu.memory_space<vmem>>) target(%dma_start3A_292 : memref<16x2048xf32, #tpu.memory_space<hbm>>) target_semaphore(%dma_start3A_290 : memref<!tpu.dma_semaphore, #tpu.memory_space<semaphore_mem>>)
    %add3A_297 = arith.constant 32 : i32
    %add3A_298 = arith.addi %mul3A_64, %add3A_297 : i32
    %dma_wait3A_299 = arith.constant 2 : i32
    %dma_wait3A_300 = arith.constant 2 : i32
    %dma_wait3A_301 = arith.constant 0 : i32
    %dma_wait3A_302 = arith.constant 0 : i32
    %dma_wait3A_303 = tpu.memref_slice %arg4[%dma_wait3A_299, %dma_wait3A_301, %dma_wait3A_302] : memref<3x16x2048xf32, #tpu.memory_space<vmem>> -> memref<1x16x2048xf32, #tpu.memory_space<vmem>>
    %dma_wait3A_304 = tpu.memref_squeeze %dma_wait3A_303 : memref<1x16x2048xf32, #tpu.memory_space<vmem>> -> memref<16x2048xf32, #tpu.memory_space<vmem>>
    %dma_wait3A_305 = arith.constant 0 : i32
    %dma_wait3A_306 = tpu.memref_slice %arg3[%add3A_298, %dma_wait3A_305] : memref<16384x2048xf32, #tpu.memory_space<hbm>> -> memref<16x2048xf32, #tpu.memory_space<hbm>>
    %dma_wait3A_307 = tpu.memref_slice %arg6[%dma_wait3A_300] : memref<3x!tpu.dma_semaphore, #tpu.memory_space<semaphore_mem>> -> memref<1x!tpu.dma_semaphore, #tpu.memory_space<semaphore_mem>>
    %dma_wait3A_308 = tpu.memref_squeeze %dma_wait3A_307 : memref<1x!tpu.dma_semaphore, #tpu.memory_space<semaphore_mem>> -> memref<!tpu.dma_semaphore, #tpu.memory_space<semaphore_mem>>
    %dma_wait3A_309 = arith.constant 0 : i32
    %dma_wait3A_310 = tpu.memref_slice %arg3[%add3A_298, %dma_wait3A_309] : memref<16384x2048xf32, #tpu.memory_space<hbm>> -> memref<16x2048xf32, #tpu.memory_space<hbm>>
    %dma_wait3A_311 = arith.constant 0 : i32
    %dma_wait3A_312 = arith.constant 0 : i32
    %dma_wait3A_313 = tpu.memref_slice %arg4[%dma_wait3A_299, %dma_wait3A_311, %dma_wait3A_312] : memref<3x16x2048xf32, #tpu.memory_space<vmem>> -> memref<1x16x2048xf32, #tpu.memory_space<vmem>>
    %dma_wait3A_314 = tpu.memref_squeeze %dma_wait3A_313 : memref<1x16x2048xf32, #tpu.memory_space<vmem>> -> memref<16x2048xf32, #tpu.memory_space<vmem>>
    tpu.wait_dma2 semaphore(%dma_wait3A_308 : memref<!tpu.dma_semaphore, #tpu.memory_space<semaphore_mem>>) src(%dma_wait3A_314 : memref<16x2048xf32, #tpu.memory_space<vmem>>) dst(%dma_wait3A_310 : memref<16x2048xf32, #tpu.memory_space<hbm>>)
    %add3A_315 = arith.constant 80 : i32
    %add3A_316 = arith.addi %add3A_62, %add3A_315 : i32
    %dma_start3A_317 = arith.constant 2 : i32
    %dma_start3A_318 = arith.constant 2 : i32
    %dma_start3A_319 = arith.constant 0 : i32
    %dma_start3A_320 = arith.constant 0 : i32
    %dma_start3A_321 = tpu.memref_slice %arg4[%dma_start3A_317, %dma_start3A_319, %dma_start3A_320] : memref<3x16x2048xf32, #tpu.memory_space<vmem>> -> memref<1x16x2048xf32, #tpu.memory_space<vmem>>
    %dma_start3A_322 = tpu.memref_squeeze %dma_start3A_321 : memref<1x16x2048xf32, #tpu.memory_space<vmem>> -> memref<16x2048xf32, #tpu.memory_space<vmem>>
    %dma_start3A_323 = arith.constant 0 : i32
    %dma_start3A_324 = tpu.memref_slice %arg2[%add3A_316, %dma_start3A_323] : memref<28672x2048xf32, #tpu.memory_space<hbm>> -> memref<16x2048xf32, #tpu.memory_space<hbm>>
    %dma_start3A_325 = tpu.memref_slice %arg5[%dma_start3A_318] : memref<3x!tpu.dma_semaphore, #tpu.memory_space<semaphore_mem>> -> memref<1x!tpu.dma_semaphore, #tpu.memory_space<semaphore_mem>>
    %dma_start3A_326 = tpu.memref_squeeze %dma_start3A_325 : memref<1x!tpu.dma_semaphore, #tpu.memory_space<semaphore_mem>> -> memref<!tpu.dma_semaphore, #tpu.memory_space<semaphore_mem>>
    %dma_start3A_327 = arith.constant 0 : i32
    %dma_start3A_328 = arith.constant 0 : i32
    %dma_start3A_329 = tpu.memref_slice %arg4[%dma_start3A_317, %dma_start3A_327, %dma_start3A_328] : memref<3x16x2048xf32, #tpu.memory_space<vmem>> -> memref<1x16x2048xf32, #tpu.memory_space<vmem>>
    %dma_start3A_330 = tpu.memref_squeeze %dma_start3A_329 : memref<1x16x2048xf32, #tpu.memory_space<vmem>> -> memref<16x2048xf32, #tpu.memory_space<vmem>>
    %dma_start3A_331 = arith.constant 0 : i32
    %dma_start3A_332 = tpu.memref_slice %arg2[%add3A_316, %dma_start3A_331] : memref<28672x2048xf32, #tpu.memory_space<hbm>> -> memref<16x2048xf32, #tpu.memory_space<hbm>>
    tpu.enqueue_dma source(%dma_start3A_332 : memref<16x2048xf32, #tpu.memory_space<hbm>>) target(%dma_start3A_330 : memref<16x2048xf32, #tpu.memory_space<vmem>>) target_semaphore(%dma_start3A_326 : memref<!tpu.dma_semaphore, #tpu.memory_space<semaphore_mem>>)
    %add3A_333 = arith.constant 48 : i32
    %add3A_334 = arith.addi %add3A_62, %add3A_333 : i32
    %dma_wait3A_335 = arith.constant 0 : i32
    %dma_wait3A_336 = arith.constant 0 : i32
    %dma_wait3A_337 = arith.constant 0 : i32
    %dma_wait3A_338 = arith.constant 0 : i32
    %dma_wait3A_339 = tpu.memref_slice %arg4[%dma_wait3A_335, %dma_wait3A_337, %dma_wait3A_338] : memref<3x16x2048xf32, #tpu.memory_space<vmem>> -> memref<1x16x2048xf32, #tpu.memory_space<vmem>>
    %dma_wait3A_340 = tpu.memref_squeeze %dma_wait3A_339 : memref<1x16x2048xf32, #tpu.memory_space<vmem>> -> memref<16x2048xf32, #tpu.memory_space<vmem>>
    %dma_wait3A_341 = arith.constant 0 : i32
    %dma_wait3A_342 = tpu.memref_slice %arg2[%add3A_334, %dma_wait3A_341] : memref<28672x2048xf32, #tpu.memory_space<hbm>> -> memref<16x2048xf32, #tpu.memory_space<hbm>>
    %dma_wait3A_343 = tpu.memref_slice %arg5[%dma_wait3A_336] : memref<3x!tpu.dma_semaphore, #tpu.memory_space<semaphore_mem>> -> memref<1x!tpu.dma_semaphore, #tpu.memory_space<semaphore_mem>>
    %dma_wait3A_344 = tpu.memref_squeeze %dma_wait3A_343 : memref<1x!tpu.dma_semaphore, #tpu.memory_space<semaphore_mem>> -> memref<!tpu.dma_semaphore, #tpu.memory_space<semaphore_mem>>
    %dma_wait3A_345 = arith.constant 0 : i32
    %dma_wait3A_346 = arith.constant 0 : i32
    %dma_wait3A_347 = tpu.memref_slice %arg4[%dma_wait3A_335, %dma_wait3A_345, %dma_wait3A_346] : memref<3x16x2048xf32, #tpu.memory_space<vmem>> -> memref<1x16x2048xf32, #tpu.memory_space<vmem>>
    %dma_wait3A_348 = tpu.memref_squeeze %dma_wait3A_347 : memref<1x16x2048xf32, #tpu.memory_space<vmem>> -> memref<16x2048xf32, #tpu.memory_space<vmem>>
    %dma_wait3A_349 = arith.constant 0 : i32
    %dma_wait3A_350 = tpu.memref_slice %arg2[%add3A_334, %dma_wait3A_349] : memref<28672x2048xf32, #tpu.memory_space<hbm>> -> memref<16x2048xf32, #tpu.memory_space<hbm>>
    tpu.wait_dma2 semaphore(%dma_wait3A_344 : memref<!tpu.dma_semaphore, #tpu.memory_space<semaphore_mem>>) src(%dma_wait3A_350 : memref<16x2048xf32, #tpu.memory_space<hbm>>) dst(%dma_wait3A_348 : memref<16x2048xf32, #tpu.memory_space<vmem>>)
    %add3A_351 = arith.constant 48 : i32
    %add3A_352 = arith.addi %mul3A_64, %add3A_351 : i32
    %dma_start3A_353 = arith.constant 0 : i32
    %dma_start3A_354 = arith.constant 0 : i32
    %dma_start3A_355 = arith.constant 0 : i32
    %dma_start3A_356 = arith.constant 0 : i32
    %dma_start3A_357 = tpu.memref_slice %arg4[%dma_start3A_353, %dma_start3A_355, %dma_start3A_356] : memref<3x16x2048xf32, #tpu.memory_space<vmem>> -> memref<1x16x2048xf32, #tpu.memory_space<vmem>>
    %dma_start3A_358 = tpu.memref_squeeze %dma_start3A_357 : memref<1x16x2048xf32, #tpu.memory_space<vmem>> -> memref<16x2048xf32, #tpu.memory_space<vmem>>
    %dma_start3A_359 = arith.constant 0 : i32
    %dma_start3A_360 = tpu.memref_slice %arg3[%add3A_352, %dma_start3A_359] : memref<16384x2048xf32, #tpu.memory_space<hbm>> -> memref<16x2048xf32, #tpu.memory_space<hbm>>
    %dma_start3A_361 = tpu.memref_slice %arg6[%dma_start3A_354] : memref<3x!tpu.dma_semaphore, #tpu.memory_space<semaphore_mem>> -> memref<1x!tpu.dma_semaphore, #tpu.memory_space<semaphore_mem>>
    %dma_start3A_362 = tpu.memref_squeeze %dma_start3A_361 : memref<1x!tpu.dma_semaphore, #tpu.memory_space<semaphore_mem>> -> memref<!tpu.dma_semaphore, #tpu.memory_space<semaphore_mem>>
    %dma_start3A_363 = arith.constant 0 : i32
    %dma_start3A_364 = tpu.memref_slice %arg3[%add3A_352, %dma_start3A_363] : memref<16384x2048xf32, #tpu.memory_space<hbm>> -> memref<16x2048xf32, #tpu.memory_space<hbm>>
    %dma_start3A_365 = arith.constant 0 : i32
    %dma_start3A_366 = arith.constant 0 : i32
    %dma_start3A_367 = tpu.memref_slice %arg4[%dma_start3A_353, %dma_start3A_365, %dma_start3A_366] : memref<3x16x2048xf32, #tpu.memory_space<vmem>> -> memref<1x16x2048xf32, #tpu.memory_space<vmem>>
    %dma_start3A_368 = tpu.memref_squeeze %dma_start3A_367 : memref<1x16x2048xf32, #tpu.memory_space<vmem>> -> memref<16x2048xf32, #tpu.memory_space<vmem>>
    tpu.enqueue_dma source(%dma_start3A_368 : memref<16x2048xf32, #tpu.memory_space<vmem>>) target(%dma_start3A_364 : memref<16x2048xf32, #tpu.memory_space<hbm>>) target_semaphore(%dma_start3A_362 : memref<!tpu.dma_semaphore, #tpu.memory_space<semaphore_mem>>)
    %add3A_369 = arith.constant 48 : i32
    %add3A_370 = arith.addi %mul3A_64, %add3A_369 : i32
    %dma_wait3A_371 = arith.constant 0 : i32
    %dma_wait3A_372 = arith.constant 0 : i32
    %dma_wait3A_373 = arith.constant 0 : i32
    %dma_wait3A_374 = arith.constant 0 : i32
    %dma_wait3A_375 = tpu.memref_slice %arg4[%dma_wait3A_371, %dma_wait3A_373, %dma_wait3A_374] : memref<3x16x2048xf32, #tpu.memory_space<vmem>> -> memref<1x16x2048xf32, #tpu.memory_space<vmem>>
    %dma_wait3A_376 = tpu.memref_squeeze %dma_wait3A_375 : memref<1x16x2048xf32, #tpu.memory_space<vmem>> -> memref<16x2048xf32, #tpu.memory_space<vmem>>
    %dma_wait3A_377 = arith.constant 0 : i32
    %dma_wait3A_378 = tpu.memref_slice %arg3[%add3A_370, %dma_wait3A_377] : memref<16384x2048xf32, #tpu.memory_space<hbm>> -> memref<16x2048xf32, #tpu.memory_space<hbm>>
    %dma_wait3A_379 = tpu.memref_slice %arg6[%dma_wait3A_372] : memref<3x!tpu.dma_semaphore, #tpu.memory_space<semaphore_mem>> -> memref<1x!tpu.dma_semaphore, #tpu.memory_space<semaphore_mem>>
    %dma_wait3A_380 = tpu.memref_squeeze %dma_wait3A_379 : memref<1x!tpu.dma_semaphore, #tpu.memory_space<semaphore_mem>> -> memref<!tpu.dma_semaphore, #tpu.memory_space<semaphore_mem>>
    %dma_wait3A_381 = arith.constant 0 : i32
    %dma_wait3A_382 = tpu.memref_slice %arg3[%add3A_370, %dma_wait3A_381] : memref<16384x2048xf32, #tpu.memory_space<hbm>> -> memref<16x2048xf32, #tpu.memory_space<hbm>>
    %dma_wait3A_383 = arith.constant 0 : i32
    %dma_wait3A_384 = arith.constant 0 : i32
    %dma_wait3A_385 = tpu.memref_slice %arg4[%dma_wait3A_371, %dma_wait3A_383, %dma_wait3A_384] : memref<3x16x2048xf32, #tpu.memory_space<vmem>> -> memref<1x16x2048xf32, #tpu.memory_space<vmem>>
    %dma_wait3A_386 = tpu.memref_squeeze %dma_wait3A_385 : memref<1x16x2048xf32, #tpu.memory_space<vmem>> -> memref<16x2048xf32, #tpu.memory_space<vmem>>
    tpu.wait_dma2 semaphore(%dma_wait3A_380 : memref<!tpu.dma_semaphore, #tpu.memory_space<semaphore_mem>>) src(%dma_wait3A_386 : memref<16x2048xf32, #tpu.memory_space<vmem>>) dst(%dma_wait3A_382 : memref<16x2048xf32, #tpu.memory_space<hbm>>)
    %add3A_387 = arith.constant 96 : i32
    %add3A_388 = arith.addi %add3A_62, %add3A_387 : i32
    %dma_start3A_389 = arith.constant 0 : i32
    %dma_start3A_390 = arith.constant 0 : i32
    %dma_start3A_391 = arith.constant 0 : i32
    %dma_start3A_392 = arith.constant 0 : i32
    %dma_start3A_393 = tpu.memref_slice %arg4[%dma_start3A_389, %dma_start3A_391, %dma_start3A_392] : memref<3x16x2048xf32, #tpu.memory_space<vmem>> -> memref<1x16x2048xf32, #tpu.memory_space<vmem>>
    %dma_start3A_394 = tpu.memref_squeeze %dma_start3A_393 : memref<1x16x2048xf32, #tpu.memory_space<vmem>> -> memref<16x2048xf32, #tpu.memory_space<vmem>>
    %dma_start3A_395 = arith.constant 0 : i32
    %dma_start3A_396 = tpu.memref_slice %arg2[%add3A_388, %dma_start3A_395] : memref<28672x2048xf32, #tpu.memory_space<hbm>> -> memref<16x2048xf32, #tpu.memory_space<hbm>>
    %dma_start3A_397 = tpu.memref_slice %arg5[%dma_start3A_390] : memref<3x!tpu.dma_semaphore, #tpu.memory_space<semaphore_mem>> -> memref<1x!tpu.dma_semaphore, #tpu.memory_space<semaphore_mem>>
    %dma_start3A_398 = tpu.memref_squeeze %dma_start3A_397 : memref<1x!tpu.dma_semaphore, #tpu.memory_space<semaphore_mem>> -> memref<!tpu.dma_semaphore, #tpu.memory_space<semaphore_mem>>
    %dma_start3A_399 = arith.constant 0 : i32
    %dma_start3A_400 = arith.constant 0 : i32
    %dma_start3A_401 = tpu.memref_slice %arg4[%dma_start3A_389, %dma_start3A_399, %dma_start3A_400] : memref<3x16x2048xf32, #tpu.memory_space<vmem>> -> memref<1x16x2048xf32, #tpu.memory_space<vmem>>
    %dma_start3A_402 = tpu.memref_squeeze %dma_start3A_401 : memref<1x16x2048xf32, #tpu.memory_space<vmem>> -> memref<16x2048xf32, #tpu.memory_space<vmem>>
    %dma_start3A_403 = arith.constant 0 : i32
    %dma_start3A_404 = tpu.memref_slice %arg2[%add3A_388, %dma_start3A_403] : memref<28672x2048xf32, #tpu.memory_space<hbm>> -> memref<16x2048xf32, #tpu.memory_space<hbm>>
    tpu.enqueue_dma source(%dma_start3A_404 : memref<16x2048xf32, #tpu.memory_space<hbm>>) target(%dma_start3A_402 : memref<16x2048xf32, #tpu.memory_space<vmem>>) target_semaphore(%dma_start3A_398 : memref<!tpu.dma_semaphore, #tpu.memory_space<semaphore_mem>>)
    %add3A_405 = arith.constant 64 : i32
    %add3A_406 = arith.addi %add3A_62, %add3A_405 : i32
    %dma_wait3A_407 = arith.constant 1 : i32
    %dma_wait3A_408 = arith.constant 1 : i32
    %dma_wait3A_409 = arith.constant 0 : i32
    %dma_wait3A_410 = arith.constant 0 : i32
    %dma_wait3A_411 = tpu.memref_slice %arg4[%dma_wait3A_407, %dma_wait3A_409, %dma_wait3A_410] : memref<3x16x2048xf32, #tpu.memory_space<vmem>> -> memref<1x16x2048xf32, #tpu.memory_space<vmem>>
    %dma_wait3A_412 = tpu.memref_squeeze %dma_wait3A_411 : memref<1x16x2048xf32, #tpu.memory_space<vmem>> -> memref<16x2048xf32, #tpu.memory_space<vmem>>
    %dma_wait3A_413 = arith.constant 0 : i32
    %dma_wait3A_414 = tpu.memref_slice %arg2[%add3A_406, %dma_wait3A_413] : memref<28672x2048xf32, #tpu.memory_space<hbm>> -> memref<16x2048xf32, #tpu.memory_space<hbm>>
    %dma_wait3A_415 = tpu.memref_slice %arg5[%dma_wait3A_408] : memref<3x!tpu.dma_semaphore, #tpu.memory_space<semaphore_mem>> -> memref<1x!tpu.dma_semaphore, #tpu.memory_space<semaphore_mem>>
    %dma_wait3A_416 = tpu.memref_squeeze %dma_wait3A_415 : memref<1x!tpu.dma_semaphore, #tpu.memory_space<semaphore_mem>> -> memref<!tpu.dma_semaphore, #tpu.memory_space<semaphore_mem>>
    %dma_wait3A_417 = arith.constant 0 : i32
    %dma_wait3A_418 = arith.constant 0 : i32
    %dma_wait3A_419 = tpu.memref_slice %arg4[%dma_wait3A_407, %dma_wait3A_417, %dma_wait3A_418] : memref<3x16x2048xf32, #tpu.memory_space<vmem>> -> memref<1x16x2048xf32, #tpu.memory_space<vmem>>
    %dma_wait3A_420 = tpu.memref_squeeze %dma_wait3A_419 : memref<1x16x2048xf32, #tpu.memory_space<vmem>> -> memref<16x2048xf32, #tpu.memory_space<vmem>>
    %dma_wait3A_421 = arith.constant 0 : i32
    %dma_wait3A_422 = tpu.memref_slice %arg2[%add3A_406, %dma_wait3A_421] : memref<28672x2048xf32, #tpu.memory_space<hbm>> -> memref<16x2048xf32, #tpu.memory_space<hbm>>
    tpu.wait_dma2 semaphore(%dma_wait3A_416 : memref<!tpu.dma_semaphore, #tpu.memory_space<semaphore_mem>>) src(%dma_wait3A_422 : memref<16x2048xf32, #tpu.memory_space<hbm>>) dst(%dma_wait3A_420 : memref<16x2048xf32, #tpu.memory_space<vmem>>)
    %add3A_423 = arith.constant 64 : i32
    %add3A_424 = arith.addi %mul3A_64, %add3A_423 : i32
    %dma_start3A_425 = arith.constant 1 : i32
    %dma_start3A_426 = arith.constant 1 : i32
    %dma_start3A_427 = arith.constant 0 : i32
    %dma_start3A_428 = arith.constant 0 : i32
    %dma_start3A_429 = tpu.memref_slice %arg4[%dma_start3A_425, %dma_start3A_427, %dma_start3A_428] : memref<3x16x2048xf32, #tpu.memory_space<vmem>> -> memref<1x16x2048xf32, #tpu.memory_space<vmem>>
    %dma_start3A_430 = tpu.memref_squeeze %dma_start3A_429 : memref<1x16x2048xf32, #tpu.memory_space<vmem>> -> memref<16x2048xf32, #tpu.memory_space<vmem>>
    %dma_start3A_431 = arith.constant 0 : i32
    %dma_start3A_432 = tpu.memref_slice %arg3[%add3A_424, %dma_start3A_431] : memref<16384x2048xf32, #tpu.memory_space<hbm>> -> memref<16x2048xf32, #tpu.memory_space<hbm>>
    %dma_start3A_433 = tpu.memref_slice %arg6[%dma_start3A_426] : memref<3x!tpu.dma_semaphore, #tpu.memory_space<semaphore_mem>> -> memref<1x!tpu.dma_semaphore, #tpu.memory_space<semaphore_mem>>
    %dma_start3A_434 = tpu.memref_squeeze %dma_start3A_433 : memref<1x!tpu.dma_semaphore, #tpu.memory_space<semaphore_mem>> -> memref<!tpu.dma_semaphore, #tpu.memory_space<semaphore_mem>>
    %dma_start3A_435 = arith.constant 0 : i32
    %dma_start3A_436 = tpu.memref_slice %arg3[%add3A_424, %dma_start3A_435] : memref<16384x2048xf32, #tpu.memory_space<hbm>> -> memref<16x2048xf32, #tpu.memory_space<hbm>>
    %dma_start3A_437 = arith.constant 0 : i32
    %dma_start3A_438 = arith.constant 0 : i32
    %dma_start3A_439 = tpu.memref_slice %arg4[%dma_start3A_425, %dma_start3A_437, %dma_start3A_438] : memref<3x16x2048xf32, #tpu.memory_space<vmem>> -> memref<1x16x2048xf32, #tpu.memory_space<vmem>>
    %dma_start3A_440 = tpu.memref_squeeze %dma_start3A_439 : memref<1x16x2048xf32, #tpu.memory_space<vmem>> -> memref<16x2048xf32, #tpu.memory_space<vmem>>
    tpu.enqueue_dma source(%dma_start3A_440 : memref<16x2048xf32, #tpu.memory_space<vmem>>) target(%dma_start3A_436 : memref<16x2048xf32, #tpu.memory_space<hbm>>) target_semaphore(%dma_start3A_434 : memref<!tpu.dma_semaphore, #tpu.memory_space<semaphore_mem>>)
    %add3A_441 = arith.constant 64 : i32
    %add3A_442 = arith.addi %mul3A_64, %add3A_441 : i32
    %dma_wait3A_443 = arith.constant 1 : i32
    %dma_wait3A_444 = arith.constant 1 : i32
    %dma_wait3A_445 = arith.constant 0 : i32
    %dma_wait3A_446 = arith.constant 0 : i32
    %dma_wait3A_447 = tpu.memref_slice %arg4[%dma_wait3A_443, %dma_wait3A_445, %dma_wait3A_446] : memref<3x16x2048xf32, #tpu.memory_space<vmem>> -> memref<1x16x2048xf32, #tpu.memory_space<vmem>>
    %dma_wait3A_448 = tpu.memref_squeeze %dma_wait3A_447 : memref<1x16x2048xf32, #tpu.memory_space<vmem>> -> memref<16x2048xf32, #tpu.memory_space<vmem>>
    %dma_wait3A_449 = arith.constant 0 : i32
    %dma_wait3A_450 = tpu.memref_slice %arg3[%add3A_442, %dma_wait3A_449] : memref<16384x2048xf32, #tpu.memory_space<hbm>> -> memref<16x2048xf32, #tpu.memory_space<hbm>>
    %dma_wait3A_451 = tpu.memref_slice %arg6[%dma_wait3A_444] : memref<3x!tpu.dma_semaphore, #tpu.memory_space<semaphore_mem>> -> memref<1x!tpu.dma_semaphore, #tpu.memory_space<semaphore_mem>>
    %dma_wait3A_452 = tpu.memref_squeeze %dma_wait3A_451 : memref<1x!tpu.dma_semaphore, #tpu.memory_space<semaphore_mem>> -> memref<!tpu.dma_semaphore, #tpu.memory_space<semaphore_mem>>
    %dma_wait3A_453 = arith.constant 0 : i32
    %dma_wait3A_454 = tpu.memref_slice %arg3[%add3A_442, %dma_wait3A_453] : memref<16384x2048xf32, #tpu.memory_space<hbm>> -> memref<16x2048xf32, #tpu.memory_space<hbm>>
    %dma_wait3A_455 = arith.constant 0 : i32
    %dma_wait3A_456 = arith.constant 0 : i32
    %dma_wait3A_457 = tpu.memref_slice %arg4[%dma_wait3A_443, %dma_wait3A_455, %dma_wait3A_456] : memref<3x16x2048xf32, #tpu.memory_space<vmem>> -> memref<1x16x2048xf32, #tpu.memory_space<vmem>>
    %dma_wait3A_458 = tpu.memref_squeeze %dma_wait3A_457 : memref<1x16x2048xf32, #tpu.memory_space<vmem>> -> memref<16x2048xf32, #tpu.memory_space<vmem>>
    tpu.wait_dma2 semaphore(%dma_wait3A_452 : memref<!tpu.dma_semaphore, #tpu.memory_space<semaphore_mem>>) src(%dma_wait3A_458 : memref<16x2048xf32, #tpu.memory_space<vmem>>) dst(%dma_wait3A_454 : memref<16x2048xf32, #tpu.memory_space<hbm>>)
    %add3A_459 = arith.constant 112 : i32
    %add3A_460 = arith.addi %add3A_62, %add3A_459 : i32
    %dma_start3A_461 = arith.constant 1 : i32
    %dma_start3A_462 = arith.constant 1 : i32
    %dma_start3A_463 = arith.constant 0 : i32
    %dma_start3A_464 = arith.constant 0 : i32
    %dma_start3A_465 = tpu.memref_slice %arg4[%dma_start3A_461, %dma_start3A_463, %dma_start3A_464] : memref<3x16x2048xf32, #tpu.memory_space<vmem>> -> memref<1x16x2048xf32, #tpu.memory_space<vmem>>
    %dma_start3A_466 = tpu.memref_squeeze %dma_start3A_465 : memref<1x16x2048xf32, #tpu.memory_space<vmem>> -> memref<16x2048xf32, #tpu.memory_space<vmem>>
    %dma_start3A_467 = arith.constant 0 : i32
    %dma_start3A_468 = tpu.memref_slice %arg2[%add3A_460, %dma_start3A_467] : memref<28672x2048xf32, #tpu.memory_space<hbm>> -> memref<16x2048xf32, #tpu.memory_space<hbm>>
    %dma_start3A_469 = tpu.memref_slice %arg5[%dma_start3A_462] : memref<3x!tpu.dma_semaphore, #tpu.memory_space<semaphore_mem>> -> memref<1x!tpu.dma_semaphore, #tpu.memory_space<semaphore_mem>>
    %dma_start3A_470 = tpu.memref_squeeze %dma_start3A_469 : memref<1x!tpu.dma_semaphore, #tpu.memory_space<semaphore_mem>> -> memref<!tpu.dma_semaphore, #tpu.memory_space<semaphore_mem>>
    %dma_start3A_471 = arith.constant 0 : i32
    %dma_start3A_472 = arith.constant 0 : i32
    %dma_start3A_473 = tpu.memref_slice %arg4[%dma_start3A_461, %dma_start3A_471, %dma_start3A_472] : memref<3x16x2048xf32, #tpu.memory_space<vmem>> -> memref<1x16x2048xf32, #tpu.memory_space<vmem>>
    %dma_start3A_474 = tpu.memref_squeeze %dma_start3A_473 : memref<1x16x2048xf32, #tpu.memory_space<vmem>> -> memref<16x2048xf32, #tpu.memory_space<vmem>>
    %dma_start3A_475 = arith.constant 0 : i32
    %dma_start3A_476 = tpu.memref_slice %arg2[%add3A_460, %dma_start3A_475] : memref<28672x2048xf32, #tpu.memory_space<hbm>> -> memref<16x2048xf32, #tpu.memory_space<hbm>>
    tpu.enqueue_dma source(%dma_start3A_476 : memref<16x2048xf32, #tpu.memory_space<hbm>>) target(%dma_start3A_474 : memref<16x2048xf32, #tpu.memory_space<vmem>>) target_semaphore(%dma_start3A_470 : memref<!tpu.dma_semaphore, #tpu.memory_space<semaphore_mem>>)
    %add3A_477 = arith.constant 80 : i32
    %add3A_478 = arith.addi %add3A_62, %add3A_477 : i32
    %dma_wait3A_479 = arith.constant 2 : i32
    %dma_wait3A_480 = arith.constant 2 : i32
    %dma_wait3A_481 = arith.constant 0 : i32
    %dma_wait3A_482 = arith.constant 0 : i32
    %dma_wait3A_483 = tpu.memref_slice %arg4[%dma_wait3A_479, %dma_wait3A_481, %dma_wait3A_482] : memref<3x16x2048xf32, #tpu.memory_space<vmem>> -> memref<1x16x2048xf32, #tpu.memory_space<vmem>>
    %dma_wait3A_484 = tpu.memref_squeeze %dma_wait3A_483 : memref<1x16x2048xf32, #tpu.memory_space<vmem>> -> memref<16x2048xf32, #tpu.memory_space<vmem>>
    %dma_wait3A_485 = arith.constant 0 : i32
    %dma_wait3A_486 = tpu.memref_slice %arg2[%add3A_478, %dma_wait3A_485] : memref<28672x2048xf32, #tpu.memory_space<hbm>> -> memref<16x2048xf32, #tpu.memory_space<hbm>>
    %dma_wait3A_487 = tpu.memref_slice %arg5[%dma_wait3A_480] : memref<3x!tpu.dma_semaphore, #tpu.memory_space<semaphore_mem>> -> memref<1x!tpu.dma_semaphore, #tpu.memory_space<semaphore_mem>>
    %dma_wait3A_488 = tpu.memref_squeeze %dma_wait3A_487 : memref<1x!tpu.dma_semaphore, #tpu.memory_space<semaphore_mem>> -> memref<!tpu.dma_semaphore, #tpu.memory_space<semaphore_mem>>
    %dma_wait3A_489 = arith.constant 0 : i32
    %dma_wait3A_490 = arith.constant 0 : i32
    %dma_wait3A_491 = tpu.memref_slice %arg4[%dma_wait3A_479, %dma_wait3A_489, %dma_wait3A_490] : memref<3x16x2048xf32, #tpu.memory_space<vmem>> -> memref<1x16x2048xf32, #tpu.memory_space<vmem>>
    %dma_wait3A_492 = tpu.memref_squeeze %dma_wait3A_491 : memref<1x16x2048xf32, #tpu.memory_space<vmem>> -> memref<16x2048xf32, #tpu.memory_space<vmem>>
    %dma_wait3A_493 = arith.constant 0 : i32
    %dma_wait3A_494 = tpu.memref_slice %arg2[%add3A_478, %dma_wait3A_493] : memref<28672x2048xf32, #tpu.memory_space<hbm>> -> memref<16x2048xf32, #tpu.memory_space<hbm>>
    tpu.wait_dma2 semaphore(%dma_wait3A_488 : memref<!tpu.dma_semaphore, #tpu.memory_space<semaphore_mem>>) src(%dma_wait3A_494 : memref<16x2048xf32, #tpu.memory_space<hbm>>) dst(%dma_wait3A_492 : memref<16x2048xf32, #tpu.memory_space<vmem>>)
    %add3A_495 = arith.constant 80 : i32
    %add3A_496 = arith.addi %mul3A_64, %add3A_495 : i32
    %dma_start3A_497 = arith.constant 2 : i32
    %dma_start3A_498 = arith.constant 2 : i32
    %dma_start3A_499 = arith.constant 0 : i32
    %dma_start3A_500 = arith.constant 0 : i32
    %dma_start3A_501 = tpu.memref_slice %arg4[%dma_start3A_497, %dma_start3A_499, %dma_start3A_500] : memref<3x16x2048xf32, #tpu.memory_space<vmem>> -> memref<1x16x2048xf32, #tpu.memory_space<vmem>>
    %dma_start3A_502 = tpu.memref_squeeze %dma_start3A_501 : memref<1x16x2048xf32, #tpu.memory_space<vmem>> -> memref<16x2048xf32, #tpu.memory_space<vmem>>
    %dma_start3A_503 = arith.constant 0 : i32
    %dma_start3A_504 = tpu.memref_slice %arg3[%add3A_496, %dma_start3A_503] : memref<16384x2048xf32, #tpu.memory_space<hbm>> -> memref<16x2048xf32, #tpu.memory_space<hbm>>
    %dma_start3A_505 = tpu.memref_slice %arg6[%dma_start3A_498] : memref<3x!tpu.dma_semaphore, #tpu.memory_space<semaphore_mem>> -> memref<1x!tpu.dma_semaphore, #tpu.memory_space<semaphore_mem>>
    %dma_start3A_506 = tpu.memref_squeeze %dma_start3A_505 : memref<1x!tpu.dma_semaphore, #tpu.memory_space<semaphore_mem>> -> memref<!tpu.dma_semaphore, #tpu.memory_space<semaphore_mem>>
    %dma_start3A_507 = arith.constant 0 : i32
    %dma_start3A_508 = tpu.memref_slice %arg3[%add3A_496, %dma_start3A_507] : memref<16384x2048xf32, #tpu.memory_space<hbm>> -> memref<16x2048xf32, #tpu.memory_space<hbm>>
    %dma_start3A_509 = arith.constant 0 : i32
    %dma_start3A_510 = arith.constant 0 : i32
    %dma_start3A_511 = tpu.memref_slice %arg4[%dma_start3A_497, %dma_start3A_509, %dma_start3A_510] : memref<3x16x2048xf32, #tpu.memory_space<vmem>> -> memref<1x16x2048xf32, #tpu.memory_space<vmem>>
    %dma_start3A_512 = tpu.memref_squeeze %dma_start3A_511 : memref<1x16x2048xf32, #tpu.memory_space<vmem>> -> memref<16x2048xf32, #tpu.memory_space<vmem>>
    tpu.enqueue_dma source(%dma_start3A_512 : memref<16x2048xf32, #tpu.memory_space<vmem>>) target(%dma_start3A_508 : memref<16x2048xf32, #tpu.memory_space<hbm>>) target_semaphore(%dma_start3A_506 : memref<!tpu.dma_semaphore, #tpu.memory_space<semaphore_mem>>)
    %add3A_513 = arith.constant 80 : i32
    %add3A_514 = arith.addi %mul3A_64, %add3A_513 : i32
    %dma_wait3A_515 = arith.constant 2 : i32
    %dma_wait3A_516 = arith.constant 2 : i32
    %dma_wait3A_517 = arith.constant 0 : i32
    %dma_wait3A_518 = arith.constant 0 : i32
    %dma_wait3A_519 = tpu.memref_slice %arg4[%dma_wait3A_515, %dma_wait3A_517, %dma_wait3A_518] : memref<3x16x2048xf32, #tpu.memory_space<vmem>> -> memref<1x16x2048xf32, #tpu.memory_space<vmem>>
    %dma_wait3A_520 = tpu.memref_squeeze %dma_wait3A_519 : memref<1x16x2048xf32, #tpu.memory_space<vmem>> -> memref<16x2048xf32, #tpu.memory_space<vmem>>
    %dma_wait3A_521 = arith.constant 0 : i32
    %dma_wait3A_522 = tpu.memref_slice %arg3[%add3A_514, %dma_wait3A_521] : memref<16384x2048xf32, #tpu.memory_space<hbm>> -> memref<16x2048xf32, #tpu.memory_space<hbm>>
    %dma_wait3A_523 = tpu.memref_slice %arg6[%dma_wait3A_516] : memref<3x!tpu.dma_semaphore, #tpu.memory_space<semaphore_mem>> -> memref<1x!tpu.dma_semaphore, #tpu.memory_space<semaphore_mem>>
    %dma_wait3A_524 = tpu.memref_squeeze %dma_wait3A_523 : memref<1x!tpu.dma_semaphore, #tpu.memory_space<semaphore_mem>> -> memref<!tpu.dma_semaphore, #tpu.memory_space<semaphore_mem>>
    %dma_wait3A_525 = arith.constant 0 : i32
    %dma_wait3A_526 = tpu.memref_slice %arg3[%add3A_514, %dma_wait3A_525] : memref<16384x2048xf32, #tpu.memory_space<hbm>> -> memref<16x2048xf32, #tpu.memory_space<hbm>>
    %dma_wait3A_527 = arith.constant 0 : i32
    %dma_wait3A_528 = arith.constant 0 : i32
    %dma_wait3A_529 = tpu.memref_slice %arg4[%dma_wait3A_515, %dma_wait3A_527, %dma_wait3A_528] : memref<3x16x2048xf32, #tpu.memory_space<vmem>> -> memref<1x16x2048xf32, #tpu.memory_space<vmem>>
    %dma_wait3A_530 = tpu.memref_squeeze %dma_wait3A_529 : memref<1x16x2048xf32, #tpu.memory_space<vmem>> -> memref<16x2048xf32, #tpu.memory_space<vmem>>
    tpu.wait_dma2 semaphore(%dma_wait3A_524 : memref<!tpu.dma_semaphore, #tpu.memory_space<semaphore_mem>>) src(%dma_wait3A_530 : memref<16x2048xf32, #tpu.memory_space<vmem>>) dst(%dma_wait3A_526 : memref<16x2048xf32, #tpu.memory_space<hbm>>)
    %add3A_531 = arith.constant 128 : i32
    %add3A_532 = arith.addi %add3A_62, %add3A_531 : i32
    %dma_start3A_533 = arith.constant 2 : i32
    %dma_start3A_534 = arith.constant 2 : i32
    %dma_start3A_535 = arith.constant 0 : i32
    %dma_start3A_536 = arith.constant 0 : i32
    %dma_start3A_537 = tpu.memref_slice %arg4[%dma_start3A_533, %dma_start3A_535, %dma_start3A_536] : memref<3x16x2048xf32, #tpu.memory_space<vmem>> -> memref<1x16x2048xf32, #tpu.memory_space<vmem>>
    %dma_start3A_538 = tpu.memref_squeeze %dma_start3A_537 : memref<1x16x2048xf32, #tpu.memory_space<vmem>> -> memref<16x2048xf32, #tpu.memory_space<vmem>>
    %dma_start3A_539 = arith.constant 0 : i32
    %dma_start3A_540 = tpu.memref_slice %arg2[%add3A_532, %dma_start3A_539] : memref<28672x2048xf32, #tpu.memory_space<hbm>> -> memref<16x2048xf32, #tpu.memory_space<hbm>>
    %dma_start3A_541 = tpu.memref_slice %arg5[%dma_start3A_534] : memref<3x!tpu.dma_semaphore, #tpu.memory_space<semaphore_mem>> -> memref<1x!tpu.dma_semaphore, #tpu.memory_space<semaphore_mem>>
    %dma_start3A_542 = tpu.memref_squeeze %dma_start3A_541 : memref<1x!tpu.dma_semaphore, #tpu.memory_space<semaphore_mem>> -> memref<!tpu.dma_semaphore, #tpu.memory_space<semaphore_mem>>
    %dma_start3A_543 = arith.constant 0 : i32
    %dma_start3A_544 = arith.constant 0 : i32
    %dma_start3A_545 = tpu.memref_slice %arg4[%dma_start3A_533, %dma_start3A_543, %dma_start3A_544] : memref<3x16x2048xf32, #tpu.memory_space<vmem>> -> memref<1x16x2048xf32, #tpu.memory_space<vmem>>
    %dma_start3A_546 = tpu.memref_squeeze %dma_start3A_545 : memref<1x16x2048xf32, #tpu.memory_space<vmem>> -> memref<16x2048xf32, #tpu.memory_space<vmem>>
    %dma_start3A_547 = arith.constant 0 : i32
    %dma_start3A_548 = tpu.memref_slice %arg2[%add3A_532, %dma_start3A_547] : memref<28672x2048xf32, #tpu.memory_space<hbm>> -> memref<16x2048xf32, #tpu.memory_space<hbm>>
    tpu.enqueue_dma source(%dma_start3A_548 : memref<16x2048xf32, #tpu.memory_space<hbm>>) target(%dma_start3A_546 : memref<16x2048xf32, #tpu.memory_space<vmem>>) target_semaphore(%dma_start3A_542 : memref<!tpu.dma_semaphore, #tpu.memory_space<semaphore_mem>>)
    %add3A_549 = arith.constant 96 : i32
    %add3A_550 = arith.addi %add3A_62, %add3A_549 : i32
    %dma_wait3A_551 = arith.constant 0 : i32
    %dma_wait3A_552 = arith.constant 0 : i32
    %dma_wait3A_553 = arith.constant 0 : i32
    %dma_wait3A_554 = arith.constant 0 : i32
    %dma_wait3A_555 = tpu.memref_slice %arg4[%dma_wait3A_551, %dma_wait3A_553, %dma_wait3A_554] : memref<3x16x2048xf32, #tpu.memory_space<vmem>> -> memref<1x16x2048xf32, #tpu.memory_space<vmem>>
    %dma_wait3A_556 = tpu.memref_squeeze %dma_wait3A_555 : memref<1x16x2048xf32, #tpu.memory_space<vmem>> -> memref<16x2048xf32, #tpu.memory_space<vmem>>
    %dma_wait3A_557 = arith.constant 0 : i32
    %dma_wait3A_558 = tpu.memref_slice %arg2[%add3A_550, %dma_wait3A_557] : memref<28672x2048xf32, #tpu.memory_space<hbm>> -> memref<16x2048xf32, #tpu.memory_space<hbm>>
    %dma_wait3A_559 = tpu.memref_slice %arg5[%dma_wait3A_552] : memref<3x!tpu.dma_semaphore, #tpu.memory_space<semaphore_mem>> -> memref<1x!tpu.dma_semaphore, #tpu.memory_space<semaphore_mem>>
    %dma_wait3A_560 = tpu.memref_squeeze %dma_wait3A_559 : memref<1x!tpu.dma_semaphore, #tpu.memory_space<semaphore_mem>> -> memref<!tpu.dma_semaphore, #tpu.memory_space<semaphore_mem>>
    %dma_wait3A_561 = arith.constant 0 : i32
    %dma_wait3A_562 = arith.constant 0 : i32
    %dma_wait3A_563 = tpu.memref_slice %arg4[%dma_wait3A_551, %dma_wait3A_561, %dma_wait3A_562] : memref<3x16x2048xf32, #tpu.memory_space<vmem>> -> memref<1x16x2048xf32, #tpu.memory_space<vmem>>
    %dma_wait3A_564 = tpu.memref_squeeze %dma_wait3A_563 : memref<1x16x2048xf32, #tpu.memory_space<vmem>> -> memref<16x2048xf32, #tpu.memory_space<vmem>>
    %dma_wait3A_565 = arith.constant 0 : i32
    %dma_wait3A_566 = tpu.memref_slice %arg2[%add3A_550, %dma_wait3A_565] : memref<28672x2048xf32, #tpu.memory_space<hbm>> -> memref<16x2048xf32, #tpu.memory_space<hbm>>
    tpu.wait_dma2 semaphore(%dma_wait3A_560 : memref<!tpu.dma_semaphore, #tpu.memory_space<semaphore_mem>>) src(%dma_wait3A_566 : memref<16x2048xf32, #tpu.memory_space<hbm>>) dst(%dma_wait3A_564 : memref<16x2048xf32, #tpu.memory_space<vmem>>)
    %add3A_567 = arith.constant 96 : i32
    %add3A_568 = arith.addi %mul3A_64, %add3A_567 : i32
    %dma_start3A_569 = arith.constant 0 : i32
    %dma_start3A_570 = arith.constant 0 : i32
    %dma_start3A_571 = arith.constant 0 : i32
    %dma_start3A_572 = arith.constant 0 : i32
    %dma_start3A_573 = tpu.memref_slice %arg4[%dma_start3A_569, %dma_start3A_571, %dma_start3A_572] : memref<3x16x2048xf32, #tpu.memory_space<vmem>> -> memref<1x16x2048xf32, #tpu.memory_space<vmem>>
    %dma_start3A_574 = tpu.memref_squeeze %dma_start3A_573 : memref<1x16x2048xf32, #tpu.memory_space<vmem>> -> memref<16x2048xf32, #tpu.memory_space<vmem>>
    %dma_start3A_575 = arith.constant 0 : i32
    %dma_start3A_576 = tpu.memref_slice %arg3[%add3A_568, %dma_start3A_575] : memref<16384x2048xf32, #tpu.memory_space<hbm>> -> memref<16x2048xf32, #tpu.memory_space<hbm>>
    %dma_start3A_577 = tpu.memref_slice %arg6[%dma_start3A_570] : memref<3x!tpu.dma_semaphore, #tpu.memory_space<semaphore_mem>> -> memref<1x!tpu.dma_semaphore, #tpu.memory_space<semaphore_mem>>
    %dma_start3A_578 = tpu.memref_squeeze %dma_start3A_577 : memref<1x!tpu.dma_semaphore, #tpu.memory_space<semaphore_mem>> -> memref<!tpu.dma_semaphore, #tpu.memory_space<semaphore_mem>>
    %dma_start3A_579 = arith.constant 0 : i32
    %dma_start3A_580 = tpu.memref_slice %arg3[%add3A_568, %dma_start3A_579] : memref<16384x2048xf32, #tpu.memory_space<hbm>> -> memref<16x2048xf32, #tpu.memory_space<hbm>>
    %dma_start3A_581 = arith.constant 0 : i32
    %dma_start3A_582 = arith.constant 0 : i32
    %dma_start3A_583 = tpu.memref_slice %arg4[%dma_start3A_569, %dma_start3A_581, %dma_start3A_582] : memref<3x16x2048xf32, #tpu.memory_space<vmem>> -> memref<1x16x2048xf32, #tpu.memory_space<vmem>>
    %dma_start3A_584 = tpu.memref_squeeze %dma_start3A_583 : memref<1x16x2048xf32, #tpu.memory_space<vmem>> -> memref<16x2048xf32, #tpu.memory_space<vmem>>
    tpu.enqueue_dma source(%dma_start3A_584 : memref<16x2048xf32, #tpu.memory_space<vmem>>) target(%dma_start3A_580 : memref<16x2048xf32, #tpu.memory_space<hbm>>) target_semaphore(%dma_start3A_578 : memref<!tpu.dma_semaphore, #tpu.memory_space<semaphore_mem>>)
    %add3A_585 = arith.constant 96 : i32
    %add3A_586 = arith.addi %mul3A_64, %add3A_585 : i32
    %dma_wait3A_587 = arith.constant 0 : i32
    %dma_wait3A_588 = arith.constant 0 : i32
    %dma_wait3A_589 = arith.constant 0 : i32
    %dma_wait3A_590 = arith.constant 0 : i32
    %dma_wait3A_591 = tpu.memref_slice %arg4[%dma_wait3A_587, %dma_wait3A_589, %dma_wait3A_590] : memref<3x16x2048xf32, #tpu.memory_space<vmem>> -> memref<1x16x2048xf32, #tpu.memory_space<vmem>>
    %dma_wait3A_592 = tpu.memref_squeeze %dma_wait3A_591 : memref<1x16x2048xf32, #tpu.memory_space<vmem>> -> memref<16x2048xf32, #tpu.memory_space<vmem>>
    %dma_wait3A_593 = arith.constant 0 : i32
    %dma_wait3A_594 = tpu.memref_slice %arg3[%add3A_586, %dma_wait3A_593] : memref<16384x2048xf32, #tpu.memory_space<hbm>> -> memref<16x2048xf32, #tpu.memory_space<hbm>>
    %dma_wait3A_595 = tpu.memref_slice %arg6[%dma_wait3A_588] : memref<3x!tpu.dma_semaphore, #tpu.memory_space<semaphore_mem>> -> memref<1x!tpu.dma_semaphore, #tpu.memory_space<semaphore_mem>>
    %dma_wait3A_596 = tpu.memref_squeeze %dma_wait3A_595 : memref<1x!tpu.dma_semaphore, #tpu.memory_space<semaphore_mem>> -> memref<!tpu.dma_semaphore, #tpu.memory_space<semaphore_mem>>
    %dma_wait3A_597 = arith.constant 0 : i32
    %dma_wait3A_598 = tpu.memref_slice %arg3[%add3A_586, %dma_wait3A_597] : memref<16384x2048xf32, #tpu.memory_space<hbm>> -> memref<16x2048xf32, #tpu.memory_space<hbm>>
    %dma_wait3A_599 = arith.constant 0 : i32
    %dma_wait3A_600 = arith.constant 0 : i32
    %dma_wait3A_601 = tpu.memref_slice %arg4[%dma_wait3A_587, %dma_wait3A_599, %dma_wait3A_600] : memref<3x16x2048xf32, #tpu.memory_space<vmem>> -> memref<1x16x2048xf32, #tpu.memory_space<vmem>>
    %dma_wait3A_602 = tpu.memref_squeeze %dma_wait3A_601 : memref<1x16x2048xf32, #tpu.memory_space<vmem>> -> memref<16x2048xf32, #tpu.memory_space<vmem>>
    tpu.wait_dma2 semaphore(%dma_wait3A_596 : memref<!tpu.dma_semaphore, #tpu.memory_space<semaphore_mem>>) src(%dma_wait3A_602 : memref<16x2048xf32, #tpu.memory_space<vmem>>) dst(%dma_wait3A_598 : memref<16x2048xf32, #tpu.memory_space<hbm>>)
    %add3A_603 = arith.constant 144 : i32
    %add3A_604 = arith.addi %add3A_62, %add3A_603 : i32
    %dma_start3A_605 = arith.constant 0 : i32
    %dma_start3A_606 = arith.constant 0 : i32
    %dma_start3A_607 = arith.constant 0 : i32
    %dma_start3A_608 = arith.constant 0 : i32
    %dma_start3A_609 = tpu.memref_slice %arg4[%dma_start3A_605, %dma_start3A_607, %dma_start3A_608] : memref<3x16x2048xf32, #tpu.memory_space<vmem>> -> memref<1x16x2048xf32, #tpu.memory_space<vmem>>
    %dma_start3A_610 = tpu.memref_squeeze %dma_start3A_609 : memref<1x16x2048xf32, #tpu.memory_space<vmem>> -> memref<16x2048xf32, #tpu.memory_space<vmem>>
    %dma_start3A_611 = arith.constant 0 : i32
    %dma_start3A_612 = tpu.memref_slice %arg2[%add3A_604, %dma_start3A_611] : memref<28672x2048xf32, #tpu.memory_space<hbm>> -> memref<16x2048xf32, #tpu.memory_space<hbm>>
    %dma_start3A_613 = tpu.memref_slice %arg5[%dma_start3A_606] : memref<3x!tpu.dma_semaphore, #tpu.memory_space<semaphore_mem>> -> memref<1x!tpu.dma_semaphore, #tpu.memory_space<semaphore_mem>>
    %dma_start3A_614 = tpu.memref_squeeze %dma_start3A_613 : memref<1x!tpu.dma_semaphore, #tpu.memory_space<semaphore_mem>> -> memref<!tpu.dma_semaphore, #tpu.memory_space<semaphore_mem>>
    %dma_start3A_615 = arith.constant 0 : i32
    %dma_start3A_616 = arith.constant 0 : i32
    %dma_start3A_617 = tpu.memref_slice %arg4[%dma_start3A_605, %dma_start3A_615, %dma_start3A_616] : memref<3x16x2048xf32, #tpu.memory_space<vmem>> -> memref<1x16x2048xf32, #tpu.memory_space<vmem>>
    %dma_start3A_618 = tpu.memref_squeeze %dma_start3A_617 : memref<1x16x2048xf32, #tpu.memory_space<vmem>> -> memref<16x2048xf32, #tpu.memory_space<vmem>>
    %dma_start3A_619 = arith.constant 0 : i32
    %dma_start3A_620 = tpu.memref_slice %arg2[%add3A_604, %dma_start3A_619] : memref<28672x2048xf32, #tpu.memory_space<hbm>> -> memref<16x2048xf32, #tpu.memory_space<hbm>>
    tpu.enqueue_dma source(%dma_start3A_620 : memref<16x2048xf32, #tpu.memory_space<hbm>>) target(%dma_start3A_618 : memref<16x2048xf32, #tpu.memory_space<vmem>>) target_semaphore(%dma_start3A_614 : memref<!tpu.dma_semaphore, #tpu.memory_space<semaphore_mem>>)
    %add3A_621 = arith.constant 112 : i32
    %add3A_622 = arith.addi %add3A_62, %add3A_621 : i32
    %dma_wait3A_623 = arith.constant 1 : i32
    %dma_wait3A_624 = arith.constant 1 : i32
    %dma_wait3A_625 = arith.constant 0 : i32
    %dma_wait3A_626 = arith.constant 0 : i32
    %dma_wait3A_627 = tpu.memref_slice %arg4[%dma_wait3A_623, %dma_wait3A_625, %dma_wait3A_626] : memref<3x16x2048xf32, #tpu.memory_space<vmem>> -> memref<1x16x2048xf32, #tpu.memory_space<vmem>>
    %dma_wait3A_628 = tpu.memref_squeeze %dma_wait3A_627 : memref<1x16x2048xf32, #tpu.memory_space<vmem>> -> memref<16x2048xf32, #tpu.memory_space<vmem>>
    %dma_wait3A_629 = arith.constant 0 : i32
    %dma_wait3A_630 = tpu.memref_slice %arg2[%add3A_622, %dma_wait3A_629] : memref<28672x2048xf32, #tpu.memory_space<hbm>> -> memref<16x2048xf32, #tpu.memory_space<hbm>>
    %dma_wait3A_631 = tpu.memref_slice %arg5[%dma_wait3A_624] : memref<3x!tpu.dma_semaphore, #tpu.memory_space<semaphore_mem>> -> memref<1x!tpu.dma_semaphore, #tpu.memory_space<semaphore_mem>>
    %dma_wait3A_632 = tpu.memref_squeeze %dma_wait3A_631 : memref<1x!tpu.dma_semaphore, #tpu.memory_space<semaphore_mem>> -> memref<!tpu.dma_semaphore, #tpu.memory_space<semaphore_mem>>
    %dma_wait3A_633 = arith.constant 0 : i32
    %dma_wait3A_634 = arith.constant 0 : i32
    %dma_wait3A_635 = tpu.memref_slice %arg4[%dma_wait3A_623, %dma_wait3A_633, %dma_wait3A_634] : memref<3x16x2048xf32, #tpu.memory_space<vmem>> -> memref<1x16x2048xf32, #tpu.memory_space<vmem>>
    %dma_wait3A_636 = tpu.memref_squeeze %dma_wait3A_635 : memref<1x16x2048xf32, #tpu.memory_space<vmem>> -> memref<16x2048xf32, #tpu.memory_space<vmem>>
    %dma_wait3A_637 = arith.constant 0 : i32
    %dma_wait3A_638 = tpu.memref_slice %arg2[%add3A_622, %dma_wait3A_637] : memref<28672x2048xf32, #tpu.memory_space<hbm>> -> memref<16x2048xf32, #tpu.memory_space<hbm>>
    tpu.wait_dma2 semaphore(%dma_wait3A_632 : memref<!tpu.dma_semaphore, #tpu.memory_space<semaphore_mem>>) src(%dma_wait3A_638 : memref<16x2048xf32, #tpu.memory_space<hbm>>) dst(%dma_wait3A_636 : memref<16x2048xf32, #tpu.memory_space<vmem>>)
    %add3A_639 = arith.constant 112 : i32
    %add3A_640 = arith.addi %mul3A_64, %add3A_639 : i32
    %dma_start3A_641 = arith.constant 1 : i32
    %dma_start3A_642 = arith.constant 1 : i32
    %dma_start3A_643 = arith.constant 0 : i32
    %dma_start3A_644 = arith.constant 0 : i32
    %dma_start3A_645 = tpu.memref_slice %arg4[%dma_start3A_641, %dma_start3A_643, %dma_start3A_644] : memref<3x16x2048xf32, #tpu.memory_space<vmem>> -> memref<1x16x2048xf32, #tpu.memory_space<vmem>>
    %dma_start3A_646 = tpu.memref_squeeze %dma_start3A_645 : memref<1x16x2048xf32, #tpu.memory_space<vmem>> -> memref<16x2048xf32, #tpu.memory_space<vmem>>
    %dma_start3A_647 = arith.constant 0 : i32
    %dma_start3A_648 = tpu.memref_slice %arg3[%add3A_640, %dma_start3A_647] : memref<16384x2048xf32, #tpu.memory_space<hbm>> -> memref<16x2048xf32, #tpu.memory_space<hbm>>
    %dma_start3A_649 = tpu.memref_slice %arg6[%dma_start3A_642] : memref<3x!tpu.dma_semaphore, #tpu.memory_space<semaphore_mem>> -> memref<1x!tpu.dma_semaphore, #tpu.memory_space<semaphore_mem>>
    %dma_start3A_650 = tpu.memref_squeeze %dma_start3A_649 : memref<1x!tpu.dma_semaphore, #tpu.memory_space<semaphore_mem>> -> memref<!tpu.dma_semaphore, #tpu.memory_space<semaphore_mem>>
    %dma_start3A_651 = arith.constant 0 : i32
    %dma_start3A_652 = tpu.memref_slice %arg3[%add3A_640, %dma_start3A_651] : memref<16384x2048xf32, #tpu.memory_space<hbm>> -> memref<16x2048xf32, #tpu.memory_space<hbm>>
    %dma_start3A_653 = arith.constant 0 : i32
    %dma_start3A_654 = arith.constant 0 : i32
    %dma_start3A_655 = tpu.memref_slice %arg4[%dma_start3A_641, %dma_start3A_653, %dma_start3A_654] : memref<3x16x2048xf32, #tpu.memory_space<vmem>> -> memref<1x16x2048xf32, #tpu.memory_space<vmem>>
    %dma_start3A_656 = tpu.memref_squeeze %dma_start3A_655 : memref<1x16x2048xf32, #tpu.memory_space<vmem>> -> memref<16x2048xf32, #tpu.memory_space<vmem>>
    tpu.enqueue_dma source(%dma_start3A_656 : memref<16x2048xf32, #tpu.memory_space<vmem>>) target(%dma_start3A_652 : memref<16x2048xf32, #tpu.memory_space<hbm>>) target_semaphore(%dma_start3A_650 : memref<!tpu.dma_semaphore, #tpu.memory_space<semaphore_mem>>)
    %add3A_657 = arith.constant 112 : i32
    %add3A_658 = arith.addi %mul3A_64, %add3A_657 : i32
    %dma_wait3A_659 = arith.constant 1 : i32
    %dma_wait3A_660 = arith.constant 1 : i32
    %dma_wait3A_661 = arith.constant 0 : i32
    %dma_wait3A_662 = arith.constant 0 : i32
    %dma_wait3A_663 = tpu.memref_slice %arg4[%dma_wait3A_659, %dma_wait3A_661, %dma_wait3A_662] : memref<3x16x2048xf32, #tpu.memory_space<vmem>> -> memref<1x16x2048xf32, #tpu.memory_space<vmem>>
    %dma_wait3A_664 = tpu.memref_squeeze %dma_wait3A_663 : memref<1x16x2048xf32, #tpu.memory_space<vmem>> -> memref<16x2048xf32, #tpu.memory_space<vmem>>
    %dma_wait3A_665 = arith.constant 0 : i32
    %dma_wait3A_666 = tpu.memref_slice %arg3[%add3A_658, %dma_wait3A_665] : memref<16384x2048xf32, #tpu.memory_space<hbm>> -> memref<16x2048xf32, #tpu.memory_space<hbm>>
    %dma_wait3A_667 = tpu.memref_slice %arg6[%dma_wait3A_660] : memref<3x!tpu.dma_semaphore, #tpu.memory_space<semaphore_mem>> -> memref<1x!tpu.dma_semaphore, #tpu.memory_space<semaphore_mem>>
    %dma_wait3A_668 = tpu.memref_squeeze %dma_wait3A_667 : memref<1x!tpu.dma_semaphore, #tpu.memory_space<semaphore_mem>> -> memref<!tpu.dma_semaphore, #tpu.memory_space<semaphore_mem>>
    %dma_wait3A_669 = arith.constant 0 : i32
    %dma_wait3A_670 = tpu.memref_slice %arg3[%add3A_658, %dma_wait3A_669] : memref<16384x2048xf32, #tpu.memory_space<hbm>> -> memref<16x2048xf32, #tpu.memory_space<hbm>>
    %dma_wait3A_671 = arith.constant 0 : i32
    %dma_wait3A_672 = arith.constant 0 : i32
    %dma_wait3A_673 = tpu.memref_slice %arg4[%dma_wait3A_659, %dma_wait3A_671, %dma_wait3A_672] : memref<3x16x2048xf32, #tpu.memory_space<vmem>> -> memref<1x16x2048xf32, #tpu.memory_space<vmem>>
    %dma_wait3A_674 = tpu.memref_squeeze %dma_wait3A_673 : memref<1x16x2048xf32, #tpu.memory_space<vmem>> -> memref<16x2048xf32, #tpu.memory_space<vmem>>
    tpu.wait_dma2 semaphore(%dma_wait3A_668 : memref<!tpu.dma_semaphore, #tpu.memory_space<semaphore_mem>>) src(%dma_wait3A_674 : memref<16x2048xf32, #tpu.memory_space<vmem>>) dst(%dma_wait3A_670 : memref<16x2048xf32, #tpu.memory_space<hbm>>)
    %add3A_675 = arith.constant 160 : i32
    %add3A_676 = arith.addi %add3A_62, %add3A_675 : i32
    %dma_start3A_677 = arith.constant 1 : i32
    %dma_start3A_678 = arith.constant 1 : i32
    %dma_start3A_679 = arith.constant 0 : i32
    %dma_start3A_680 = arith.constant 0 : i32
    %dma_start3A_681 = tpu.memref_slice %arg4[%dma_start3A_677, %dma_start3A_679, %dma_start3A_680] : memref<3x16x2048xf32, #tpu.memory_space<vmem>> -> memref<1x16x2048xf32, #tpu.memory_space<vmem>>
    %dma_start3A_682 = tpu.memref_squeeze %dma_start3A_681 : memref<1x16x2048xf32, #tpu.memory_space<vmem>> -> memref<16x2048xf32, #tpu.memory_space<vmem>>
    %dma_start3A_683 = arith.constant 0 : i32
    %dma_start3A_684 = tpu.memref_slice %arg2[%add3A_676, %dma_start3A_683] : memref<28672x2048xf32, #tpu.memory_space<hbm>> -> memref<16x2048xf32, #tpu.memory_space<hbm>>
    %dma_start3A_685 = tpu.memref_slice %arg5[%dma_start3A_678] : memref<3x!tpu.dma_semaphore, #tpu.memory_space<semaphore_mem>> -> memref<1x!tpu.dma_semaphore, #tpu.memory_space<semaphore_mem>>
    %dma_start3A_686 = tpu.memref_squeeze %dma_start3A_685 : memref<1x!tpu.dma_semaphore, #tpu.memory_space<semaphore_mem>> -> memref<!tpu.dma_semaphore, #tpu.memory_space<semaphore_mem>>
    %dma_start3A_687 = arith.constant 0 : i32
    %dma_start3A_688 = arith.constant 0 : i32
    %dma_start3A_689 = tpu.memref_slice %arg4[%dma_start3A_677, %dma_start3A_687, %dma_start3A_688] : memref<3x16x2048xf32, #tpu.memory_space<vmem>> -> memref<1x16x2048xf32, #tpu.memory_space<vmem>>
    %dma_start3A_690 = tpu.memref_squeeze %dma_start3A_689 : memref<1x16x2048xf32, #tpu.memory_space<vmem>> -> memref<16x2048xf32, #tpu.memory_space<vmem>>
    %dma_start3A_691 = arith.constant 0 : i32
    %dma_start3A_692 = tpu.memref_slice %arg2[%add3A_676, %dma_start3A_691] : memref<28672x2048xf32, #tpu.memory_space<hbm>> -> memref<16x2048xf32, #tpu.memory_space<hbm>>
    tpu.enqueue_dma source(%dma_start3A_692 : memref<16x2048xf32, #tpu.memory_space<hbm>>) target(%dma_start3A_690 : memref<16x2048xf32, #tpu.memory_space<vmem>>) target_semaphore(%dma_start3A_686 : memref<!tpu.dma_semaphore, #tpu.memory_space<semaphore_mem>>)
    %add3A_693 = arith.constant 128 : i32
    %add3A_694 = arith.addi %add3A_62, %add3A_693 : i32
    %dma_wait3A_695 = arith.constant 2 : i32
    %dma_wait3A_696 = arith.constant 2 : i32
    %dma_wait3A_697 = arith.constant 0 : i32
    %dma_wait3A_698 = arith.constant 0 : i32
    %dma_wait3A_699 = tpu.memref_slice %arg4[%dma_wait3A_695, %dma_wait3A_697, %dma_wait3A_698] : memref<3x16x2048xf32, #tpu.memory_space<vmem>> -> memref<1x16x2048xf32, #tpu.memory_space<vmem>>
    %dma_wait3A_700 = tpu.memref_squeeze %dma_wait3A_699 : memref<1x16x2048xf32, #tpu.memory_space<vmem>> -> memref<16x2048xf32, #tpu.memory_space<vmem>>
    %dma_wait3A_701 = arith.constant 0 : i32
    %dma_wait3A_702 = tpu.memref_slice %arg2[%add3A_694, %dma_wait3A_701] : memref<28672x2048xf32, #tpu.memory_space<hbm>> -> memref<16x2048xf32, #tpu.memory_space<hbm>>
    %dma_wait3A_703 = tpu.memref_slice %arg5[%dma_wait3A_696] : memref<3x!tpu.dma_semaphore, #tpu.memory_space<semaphore_mem>> -> memref<1x!tpu.dma_semaphore, #tpu.memory_space<semaphore_mem>>
    %dma_wait3A_704 = tpu.memref_squeeze %dma_wait3A_703 : memref<1x!tpu.dma_semaphore, #tpu.memory_space<semaphore_mem>> -> memref<!tpu.dma_semaphore, #tpu.memory_space<semaphore_mem>>
    %dma_wait3A_705 = arith.constant 0 : i32
    %dma_wait3A_706 = arith.constant 0 : i32
    %dma_wait3A_707 = tpu.memref_slice %arg4[%dma_wait3A_695, %dma_wait3A_705, %dma_wait3A_706] : memref<3x16x2048xf32, #tpu.memory_space<vmem>> -> memref<1x16x2048xf32, #tpu.memory_space<vmem>>
    %dma_wait3A_708 = tpu.memref_squeeze %dma_wait3A_707 : memref<1x16x2048xf32, #tpu.memory_space<vmem>> -> memref<16x2048xf32, #tpu.memory_space<vmem>>
    %dma_wait3A_709 = arith.constant 0 : i32
    %dma_wait3A_710 = tpu.memref_slice %arg2[%add3A_694, %dma_wait3A_709] : memref<28672x2048xf32, #tpu.memory_space<hbm>> -> memref<16x2048xf32, #tpu.memory_space<hbm>>
    tpu.wait_dma2 semaphore(%dma_wait3A_704 : memref<!tpu.dma_semaphore, #tpu.memory_space<semaphore_mem>>) src(%dma_wait3A_710 : memref<16x2048xf32, #tpu.memory_space<hbm>>) dst(%dma_wait3A_708 : memref<16x2048xf32, #tpu.memory_space<vmem>>)
    %add3A_711 = arith.constant 128 : i32
    %add3A_712 = arith.addi %mul3A_64, %add3A_711 : i32
    %dma_start3A_713 = arith.constant 2 : i32
    %dma_start3A_714 = arith.constant 2 : i32
    %dma_start3A_715 = arith.constant 0 : i32
    %dma_start3A_716 = arith.constant 0 : i32
    %dma_start3A_717 = tpu.memref_slice %arg4[%dma_start3A_713, %dma_start3A_715, %dma_start3A_716] : memref<3x16x2048xf32, #tpu.memory_space<vmem>> -> memref<1x16x2048xf32, #tpu.memory_space<vmem>>
    %dma_start3A_718 = tpu.memref_squeeze %dma_start3A_717 : memref<1x16x2048xf32, #tpu.memory_space<vmem>> -> memref<16x2048xf32, #tpu.memory_space<vmem>>
    %dma_start3A_719 = arith.constant 0 : i32
    %dma_start3A_720 = tpu.memref_slice %arg3[%add3A_712, %dma_start3A_719] : memref<16384x2048xf32, #tpu.memory_space<hbm>> -> memref<16x2048xf32, #tpu.memory_space<hbm>>
    %dma_start3A_721 = tpu.memref_slice %arg6[%dma_start3A_714] : memref<3x!tpu.dma_semaphore, #tpu.memory_space<semaphore_mem>> -> memref<1x!tpu.dma_semaphore, #tpu.memory_space<semaphore_mem>>
    %dma_start3A_722 = tpu.memref_squeeze %dma_start3A_721 : memref<1x!tpu.dma_semaphore, #tpu.memory_space<semaphore_mem>> -> memref<!tpu.dma_semaphore, #tpu.memory_space<semaphore_mem>>
    %dma_start3A_723 = arith.constant 0 : i32
    %dma_start3A_724 = tpu.memref_slice %arg3[%add3A_712, %dma_start3A_723] : memref<16384x2048xf32, #tpu.memory_space<hbm>> -> memref<16x2048xf32, #tpu.memory_space<hbm>>
    %dma_start3A_725 = arith.constant 0 : i32
    %dma_start3A_726 = arith.constant 0 : i32
    %dma_start3A_727 = tpu.memref_slice %arg4[%dma_start3A_713, %dma_start3A_725, %dma_start3A_726] : memref<3x16x2048xf32, #tpu.memory_space<vmem>> -> memref<1x16x2048xf32, #tpu.memory_space<vmem>>
    %dma_start3A_728 = tpu.memref_squeeze %dma_start3A_727 : memref<1x16x2048xf32, #tpu.memory_space<vmem>> -> memref<16x2048xf32, #tpu.memory_space<vmem>>
    tpu.enqueue_dma source(%dma_start3A_728 : memref<16x2048xf32, #tpu.memory_space<vmem>>) target(%dma_start3A_724 : memref<16x2048xf32, #tpu.memory_space<hbm>>) target_semaphore(%dma_start3A_722 : memref<!tpu.dma_semaphore, #tpu.memory_space<semaphore_mem>>)
    %add3A_729 = arith.constant 128 : i32
    %add3A_730 = arith.addi %mul3A_64, %add3A_729 : i32
    %dma_wait3A_731 = arith.constant 2 : i32
    %dma_wait3A_732 = arith.constant 2 : i32
    %dma_wait3A_733 = arith.constant 0 : i32
    %dma_wait3A_734 = arith.constant 0 : i32
    %dma_wait3A_735 = tpu.memref_slice %arg4[%dma_wait3A_731, %dma_wait3A_733, %dma_wait3A_734] : memref<3x16x2048xf32, #tpu.memory_space<vmem>> -> memref<1x16x2048xf32, #tpu.memory_space<vmem>>
    %dma_wait3A_736 = tpu.memref_squeeze %dma_wait3A_735 : memref<1x16x2048xf32, #tpu.memory_space<vmem>> -> memref<16x2048xf32, #tpu.memory_space<vmem>>
    %dma_wait3A_737 = arith.constant 0 : i32
    %dma_wait3A_738 = tpu.memref_slice %arg3[%add3A_730, %dma_wait3A_737] : memref<16384x2048xf32, #tpu.memory_space<hbm>> -> memref<16x2048xf32, #tpu.memory_space<hbm>>
    %dma_wait3A_739 = tpu.memref_slice %arg6[%dma_wait3A_732] : memref<3x!tpu.dma_semaphore, #tpu.memory_space<semaphore_mem>> -> memref<1x!tpu.dma_semaphore, #tpu.memory_space<semaphore_mem>>
    %dma_wait3A_740 = tpu.memref_squeeze %dma_wait3A_739 : memref<1x!tpu.dma_semaphore, #tpu.memory_space<semaphore_mem>> -> memref<!tpu.dma_semaphore, #tpu.memory_space<semaphore_mem>>
    %dma_wait3A_741 = arith.constant 0 : i32
    %dma_wait3A_742 = tpu.memref_slice %arg3[%add3A_730, %dma_wait3A_741] : memref<16384x2048xf32, #tpu.memory_space<hbm>> -> memref<16x2048xf32, #tpu.memory_space<hbm>>
    %dma_wait3A_743 = arith.constant 0 : i32
    %dma_wait3A_744 = arith.constant 0 : i32
    %dma_wait3A_745 = tpu.memref_slice %arg4[%dma_wait3A_731, %dma_wait3A_743, %dma_wait3A_744] : memref<3x16x2048xf32, #tpu.memory_space<vmem>> -> memref<1x16x2048xf32, #tpu.memory_space<vmem>>
    %dma_wait3A_746 = tpu.memref_squeeze %dma_wait3A_745 : memref<1x16x2048xf32, #tpu.memory_space<vmem>> -> memref<16x2048xf32, #tpu.memory_space<vmem>>
    tpu.wait_dma2 semaphore(%dma_wait3A_740 : memref<!tpu.dma_semaphore, #tpu.memory_space<semaphore_mem>>) src(%dma_wait3A_746 : memref<16x2048xf32, #tpu.memory_space<vmem>>) dst(%dma_wait3A_742 : memref<16x2048xf32, #tpu.memory_space<hbm>>)
    %add3A_747 = arith.constant 176 : i32
    %add3A_748 = arith.addi %add3A_62, %add3A_747 : i32
    %dma_start3A_749 = arith.constant 2 : i32
    %dma_start3A_750 = arith.constant 2 : i32
    %dma_start3A_751 = arith.constant 0 : i32
    %dma_start3A_752 = arith.constant 0 : i32
    %dma_start3A_753 = tpu.memref_slice %arg4[%dma_start3A_749, %dma_start3A_751, %dma_start3A_752] : memref<3x16x2048xf32, #tpu.memory_space<vmem>> -> memref<1x16x2048xf32, #tpu.memory_space<vmem>>
    %dma_start3A_754 = tpu.memref_squeeze %dma_start3A_753 : memref<1x16x2048xf32, #tpu.memory_space<vmem>> -> memref<16x2048xf32, #tpu.memory_space<vmem>>
    %dma_start3A_755 = arith.constant 0 : i32
    %dma_start3A_756 = tpu.memref_slice %arg2[%add3A_748, %dma_start3A_755] : memref<28672x2048xf32, #tpu.memory_space<hbm>> -> memref<16x2048xf32, #tpu.memory_space<hbm>>
    %dma_start3A_757 = tpu.memref_slice %arg5[%dma_start3A_750] : memref<3x!tpu.dma_semaphore, #tpu.memory_space<semaphore_mem>> -> memref<1x!tpu.dma_semaphore, #tpu.memory_space<semaphore_mem>>
    %dma_start3A_758 = tpu.memref_squeeze %dma_start3A_757 : memref<1x!tpu.dma_semaphore, #tpu.memory_space<semaphore_mem>> -> memref<!tpu.dma_semaphore, #tpu.memory_space<semaphore_mem>>
    %dma_start3A_759 = arith.constant 0 : i32
    %dma_start3A_760 = arith.constant 0 : i32
    %dma_start3A_761 = tpu.memref_slice %arg4[%dma_start3A_749, %dma_start3A_759, %dma_start3A_760] : memref<3x16x2048xf32, #tpu.memory_space<vmem>> -> memref<1x16x2048xf32, #tpu.memory_space<vmem>>
    %dma_start3A_762 = tpu.memref_squeeze %dma_start3A_761 : memref<1x16x2048xf32, #tpu.memory_space<vmem>> -> memref<16x2048xf32, #tpu.memory_space<vmem>>
    %dma_start3A_763 = arith.constant 0 : i32
    %dma_start3A_764 = tpu.memref_slice %arg2[%add3A_748, %dma_start3A_763] : memref<28672x2048xf32, #tpu.memory_space<hbm>> -> memref<16x2048xf32, #tpu.memory_space<hbm>>
    tpu.enqueue_dma source(%dma_start3A_764 : memref<16x2048xf32, #tpu.memory_space<hbm>>) target(%dma_start3A_762 : memref<16x2048xf32, #tpu.memory_space<vmem>>) target_semaphore(%dma_start3A_758 : memref<!tpu.dma_semaphore, #tpu.memory_space<semaphore_mem>>)
    %add3A_765 = arith.constant 144 : i32
    %add3A_766 = arith.addi %add3A_62, %add3A_765 : i32
    %dma_wait3A_767 = arith.constant 0 : i32
    %dma_wait3A_768 = arith.constant 0 : i32
    %dma_wait3A_769 = arith.constant 0 : i32
    %dma_wait3A_770 = arith.constant 0 : i32
    %dma_wait3A_771 = tpu.memref_slice %arg4[%dma_wait3A_767, %dma_wait3A_769, %dma_wait3A_770] : memref<3x16x2048xf32, #tpu.memory_space<vmem>> -> memref<1x16x2048xf32, #tpu.memory_space<vmem>>
    %dma_wait3A_772 = tpu.memref_squeeze %dma_wait3A_771 : memref<1x16x2048xf32, #tpu.memory_space<vmem>> -> memref<16x2048xf32, #tpu.memory_space<vmem>>
    %dma_wait3A_773 = arith.constant 0 : i32
    %dma_wait3A_774 = tpu.memref_slice %arg2[%add3A_766, %dma_wait3A_773] : memref<28672x2048xf32, #tpu.memory_space<hbm>> -> memref<16x2048xf32, #tpu.memory_space<hbm>>
    %dma_wait3A_775 = tpu.memref_slice %arg5[%dma_wait3A_768] : memref<3x!tpu.dma_semaphore, #tpu.memory_space<semaphore_mem>> -> memref<1x!tpu.dma_semaphore, #tpu.memory_space<semaphore_mem>>
    %dma_wait3A_776 = tpu.memref_squeeze %dma_wait3A_775 : memref<1x!tpu.dma_semaphore, #tpu.memory_space<semaphore_mem>> -> memref<!tpu.dma_semaphore, #tpu.memory_space<semaphore_mem>>
    %dma_wait3A_777 = arith.constant 0 : i32
    %dma_wait3A_778 = arith.constant 0 : i32
    %dma_wait3A_779 = tpu.memref_slice %arg4[%dma_wait3A_767, %dma_wait3A_777, %dma_wait3A_778] : memref<3x16x2048xf32, #tpu.memory_space<vmem>> -> memref<1x16x2048xf32, #tpu.memory_space<vmem>>
    %dma_wait3A_780 = tpu.memref_squeeze %dma_wait3A_779 : memref<1x16x2048xf32, #tpu.memory_space<vmem>> -> memref<16x2048xf32, #tpu.memory_space<vmem>>
    %dma_wait3A_781 = arith.constant 0 : i32
    %dma_wait3A_782 = tpu.memref_slice %arg2[%add3A_766, %dma_wait3A_781] : memref<28672x2048xf32, #tpu.memory_space<hbm>> -> memref<16x2048xf32, #tpu.memory_space<hbm>>
    tpu.wait_dma2 semaphore(%dma_wait3A_776 : memref<!tpu.dma_semaphore, #tpu.memory_space<semaphore_mem>>) src(%dma_wait3A_782 : memref<16x2048xf32, #tpu.memory_space<hbm>>) dst(%dma_wait3A_780 : memref<16x2048xf32, #tpu.memory_space<vmem>>)
    %add3A_783 = arith.constant 144 : i32
    %add3A_784 = arith.addi %mul3A_64, %add3A_783 : i32
    %dma_start3A_785 = arith.constant 0 : i32
    %dma_start3A_786 = arith.constant 0 : i32
    %dma_start3A_787 = arith.constant 0 : i32
    %dma_start3A_788 = arith.constant 0 : i32
    %dma_start3A_789 = tpu.memref_slice %arg4[%dma_start3A_785, %dma_start3A_787, %dma_start3A_788] : memref<3x16x2048xf32, #tpu.memory_space<vmem>> -> memref<1x16x2048xf32, #tpu.memory_space<vmem>>
    %dma_start3A_790 = tpu.memref_squeeze %dma_start3A_789 : memref<1x16x2048xf32, #tpu.memory_space<vmem>> -> memref<16x2048xf32, #tpu.memory_space<vmem>>
    %dma_start3A_791 = arith.constant 0 : i32
    %dma_start3A_792 = tpu.memref_slice %arg3[%add3A_784, %dma_start3A_791] : memref<16384x2048xf32, #tpu.memory_space<hbm>> -> memref<16x2048xf32, #tpu.memory_space<hbm>>
    %dma_start3A_793 = tpu.memref_slice %arg6[%dma_start3A_786] : memref<3x!tpu.dma_semaphore, #tpu.memory_space<semaphore_mem>> -> memref<1x!tpu.dma_semaphore, #tpu.memory_space<semaphore_mem>>
    %dma_start3A_794 = tpu.memref_squeeze %dma_start3A_793 : memref<1x!tpu.dma_semaphore, #tpu.memory_space<semaphore_mem>> -> memref<!tpu.dma_semaphore, #tpu.memory_space<semaphore_mem>>
    %dma_start3A_795 = arith.constant 0 : i32
    %dma_start3A_796 = tpu.memref_slice %arg3[%add3A_784, %dma_start3A_795] : memref<16384x2048xf32, #tpu.memory_space<hbm>> -> memref<16x2048xf32, #tpu.memory_space<hbm>>
    %dma_start3A_797 = arith.constant 0 : i32
    %dma_start3A_798 = arith.constant 0 : i32
    %dma_start3A_799 = tpu.memref_slice %arg4[%dma_start3A_785, %dma_start3A_797, %dma_start3A_798] : memref<3x16x2048xf32, #tpu.memory_space<vmem>> -> memref<1x16x2048xf32, #tpu.memory_space<vmem>>
    %dma_start3A_800 = tpu.memref_squeeze %dma_start3A_799 : memref<1x16x2048xf32, #tpu.memory_space<vmem>> -> memref<16x2048xf32, #tpu.memory_space<vmem>>
    tpu.enqueue_dma source(%dma_start3A_800 : memref<16x2048xf32, #tpu.memory_space<vmem>>) target(%dma_start3A_796 : memref<16x2048xf32, #tpu.memory_space<hbm>>) target_semaphore(%dma_start3A_794 : memref<!tpu.dma_semaphore, #tpu.memory_space<semaphore_mem>>)
    %add3A_801 = arith.constant 144 : i32
    %add3A_802 = arith.addi %mul3A_64, %add3A_801 : i32
    %dma_wait3A_803 = arith.constant 0 : i32
    %dma_wait3A_804 = arith.constant 0 : i32
    %dma_wait3A_805 = arith.constant 0 : i32
    %dma_wait3A_806 = arith.constant 0 : i32
    %dma_wait3A_807 = tpu.memref_slice %arg4[%dma_wait3A_803, %dma_wait3A_805, %dma_wait3A_806] : memref<3x16x2048xf32, #tpu.memory_space<vmem>> -> memref<1x16x2048xf32, #tpu.memory_space<vmem>>
    %dma_wait3A_808 = tpu.memref_squeeze %dma_wait3A_807 : memref<1x16x2048xf32, #tpu.memory_space<vmem>> -> memref<16x2048xf32, #tpu.memory_space<vmem>>
    %dma_wait3A_809 = arith.constant 0 : i32
    %dma_wait3A_810 = tpu.memref_slice %arg3[%add3A_802, %dma_wait3A_809] : memref<16384x2048xf32, #tpu.memory_space<hbm>> -> memref<16x2048xf32, #tpu.memory_space<hbm>>
    %dma_wait3A_811 = tpu.memref_slice %arg6[%dma_wait3A_804] : memref<3x!tpu.dma_semaphore, #tpu.memory_space<semaphore_mem>> -> memref<1x!tpu.dma_semaphore, #tpu.memory_space<semaphore_mem>>
    %dma_wait3A_812 = tpu.memref_squeeze %dma_wait3A_811 : memref<1x!tpu.dma_semaphore, #tpu.memory_space<semaphore_mem>> -> memref<!tpu.dma_semaphore, #tpu.memory_space<semaphore_mem>>
    %dma_wait3A_813 = arith.constant 0 : i32
    %dma_wait3A_814 = tpu.memref_slice %arg3[%add3A_802, %dma_wait3A_813] : memref<16384x2048xf32, #tpu.memory_space<hbm>> -> memref<16x2048xf32, #tpu.memory_space<hbm>>
    %dma_wait3A_815 = arith.constant 0 : i32
    %dma_wait3A_816 = arith.constant 0 : i32
    %dma_wait3A_817 = tpu.memref_slice %arg4[%dma_wait3A_803, %dma_wait3A_815, %dma_wait3A_816] : memref<3x16x2048xf32, #tpu.memory_space<vmem>> -> memref<1x16x2048xf32, #tpu.memory_space<vmem>>
    %dma_wait3A_818 = tpu.memref_squeeze %dma_wait3A_817 : memref<1x16x2048xf32, #tpu.memory_space<vmem>> -> memref<16x2048xf32, #tpu.memory_space<vmem>>
    tpu.wait_dma2 semaphore(%dma_wait3A_812 : memref<!tpu.dma_semaphore, #tpu.memory_space<semaphore_mem>>) src(%dma_wait3A_818 : memref<16x2048xf32, #tpu.memory_space<vmem>>) dst(%dma_wait3A_814 : memref<16x2048xf32, #tpu.memory_space<hbm>>)
    %add3A_819 = arith.constant 192 : i32
    %add3A_820 = arith.addi %add3A_62, %add3A_819 : i32
    %dma_start3A_821 = arith.constant 0 : i32
    %dma_start3A_822 = arith.constant 0 : i32
    %dma_start3A_823 = arith.constant 0 : i32
    %dma_start3A_824 = arith.constant 0 : i32
    %dma_start3A_825 = tpu.memref_slice %arg4[%dma_start3A_821, %dma_start3A_823, %dma_start3A_824] : memref<3x16x2048xf32, #tpu.memory_space<vmem>> -> memref<1x16x2048xf32, #tpu.memory_space<vmem>>
    %dma_start3A_826 = tpu.memref_squeeze %dma_start3A_825 : memref<1x16x2048xf32, #tpu.memory_space<vmem>> -> memref<16x2048xf32, #tpu.memory_space<vmem>>
    %dma_start3A_827 = arith.constant 0 : i32
    %dma_start3A_828 = tpu.memref_slice %arg2[%add3A_820, %dma_start3A_827] : memref<28672x2048xf32, #tpu.memory_space<hbm>> -> memref<16x2048xf32, #tpu.memory_space<hbm>>
    %dma_start3A_829 = tpu.memref_slice %arg5[%dma_start3A_822] : memref<3x!tpu.dma_semaphore, #tpu.memory_space<semaphore_mem>> -> memref<1x!tpu.dma_semaphore, #tpu.memory_space<semaphore_mem>>
    %dma_start3A_830 = tpu.memref_squeeze %dma_start3A_829 : memref<1x!tpu.dma_semaphore, #tpu.memory_space<semaphore_mem>> -> memref<!tpu.dma_semaphore, #tpu.memory_space<semaphore_mem>>
    %dma_start3A_831 = arith.constant 0 : i32
    %dma_start3A_832 = arith.constant 0 : i32
    %dma_start3A_833 = tpu.memref_slice %arg4[%dma_start3A_821, %dma_start3A_831, %dma_start3A_832] : memref<3x16x2048xf32, #tpu.memory_space<vmem>> -> memref<1x16x2048xf32, #tpu.memory_space<vmem>>
    %dma_start3A_834 = tpu.memref_squeeze %dma_start3A_833 : memref<1x16x2048xf32, #tpu.memory_space<vmem>> -> memref<16x2048xf32, #tpu.memory_space<vmem>>
    %dma_start3A_835 = arith.constant 0 : i32
    %dma_start3A_836 = tpu.memref_slice %arg2[%add3A_820, %dma_start3A_835] : memref<28672x2048xf32, #tpu.memory_space<hbm>> -> memref<16x2048xf32, #tpu.memory_space<hbm>>
    tpu.enqueue_dma source(%dma_start3A_836 : memref<16x2048xf32, #tpu.memory_space<hbm>>) target(%dma_start3A_834 : memref<16x2048xf32, #tpu.memory_space<vmem>>) target_semaphore(%dma_start3A_830 : memref<!tpu.dma_semaphore, #tpu.memory_space<semaphore_mem>>)
    %add3A_837 = arith.constant 160 : i32
    %add3A_838 = arith.addi %add3A_62, %add3A_837 : i32
    %dma_wait3A_839 = arith.constant 1 : i32
    %dma_wait3A_840 = arith.constant 1 : i32
    %dma_wait3A_841 = arith.constant 0 : i32
    %dma_wait3A_842 = arith.constant 0 : i32
    %dma_wait3A_843 = tpu.memref_slice %arg4[%dma_wait3A_839, %dma_wait3A_841, %dma_wait3A_842] : memref<3x16x2048xf32, #tpu.memory_space<vmem>> -> memref<1x16x2048xf32, #tpu.memory_space<vmem>>
    %dma_wait3A_844 = tpu.memref_squeeze %dma_wait3A_843 : memref<1x16x2048xf32, #tpu.memory_space<vmem>> -> memref<16x2048xf32, #tpu.memory_space<vmem>>
    %dma_wait3A_845 = arith.constant 0 : i32
    %dma_wait3A_846 = tpu.memref_slice %arg2[%add3A_838, %dma_wait3A_845] : memref<28672x2048xf32, #tpu.memory_space<hbm>> -> memref<16x2048xf32, #tpu.memory_space<hbm>>
    %dma_wait3A_847 = tpu.memref_slice %arg5[%dma_wait3A_840] : memref<3x!tpu.dma_semaphore, #tpu.memory_space<semaphore_mem>> -> memref<1x!tpu.dma_semaphore, #tpu.memory_space<semaphore_mem>>
    %dma_wait3A_848 = tpu.memref_squeeze %dma_wait3A_847 : memref<1x!tpu.dma_semaphore, #tpu.memory_space<semaphore_mem>> -> memref<!tpu.dma_semaphore, #tpu.memory_space<semaphore_mem>>
    %dma_wait3A_849 = arith.constant 0 : i32
    %dma_wait3A_850 = arith.constant 0 : i32
    %dma_wait3A_851 = tpu.memref_slice %arg4[%dma_wait3A_839, %dma_wait3A_849, %dma_wait3A_850] : memref<3x16x2048xf32, #tpu.memory_space<vmem>> -> memref<1x16x2048xf32, #tpu.memory_space<vmem>>
    %dma_wait3A_852 = tpu.memref_squeeze %dma_wait3A_851 : memref<1x16x2048xf32, #tpu.memory_space<vmem>> -> memref<16x2048xf32, #tpu.memory_space<vmem>>
    %dma_wait3A_853 = arith.constant 0 : i32
    %dma_wait3A_854 = tpu.memref_slice %arg2[%add3A_838, %dma_wait3A_853] : memref<28672x2048xf32, #tpu.memory_space<hbm>> -> memref<16x2048xf32, #tpu.memory_space<hbm>>
    tpu.wait_dma2 semaphore(%dma_wait3A_848 : memref<!tpu.dma_semaphore, #tpu.memory_space<semaphore_mem>>) src(%dma_wait3A_854 : memref<16x2048xf32, #tpu.memory_space<hbm>>) dst(%dma_wait3A_852 : memref<16x2048xf32, #tpu.memory_space<vmem>>)
    %add3A_855 = arith.constant 160 : i32
    %add3A_856 = arith.addi %mul3A_64, %add3A_855 : i32
    %dma_start3A_857 = arith.constant 1 : i32
    %dma_start3A_858 = arith.constant 1 : i32
    %dma_start3A_859 = arith.constant 0 : i32
    %dma_start3A_860 = arith.constant 0 : i32
    %dma_start3A_861 = tpu.memref_slice %arg4[%dma_start3A_857, %dma_start3A_859, %dma_start3A_860] : memref<3x16x2048xf32, #tpu.memory_space<vmem>> -> memref<1x16x2048xf32, #tpu.memory_space<vmem>>
    %dma_start3A_862 = tpu.memref_squeeze %dma_start3A_861 : memref<1x16x2048xf32, #tpu.memory_space<vmem>> -> memref<16x2048xf32, #tpu.memory_space<vmem>>
    %dma_start3A_863 = arith.constant 0 : i32
    %dma_start3A_864 = tpu.memref_slice %arg3[%add3A_856, %dma_start3A_863] : memref<16384x2048xf32, #tpu.memory_space<hbm>> -> memref<16x2048xf32, #tpu.memory_space<hbm>>
    %dma_start3A_865 = tpu.memref_slice %arg6[%dma_start3A_858] : memref<3x!tpu.dma_semaphore, #tpu.memory_space<semaphore_mem>> -> memref<1x!tpu.dma_semaphore, #tpu.memory_space<semaphore_mem>>
    %dma_start3A_866 = tpu.memref_squeeze %dma_start3A_865 : memref<1x!tpu.dma_semaphore, #tpu.memory_space<semaphore_mem>> -> memref<!tpu.dma_semaphore, #tpu.memory_space<semaphore_mem>>
    %dma_start3A_867 = arith.constant 0 : i32
    %dma_start3A_868 = tpu.memref_slice %arg3[%add3A_856, %dma_start3A_867] : memref<16384x2048xf32, #tpu.memory_space<hbm>> -> memref<16x2048xf32, #tpu.memory_space<hbm>>
    %dma_start3A_869 = arith.constant 0 : i32
    %dma_start3A_870 = arith.constant 0 : i32
    %dma_start3A_871 = tpu.memref_slice %arg4[%dma_start3A_857, %dma_start3A_869, %dma_start3A_870] : memref<3x16x2048xf32, #tpu.memory_space<vmem>> -> memref<1x16x2048xf32, #tpu.memory_space<vmem>>
    %dma_start3A_872 = tpu.memref_squeeze %dma_start3A_871 : memref<1x16x2048xf32, #tpu.memory_space<vmem>> -> memref<16x2048xf32, #tpu.memory_space<vmem>>
    tpu.enqueue_dma source(%dma_start3A_872 : memref<16x2048xf32, #tpu.memory_space<vmem>>) target(%dma_start3A_868 : memref<16x2048xf32, #tpu.memory_space<hbm>>) target_semaphore(%dma_start3A_866 : memref<!tpu.dma_semaphore, #tpu.memory_space<semaphore_mem>>)
    %add3A_873 = arith.constant 160 : i32
    %add3A_874 = arith.addi %mul3A_64, %add3A_873 : i32
    %dma_wait3A_875 = arith.constant 1 : i32
    %dma_wait3A_876 = arith.constant 1 : i32
    %dma_wait3A_877 = arith.constant 0 : i32
    %dma_wait3A_878 = arith.constant 0 : i32
    %dma_wait3A_879 = tpu.memref_slice %arg4[%dma_wait3A_875, %dma_wait3A_877, %dma_wait3A_878] : memref<3x16x2048xf32, #tpu.memory_space<vmem>> -> memref<1x16x2048xf32, #tpu.memory_space<vmem>>
    %dma_wait3A_880 = tpu.memref_squeeze %dma_wait3A_879 : memref<1x16x2048xf32, #tpu.memory_space<vmem>> -> memref<16x2048xf32, #tpu.memory_space<vmem>>
    %dma_wait3A_881 = arith.constant 0 : i32
    %dma_wait3A_882 = tpu.memref_slice %arg3[%add3A_874, %dma_wait3A_881] : memref<16384x2048xf32, #tpu.memory_space<hbm>> -> memref<16x2048xf32, #tpu.memory_space<hbm>>
    %dma_wait3A_883 = tpu.memref_slice %arg6[%dma_wait3A_876] : memref<3x!tpu.dma_semaphore, #tpu.memory_space<semaphore_mem>> -> memref<1x!tpu.dma_semaphore, #tpu.memory_space<semaphore_mem>>
    %dma_wait3A_884 = tpu.memref_squeeze %dma_wait3A_883 : memref<1x!tpu.dma_semaphore, #tpu.memory_space<semaphore_mem>> -> memref<!tpu.dma_semaphore, #tpu.memory_space<semaphore_mem>>
    %dma_wait3A_885 = arith.constant 0 : i32
    %dma_wait3A_886 = tpu.memref_slice %arg3[%add3A_874, %dma_wait3A_885] : memref<16384x2048xf32, #tpu.memory_space<hbm>> -> memref<16x2048xf32, #tpu.memory_space<hbm>>
    %dma_wait3A_887 = arith.constant 0 : i32
    %dma_wait3A_888 = arith.constant 0 : i32
    %dma_wait3A_889 = tpu.memref_slice %arg4[%dma_wait3A_875, %dma_wait3A_887, %dma_wait3A_888] : memref<3x16x2048xf32, #tpu.memory_space<vmem>> -> memref<1x16x2048xf32, #tpu.memory_space<vmem>>
    %dma_wait3A_890 = tpu.memref_squeeze %dma_wait3A_889 : memref<1x16x2048xf32, #tpu.memory_space<vmem>> -> memref<16x2048xf32, #tpu.memory_space<vmem>>
    tpu.wait_dma2 semaphore(%dma_wait3A_884 : memref<!tpu.dma_semaphore, #tpu.memory_space<semaphore_mem>>) src(%dma_wait3A_890 : memref<16x2048xf32, #tpu.memory_space<vmem>>) dst(%dma_wait3A_886 : memref<16x2048xf32, #tpu.memory_space<hbm>>)
    %add3A_891 = arith.constant 208 : i32
    %add3A_892 = arith.addi %add3A_62, %add3A_891 : i32
    %dma_start3A_893 = arith.constant 1 : i32
    %dma_start3A_894 = arith.constant 1 : i32
    %dma_start3A_895 = arith.constant 0 : i32
    %dma_start3A_896 = arith.constant 0 : i32
    %dma_start3A_897 = tpu.memref_slice %arg4[%dma_start3A_893, %dma_start3A_895, %dma_start3A_896] : memref<3x16x2048xf32, #tpu.memory_space<vmem>> -> memref<1x16x2048xf32, #tpu.memory_space<vmem>>
    %dma_start3A_898 = tpu.memref_squeeze %dma_start3A_897 : memref<1x16x2048xf32, #tpu.memory_space<vmem>> -> memref<16x2048xf32, #tpu.memory_space<vmem>>
    %dma_start3A_899 = arith.constant 0 : i32
    %dma_start3A_900 = tpu.memref_slice %arg2[%add3A_892, %dma_start3A_899] : memref<28672x2048xf32, #tpu.memory_space<hbm>> -> memref<16x2048xf32, #tpu.memory_space<hbm>>
    %dma_start3A_901 = tpu.memref_slice %arg5[%dma_start3A_894] : memref<3x!tpu.dma_semaphore, #tpu.memory_space<semaphore_mem>> -> memref<1x!tpu.dma_semaphore, #tpu.memory_space<semaphore_mem>>
    %dma_start3A_902 = tpu.memref_squeeze %dma_start3A_901 : memref<1x!tpu.dma_semaphore, #tpu.memory_space<semaphore_mem>> -> memref<!tpu.dma_semaphore, #tpu.memory_space<semaphore_mem>>
    %dma_start3A_903 = arith.constant 0 : i32
    %dma_start3A_904 = arith.constant 0 : i32
    %dma_start3A_905 = tpu.memref_slice %arg4[%dma_start3A_893, %dma_start3A_903, %dma_start3A_904] : memref<3x16x2048xf32, #tpu.memory_space<vmem>> -> memref<1x16x2048xf32, #tpu.memory_space<vmem>>
    %dma_start3A_906 = tpu.memref_squeeze %dma_start3A_905 : memref<1x16x2048xf32, #tpu.memory_space<vmem>> -> memref<16x2048xf32, #tpu.memory_space<vmem>>
    %dma_start3A_907 = arith.constant 0 : i32
    %dma_start3A_908 = tpu.memref_slice %arg2[%add3A_892, %dma_start3A_907] : memref<28672x2048xf32, #tpu.memory_space<hbm>> -> memref<16x2048xf32, #tpu.memory_space<hbm>>
    tpu.enqueue_dma source(%dma_start3A_908 : memref<16x2048xf32, #tpu.memory_space<hbm>>) target(%dma_start3A_906 : memref<16x2048xf32, #tpu.memory_space<vmem>>) target_semaphore(%dma_start3A_902 : memref<!tpu.dma_semaphore, #tpu.memory_space<semaphore_mem>>)
    %add3A_909 = arith.constant 176 : i32
    %add3A_910 = arith.addi %add3A_62, %add3A_909 : i32
    %dma_wait3A_911 = arith.constant 2 : i32
    %dma_wait3A_912 = arith.constant 2 : i32
    %dma_wait3A_913 = arith.constant 0 : i32
    %dma_wait3A_914 = arith.constant 0 : i32
    %dma_wait3A_915 = tpu.memref_slice %arg4[%dma_wait3A_911, %dma_wait3A_913, %dma_wait3A_914] : memref<3x16x2048xf32, #tpu.memory_space<vmem>> -> memref<1x16x2048xf32, #tpu.memory_space<vmem>>
    %dma_wait3A_916 = tpu.memref_squeeze %dma_wait3A_915 : memref<1x16x2048xf32, #tpu.memory_space<vmem>> -> memref<16x2048xf32, #tpu.memory_space<vmem>>
    %dma_wait3A_917 = arith.constant 0 : i32
    %dma_wait3A_918 = tpu.memref_slice %arg2[%add3A_910, %dma_wait3A_917] : memref<28672x2048xf32, #tpu.memory_space<hbm>> -> memref<16x2048xf32, #tpu.memory_space<hbm>>
    %dma_wait3A_919 = tpu.memref_slice %arg5[%dma_wait3A_912] : memref<3x!tpu.dma_semaphore, #tpu.memory_space<semaphore_mem>> -> memref<1x!tpu.dma_semaphore, #tpu.memory_space<semaphore_mem>>
    %dma_wait3A_920 = tpu.memref_squeeze %dma_wait3A_919 : memref<1x!tpu.dma_semaphore, #tpu.memory_space<semaphore_mem>> -> memref<!tpu.dma_semaphore, #tpu.memory_space<semaphore_mem>>
    %dma_wait3A_921 = arith.constant 0 : i32
    %dma_wait3A_922 = arith.constant 0 : i32
    %dma_wait3A_923 = tpu.memref_slice %arg4[%dma_wait3A_911, %dma_wait3A_921, %dma_wait3A_922] : memref<3x16x2048xf32, #tpu.memory_space<vmem>> -> memref<1x16x2048xf32, #tpu.memory_space<vmem>>
    %dma_wait3A_924 = tpu.memref_squeeze %dma_wait3A_923 : memref<1x16x2048xf32, #tpu.memory_space<vmem>> -> memref<16x2048xf32, #tpu.memory_space<vmem>>
    %dma_wait3A_925 = arith.constant 0 : i32
    %dma_wait3A_926 = tpu.memref_slice %arg2[%add3A_910, %dma_wait3A_925] : memref<28672x2048xf32, #tpu.memory_space<hbm>> -> memref<16x2048xf32, #tpu.memory_space<hbm>>
    tpu.wait_dma2 semaphore(%dma_wait3A_920 : memref<!tpu.dma_semaphore, #tpu.memory_space<semaphore_mem>>) src(%dma_wait3A_926 : memref<16x2048xf32, #tpu.memory_space<hbm>>) dst(%dma_wait3A_924 : memref<16x2048xf32, #tpu.memory_space<vmem>>)
    %add3A_927 = arith.constant 176 : i32
    %add3A_928 = arith.addi %mul3A_64, %add3A_927 : i32
    %dma_start3A_929 = arith.constant 2 : i32
    %dma_start3A_930 = arith.constant 2 : i32
    %dma_start3A_931 = arith.constant 0 : i32
    %dma_start3A_932 = arith.constant 0 : i32
    %dma_start3A_933 = tpu.memref_slice %arg4[%dma_start3A_929, %dma_start3A_931, %dma_start3A_932] : memref<3x16x2048xf32, #tpu.memory_space<vmem>> -> memref<1x16x2048xf32, #tpu.memory_space<vmem>>
    %dma_start3A_934 = tpu.memref_squeeze %dma_start3A_933 : memref<1x16x2048xf32, #tpu.memory_space<vmem>> -> memref<16x2048xf32, #tpu.memory_space<vmem>>
    %dma_start3A_935 = arith.constant 0 : i32
    %dma_start3A_936 = tpu.memref_slice %arg3[%add3A_928, %dma_start3A_935] : memref<16384x2048xf32, #tpu.memory_space<hbm>> -> memref<16x2048xf32, #tpu.memory_space<hbm>>
    %dma_start3A_937 = tpu.memref_slice %arg6[%dma_start3A_930] : memref<3x!tpu.dma_semaphore, #tpu.memory_space<semaphore_mem>> -> memref<1x!tpu.dma_semaphore, #tpu.memory_space<semaphore_mem>>
    %dma_start3A_938 = tpu.memref_squeeze %dma_start3A_937 : memref<1x!tpu.dma_semaphore, #tpu.memory_space<semaphore_mem>> -> memref<!tpu.dma_semaphore, #tpu.memory_space<semaphore_mem>>
    %dma_start3A_939 = arith.constant 0 : i32
    %dma_start3A_940 = tpu.memref_slice %arg3[%add3A_928, %dma_start3A_939] : memref<16384x2048xf32, #tpu.memory_space<hbm>> -> memref<16x2048xf32, #tpu.memory_space<hbm>>
    %dma_start3A_941 = arith.constant 0 : i32
    %dma_start3A_942 = arith.constant 0 : i32
    %dma_start3A_943 = tpu.memref_slice %arg4[%dma_start3A_929, %dma_start3A_941, %dma_start3A_942] : memref<3x16x2048xf32, #tpu.memory_space<vmem>> -> memref<1x16x2048xf32, #tpu.memory_space<vmem>>
    %dma_start3A_944 = tpu.memref_squeeze %dma_start3A_943 : memref<1x16x2048xf32, #tpu.memory_space<vmem>> -> memref<16x2048xf32, #tpu.memory_space<vmem>>
    tpu.enqueue_dma source(%dma_start3A_944 : memref<16x2048xf32, #tpu.memory_space<vmem>>) target(%dma_start3A_940 : memref<16x2048xf32, #tpu.memory_space<hbm>>) target_semaphore(%dma_start3A_938 : memref<!tpu.dma_semaphore, #tpu.memory_space<semaphore_mem>>)
    %add3A_945 = arith.constant 176 : i32
    %add3A_946 = arith.addi %mul3A_64, %add3A_945 : i32
    %dma_wait3A_947 = arith.constant 2 : i32
    %dma_wait3A_948 = arith.constant 2 : i32
    %dma_wait3A_949 = arith.constant 0 : i32
    %dma_wait3A_950 = arith.constant 0 : i32
    %dma_wait3A_951 = tpu.memref_slice %arg4[%dma_wait3A_947, %dma_wait3A_949, %dma_wait3A_950] : memref<3x16x2048xf32, #tpu.memory_space<vmem>> -> memref<1x16x2048xf32, #tpu.memory_space<vmem>>
    %dma_wait3A_952 = tpu.memref_squeeze %dma_wait3A_951 : memref<1x16x2048xf32, #tpu.memory_space<vmem>> -> memref<16x2048xf32, #tpu.memory_space<vmem>>
    %dma_wait3A_953 = arith.constant 0 : i32
    %dma_wait3A_954 = tpu.memref_slice %arg3[%add3A_946, %dma_wait3A_953] : memref<16384x2048xf32, #tpu.memory_space<hbm>> -> memref<16x2048xf32, #tpu.memory_space<hbm>>
    %dma_wait3A_955 = tpu.memref_slice %arg6[%dma_wait3A_948] : memref<3x!tpu.dma_semaphore, #tpu.memory_space<semaphore_mem>> -> memref<1x!tpu.dma_semaphore, #tpu.memory_space<semaphore_mem>>
    %dma_wait3A_956 = tpu.memref_squeeze %dma_wait3A_955 : memref<1x!tpu.dma_semaphore, #tpu.memory_space<semaphore_mem>> -> memref<!tpu.dma_semaphore, #tpu.memory_space<semaphore_mem>>
    %dma_wait3A_957 = arith.constant 0 : i32
    %dma_wait3A_958 = tpu.memref_slice %arg3[%add3A_946, %dma_wait3A_957] : memref<16384x2048xf32, #tpu.memory_space<hbm>> -> memref<16x2048xf32, #tpu.memory_space<hbm>>
    %dma_wait3A_959 = arith.constant 0 : i32
    %dma_wait3A_960 = arith.constant 0 : i32
    %dma_wait3A_961 = tpu.memref_slice %arg4[%dma_wait3A_947, %dma_wait3A_959, %dma_wait3A_960] : memref<3x16x2048xf32, #tpu.memory_space<vmem>> -> memref<1x16x2048xf32, #tpu.memory_space<vmem>>
    %dma_wait3A_962 = tpu.memref_squeeze %dma_wait3A_961 : memref<1x16x2048xf32, #tpu.memory_space<vmem>> -> memref<16x2048xf32, #tpu.memory_space<vmem>>
    tpu.wait_dma2 semaphore(%dma_wait3A_956 : memref<!tpu.dma_semaphore, #tpu.memory_space<semaphore_mem>>) src(%dma_wait3A_962 : memref<16x2048xf32, #tpu.memory_space<vmem>>) dst(%dma_wait3A_958 : memref<16x2048xf32, #tpu.memory_space<hbm>>)
    %add3A_963 = arith.constant 224 : i32
    %add3A_964 = arith.addi %add3A_62, %add3A_963 : i32
    %dma_start3A_965 = arith.constant 2 : i32
    %dma_start3A_966 = arith.constant 2 : i32
    %dma_start3A_967 = arith.constant 0 : i32
    %dma_start3A_968 = arith.constant 0 : i32
    %dma_start3A_969 = tpu.memref_slice %arg4[%dma_start3A_965, %dma_start3A_967, %dma_start3A_968] : memref<3x16x2048xf32, #tpu.memory_space<vmem>> -> memref<1x16x2048xf32, #tpu.memory_space<vmem>>
    %dma_start3A_970 = tpu.memref_squeeze %dma_start3A_969 : memref<1x16x2048xf32, #tpu.memory_space<vmem>> -> memref<16x2048xf32, #tpu.memory_space<vmem>>
    %dma_start3A_971 = arith.constant 0 : i32
    %dma_start3A_972 = tpu.memref_slice %arg2[%add3A_964, %dma_start3A_971] : memref<28672x2048xf32, #tpu.memory_space<hbm>> -> memref<16x2048xf32, #tpu.memory_space<hbm>>
    %dma_start3A_973 = tpu.memref_slice %arg5[%dma_start3A_966] : memref<3x!tpu.dma_semaphore, #tpu.memory_space<semaphore_mem>> -> memref<1x!tpu.dma_semaphore, #tpu.memory_space<semaphore_mem>>
    %dma_start3A_974 = tpu.memref_squeeze %dma_start3A_973 : memref<1x!tpu.dma_semaphore, #tpu.memory_space<semaphore_mem>> -> memref<!tpu.dma_semaphore, #tpu.memory_space<semaphore_mem>>
    %dma_start3A_975 = arith.constant 0 : i32
    %dma_start3A_976 = arith.constant 0 : i32
    %dma_start3A_977 = tpu.memref_slice %arg4[%dma_start3A_965, %dma_start3A_975, %dma_start3A_976] : memref<3x16x2048xf32, #tpu.memory_space<vmem>> -> memref<1x16x2048xf32, #tpu.memory_space<vmem>>
    %dma_start3A_978 = tpu.memref_squeeze %dma_start3A_977 : memref<1x16x2048xf32, #tpu.memory_space<vmem>> -> memref<16x2048xf32, #tpu.memory_space<vmem>>
    %dma_start3A_979 = arith.constant 0 : i32
    %dma_start3A_980 = tpu.memref_slice %arg2[%add3A_964, %dma_start3A_979] : memref<28672x2048xf32, #tpu.memory_space<hbm>> -> memref<16x2048xf32, #tpu.memory_space<hbm>>
    tpu.enqueue_dma source(%dma_start3A_980 : memref<16x2048xf32, #tpu.memory_space<hbm>>) target(%dma_start3A_978 : memref<16x2048xf32, #tpu.memory_space<vmem>>) target_semaphore(%dma_start3A_974 : memref<!tpu.dma_semaphore, #tpu.memory_space<semaphore_mem>>)
    %add3A_981 = arith.constant 192 : i32
    %add3A_982 = arith.addi %add3A_62, %add3A_981 : i32
    %dma_wait3A_983 = arith.constant 0 : i32
    %dma_wait3A_984 = arith.constant 0 : i32
    %dma_wait3A_985 = arith.constant 0 : i32
    %dma_wait3A_986 = arith.constant 0 : i32
    %dma_wait3A_987 = tpu.memref_slice %arg4[%dma_wait3A_983, %dma_wait3A_985, %dma_wait3A_986] : memref<3x16x2048xf32, #tpu.memory_space<vmem>> -> memref<1x16x2048xf32, #tpu.memory_space<vmem>>
    %dma_wait3A_988 = tpu.memref_squeeze %dma_wait3A_987 : memref<1x16x2048xf32, #tpu.memory_space<vmem>> -> memref<16x2048xf32, #tpu.memory_space<vmem>>
    %dma_wait3A_989 = arith.constant 0 : i32
    %dma_wait3A_990 = tpu.memref_slice %arg2[%add3A_982, %dma_wait3A_989] : memref<28672x2048xf32, #tpu.memory_space<hbm>> -> memref<16x2048xf32, #tpu.memory_space<hbm>>
    %dma_wait3A_991 = tpu.memref_slice %arg5[%dma_wait3A_984] : memref<3x!tpu.dma_semaphore, #tpu.memory_space<semaphore_mem>> -> memref<1x!tpu.dma_semaphore, #tpu.memory_space<semaphore_mem>>
    %dma_wait3A_992 = tpu.memref_squeeze %dma_wait3A_991 : memref<1x!tpu.dma_semaphore, #tpu.memory_space<semaphore_mem>> -> memref<!tpu.dma_semaphore, #tpu.memory_space<semaphore_mem>>
    %dma_wait3A_993 = arith.constant 0 : i32
    %dma_wait3A_994 = arith.constant 0 : i32
    %dma_wait3A_995 = tpu.memref_slice %arg4[%dma_wait3A_983, %dma_wait3A_993, %dma_wait3A_994] : memref<3x16x2048xf32, #tpu.memory_space<vmem>> -> memref<1x16x2048xf32, #tpu.memory_space<vmem>>
    %dma_wait3A_996 = tpu.memref_squeeze %dma_wait3A_995 : memref<1x16x2048xf32, #tpu.memory_space<vmem>> -> memref<16x2048xf32, #tpu.memory_space<vmem>>
    %dma_wait3A_997 = arith.constant 0 : i32
    %dma_wait3A_998 = tpu.memref_slice %arg2[%add3A_982, %dma_wait3A_997] : memref<28672x2048xf32, #tpu.memory_space<hbm>> -> memref<16x2048xf32, #tpu.memory_space<hbm>>
    tpu.wait_dma2 semaphore(%dma_wait3A_992 : memref<!tpu.dma_semaphore, #tpu.memory_space<semaphore_mem>>) src(%dma_wait3A_998 : memref<16x2048xf32, #tpu.memory_space<hbm>>) dst(%dma_wait3A_996 : memref<16x2048xf32, #tpu.memory_space<vmem>>)
    %add3A_999 = arith.constant 192 : i32
    %add3A_1000 = arith.addi %mul3A_64, %add3A_999 : i32
    %dma_start3A_1001 = arith.constant 0 : i32
    %dma_start3A_1002 = arith.constant 0 : i32
    %dma_start3A_1003 = arith.constant 0 : i32
    %dma_start3A_1004 = arith.constant 0 : i32
    %dma_start3A_1005 = tpu.memref_slice %arg4[%dma_start3A_1001, %dma_start3A_1003, %dma_start3A_1004] : memref<3x16x2048xf32, #tpu.memory_space<vmem>> -> memref<1x16x2048xf32, #tpu.memory_space<vmem>>
    %dma_start3A_1006 = tpu.memref_squeeze %dma_start3A_1005 : memref<1x16x2048xf32, #tpu.memory_space<vmem>> -> memref<16x2048xf32, #tpu.memory_space<vmem>>
    %dma_start3A_1007 = arith.constant 0 : i32
    %dma_start3A_1008 = tpu.memref_slice %arg3[%add3A_1000, %dma_start3A_1007] : memref<16384x2048xf32, #tpu.memory_space<hbm>> -> memref<16x2048xf32, #tpu.memory_space<hbm>>
    %dma_start3A_1009 = tpu.memref_slice %arg6[%dma_start3A_1002] : memref<3x!tpu.dma_semaphore, #tpu.memory_space<semaphore_mem>> -> memref<1x!tpu.dma_semaphore, #tpu.memory_space<semaphore_mem>>
    %dma_start3A_1010 = tpu.memref_squeeze %dma_start3A_1009 : memref<1x!tpu.dma_semaphore, #tpu.memory_space<semaphore_mem>> -> memref<!tpu.dma_semaphore, #tpu.memory_space<semaphore_mem>>
    %dma_start3A_1011 = arith.constant 0 : i32
    %dma_start3A_1012 = tpu.memref_slice %arg3[%add3A_1000, %dma_start3A_1011] : memref<16384x2048xf32, #tpu.memory_space<hbm>> -> memref<16x2048xf32, #tpu.memory_space<hbm>>
    %dma_start3A_1013 = arith.constant 0 : i32
    %dma_start3A_1014 = arith.constant 0 : i32
    %dma_start3A_1015 = tpu.memref_slice %arg4[%dma_start3A_1001, %dma_start3A_1013, %dma_start3A_1014] : memref<3x16x2048xf32, #tpu.memory_space<vmem>> -> memref<1x16x2048xf32, #tpu.memory_space<vmem>>
    %dma_start3A_1016 = tpu.memref_squeeze %dma_start3A_1015 : memref<1x16x2048xf32, #tpu.memory_space<vmem>> -> memref<16x2048xf32, #tpu.memory_space<vmem>>
    tpu.enqueue_dma source(%dma_start3A_1016 : memref<16x2048xf32, #tpu.memory_space<vmem>>) target(%dma_start3A_1012 : memref<16x2048xf32, #tpu.memory_space<hbm>>) target_semaphore(%dma_start3A_1010 : memref<!tpu.dma_semaphore, #tpu.memory_space<semaphore_mem>>)
    %add3A_1017 = arith.constant 192 : i32
    %add3A_1018 = arith.addi %mul3A_64, %add3A_1017 : i32
    %dma_wait3A_1019 = arith.constant 0 : i32
    %dma_wait3A_1020 = arith.constant 0 : i32
    %dma_wait3A_1021 = arith.constant 0 : i32
    %dma_wait3A_1022 = arith.constant 0 : i32
    %dma_wait3A_1023 = tpu.memref_slice %arg4[%dma_wait3A_1019, %dma_wait3A_1021, %dma_wait3A_1022] : memref<3x16x2048xf32, #tpu.memory_space<vmem>> -> memref<1x16x2048xf32, #tpu.memory_space<vmem>>
    %dma_wait3A_1024 = tpu.memref_squeeze %dma_wait3A_1023 : memref<1x16x2048xf32, #tpu.memory_space<vmem>> -> memref<16x2048xf32, #tpu.memory_space<vmem>>
    %dma_wait3A_1025 = arith.constant 0 : i32
    %dma_wait3A_1026 = tpu.memref_slice %arg3[%add3A_1018, %dma_wait3A_1025] : memref<16384x2048xf32, #tpu.memory_space<hbm>> -> memref<16x2048xf32, #tpu.memory_space<hbm>>
    %dma_wait3A_1027 = tpu.memref_slice %arg6[%dma_wait3A_1020] : memref<3x!tpu.dma_semaphore, #tpu.memory_space<semaphore_mem>> -> memref<1x!tpu.dma_semaphore, #tpu.memory_space<semaphore_mem>>
    %dma_wait3A_1028 = tpu.memref_squeeze %dma_wait3A_1027 : memref<1x!tpu.dma_semaphore, #tpu.memory_space<semaphore_mem>> -> memref<!tpu.dma_semaphore, #tpu.memory_space<semaphore_mem>>
    %dma_wait3A_1029 = arith.constant 0 : i32
    %dma_wait3A_1030 = tpu.memref_slice %arg3[%add3A_1018, %dma_wait3A_1029] : memref<16384x2048xf32, #tpu.memory_space<hbm>> -> memref<16x2048xf32, #tpu.memory_space<hbm>>
    %dma_wait3A_1031 = arith.constant 0 : i32
    %dma_wait3A_1032 = arith.constant 0 : i32
    %dma_wait3A_1033 = tpu.memref_slice %arg4[%dma_wait3A_1019, %dma_wait3A_1031, %dma_wait3A_1032] : memref<3x16x2048xf32, #tpu.memory_space<vmem>> -> memref<1x16x2048xf32, #tpu.memory_space<vmem>>
    %dma_wait3A_1034 = tpu.memref_squeeze %dma_wait3A_1033 : memref<1x16x2048xf32, #tpu.memory_space<vmem>> -> memref<16x2048xf32, #tpu.memory_space<vmem>>
    tpu.wait_dma2 semaphore(%dma_wait3A_1028 : memref<!tpu.dma_semaphore, #tpu.memory_space<semaphore_mem>>) src(%dma_wait3A_1034 : memref<16x2048xf32, #tpu.memory_space<vmem>>) dst(%dma_wait3A_1030 : memref<16x2048xf32, #tpu.memory_space<hbm>>)
    %add3A_1035 = arith.constant 240 : i32
    %add3A_1036 = arith.addi %add3A_62, %add3A_1035 : i32
    %dma_start3A_1037 = arith.constant 0 : i32
    %dma_start3A_1038 = arith.constant 0 : i32
    %dma_start3A_1039 = arith.constant 0 : i32
    %dma_start3A_1040 = arith.constant 0 : i32
    %dma_start3A_1041 = tpu.memref_slice %arg4[%dma_start3A_1037, %dma_start3A_1039, %dma_start3A_1040] : memref<3x16x2048xf32, #tpu.memory_space<vmem>> -> memref<1x16x2048xf32, #tpu.memory_space<vmem>>
    %dma_start3A_1042 = tpu.memref_squeeze %dma_start3A_1041 : memref<1x16x2048xf32, #tpu.memory_space<vmem>> -> memref<16x2048xf32, #tpu.memory_space<vmem>>
    %dma_start3A_1043 = arith.constant 0 : i32
    %dma_start3A_1044 = tpu.memref_slice %arg2[%add3A_1036, %dma_start3A_1043] : memref<28672x2048xf32, #tpu.memory_space<hbm>> -> memref<16x2048xf32, #tpu.memory_space<hbm>>
    %dma_start3A_1045 = tpu.memref_slice %arg5[%dma_start3A_1038] : memref<3x!tpu.dma_semaphore, #tpu.memory_space<semaphore_mem>> -> memref<1x!tpu.dma_semaphore, #tpu.memory_space<semaphore_mem>>
    %dma_start3A_1046 = tpu.memref_squeeze %dma_start3A_1045 : memref<1x!tpu.dma_semaphore, #tpu.memory_space<semaphore_mem>> -> memref<!tpu.dma_semaphore, #tpu.memory_space<semaphore_mem>>
    %dma_start3A_1047 = arith.constant 0 : i32
    %dma_start3A_1048 = arith.constant 0 : i32
    %dma_start3A_1049 = tpu.memref_slice %arg4[%dma_start3A_1037, %dma_start3A_1047, %dma_start3A_1048] : memref<3x16x2048xf32, #tpu.memory_space<vmem>> -> memref<1x16x2048xf32, #tpu.memory_space<vmem>>
    %dma_start3A_1050 = tpu.memref_squeeze %dma_start3A_1049 : memref<1x16x2048xf32, #tpu.memory_space<vmem>> -> memref<16x2048xf32, #tpu.memory_space<vmem>>
    %dma_start3A_1051 = arith.constant 0 : i32
    %dma_start3A_1052 = tpu.memref_slice %arg2[%add3A_1036, %dma_start3A_1051] : memref<28672x2048xf32, #tpu.memory_space<hbm>> -> memref<16x2048xf32, #tpu.memory_space<hbm>>
    tpu.enqueue_dma source(%dma_start3A_1052 : memref<16x2048xf32, #tpu.memory_space<hbm>>) target(%dma_start3A_1050 : memref<16x2048xf32, #tpu.memory_space<vmem>>) target_semaphore(%dma_start3A_1046 : memref<!tpu.dma_semaphore, #tpu.memory_space<semaphore_mem>>)
    %add3A_1053 = arith.constant 208 : i32
    %add3A_1054 = arith.addi %add3A_62, %add3A_1053 : i32
    %dma_wait3A_1055 = arith.constant 1 : i32
    %dma_wait3A_1056 = arith.constant 1 : i32
    %dma_wait3A_1057 = arith.constant 0 : i32
    %dma_wait3A_1058 = arith.constant 0 : i32
    %dma_wait3A_1059 = tpu.memref_slice %arg4[%dma_wait3A_1055, %dma_wait3A_1057, %dma_wait3A_1058] : memref<3x16x2048xf32, #tpu.memory_space<vmem>> -> memref<1x16x2048xf32, #tpu.memory_space<vmem>>
    %dma_wait3A_1060 = tpu.memref_squeeze %dma_wait3A_1059 : memref<1x16x2048xf32, #tpu.memory_space<vmem>> -> memref<16x2048xf32, #tpu.memory_space<vmem>>
    %dma_wait3A_1061 = arith.constant 0 : i32
    %dma_wait3A_1062 = tpu.memref_slice %arg2[%add3A_1054, %dma_wait3A_1061] : memref<28672x2048xf32, #tpu.memory_space<hbm>> -> memref<16x2048xf32, #tpu.memory_space<hbm>>
    %dma_wait3A_1063 = tpu.memref_slice %arg5[%dma_wait3A_1056] : memref<3x!tpu.dma_semaphore, #tpu.memory_space<semaphore_mem>> -> memref<1x!tpu.dma_semaphore, #tpu.memory_space<semaphore_mem>>
    %dma_wait3A_1064 = tpu.memref_squeeze %dma_wait3A_1063 : memref<1x!tpu.dma_semaphore, #tpu.memory_space<semaphore_mem>> -> memref<!tpu.dma_semaphore, #tpu.memory_space<semaphore_mem>>
    %dma_wait3A_1065 = arith.constant 0 : i32
    %dma_wait3A_1066 = arith.constant 0 : i32
    %dma_wait3A_1067 = tpu.memref_slice %arg4[%dma_wait3A_1055, %dma_wait3A_1065, %dma_wait3A_1066] : memref<3x16x2048xf32, #tpu.memory_space<vmem>> -> memref<1x16x2048xf32, #tpu.memory_space<vmem>>
    %dma_wait3A_1068 = tpu.memref_squeeze %dma_wait3A_1067 : memref<1x16x2048xf32, #tpu.memory_space<vmem>> -> memref<16x2048xf32, #tpu.memory_space<vmem>>
    %dma_wait3A_1069 = arith.constant 0 : i32
    %dma_wait3A_1070 = tpu.memref_slice %arg2[%add3A_1054, %dma_wait3A_1069] : memref<28672x2048xf32, #tpu.memory_space<hbm>> -> memref<16x2048xf32, #tpu.memory_space<hbm>>
    tpu.wait_dma2 semaphore(%dma_wait3A_1064 : memref<!tpu.dma_semaphore, #tpu.memory_space<semaphore_mem>>) src(%dma_wait3A_1070 : memref<16x2048xf32, #tpu.memory_space<hbm>>) dst(%dma_wait3A_1068 : memref<16x2048xf32, #tpu.memory_space<vmem>>)
    %add3A_1071 = arith.constant 208 : i32
    %add3A_1072 = arith.addi %mul3A_64, %add3A_1071 : i32
    %dma_start3A_1073 = arith.constant 1 : i32
    %dma_start3A_1074 = arith.constant 1 : i32
    %dma_start3A_1075 = arith.constant 0 : i32
    %dma_start3A_1076 = arith.constant 0 : i32
    %dma_start3A_1077 = tpu.memref_slice %arg4[%dma_start3A_1073, %dma_start3A_1075, %dma_start3A_1076] : memref<3x16x2048xf32, #tpu.memory_space<vmem>> -> memref<1x16x2048xf32, #tpu.memory_space<vmem>>
    %dma_start3A_1078 = tpu.memref_squeeze %dma_start3A_1077 : memref<1x16x2048xf32, #tpu.memory_space<vmem>> -> memref<16x2048xf32, #tpu.memory_space<vmem>>
    %dma_start3A_1079 = arith.constant 0 : i32
    %dma_start3A_1080 = tpu.memref_slice %arg3[%add3A_1072, %dma_start3A_1079] : memref<16384x2048xf32, #tpu.memory_space<hbm>> -> memref<16x2048xf32, #tpu.memory_space<hbm>>
    %dma_start3A_1081 = tpu.memref_slice %arg6[%dma_start3A_1074] : memref<3x!tpu.dma_semaphore, #tpu.memory_space<semaphore_mem>> -> memref<1x!tpu.dma_semaphore, #tpu.memory_space<semaphore_mem>>
    %dma_start3A_1082 = tpu.memref_squeeze %dma_start3A_1081 : memref<1x!tpu.dma_semaphore, #tpu.memory_space<semaphore_mem>> -> memref<!tpu.dma_semaphore, #tpu.memory_space<semaphore_mem>>
    %dma_start3A_1083 = arith.constant 0 : i32
    %dma_start3A_1084 = tpu.memref_slice %arg3[%add3A_1072, %dma_start3A_1083] : memref<16384x2048xf32, #tpu.memory_space<hbm>> -> memref<16x2048xf32, #tpu.memory_space<hbm>>
    %dma_start3A_1085 = arith.constant 0 : i32
    %dma_start3A_1086 = arith.constant 0 : i32
    %dma_start3A_1087 = tpu.memref_slice %arg4[%dma_start3A_1073, %dma_start3A_1085, %dma_start3A_1086] : memref<3x16x2048xf32, #tpu.memory_space<vmem>> -> memref<1x16x2048xf32, #tpu.memory_space<vmem>>
    %dma_start3A_1088 = tpu.memref_squeeze %dma_start3A_1087 : memref<1x16x2048xf32, #tpu.memory_space<vmem>> -> memref<16x2048xf32, #tpu.memory_space<vmem>>
    tpu.enqueue_dma source(%dma_start3A_1088 : memref<16x2048xf32, #tpu.memory_space<vmem>>) target(%dma_start3A_1084 : memref<16x2048xf32, #tpu.memory_space<hbm>>) target_semaphore(%dma_start3A_1082 : memref<!tpu.dma_semaphore, #tpu.memory_space<semaphore_mem>>)
    %add3A_1089 = arith.constant 208 : i32
    %add3A_1090 = arith.addi %mul3A_64, %add3A_1089 : i32
    %dma_wait3A_1091 = arith.constant 1 : i32
    %dma_wait3A_1092 = arith.constant 1 : i32
    %dma_wait3A_1093 = arith.constant 0 : i32
    %dma_wait3A_1094 = arith.constant 0 : i32
    %dma_wait3A_1095 = tpu.memref_slice %arg4[%dma_wait3A_1091, %dma_wait3A_1093, %dma_wait3A_1094] : memref<3x16x2048xf32, #tpu.memory_space<vmem>> -> memref<1x16x2048xf32, #tpu.memory_space<vmem>>
    %dma_wait3A_1096 = tpu.memref_squeeze %dma_wait3A_1095 : memref<1x16x2048xf32, #tpu.memory_space<vmem>> -> memref<16x2048xf32, #tpu.memory_space<vmem>>
    %dma_wait3A_1097 = arith.constant 0 : i32
    %dma_wait3A_1098 = tpu.memref_slice %arg3[%add3A_1090, %dma_wait3A_1097] : memref<16384x2048xf32, #tpu.memory_space<hbm>> -> memref<16x2048xf32, #tpu.memory_space<hbm>>
    %dma_wait3A_1099 = tpu.memref_slice %arg6[%dma_wait3A_1092] : memref<3x!tpu.dma_semaphore, #tpu.memory_space<semaphore_mem>> -> memref<1x!tpu.dma_semaphore, #tpu.memory_space<semaphore_mem>>
    %dma_wait3A_1100 = tpu.memref_squeeze %dma_wait3A_1099 : memref<1x!tpu.dma_semaphore, #tpu.memory_space<semaphore_mem>> -> memref<!tpu.dma_semaphore, #tpu.memory_space<semaphore_mem>>
    %dma_wait3A_1101 = arith.constant 0 : i32
    %dma_wait3A_1102 = tpu.memref_slice %arg3[%add3A_1090, %dma_wait3A_1101] : memref<16384x2048xf32, #tpu.memory_space<hbm>> -> memref<16x2048xf32, #tpu.memory_space<hbm>>
    %dma_wait3A_1103 = arith.constant 0 : i32
    %dma_wait3A_1104 = arith.constant 0 : i32
    %dma_wait3A_1105 = tpu.memref_slice %arg4[%dma_wait3A_1091, %dma_wait3A_1103, %dma_wait3A_1104] : memref<3x16x2048xf32, #tpu.memory_space<vmem>> -> memref<1x16x2048xf32, #tpu.memory_space<vmem>>
    %dma_wait3A_1106 = tpu.memref_squeeze %dma_wait3A_1105 : memref<1x16x2048xf32, #tpu.memory_space<vmem>> -> memref<16x2048xf32, #tpu.memory_space<vmem>>
    tpu.wait_dma2 semaphore(%dma_wait3A_1100 : memref<!tpu.dma_semaphore, #tpu.memory_space<semaphore_mem>>) src(%dma_wait3A_1106 : memref<16x2048xf32, #tpu.memory_space<vmem>>) dst(%dma_wait3A_1102 : memref<16x2048xf32, #tpu.memory_space<hbm>>)
    %add3A_1107 = arith.constant 256 : i32
    %add3A_1108 = arith.addi %add3A_62, %add3A_1107 : i32
    %dma_start3A_1109 = arith.constant 1 : i32
    %dma_start3A_1110 = arith.constant 1 : i32
    %dma_start3A_1111 = arith.constant 0 : i32
    %dma_start3A_1112 = arith.constant 0 : i32
    %dma_start3A_1113 = tpu.memref_slice %arg4[%dma_start3A_1109, %dma_start3A_1111, %dma_start3A_1112] : memref<3x16x2048xf32, #tpu.memory_space<vmem>> -> memref<1x16x2048xf32, #tpu.memory_space<vmem>>
    %dma_start3A_1114 = tpu.memref_squeeze %dma_start3A_1113 : memref<1x16x2048xf32, #tpu.memory_space<vmem>> -> memref<16x2048xf32, #tpu.memory_space<vmem>>
    %dma_start3A_1115 = arith.constant 0 : i32
    %dma_start3A_1116 = tpu.memref_slice %arg2[%add3A_1108, %dma_start3A_1115] : memref<28672x2048xf32, #tpu.memory_space<hbm>> -> memref<16x2048xf32, #tpu.memory_space<hbm>>
    %dma_start3A_1117 = tpu.memref_slice %arg5[%dma_start3A_1110] : memref<3x!tpu.dma_semaphore, #tpu.memory_space<semaphore_mem>> -> memref<1x!tpu.dma_semaphore, #tpu.memory_space<semaphore_mem>>
    %dma_start3A_1118 = tpu.memref_squeeze %dma_start3A_1117 : memref<1x!tpu.dma_semaphore, #tpu.memory_space<semaphore_mem>> -> memref<!tpu.dma_semaphore, #tpu.memory_space<semaphore_mem>>
    %dma_start3A_1119 = arith.constant 0 : i32
    %dma_start3A_1120 = arith.constant 0 : i32
    %dma_start3A_1121 = tpu.memref_slice %arg4[%dma_start3A_1109, %dma_start3A_1119, %dma_start3A_1120] : memref<3x16x2048xf32, #tpu.memory_space<vmem>> -> memref<1x16x2048xf32, #tpu.memory_space<vmem>>
    %dma_start3A_1122 = tpu.memref_squeeze %dma_start3A_1121 : memref<1x16x2048xf32, #tpu.memory_space<vmem>> -> memref<16x2048xf32, #tpu.memory_space<vmem>>
    %dma_start3A_1123 = arith.constant 0 : i32
    %dma_start3A_1124 = tpu.memref_slice %arg2[%add3A_1108, %dma_start3A_1123] : memref<28672x2048xf32, #tpu.memory_space<hbm>> -> memref<16x2048xf32, #tpu.memory_space<hbm>>
    tpu.enqueue_dma source(%dma_start3A_1124 : memref<16x2048xf32, #tpu.memory_space<hbm>>) target(%dma_start3A_1122 : memref<16x2048xf32, #tpu.memory_space<vmem>>) target_semaphore(%dma_start3A_1118 : memref<!tpu.dma_semaphore, #tpu.memory_space<semaphore_mem>>)
    %add3A_1125 = arith.constant 224 : i32
    %add3A_1126 = arith.addi %add3A_62, %add3A_1125 : i32
    %dma_wait3A_1127 = arith.constant 2 : i32
    %dma_wait3A_1128 = arith.constant 2 : i32
    %dma_wait3A_1129 = arith.constant 0 : i32
    %dma_wait3A_1130 = arith.constant 0 : i32
    %dma_wait3A_1131 = tpu.memref_slice %arg4[%dma_wait3A_1127, %dma_wait3A_1129, %dma_wait3A_1130] : memref<3x16x2048xf32, #tpu.memory_space<vmem>> -> memref<1x16x2048xf32, #tpu.memory_space<vmem>>
    %dma_wait3A_1132 = tpu.memref_squeeze %dma_wait3A_1131 : memref<1x16x2048xf32, #tpu.memory_space<vmem>> -> memref<16x2048xf32, #tpu.memory_space<vmem>>
    %dma_wait3A_1133 = arith.constant 0 : i32
    %dma_wait3A_1134 = tpu.memref_slice %arg2[%add3A_1126, %dma_wait3A_1133] : memref<28672x2048xf32, #tpu.memory_space<hbm>> -> memref<16x2048xf32, #tpu.memory_space<hbm>>
    %dma_wait3A_1135 = tpu.memref_slice %arg5[%dma_wait3A_1128] : memref<3x!tpu.dma_semaphore, #tpu.memory_space<semaphore_mem>> -> memref<1x!tpu.dma_semaphore, #tpu.memory_space<semaphore_mem>>
    %dma_wait3A_1136 = tpu.memref_squeeze %dma_wait3A_1135 : memref<1x!tpu.dma_semaphore, #tpu.memory_space<semaphore_mem>> -> memref<!tpu.dma_semaphore, #tpu.memory_space<semaphore_mem>>
    %dma_wait3A_1137 = arith.constant 0 : i32
    %dma_wait3A_1138 = arith.constant 0 : i32
    %dma_wait3A_1139 = tpu.memref_slice %arg4[%dma_wait3A_1127, %dma_wait3A_1137, %dma_wait3A_1138] : memref<3x16x2048xf32, #tpu.memory_space<vmem>> -> memref<1x16x2048xf32, #tpu.memory_space<vmem>>
    %dma_wait3A_1140 = tpu.memref_squeeze %dma_wait3A_1139 : memref<1x16x2048xf32, #tpu.memory_space<vmem>> -> memref<16x2048xf32, #tpu.memory_space<vmem>>
    %dma_wait3A_1141 = arith.constant 0 : i32
    %dma_wait3A_1142 = tpu.memref_slice %arg2[%add3A_1126, %dma_wait3A_1141] : memref<28672x2048xf32, #tpu.memory_space<hbm>> -> memref<16x2048xf32, #tpu.memory_space<hbm>>
    tpu.wait_dma2 semaphore(%dma_wait3A_1136 : memref<!tpu.dma_semaphore, #tpu.memory_space<semaphore_mem>>) src(%dma_wait3A_1142 : memref<16x2048xf32, #tpu.memory_space<hbm>>) dst(%dma_wait3A_1140 : memref<16x2048xf32, #tpu.memory_space<vmem>>)
    %add3A_1143 = arith.constant 224 : i32
    %add3A_1144 = arith.addi %mul3A_64, %add3A_1143 : i32
    %dma_start3A_1145 = arith.constant 2 : i32
    %dma_start3A_1146 = arith.constant 2 : i32
    %dma_start3A_1147 = arith.constant 0 : i32
    %dma_start3A_1148 = arith.constant 0 : i32
    %dma_start3A_1149 = tpu.memref_slice %arg4[%dma_start3A_1145, %dma_start3A_1147, %dma_start3A_1148] : memref<3x16x2048xf32, #tpu.memory_space<vmem>> -> memref<1x16x2048xf32, #tpu.memory_space<vmem>>
    %dma_start3A_1150 = tpu.memref_squeeze %dma_start3A_1149 : memref<1x16x2048xf32, #tpu.memory_space<vmem>> -> memref<16x2048xf32, #tpu.memory_space<vmem>>
    %dma_start3A_1151 = arith.constant 0 : i32
    %dma_start3A_1152 = tpu.memref_slice %arg3[%add3A_1144, %dma_start3A_1151] : memref<16384x2048xf32, #tpu.memory_space<hbm>> -> memref<16x2048xf32, #tpu.memory_space<hbm>>
    %dma_start3A_1153 = tpu.memref_slice %arg6[%dma_start3A_1146] : memref<3x!tpu.dma_semaphore, #tpu.memory_space<semaphore_mem>> -> memref<1x!tpu.dma_semaphore, #tpu.memory_space<semaphore_mem>>
    %dma_start3A_1154 = tpu.memref_squeeze %dma_start3A_1153 : memref<1x!tpu.dma_semaphore, #tpu.memory_space<semaphore_mem>> -> memref<!tpu.dma_semaphore, #tpu.memory_space<semaphore_mem>>
    %dma_start3A_1155 = arith.constant 0 : i32
    %dma_start3A_1156 = tpu.memref_slice %arg3[%add3A_1144, %dma_start3A_1155] : memref<16384x2048xf32, #tpu.memory_space<hbm>> -> memref<16x2048xf32, #tpu.memory_space<hbm>>
    %dma_start3A_1157 = arith.constant 0 : i32
    %dma_start3A_1158 = arith.constant 0 : i32
    %dma_start3A_1159 = tpu.memref_slice %arg4[%dma_start3A_1145, %dma_start3A_1157, %dma_start3A_1158] : memref<3x16x2048xf32, #tpu.memory_space<vmem>> -> memref<1x16x2048xf32, #tpu.memory_space<vmem>>
    %dma_start3A_1160 = tpu.memref_squeeze %dma_start3A_1159 : memref<1x16x2048xf32, #tpu.memory_space<vmem>> -> memref<16x2048xf32, #tpu.memory_space<vmem>>
    tpu.enqueue_dma source(%dma_start3A_1160 : memref<16x2048xf32, #tpu.memory_space<vmem>>) target(%dma_start3A_1156 : memref<16x2048xf32, #tpu.memory_space<hbm>>) target_semaphore(%dma_start3A_1154 : memref<!tpu.dma_semaphore, #tpu.memory_space<semaphore_mem>>)
    %add3A_1161 = arith.constant 224 : i32
    %add3A_1162 = arith.addi %mul3A_64, %add3A_1161 : i32
    %dma_wait3A_1163 = arith.constant 2 : i32
    %dma_wait3A_1164 = arith.constant 2 : i32
    %dma_wait3A_1165 = arith.constant 0 : i32
    %dma_wait3A_1166 = arith.constant 0 : i32
    %dma_wait3A_1167 = tpu.memref_slice %arg4[%dma_wait3A_1163, %dma_wait3A_1165, %dma_wait3A_1166] : memref<3x16x2048xf32, #tpu.memory_space<vmem>> -> memref<1x16x2048xf32, #tpu.memory_space<vmem>>
    %dma_wait3A_1168 = tpu.memref_squeeze %dma_wait3A_1167 : memref<1x16x2048xf32, #tpu.memory_space<vmem>> -> memref<16x2048xf32, #tpu.memory_space<vmem>>
    %dma_wait3A_1169 = arith.constant 0 : i32
    %dma_wait3A_1170 = tpu.memref_slice %arg3[%add3A_1162, %dma_wait3A_1169] : memref<16384x2048xf32, #tpu.memory_space<hbm>> -> memref<16x2048xf32, #tpu.memory_space<hbm>>
    %dma_wait3A_1171 = tpu.memref_slice %arg6[%dma_wait3A_1164] : memref<3x!tpu.dma_semaphore, #tpu.memory_space<semaphore_mem>> -> memref<1x!tpu.dma_semaphore, #tpu.memory_space<semaphore_mem>>
    %dma_wait3A_1172 = tpu.memref_squeeze %dma_wait3A_1171 : memref<1x!tpu.dma_semaphore, #tpu.memory_space<semaphore_mem>> -> memref<!tpu.dma_semaphore, #tpu.memory_space<semaphore_mem>>
    %dma_wait3A_1173 = arith.constant 0 : i32
    %dma_wait3A_1174 = tpu.memref_slice %arg3[%add3A_1162, %dma_wait3A_1173] : memref<16384x2048xf32, #tpu.memory_space<hbm>> -> memref<16x2048xf32, #tpu.memory_space<hbm>>
    %dma_wait3A_1175 = arith.constant 0 : i32
    %dma_wait3A_1176 = arith.constant 0 : i32
    %dma_wait3A_1177 = tpu.memref_slice %arg4[%dma_wait3A_1163, %dma_wait3A_1175, %dma_wait3A_1176] : memref<3x16x2048xf32, #tpu.memory_space<vmem>> -> memref<1x16x2048xf32, #tpu.memory_space<vmem>>
    %dma_wait3A_1178 = tpu.memref_squeeze %dma_wait3A_1177 : memref<1x16x2048xf32, #tpu.memory_space<vmem>> -> memref<16x2048xf32, #tpu.memory_space<vmem>>
    tpu.wait_dma2 semaphore(%dma_wait3A_1172 : memref<!tpu.dma_semaphore, #tpu.memory_space<semaphore_mem>>) src(%dma_wait3A_1178 : memref<16x2048xf32, #tpu.memory_space<vmem>>) dst(%dma_wait3A_1174 : memref<16x2048xf32, #tpu.memory_space<hbm>>)
    %add3A_1179 = arith.constant 272 : i32
    %add3A_1180 = arith.addi %add3A_62, %add3A_1179 : i32
    %dma_start3A_1181 = arith.constant 2 : i32
    %dma_start3A_1182 = arith.constant 2 : i32
    %dma_start3A_1183 = arith.constant 0 : i32
    %dma_start3A_1184 = arith.constant 0 : i32
    %dma_start3A_1185 = tpu.memref_slice %arg4[%dma_start3A_1181, %dma_start3A_1183, %dma_start3A_1184] : memref<3x16x2048xf32, #tpu.memory_space<vmem>> -> memref<1x16x2048xf32, #tpu.memory_space<vmem>>
    %dma_start3A_1186 = tpu.memref_squeeze %dma_start3A_1185 : memref<1x16x2048xf32, #tpu.memory_space<vmem>> -> memref<16x2048xf32, #tpu.memory_space<vmem>>
    %dma_start3A_1187 = arith.constant 0 : i32
    %dma_start3A_1188 = tpu.memref_slice %arg2[%add3A_1180, %dma_start3A_1187] : memref<28672x2048xf32, #tpu.memory_space<hbm>> -> memref<16x2048xf32, #tpu.memory_space<hbm>>
    %dma_start3A_1189 = tpu.memref_slice %arg5[%dma_start3A_1182] : memref<3x!tpu.dma_semaphore, #tpu.memory_space<semaphore_mem>> -> memref<1x!tpu.dma_semaphore, #tpu.memory_space<semaphore_mem>>
    %dma_start3A_1190 = tpu.memref_squeeze %dma_start3A_1189 : memref<1x!tpu.dma_semaphore, #tpu.memory_space<semaphore_mem>> -> memref<!tpu.dma_semaphore, #tpu.memory_space<semaphore_mem>>
    %dma_start3A_1191 = arith.constant 0 : i32
    %dma_start3A_1192 = arith.constant 0 : i32
    %dma_start3A_1193 = tpu.memref_slice %arg4[%dma_start3A_1181, %dma_start3A_1191, %dma_start3A_1192] : memref<3x16x2048xf32, #tpu.memory_space<vmem>> -> memref<1x16x2048xf32, #tpu.memory_space<vmem>>
    %dma_start3A_1194 = tpu.memref_squeeze %dma_start3A_1193 : memref<1x16x2048xf32, #tpu.memory_space<vmem>> -> memref<16x2048xf32, #tpu.memory_space<vmem>>
    %dma_start3A_1195 = arith.constant 0 : i32
    %dma_start3A_1196 = tpu.memref_slice %arg2[%add3A_1180, %dma_start3A_1195] : memref<28672x2048xf32, #tpu.memory_space<hbm>> -> memref<16x2048xf32, #tpu.memory_space<hbm>>
    tpu.enqueue_dma source(%dma_start3A_1196 : memref<16x2048xf32, #tpu.memory_space<hbm>>) target(%dma_start3A_1194 : memref<16x2048xf32, #tpu.memory_space<vmem>>) target_semaphore(%dma_start3A_1190 : memref<!tpu.dma_semaphore, #tpu.memory_space<semaphore_mem>>)
    %add3A_1197 = arith.constant 240 : i32
    %add3A_1198 = arith.addi %add3A_62, %add3A_1197 : i32
    %dma_wait3A_1199 = arith.constant 0 : i32
    %dma_wait3A_1200 = arith.constant 0 : i32
    %dma_wait3A_1201 = arith.constant 0 : i32
    %dma_wait3A_1202 = arith.constant 0 : i32
    %dma_wait3A_1203 = tpu.memref_slice %arg4[%dma_wait3A_1199, %dma_wait3A_1201, %dma_wait3A_1202] : memref<3x16x2048xf32, #tpu.memory_space<vmem>> -> memref<1x16x2048xf32, #tpu.memory_space<vmem>>
    %dma_wait3A_1204 = tpu.memref_squeeze %dma_wait3A_1203 : memref<1x16x2048xf32, #tpu.memory_space<vmem>> -> memref<16x2048xf32, #tpu.memory_space<vmem>>
    %dma_wait3A_1205 = arith.constant 0 : i32
    %dma_wait3A_1206 = tpu.memref_slice %arg2[%add3A_1198, %dma_wait3A_1205] : memref<28672x2048xf32, #tpu.memory_space<hbm>> -> memref<16x2048xf32, #tpu.memory_space<hbm>>
    %dma_wait3A_1207 = tpu.memref_slice %arg5[%dma_wait3A_1200] : memref<3x!tpu.dma_semaphore, #tpu.memory_space<semaphore_mem>> -> memref<1x!tpu.dma_semaphore, #tpu.memory_space<semaphore_mem>>
    %dma_wait3A_1208 = tpu.memref_squeeze %dma_wait3A_1207 : memref<1x!tpu.dma_semaphore, #tpu.memory_space<semaphore_mem>> -> memref<!tpu.dma_semaphore, #tpu.memory_space<semaphore_mem>>
    %dma_wait3A_1209 = arith.constant 0 : i32
    %dma_wait3A_1210 = arith.constant 0 : i32
    %dma_wait3A_1211 = tpu.memref_slice %arg4[%dma_wait3A_1199, %dma_wait3A_1209, %dma_wait3A_1210] : memref<3x16x2048xf32, #tpu.memory_space<vmem>> -> memref<1x16x2048xf32, #tpu.memory_space<vmem>>
    %dma_wait3A_1212 = tpu.memref_squeeze %dma_wait3A_1211 : memref<1x16x2048xf32, #tpu.memory_space<vmem>> -> memref<16x2048xf32, #tpu.memory_space<vmem>>
    %dma_wait3A_1213 = arith.constant 0 : i32
    %dma_wait3A_1214 = tpu.memref_slice %arg2[%add3A_1198, %dma_wait3A_1213] : memref<28672x2048xf32, #tpu.memory_space<hbm>> -> memref<16x2048xf32, #tpu.memory_space<hbm>>
    tpu.wait_dma2 semaphore(%dma_wait3A_1208 : memref<!tpu.dma_semaphore, #tpu.memory_space<semaphore_mem>>) src(%dma_wait3A_1214 : memref<16x2048xf32, #tpu.memory_space<hbm>>) dst(%dma_wait3A_1212 : memref<16x2048xf32, #tpu.memory_space<vmem>>)
    %add3A_1215 = arith.constant 240 : i32
    %add3A_1216 = arith.addi %mul3A_64, %add3A_1215 : i32
    %dma_start3A_1217 = arith.constant 0 : i32
    %dma_start3A_1218 = arith.constant 0 : i32
    %dma_start3A_1219 = arith.constant 0 : i32
    %dma_start3A_1220 = arith.constant 0 : i32
    %dma_start3A_1221 = tpu.memref_slice %arg4[%dma_start3A_1217, %dma_start3A_1219, %dma_start3A_1220] : memref<3x16x2048xf32, #tpu.memory_space<vmem>> -> memref<1x16x2048xf32, #tpu.memory_space<vmem>>
    %dma_start3A_1222 = tpu.memref_squeeze %dma_start3A_1221 : memref<1x16x2048xf32, #tpu.memory_space<vmem>> -> memref<16x2048xf32, #tpu.memory_space<vmem>>
    %dma_start3A_1223 = arith.constant 0 : i32
    %dma_start3A_1224 = tpu.memref_slice %arg3[%add3A_1216, %dma_start3A_1223] : memref<16384x2048xf32, #tpu.memory_space<hbm>> -> memref<16x2048xf32, #tpu.memory_space<hbm>>
    %dma_start3A_1225 = tpu.memref_slice %arg6[%dma_start3A_1218] : memref<3x!tpu.dma_semaphore, #tpu.memory_space<semaphore_mem>> -> memref<1x!tpu.dma_semaphore, #tpu.memory_space<semaphore_mem>>
    %dma_start3A_1226 = tpu.memref_squeeze %dma_start3A_1225 : memref<1x!tpu.dma_semaphore, #tpu.memory_space<semaphore_mem>> -> memref<!tpu.dma_semaphore, #tpu.memory_space<semaphore_mem>>
    %dma_start3A_1227 = arith.constant 0 : i32
    %dma_start3A_1228 = tpu.memref_slice %arg3[%add3A_1216, %dma_start3A_1227] : memref<16384x2048xf32, #tpu.memory_space<hbm>> -> memref<16x2048xf32, #tpu.memory_space<hbm>>
    %dma_start3A_1229 = arith.constant 0 : i32
    %dma_start3A_1230 = arith.constant 0 : i32
    %dma_start3A_1231 = tpu.memref_slice %arg4[%dma_start3A_1217, %dma_start3A_1229, %dma_start3A_1230] : memref<3x16x2048xf32, #tpu.memory_space<vmem>> -> memref<1x16x2048xf32, #tpu.memory_space<vmem>>
    %dma_start3A_1232 = tpu.memref_squeeze %dma_start3A_1231 : memref<1x16x2048xf32, #tpu.memory_space<vmem>> -> memref<16x2048xf32, #tpu.memory_space<vmem>>
    tpu.enqueue_dma source(%dma_start3A_1232 : memref<16x2048xf32, #tpu.memory_space<vmem>>) target(%dma_start3A_1228 : memref<16x2048xf32, #tpu.memory_space<hbm>>) target_semaphore(%dma_start3A_1226 : memref<!tpu.dma_semaphore, #tpu.memory_space<semaphore_mem>>)
    %add3A_1233 = arith.constant 240 : i32
    %add3A_1234 = arith.addi %mul3A_64, %add3A_1233 : i32
    %dma_wait3A_1235 = arith.constant 0 : i32
    %dma_wait3A_1236 = arith.constant 0 : i32
    %dma_wait3A_1237 = arith.constant 0 : i32
    %dma_wait3A_1238 = arith.constant 0 : i32
    %dma_wait3A_1239 = tpu.memref_slice %arg4[%dma_wait3A_1235, %dma_wait3A_1237, %dma_wait3A_1238] : memref<3x16x2048xf32, #tpu.memory_space<vmem>> -> memref<1x16x2048xf32, #tpu.memory_space<vmem>>
    %dma_wait3A_1240 = tpu.memref_squeeze %dma_wait3A_1239 : memref<1x16x2048xf32, #tpu.memory_space<vmem>> -> memref<16x2048xf32, #tpu.memory_space<vmem>>
    %dma_wait3A_1241 = arith.constant 0 : i32
    %dma_wait3A_1242 = tpu.memref_slice %arg3[%add3A_1234, %dma_wait3A_1241] : memref<16384x2048xf32, #tpu.memory_space<hbm>> -> memref<16x2048xf32, #tpu.memory_space<hbm>>
    %dma_wait3A_1243 = tpu.memref_slice %arg6[%dma_wait3A_1236] : memref<3x!tpu.dma_semaphore, #tpu.memory_space<semaphore_mem>> -> memref<1x!tpu.dma_semaphore, #tpu.memory_space<semaphore_mem>>
    %dma_wait3A_1244 = tpu.memref_squeeze %dma_wait3A_1243 : memref<1x!tpu.dma_semaphore, #tpu.memory_space<semaphore_mem>> -> memref<!tpu.dma_semaphore, #tpu.memory_space<semaphore_mem>>
    %dma_wait3A_1245 = arith.constant 0 : i32
    %dma_wait3A_1246 = tpu.memref_slice %arg3[%add3A_1234, %dma_wait3A_1245] : memref<16384x2048xf32, #tpu.memory_space<hbm>> -> memref<16x2048xf32, #tpu.memory_space<hbm>>
    %dma_wait3A_1247 = arith.constant 0 : i32
    %dma_wait3A_1248 = arith.constant 0 : i32
    %dma_wait3A_1249 = tpu.memref_slice %arg4[%dma_wait3A_1235, %dma_wait3A_1247, %dma_wait3A_1248] : memref<3x16x2048xf32, #tpu.memory_space<vmem>> -> memref<1x16x2048xf32, #tpu.memory_space<vmem>>
    %dma_wait3A_1250 = tpu.memref_squeeze %dma_wait3A_1249 : memref<1x16x2048xf32, #tpu.memory_space<vmem>> -> memref<16x2048xf32, #tpu.memory_space<vmem>>
    tpu.wait_dma2 semaphore(%dma_wait3A_1244 : memref<!tpu.dma_semaphore, #tpu.memory_space<semaphore_mem>>) src(%dma_wait3A_1250 : memref<16x2048xf32, #tpu.memory_space<vmem>>) dst(%dma_wait3A_1246 : memref<16x2048xf32, #tpu.memory_space<hbm>>)
    %add3A_1251 = arith.constant 288 : i32
    %add3A_1252 = arith.addi %add3A_62, %add3A_1251 : i32
    %dma_start3A_1253 = arith.constant 0 : i32
    %dma_start3A_1254 = arith.constant 0 : i32
    %dma_start3A_1255 = arith.constant 0 : i32
    %dma_start3A_1256 = arith.constant 0 : i32
    %dma_start3A_1257 = tpu.memref_slice %arg4[%dma_start3A_1253, %dma_start3A_1255, %dma_start3A_1256] : memref<3x16x2048xf32, #tpu.memory_space<vmem>> -> memref<1x16x2048xf32, #tpu.memory_space<vmem>>
    %dma_start3A_1258 = tpu.memref_squeeze %dma_start3A_1257 : memref<1x16x2048xf32, #tpu.memory_space<vmem>> -> memref<16x2048xf32, #tpu.memory_space<vmem>>
    %dma_start3A_1259 = arith.constant 0 : i32
    %dma_start3A_1260 = tpu.memref_slice %arg2[%add3A_1252, %dma_start3A_1259] : memref<28672x2048xf32, #tpu.memory_space<hbm>> -> memref<16x2048xf32, #tpu.memory_space<hbm>>
    %dma_start3A_1261 = tpu.memref_slice %arg5[%dma_start3A_1254] : memref<3x!tpu.dma_semaphore, #tpu.memory_space<semaphore_mem>> -> memref<1x!tpu.dma_semaphore, #tpu.memory_space<semaphore_mem>>
    %dma_start3A_1262 = tpu.memref_squeeze %dma_start3A_1261 : memref<1x!tpu.dma_semaphore, #tpu.memory_space<semaphore_mem>> -> memref<!tpu.dma_semaphore, #tpu.memory_space<semaphore_mem>>
    %dma_start3A_1263 = arith.constant 0 : i32
    %dma_start3A_1264 = arith.constant 0 : i32
    %dma_start3A_1265 = tpu.memref_slice %arg4[%dma_start3A_1253, %dma_start3A_1263, %dma_start3A_1264] : memref<3x16x2048xf32, #tpu.memory_space<vmem>> -> memref<1x16x2048xf32, #tpu.memory_space<vmem>>
    %dma_start3A_1266 = tpu.memref_squeeze %dma_start3A_1265 : memref<1x16x2048xf32, #tpu.memory_space<vmem>> -> memref<16x2048xf32, #tpu.memory_space<vmem>>
    %dma_start3A_1267 = arith.constant 0 : i32
    %dma_start3A_1268 = tpu.memref_slice %arg2[%add3A_1252, %dma_start3A_1267] : memref<28672x2048xf32, #tpu.memory_space<hbm>> -> memref<16x2048xf32, #tpu.memory_space<hbm>>
    tpu.enqueue_dma source(%dma_start3A_1268 : memref<16x2048xf32, #tpu.memory_space<hbm>>) target(%dma_start3A_1266 : memref<16x2048xf32, #tpu.memory_space<vmem>>) target_semaphore(%dma_start3A_1262 : memref<!tpu.dma_semaphore, #tpu.memory_space<semaphore_mem>>)
    %add3A_1269 = arith.constant 256 : i32
    %add3A_1270 = arith.addi %add3A_62, %add3A_1269 : i32
    %dma_wait3A_1271 = arith.constant 1 : i32
    %dma_wait3A_1272 = arith.constant 1 : i32
    %dma_wait3A_1273 = arith.constant 0 : i32
    %dma_wait3A_1274 = arith.constant 0 : i32
    %dma_wait3A_1275 = tpu.memref_slice %arg4[%dma_wait3A_1271, %dma_wait3A_1273, %dma_wait3A_1274] : memref<3x16x2048xf32, #tpu.memory_space<vmem>> -> memref<1x16x2048xf32, #tpu.memory_space<vmem>>
    %dma_wait3A_1276 = tpu.memref_squeeze %dma_wait3A_1275 : memref<1x16x2048xf32, #tpu.memory_space<vmem>> -> memref<16x2048xf32, #tpu.memory_space<vmem>>
    %dma_wait3A_1277 = arith.constant 0 : i32
    %dma_wait3A_1278 = tpu.memref_slice %arg2[%add3A_1270, %dma_wait3A_1277] : memref<28672x2048xf32, #tpu.memory_space<hbm>> -> memref<16x2048xf32, #tpu.memory_space<hbm>>
    %dma_wait3A_1279 = tpu.memref_slice %arg5[%dma_wait3A_1272] : memref<3x!tpu.dma_semaphore, #tpu.memory_space<semaphore_mem>> -> memref<1x!tpu.dma_semaphore, #tpu.memory_space<semaphore_mem>>
    %dma_wait3A_1280 = tpu.memref_squeeze %dma_wait3A_1279 : memref<1x!tpu.dma_semaphore, #tpu.memory_space<semaphore_mem>> -> memref<!tpu.dma_semaphore, #tpu.memory_space<semaphore_mem>>
    %dma_wait3A_1281 = arith.constant 0 : i32
    %dma_wait3A_1282 = arith.constant 0 : i32
    %dma_wait3A_1283 = tpu.memref_slice %arg4[%dma_wait3A_1271, %dma_wait3A_1281, %dma_wait3A_1282] : memref<3x16x2048xf32, #tpu.memory_space<vmem>> -> memref<1x16x2048xf32, #tpu.memory_space<vmem>>
    %dma_wait3A_1284 = tpu.memref_squeeze %dma_wait3A_1283 : memref<1x16x2048xf32, #tpu.memory_space<vmem>> -> memref<16x2048xf32, #tpu.memory_space<vmem>>
    %dma_wait3A_1285 = arith.constant 0 : i32
    %dma_wait3A_1286 = tpu.memref_slice %arg2[%add3A_1270, %dma_wait3A_1285] : memref<28672x2048xf32, #tpu.memory_space<hbm>> -> memref<16x2048xf32, #tpu.memory_space<hbm>>
    tpu.wait_dma2 semaphore(%dma_wait3A_1280 : memref<!tpu.dma_semaphore, #tpu.memory_space<semaphore_mem>>) src(%dma_wait3A_1286 : memref<16x2048xf32, #tpu.memory_space<hbm>>) dst(%dma_wait3A_1284 : memref<16x2048xf32, #tpu.memory_space<vmem>>)
    %add3A_1287 = arith.constant 256 : i32
    %add3A_1288 = arith.addi %mul3A_64, %add3A_1287 : i32
    %dma_start3A_1289 = arith.constant 1 : i32
    %dma_start3A_1290 = arith.constant 1 : i32
    %dma_start3A_1291 = arith.constant 0 : i32
    %dma_start3A_1292 = arith.constant 0 : i32
    %dma_start3A_1293 = tpu.memref_slice %arg4[%dma_start3A_1289, %dma_start3A_1291, %dma_start3A_1292] : memref<3x16x2048xf32, #tpu.memory_space<vmem>> -> memref<1x16x2048xf32, #tpu.memory_space<vmem>>
    %dma_start3A_1294 = tpu.memref_squeeze %dma_start3A_1293 : memref<1x16x2048xf32, #tpu.memory_space<vmem>> -> memref<16x2048xf32, #tpu.memory_space<vmem>>
    %dma_start3A_1295 = arith.constant 0 : i32
    %dma_start3A_1296 = tpu.memref_slice %arg3[%add3A_1288, %dma_start3A_1295] : memref<16384x2048xf32, #tpu.memory_space<hbm>> -> memref<16x2048xf32, #tpu.memory_space<hbm>>
    %dma_start3A_1297 = tpu.memref_slice %arg6[%dma_start3A_1290] : memref<3x!tpu.dma_semaphore, #tpu.memory_space<semaphore_mem>> -> memref<1x!tpu.dma_semaphore, #tpu.memory_space<semaphore_mem>>
    %dma_start3A_1298 = tpu.memref_squeeze %dma_start3A_1297 : memref<1x!tpu.dma_semaphore, #tpu.memory_space<semaphore_mem>> -> memref<!tpu.dma_semaphore, #tpu.memory_space<semaphore_mem>>
    %dma_start3A_1299 = arith.constant 0 : i32
    %dma_start3A_1300 = tpu.memref_slice %arg3[%add3A_1288, %dma_start3A_1299] : memref<16384x2048xf32, #tpu.memory_space<hbm>> -> memref<16x2048xf32, #tpu.memory_space<hbm>>
    %dma_start3A_1301 = arith.constant 0 : i32
    %dma_start3A_1302 = arith.constant 0 : i32
    %dma_start3A_1303 = tpu.memref_slice %arg4[%dma_start3A_1289, %dma_start3A_1301, %dma_start3A_1302] : memref<3x16x2048xf32, #tpu.memory_space<vmem>> -> memref<1x16x2048xf32, #tpu.memory_space<vmem>>
    %dma_start3A_1304 = tpu.memref_squeeze %dma_start3A_1303 : memref<1x16x2048xf32, #tpu.memory_space<vmem>> -> memref<16x2048xf32, #tpu.memory_space<vmem>>
    tpu.enqueue_dma source(%dma_start3A_1304 : memref<16x2048xf32, #tpu.memory_space<vmem>>) target(%dma_start3A_1300 : memref<16x2048xf32, #tpu.memory_space<hbm>>) target_semaphore(%dma_start3A_1298 : memref<!tpu.dma_semaphore, #tpu.memory_space<semaphore_mem>>)
    %add3A_1305 = arith.constant 256 : i32
    %add3A_1306 = arith.addi %mul3A_64, %add3A_1305 : i32
    %dma_wait3A_1307 = arith.constant 1 : i32
    %dma_wait3A_1308 = arith.constant 1 : i32
    %dma_wait3A_1309 = arith.constant 0 : i32
    %dma_wait3A_1310 = arith.constant 0 : i32
    %dma_wait3A_1311 = tpu.memref_slice %arg4[%dma_wait3A_1307, %dma_wait3A_1309, %dma_wait3A_1310] : memref<3x16x2048xf32, #tpu.memory_space<vmem>> -> memref<1x16x2048xf32, #tpu.memory_space<vmem>>
    %dma_wait3A_1312 = tpu.memref_squeeze %dma_wait3A_1311 : memref<1x16x2048xf32, #tpu.memory_space<vmem>> -> memref<16x2048xf32, #tpu.memory_space<vmem>>
    %dma_wait3A_1313 = arith.constant 0 : i32
    %dma_wait3A_1314 = tpu.memref_slice %arg3[%add3A_1306, %dma_wait3A_1313] : memref<16384x2048xf32, #tpu.memory_space<hbm>> -> memref<16x2048xf32, #tpu.memory_space<hbm>>
    %dma_wait3A_1315 = tpu.memref_slice %arg6[%dma_wait3A_1308] : memref<3x!tpu.dma_semaphore, #tpu.memory_space<semaphore_mem>> -> memref<1x!tpu.dma_semaphore, #tpu.memory_space<semaphore_mem>>
    %dma_wait3A_1316 = tpu.memref_squeeze %dma_wait3A_1315 : memref<1x!tpu.dma_semaphore, #tpu.memory_space<semaphore_mem>> -> memref<!tpu.dma_semaphore, #tpu.memory_space<semaphore_mem>>
    %dma_wait3A_1317 = arith.constant 0 : i32
    %dma_wait3A_1318 = tpu.memref_slice %arg3[%add3A_1306, %dma_wait3A_1317] : memref<16384x2048xf32, #tpu.memory_space<hbm>> -> memref<16x2048xf32, #tpu.memory_space<hbm>>
    %dma_wait3A_1319 = arith.constant 0 : i32
    %dma_wait3A_1320 = arith.constant 0 : i32
    %dma_wait3A_1321 = tpu.memref_slice %arg4[%dma_wait3A_1307, %dma_wait3A_1319, %dma_wait3A_1320] : memref<3x16x2048xf32, #tpu.memory_space<vmem>> -> memref<1x16x2048xf32, #tpu.memory_space<vmem>>
    %dma_wait3A_1322 = tpu.memref_squeeze %dma_wait3A_1321 : memref<1x16x2048xf32, #tpu.memory_space<vmem>> -> memref<16x2048xf32, #tpu.memory_space<vmem>>
    tpu.wait_dma2 semaphore(%dma_wait3A_1316 : memref<!tpu.dma_semaphore, #tpu.memory_space<semaphore_mem>>) src(%dma_wait3A_1322 : memref<16x2048xf32, #tpu.memory_space<vmem>>) dst(%dma_wait3A_1318 : memref<16x2048xf32, #tpu.memory_space<hbm>>)
    %add3A_1323 = arith.constant 304 : i32
    %add3A_1324 = arith.addi %add3A_62, %add3A_1323 : i32
    %dma_start3A_1325 = arith.constant 1 : i32
    %dma_start3A_1326 = arith.constant 1 : i32
    %dma_start3A_1327 = arith.constant 0 : i32
    %dma_start3A_1328 = arith.constant 0 : i32
    %dma_start3A_1329 = tpu.memref_slice %arg4[%dma_start3A_1325, %dma_start3A_1327, %dma_start3A_1328] : memref<3x16x2048xf32, #tpu.memory_space<vmem>> -> memref<1x16x2048xf32, #tpu.memory_space<vmem>>
    %dma_start3A_1330 = tpu.memref_squeeze %dma_start3A_1329 : memref<1x16x2048xf32, #tpu.memory_space<vmem>> -> memref<16x2048xf32, #tpu.memory_space<vmem>>
    %dma_start3A_1331 = arith.constant 0 : i32
    %dma_start3A_1332 = tpu.memref_slice %arg2[%add3A_1324, %dma_start3A_1331] : memref<28672x2048xf32, #tpu.memory_space<hbm>> -> memref<16x2048xf32, #tpu.memory_space<hbm>>
    %dma_start3A_1333 = tpu.memref_slice %arg5[%dma_start3A_1326] : memref<3x!tpu.dma_semaphore, #tpu.memory_space<semaphore_mem>> -> memref<1x!tpu.dma_semaphore, #tpu.memory_space<semaphore_mem>>
    %dma_start3A_1334 = tpu.memref_squeeze %dma_start3A_1333 : memref<1x!tpu.dma_semaphore, #tpu.memory_space<semaphore_mem>> -> memref<!tpu.dma_semaphore, #tpu.memory_space<semaphore_mem>>
    %dma_start3A_1335 = arith.constant 0 : i32
    %dma_start3A_1336 = arith.constant 0 : i32
    %dma_start3A_1337 = tpu.memref_slice %arg4[%dma_start3A_1325, %dma_start3A_1335, %dma_start3A_1336] : memref<3x16x2048xf32, #tpu.memory_space<vmem>> -> memref<1x16x2048xf32, #tpu.memory_space<vmem>>
    %dma_start3A_1338 = tpu.memref_squeeze %dma_start3A_1337 : memref<1x16x2048xf32, #tpu.memory_space<vmem>> -> memref<16x2048xf32, #tpu.memory_space<vmem>>
    %dma_start3A_1339 = arith.constant 0 : i32
    %dma_start3A_1340 = tpu.memref_slice %arg2[%add3A_1324, %dma_start3A_1339] : memref<28672x2048xf32, #tpu.memory_space<hbm>> -> memref<16x2048xf32, #tpu.memory_space<hbm>>
    tpu.enqueue_dma source(%dma_start3A_1340 : memref<16x2048xf32, #tpu.memory_space<hbm>>) target(%dma_start3A_1338 : memref<16x2048xf32, #tpu.memory_space<vmem>>) target_semaphore(%dma_start3A_1334 : memref<!tpu.dma_semaphore, #tpu.memory_space<semaphore_mem>>)
    %add3A_1341 = arith.constant 272 : i32
    %add3A_1342 = arith.addi %add3A_62, %add3A_1341 : i32
    %dma_wait3A_1343 = arith.constant 2 : i32
    %dma_wait3A_1344 = arith.constant 2 : i32
    %dma_wait3A_1345 = arith.constant 0 : i32
    %dma_wait3A_1346 = arith.constant 0 : i32
    %dma_wait3A_1347 = tpu.memref_slice %arg4[%dma_wait3A_1343, %dma_wait3A_1345, %dma_wait3A_1346] : memref<3x16x2048xf32, #tpu.memory_space<vmem>> -> memref<1x16x2048xf32, #tpu.memory_space<vmem>>
    %dma_wait3A_1348 = tpu.memref_squeeze %dma_wait3A_1347 : memref<1x16x2048xf32, #tpu.memory_space<vmem>> -> memref<16x2048xf32, #tpu.memory_space<vmem>>
    %dma_wait3A_1349 = arith.constant 0 : i32
    %dma_wait3A_1350 = tpu.memref_slice %arg2[%add3A_1342, %dma_wait3A_1349] : memref<28672x2048xf32, #tpu.memory_space<hbm>> -> memref<16x2048xf32, #tpu.memory_space<hbm>>
    %dma_wait3A_1351 = tpu.memref_slice %arg5[%dma_wait3A_1344] : memref<3x!tpu.dma_semaphore, #tpu.memory_space<semaphore_mem>> -> memref<1x!tpu.dma_semaphore, #tpu.memory_space<semaphore_mem>>
    %dma_wait3A_1352 = tpu.memref_squeeze %dma_wait3A_1351 : memref<1x!tpu.dma_semaphore, #tpu.memory_space<semaphore_mem>> -> memref<!tpu.dma_semaphore, #tpu.memory_space<semaphore_mem>>
    %dma_wait3A_1353 = arith.constant 0 : i32
    %dma_wait3A_1354 = arith.constant 0 : i32
    %dma_wait3A_1355 = tpu.memref_slice %arg4[%dma_wait3A_1343, %dma_wait3A_1353, %dma_wait3A_1354] : memref<3x16x2048xf32, #tpu.memory_space<vmem>> -> memref<1x16x2048xf32, #tpu.memory_space<vmem>>
    %dma_wait3A_1356 = tpu.memref_squeeze %dma_wait3A_1355 : memref<1x16x2048xf32, #tpu.memory_space<vmem>> -> memref<16x2048xf32, #tpu.memory_space<vmem>>
    %dma_wait3A_1357 = arith.constant 0 : i32
    %dma_wait3A_1358 = tpu.memref_slice %arg2[%add3A_1342, %dma_wait3A_1357] : memref<28672x2048xf32, #tpu.memory_space<hbm>> -> memref<16x2048xf32, #tpu.memory_space<hbm>>
    tpu.wait_dma2 semaphore(%dma_wait3A_1352 : memref<!tpu.dma_semaphore, #tpu.memory_space<semaphore_mem>>) src(%dma_wait3A_1358 : memref<16x2048xf32, #tpu.memory_space<hbm>>) dst(%dma_wait3A_1356 : memref<16x2048xf32, #tpu.memory_space<vmem>>)
    %add3A_1359 = arith.constant 272 : i32
    %add3A_1360 = arith.addi %mul3A_64, %add3A_1359 : i32
    %dma_start3A_1361 = arith.constant 2 : i32
    %dma_start3A_1362 = arith.constant 2 : i32
    %dma_start3A_1363 = arith.constant 0 : i32
    %dma_start3A_1364 = arith.constant 0 : i32
    %dma_start3A_1365 = tpu.memref_slice %arg4[%dma_start3A_1361, %dma_start3A_1363, %dma_start3A_1364] : memref<3x16x2048xf32, #tpu.memory_space<vmem>> -> memref<1x16x2048xf32, #tpu.memory_space<vmem>>
    %dma_start3A_1366 = tpu.memref_squeeze %dma_start3A_1365 : memref<1x16x2048xf32, #tpu.memory_space<vmem>> -> memref<16x2048xf32, #tpu.memory_space<vmem>>
    %dma_start3A_1367 = arith.constant 0 : i32
    %dma_start3A_1368 = tpu.memref_slice %arg3[%add3A_1360, %dma_start3A_1367] : memref<16384x2048xf32, #tpu.memory_space<hbm>> -> memref<16x2048xf32, #tpu.memory_space<hbm>>
    %dma_start3A_1369 = tpu.memref_slice %arg6[%dma_start3A_1362] : memref<3x!tpu.dma_semaphore, #tpu.memory_space<semaphore_mem>> -> memref<1x!tpu.dma_semaphore, #tpu.memory_space<semaphore_mem>>
    %dma_start3A_1370 = tpu.memref_squeeze %dma_start3A_1369 : memref<1x!tpu.dma_semaphore, #tpu.memory_space<semaphore_mem>> -> memref<!tpu.dma_semaphore, #tpu.memory_space<semaphore_mem>>
    %dma_start3A_1371 = arith.constant 0 : i32
    %dma_start3A_1372 = tpu.memref_slice %arg3[%add3A_1360, %dma_start3A_1371] : memref<16384x2048xf32, #tpu.memory_space<hbm>> -> memref<16x2048xf32, #tpu.memory_space<hbm>>
    %dma_start3A_1373 = arith.constant 0 : i32
    %dma_start3A_1374 = arith.constant 0 : i32
    %dma_start3A_1375 = tpu.memref_slice %arg4[%dma_start3A_1361, %dma_start3A_1373, %dma_start3A_1374] : memref<3x16x2048xf32, #tpu.memory_space<vmem>> -> memref<1x16x2048xf32, #tpu.memory_space<vmem>>
    %dma_start3A_1376 = tpu.memref_squeeze %dma_start3A_1375 : memref<1x16x2048xf32, #tpu.memory_space<vmem>> -> memref<16x2048xf32, #tpu.memory_space<vmem>>
    tpu.enqueue_dma source(%dma_start3A_1376 : memref<16x2048xf32, #tpu.memory_space<vmem>>) target(%dma_start3A_1372 : memref<16x2048xf32, #tpu.memory_space<hbm>>) target_semaphore(%dma_start3A_1370 : memref<!tpu.dma_semaphore, #tpu.memory_space<semaphore_mem>>)
    %add3A_1377 = arith.constant 272 : i32
    %add3A_1378 = arith.addi %mul3A_64, %add3A_1377 : i32
    %dma_wait3A_1379 = arith.constant 2 : i32
    %dma_wait3A_1380 = arith.constant 2 : i32
    %dma_wait3A_1381 = arith.constant 0 : i32
    %dma_wait3A_1382 = arith.constant 0 : i32
    %dma_wait3A_1383 = tpu.memref_slice %arg4[%dma_wait3A_1379, %dma_wait3A_1381, %dma_wait3A_1382] : memref<3x16x2048xf32, #tpu.memory_space<vmem>> -> memref<1x16x2048xf32, #tpu.memory_space<vmem>>
    %dma_wait3A_1384 = tpu.memref_squeeze %dma_wait3A_1383 : memref<1x16x2048xf32, #tpu.memory_space<vmem>> -> memref<16x2048xf32, #tpu.memory_space<vmem>>
    %dma_wait3A_1385 = arith.constant 0 : i32
    %dma_wait3A_1386 = tpu.memref_slice %arg3[%add3A_1378, %dma_wait3A_1385] : memref<16384x2048xf32, #tpu.memory_space<hbm>> -> memref<16x2048xf32, #tpu.memory_space<hbm>>
    %dma_wait3A_1387 = tpu.memref_slice %arg6[%dma_wait3A_1380] : memref<3x!tpu.dma_semaphore, #tpu.memory_space<semaphore_mem>> -> memref<1x!tpu.dma_semaphore, #tpu.memory_space<semaphore_mem>>
    %dma_wait3A_1388 = tpu.memref_squeeze %dma_wait3A_1387 : memref<1x!tpu.dma_semaphore, #tpu.memory_space<semaphore_mem>> -> memref<!tpu.dma_semaphore, #tpu.memory_space<semaphore_mem>>
    %dma_wait3A_1389 = arith.constant 0 : i32
    %dma_wait3A_1390 = tpu.memref_slice %arg3[%add3A_1378, %dma_wait3A_1389] : memref<16384x2048xf32, #tpu.memory_space<hbm>> -> memref<16x2048xf32, #tpu.memory_space<hbm>>
    %dma_wait3A_1391 = arith.constant 0 : i32
    %dma_wait3A_1392 = arith.constant 0 : i32
    %dma_wait3A_1393 = tpu.memref_slice %arg4[%dma_wait3A_1379, %dma_wait3A_1391, %dma_wait3A_1392] : memref<3x16x2048xf32, #tpu.memory_space<vmem>> -> memref<1x16x2048xf32, #tpu.memory_space<vmem>>
    %dma_wait3A_1394 = tpu.memref_squeeze %dma_wait3A_1393 : memref<1x16x2048xf32, #tpu.memory_space<vmem>> -> memref<16x2048xf32, #tpu.memory_space<vmem>>
    tpu.wait_dma2 semaphore(%dma_wait3A_1388 : memref<!tpu.dma_semaphore, #tpu.memory_space<semaphore_mem>>) src(%dma_wait3A_1394 : memref<16x2048xf32, #tpu.memory_space<vmem>>) dst(%dma_wait3A_1390 : memref<16x2048xf32, #tpu.memory_space<hbm>>)
    %add3A_1395 = arith.constant 320 : i32
    %add3A_1396 = arith.addi %add3A_62, %add3A_1395 : i32
    %dma_start3A_1397 = arith.constant 2 : i32
    %dma_start3A_1398 = arith.constant 2 : i32
    %dma_start3A_1399 = arith.constant 0 : i32
    %dma_start3A_1400 = arith.constant 0 : i32
    %dma_start3A_1401 = tpu.memref_slice %arg4[%dma_start3A_1397, %dma_start3A_1399, %dma_start3A_1400] : memref<3x16x2048xf32, #tpu.memory_space<vmem>> -> memref<1x16x2048xf32, #tpu.memory_space<vmem>>
    %dma_start3A_1402 = tpu.memref_squeeze %dma_start3A_1401 : memref<1x16x2048xf32, #tpu.memory_space<vmem>> -> memref<16x2048xf32, #tpu.memory_space<vmem>>
    %dma_start3A_1403 = arith.constant 0 : i32
    %dma_start3A_1404 = tpu.memref_slice %arg2[%add3A_1396, %dma_start3A_1403] : memref<28672x2048xf32, #tpu.memory_space<hbm>> -> memref<16x2048xf32, #tpu.memory_space<hbm>>
    %dma_start3A_1405 = tpu.memref_slice %arg5[%dma_start3A_1398] : memref<3x!tpu.dma_semaphore, #tpu.memory_space<semaphore_mem>> -> memref<1x!tpu.dma_semaphore, #tpu.memory_space<semaphore_mem>>
    %dma_start3A_1406 = tpu.memref_squeeze %dma_start3A_1405 : memref<1x!tpu.dma_semaphore, #tpu.memory_space<semaphore_mem>> -> memref<!tpu.dma_semaphore, #tpu.memory_space<semaphore_mem>>
    %dma_start3A_1407 = arith.constant 0 : i32
    %dma_start3A_1408 = arith.constant 0 : i32
    %dma_start3A_1409 = tpu.memref_slice %arg4[%dma_start3A_1397, %dma_start3A_1407, %dma_start3A_1408] : memref<3x16x2048xf32, #tpu.memory_space<vmem>> -> memref<1x16x2048xf32, #tpu.memory_space<vmem>>
    %dma_start3A_1410 = tpu.memref_squeeze %dma_start3A_1409 : memref<1x16x2048xf32, #tpu.memory_space<vmem>> -> memref<16x2048xf32, #tpu.memory_space<vmem>>
    %dma_start3A_1411 = arith.constant 0 : i32
    %dma_start3A_1412 = tpu.memref_slice %arg2[%add3A_1396, %dma_start3A_1411] : memref<28672x2048xf32, #tpu.memory_space<hbm>> -> memref<16x2048xf32, #tpu.memory_space<hbm>>
    tpu.enqueue_dma source(%dma_start3A_1412 : memref<16x2048xf32, #tpu.memory_space<hbm>>) target(%dma_start3A_1410 : memref<16x2048xf32, #tpu.memory_space<vmem>>) target_semaphore(%dma_start3A_1406 : memref<!tpu.dma_semaphore, #tpu.memory_space<semaphore_mem>>)
    %add3A_1413 = arith.constant 288 : i32
    %add3A_1414 = arith.addi %add3A_62, %add3A_1413 : i32
    %dma_wait3A_1415 = arith.constant 0 : i32
    %dma_wait3A_1416 = arith.constant 0 : i32
    %dma_wait3A_1417 = arith.constant 0 : i32
    %dma_wait3A_1418 = arith.constant 0 : i32
    %dma_wait3A_1419 = tpu.memref_slice %arg4[%dma_wait3A_1415, %dma_wait3A_1417, %dma_wait3A_1418] : memref<3x16x2048xf32, #tpu.memory_space<vmem>> -> memref<1x16x2048xf32, #tpu.memory_space<vmem>>
    %dma_wait3A_1420 = tpu.memref_squeeze %dma_wait3A_1419 : memref<1x16x2048xf32, #tpu.memory_space<vmem>> -> memref<16x2048xf32, #tpu.memory_space<vmem>>
    %dma_wait3A_1421 = arith.constant 0 : i32
    %dma_wait3A_1422 = tpu.memref_slice %arg2[%add3A_1414, %dma_wait3A_1421] : memref<28672x2048xf32, #tpu.memory_space<hbm>> -> memref<16x2048xf32, #tpu.memory_space<hbm>>
    %dma_wait3A_1423 = tpu.memref_slice %arg5[%dma_wait3A_1416] : memref<3x!tpu.dma_semaphore, #tpu.memory_space<semaphore_mem>> -> memref<1x!tpu.dma_semaphore, #tpu.memory_space<semaphore_mem>>
    %dma_wait3A_1424 = tpu.memref_squeeze %dma_wait3A_1423 : memref<1x!tpu.dma_semaphore, #tpu.memory_space<semaphore_mem>> -> memref<!tpu.dma_semaphore, #tpu.memory_space<semaphore_mem>>
    %dma_wait3A_1425 = arith.constant 0 : i32
    %dma_wait3A_1426 = arith.constant 0 : i32
    %dma_wait3A_1427 = tpu.memref_slice %arg4[%dma_wait3A_1415, %dma_wait3A_1425, %dma_wait3A_1426] : memref<3x16x2048xf32, #tpu.memory_space<vmem>> -> memref<1x16x2048xf32, #tpu.memory_space<vmem>>
    %dma_wait3A_1428 = tpu.memref_squeeze %dma_wait3A_1427 : memref<1x16x2048xf32, #tpu.memory_space<vmem>> -> memref<16x2048xf32, #tpu.memory_space<vmem>>
    %dma_wait3A_1429 = arith.constant 0 : i32
    %dma_wait3A_1430 = tpu.memref_slice %arg2[%add3A_1414, %dma_wait3A_1429] : memref<28672x2048xf32, #tpu.memory_space<hbm>> -> memref<16x2048xf32, #tpu.memory_space<hbm>>
    tpu.wait_dma2 semaphore(%dma_wait3A_1424 : memref<!tpu.dma_semaphore, #tpu.memory_space<semaphore_mem>>) src(%dma_wait3A_1430 : memref<16x2048xf32, #tpu.memory_space<hbm>>) dst(%dma_wait3A_1428 : memref<16x2048xf32, #tpu.memory_space<vmem>>)
    %add3A_1431 = arith.constant 288 : i32
    %add3A_1432 = arith.addi %mul3A_64, %add3A_1431 : i32
    %dma_start3A_1433 = arith.constant 0 : i32
    %dma_start3A_1434 = arith.constant 0 : i32
    %dma_start3A_1435 = arith.constant 0 : i32
    %dma_start3A_1436 = arith.constant 0 : i32
    %dma_start3A_1437 = tpu.memref_slice %arg4[%dma_start3A_1433, %dma_start3A_1435, %dma_start3A_1436] : memref<3x16x2048xf32, #tpu.memory_space<vmem>> -> memref<1x16x2048xf32, #tpu.memory_space<vmem>>
    %dma_start3A_1438 = tpu.memref_squeeze %dma_start3A_1437 : memref<1x16x2048xf32, #tpu.memory_space<vmem>> -> memref<16x2048xf32, #tpu.memory_space<vmem>>
    %dma_start3A_1439 = arith.constant 0 : i32
    %dma_start3A_1440 = tpu.memref_slice %arg3[%add3A_1432, %dma_start3A_1439] : memref<16384x2048xf32, #tpu.memory_space<hbm>> -> memref<16x2048xf32, #tpu.memory_space<hbm>>
    %dma_start3A_1441 = tpu.memref_slice %arg6[%dma_start3A_1434] : memref<3x!tpu.dma_semaphore, #tpu.memory_space<semaphore_mem>> -> memref<1x!tpu.dma_semaphore, #tpu.memory_space<semaphore_mem>>
    %dma_start3A_1442 = tpu.memref_squeeze %dma_start3A_1441 : memref<1x!tpu.dma_semaphore, #tpu.memory_space<semaphore_mem>> -> memref<!tpu.dma_semaphore, #tpu.memory_space<semaphore_mem>>
    %dma_start3A_1443 = arith.constant 0 : i32
    %dma_start3A_1444 = tpu.memref_slice %arg3[%add3A_1432, %dma_start3A_1443] : memref<16384x2048xf32, #tpu.memory_space<hbm>> -> memref<16x2048xf32, #tpu.memory_space<hbm>>
    %dma_start3A_1445 = arith.constant 0 : i32
    %dma_start3A_1446 = arith.constant 0 : i32
    %dma_start3A_1447 = tpu.memref_slice %arg4[%dma_start3A_1433, %dma_start3A_1445, %dma_start3A_1446] : memref<3x16x2048xf32, #tpu.memory_space<vmem>> -> memref<1x16x2048xf32, #tpu.memory_space<vmem>>
    %dma_start3A_1448 = tpu.memref_squeeze %dma_start3A_1447 : memref<1x16x2048xf32, #tpu.memory_space<vmem>> -> memref<16x2048xf32, #tpu.memory_space<vmem>>
    tpu.enqueue_dma source(%dma_start3A_1448 : memref<16x2048xf32, #tpu.memory_space<vmem>>) target(%dma_start3A_1444 : memref<16x2048xf32, #tpu.memory_space<hbm>>) target_semaphore(%dma_start3A_1442 : memref<!tpu.dma_semaphore, #tpu.memory_space<semaphore_mem>>)
    %add3A_1449 = arith.constant 288 : i32
    %add3A_1450 = arith.addi %mul3A_64, %add3A_1449 : i32
    %dma_wait3A_1451 = arith.constant 0 : i32
    %dma_wait3A_1452 = arith.constant 0 : i32
    %dma_wait3A_1453 = arith.constant 0 : i32
    %dma_wait3A_1454 = arith.constant 0 : i32
    %dma_wait3A_1455 = tpu.memref_slice %arg4[%dma_wait3A_1451, %dma_wait3A_1453, %dma_wait3A_1454] : memref<3x16x2048xf32, #tpu.memory_space<vmem>> -> memref<1x16x2048xf32, #tpu.memory_space<vmem>>
    %dma_wait3A_1456 = tpu.memref_squeeze %dma_wait3A_1455 : memref<1x16x2048xf32, #tpu.memory_space<vmem>> -> memref<16x2048xf32, #tpu.memory_space<vmem>>
    %dma_wait3A_1457 = arith.constant 0 : i32
    %dma_wait3A_1458 = tpu.memref_slice %arg3[%add3A_1450, %dma_wait3A_1457] : memref<16384x2048xf32, #tpu.memory_space<hbm>> -> memref<16x2048xf32, #tpu.memory_space<hbm>>
    %dma_wait3A_1459 = tpu.memref_slice %arg6[%dma_wait3A_1452] : memref<3x!tpu.dma_semaphore, #tpu.memory_space<semaphore_mem>> -> memref<1x!tpu.dma_semaphore, #tpu.memory_space<semaphore_mem>>
    %dma_wait3A_1460 = tpu.memref_squeeze %dma_wait3A_1459 : memref<1x!tpu.dma_semaphore, #tpu.memory_space<semaphore_mem>> -> memref<!tpu.dma_semaphore, #tpu.memory_space<semaphore_mem>>
    %dma_wait3A_1461 = arith.constant 0 : i32
    %dma_wait3A_1462 = tpu.memref_slice %arg3[%add3A_1450, %dma_wait3A_1461] : memref<16384x2048xf32, #tpu.memory_space<hbm>> -> memref<16x2048xf32, #tpu.memory_space<hbm>>
    %dma_wait3A_1463 = arith.constant 0 : i32
    %dma_wait3A_1464 = arith.constant 0 : i32
    %dma_wait3A_1465 = tpu.memref_slice %arg4[%dma_wait3A_1451, %dma_wait3A_1463, %dma_wait3A_1464] : memref<3x16x2048xf32, #tpu.memory_space<vmem>> -> memref<1x16x2048xf32, #tpu.memory_space<vmem>>
    %dma_wait3A_1466 = tpu.memref_squeeze %dma_wait3A_1465 : memref<1x16x2048xf32, #tpu.memory_space<vmem>> -> memref<16x2048xf32, #tpu.memory_space<vmem>>
    tpu.wait_dma2 semaphore(%dma_wait3A_1460 : memref<!tpu.dma_semaphore, #tpu.memory_space<semaphore_mem>>) src(%dma_wait3A_1466 : memref<16x2048xf32, #tpu.memory_space<vmem>>) dst(%dma_wait3A_1462 : memref<16x2048xf32, #tpu.memory_space<hbm>>)
    %add3A_1467 = arith.constant 336 : i32
    %add3A_1468 = arith.addi %add3A_62, %add3A_1467 : i32
    %dma_start3A_1469 = arith.constant 0 : i32
    %dma_start3A_1470 = arith.constant 0 : i32
    %dma_start3A_1471 = arith.constant 0 : i32
    %dma_start3A_1472 = arith.constant 0 : i32
    %dma_start3A_1473 = tpu.memref_slice %arg4[%dma_start3A_1469, %dma_start3A_1471, %dma_start3A_1472] : memref<3x16x2048xf32, #tpu.memory_space<vmem>> -> memref<1x16x2048xf32, #tpu.memory_space<vmem>>
    %dma_start3A_1474 = tpu.memref_squeeze %dma_start3A_1473 : memref<1x16x2048xf32, #tpu.memory_space<vmem>> -> memref<16x2048xf32, #tpu.memory_space<vmem>>
    %dma_start3A_1475 = arith.constant 0 : i32
    %dma_start3A_1476 = tpu.memref_slice %arg2[%add3A_1468, %dma_start3A_1475] : memref<28672x2048xf32, #tpu.memory_space<hbm>> -> memref<16x2048xf32, #tpu.memory_space<hbm>>
    %dma_start3A_1477 = tpu.memref_slice %arg5[%dma_start3A_1470] : memref<3x!tpu.dma_semaphore, #tpu.memory_space<semaphore_mem>> -> memref<1x!tpu.dma_semaphore, #tpu.memory_space<semaphore_mem>>
    %dma_start3A_1478 = tpu.memref_squeeze %dma_start3A_1477 : memref<1x!tpu.dma_semaphore, #tpu.memory_space<semaphore_mem>> -> memref<!tpu.dma_semaphore, #tpu.memory_space<semaphore_mem>>
    %dma_start3A_1479 = arith.constant 0 : i32
    %dma_start3A_1480 = arith.constant 0 : i32
    %dma_start3A_1481 = tpu.memref_slice %arg4[%dma_start3A_1469, %dma_start3A_1479, %dma_start3A_1480] : memref<3x16x2048xf32, #tpu.memory_space<vmem>> -> memref<1x16x2048xf32, #tpu.memory_space<vmem>>
    %dma_start3A_1482 = tpu.memref_squeeze %dma_start3A_1481 : memref<1x16x2048xf32, #tpu.memory_space<vmem>> -> memref<16x2048xf32, #tpu.memory_space<vmem>>
    %dma_start3A_1483 = arith.constant 0 : i32
    %dma_start3A_1484 = tpu.memref_slice %arg2[%add3A_1468, %dma_start3A_1483] : memref<28672x2048xf32, #tpu.memory_space<hbm>> -> memref<16x2048xf32, #tpu.memory_space<hbm>>
    tpu.enqueue_dma source(%dma_start3A_1484 : memref<16x2048xf32, #tpu.memory_space<hbm>>) target(%dma_start3A_1482 : memref<16x2048xf32, #tpu.memory_space<vmem>>) target_semaphore(%dma_start3A_1478 : memref<!tpu.dma_semaphore, #tpu.memory_space<semaphore_mem>>)
    %add3A_1485 = arith.constant 304 : i32
    %add3A_1486 = arith.addi %add3A_62, %add3A_1485 : i32
    %dma_wait3A_1487 = arith.constant 1 : i32
    %dma_wait3A_1488 = arith.constant 1 : i32
    %dma_wait3A_1489 = arith.constant 0 : i32
    %dma_wait3A_1490 = arith.constant 0 : i32
    %dma_wait3A_1491 = tpu.memref_slice %arg4[%dma_wait3A_1487, %dma_wait3A_1489, %dma_wait3A_1490] : memref<3x16x2048xf32, #tpu.memory_space<vmem>> -> memref<1x16x2048xf32, #tpu.memory_space<vmem>>
    %dma_wait3A_1492 = tpu.memref_squeeze %dma_wait3A_1491 : memref<1x16x2048xf32, #tpu.memory_space<vmem>> -> memref<16x2048xf32, #tpu.memory_space<vmem>>
    %dma_wait3A_1493 = arith.constant 0 : i32
    %dma_wait3A_1494 = tpu.memref_slice %arg2[%add3A_1486, %dma_wait3A_1493] : memref<28672x2048xf32, #tpu.memory_space<hbm>> -> memref<16x2048xf32, #tpu.memory_space<hbm>>
    %dma_wait3A_1495 = tpu.memref_slice %arg5[%dma_wait3A_1488] : memref<3x!tpu.dma_semaphore, #tpu.memory_space<semaphore_mem>> -> memref<1x!tpu.dma_semaphore, #tpu.memory_space<semaphore_mem>>
    %dma_wait3A_1496 = tpu.memref_squeeze %dma_wait3A_1495 : memref<1x!tpu.dma_semaphore, #tpu.memory_space<semaphore_mem>> -> memref<!tpu.dma_semaphore, #tpu.memory_space<semaphore_mem>>
    %dma_wait3A_1497 = arith.constant 0 : i32
    %dma_wait3A_1498 = arith.constant 0 : i32
    %dma_wait3A_1499 = tpu.memref_slice %arg4[%dma_wait3A_1487, %dma_wait3A_1497, %dma_wait3A_1498] : memref<3x16x2048xf32, #tpu.memory_space<vmem>> -> memref<1x16x2048xf32, #tpu.memory_space<vmem>>
    %dma_wait3A_1500 = tpu.memref_squeeze %dma_wait3A_1499 : memref<1x16x2048xf32, #tpu.memory_space<vmem>> -> memref<16x2048xf32, #tpu.memory_space<vmem>>
    %dma_wait3A_1501 = arith.constant 0 : i32
    %dma_wait3A_1502 = tpu.memref_slice %arg2[%add3A_1486, %dma_wait3A_1501] : memref<28672x2048xf32, #tpu.memory_space<hbm>> -> memref<16x2048xf32, #tpu.memory_space<hbm>>
    tpu.wait_dma2 semaphore(%dma_wait3A_1496 : memref<!tpu.dma_semaphore, #tpu.memory_space<semaphore_mem>>) src(%dma_wait3A_1502 : memref<16x2048xf32, #tpu.memory_space<hbm>>) dst(%dma_wait3A_1500 : memref<16x2048xf32, #tpu.memory_space<vmem>>)
    %add3A_1503 = arith.constant 304 : i32
    %add3A_1504 = arith.addi %mul3A_64, %add3A_1503 : i32
    %dma_start3A_1505 = arith.constant 1 : i32
    %dma_start3A_1506 = arith.constant 1 : i32
    %dma_start3A_1507 = arith.constant 0 : i32
    %dma_start3A_1508 = arith.constant 0 : i32
    %dma_start3A_1509 = tpu.memref_slice %arg4[%dma_start3A_1505, %dma_start3A_1507, %dma_start3A_1508] : memref<3x16x2048xf32, #tpu.memory_space<vmem>> -> memref<1x16x2048xf32, #tpu.memory_space<vmem>>
    %dma_start3A_1510 = tpu.memref_squeeze %dma_start3A_1509 : memref<1x16x2048xf32, #tpu.memory_space<vmem>> -> memref<16x2048xf32, #tpu.memory_space<vmem>>
    %dma_start3A_1511 = arith.constant 0 : i32
    %dma_start3A_1512 = tpu.memref_slice %arg3[%add3A_1504, %dma_start3A_1511] : memref<16384x2048xf32, #tpu.memory_space<hbm>> -> memref<16x2048xf32, #tpu.memory_space<hbm>>
    %dma_start3A_1513 = tpu.memref_slice %arg6[%dma_start3A_1506] : memref<3x!tpu.dma_semaphore, #tpu.memory_space<semaphore_mem>> -> memref<1x!tpu.dma_semaphore, #tpu.memory_space<semaphore_mem>>
    %dma_start3A_1514 = tpu.memref_squeeze %dma_start3A_1513 : memref<1x!tpu.dma_semaphore, #tpu.memory_space<semaphore_mem>> -> memref<!tpu.dma_semaphore, #tpu.memory_space<semaphore_mem>>
    %dma_start3A_1515 = arith.constant 0 : i32
    %dma_start3A_1516 = tpu.memref_slice %arg3[%add3A_1504, %dma_start3A_1515] : memref<16384x2048xf32, #tpu.memory_space<hbm>> -> memref<16x2048xf32, #tpu.memory_space<hbm>>
    %dma_start3A_1517 = arith.constant 0 : i32
    %dma_start3A_1518 = arith.constant 0 : i32
    %dma_start3A_1519 = tpu.memref_slice %arg4[%dma_start3A_1505, %dma_start3A_1517, %dma_start3A_1518] : memref<3x16x2048xf32, #tpu.memory_space<vmem>> -> memref<1x16x2048xf32, #tpu.memory_space<vmem>>
    %dma_start3A_1520 = tpu.memref_squeeze %dma_start3A_1519 : memref<1x16x2048xf32, #tpu.memory_space<vmem>> -> memref<16x2048xf32, #tpu.memory_space<vmem>>
    tpu.enqueue_dma source(%dma_start3A_1520 : memref<16x2048xf32, #tpu.memory_space<vmem>>) target(%dma_start3A_1516 : memref<16x2048xf32, #tpu.memory_space<hbm>>) target_semaphore(%dma_start3A_1514 : memref<!tpu.dma_semaphore, #tpu.memory_space<semaphore_mem>>)
    %add3A_1521 = arith.constant 304 : i32
    %add3A_1522 = arith.addi %mul3A_64, %add3A_1521 : i32
    %dma_wait3A_1523 = arith.constant 1 : i32
    %dma_wait3A_1524 = arith.constant 1 : i32
    %dma_wait3A_1525 = arith.constant 0 : i32
    %dma_wait3A_1526 = arith.constant 0 : i32
    %dma_wait3A_1527 = tpu.memref_slice %arg4[%dma_wait3A_1523, %dma_wait3A_1525, %dma_wait3A_1526] : memref<3x16x2048xf32, #tpu.memory_space<vmem>> -> memref<1x16x2048xf32, #tpu.memory_space<vmem>>
    %dma_wait3A_1528 = tpu.memref_squeeze %dma_wait3A_1527 : memref<1x16x2048xf32, #tpu.memory_space<vmem>> -> memref<16x2048xf32, #tpu.memory_space<vmem>>
    %dma_wait3A_1529 = arith.constant 0 : i32
    %dma_wait3A_1530 = tpu.memref_slice %arg3[%add3A_1522, %dma_wait3A_1529] : memref<16384x2048xf32, #tpu.memory_space<hbm>> -> memref<16x2048xf32, #tpu.memory_space<hbm>>
    %dma_wait3A_1531 = tpu.memref_slice %arg6[%dma_wait3A_1524] : memref<3x!tpu.dma_semaphore, #tpu.memory_space<semaphore_mem>> -> memref<1x!tpu.dma_semaphore, #tpu.memory_space<semaphore_mem>>
    %dma_wait3A_1532 = tpu.memref_squeeze %dma_wait3A_1531 : memref<1x!tpu.dma_semaphore, #tpu.memory_space<semaphore_mem>> -> memref<!tpu.dma_semaphore, #tpu.memory_space<semaphore_mem>>
    %dma_wait3A_1533 = arith.constant 0 : i32
    %dma_wait3A_1534 = tpu.memref_slice %arg3[%add3A_1522, %dma_wait3A_1533] : memref<16384x2048xf32, #tpu.memory_space<hbm>> -> memref<16x2048xf32, #tpu.memory_space<hbm>>
    %dma_wait3A_1535 = arith.constant 0 : i32
    %dma_wait3A_1536 = arith.constant 0 : i32
    %dma_wait3A_1537 = tpu.memref_slice %arg4[%dma_wait3A_1523, %dma_wait3A_1535, %dma_wait3A_1536] : memref<3x16x2048xf32, #tpu.memory_space<vmem>> -> memref<1x16x2048xf32, #tpu.memory_space<vmem>>
    %dma_wait3A_1538 = tpu.memref_squeeze %dma_wait3A_1537 : memref<1x16x2048xf32, #tpu.memory_space<vmem>> -> memref<16x2048xf32, #tpu.memory_space<vmem>>
    tpu.wait_dma2 semaphore(%dma_wait3A_1532 : memref<!tpu.dma_semaphore, #tpu.memory_space<semaphore_mem>>) src(%dma_wait3A_1538 : memref<16x2048xf32, #tpu.memory_space<vmem>>) dst(%dma_wait3A_1534 : memref<16x2048xf32, #tpu.memory_space<hbm>>)
    %add3A_1539 = arith.constant 352 : i32
    %add3A_1540 = arith.addi %add3A_62, %add3A_1539 : i32
    %dma_start3A_1541 = arith.constant 1 : i32
    %dma_start3A_1542 = arith.constant 1 : i32
    %dma_start3A_1543 = arith.constant 0 : i32
    %dma_start3A_1544 = arith.constant 0 : i32
    %dma_start3A_1545 = tpu.memref_slice %arg4[%dma_start3A_1541, %dma_start3A_1543, %dma_start3A_1544] : memref<3x16x2048xf32, #tpu.memory_space<vmem>> -> memref<1x16x2048xf32, #tpu.memory_space<vmem>>
    %dma_start3A_1546 = tpu.memref_squeeze %dma_start3A_1545 : memref<1x16x2048xf32, #tpu.memory_space<vmem>> -> memref<16x2048xf32, #tpu.memory_space<vmem>>
    %dma_start3A_1547 = arith.constant 0 : i32
    %dma_start3A_1548 = tpu.memref_slice %arg2[%add3A_1540, %dma_start3A_1547] : memref<28672x2048xf32, #tpu.memory_space<hbm>> -> memref<16x2048xf32, #tpu.memory_space<hbm>>
    %dma_start3A_1549 = tpu.memref_slice %arg5[%dma_start3A_1542] : memref<3x!tpu.dma_semaphore, #tpu.memory_space<semaphore_mem>> -> memref<1x!tpu.dma_semaphore, #tpu.memory_space<semaphore_mem>>
    %dma_start3A_1550 = tpu.memref_squeeze %dma_start3A_1549 : memref<1x!tpu.dma_semaphore, #tpu.memory_space<semaphore_mem>> -> memref<!tpu.dma_semaphore, #tpu.memory_space<semaphore_mem>>
    %dma_start3A_1551 = arith.constant 0 : i32
    %dma_start3A_1552 = arith.constant 0 : i32
    %dma_start3A_1553 = tpu.memref_slice %arg4[%dma_start3A_1541, %dma_start3A_1551, %dma_start3A_1552] : memref<3x16x2048xf32, #tpu.memory_space<vmem>> -> memref<1x16x2048xf32, #tpu.memory_space<vmem>>
    %dma_start3A_1554 = tpu.memref_squeeze %dma_start3A_1553 : memref<1x16x2048xf32, #tpu.memory_space<vmem>> -> memref<16x2048xf32, #tpu.memory_space<vmem>>
    %dma_start3A_1555 = arith.constant 0 : i32
    %dma_start3A_1556 = tpu.memref_slice %arg2[%add3A_1540, %dma_start3A_1555] : memref<28672x2048xf32, #tpu.memory_space<hbm>> -> memref<16x2048xf32, #tpu.memory_space<hbm>>
    tpu.enqueue_dma source(%dma_start3A_1556 : memref<16x2048xf32, #tpu.memory_space<hbm>>) target(%dma_start3A_1554 : memref<16x2048xf32, #tpu.memory_space<vmem>>) target_semaphore(%dma_start3A_1550 : memref<!tpu.dma_semaphore, #tpu.memory_space<semaphore_mem>>)
    %add3A_1557 = arith.constant 320 : i32
    %add3A_1558 = arith.addi %add3A_62, %add3A_1557 : i32
    %dma_wait3A_1559 = arith.constant 2 : i32
    %dma_wait3A_1560 = arith.constant 2 : i32
    %dma_wait3A_1561 = arith.constant 0 : i32
    %dma_wait3A_1562 = arith.constant 0 : i32
    %dma_wait3A_1563 = tpu.memref_slice %arg4[%dma_wait3A_1559, %dma_wait3A_1561, %dma_wait3A_1562] : memref<3x16x2048xf32, #tpu.memory_space<vmem>> -> memref<1x16x2048xf32, #tpu.memory_space<vmem>>
    %dma_wait3A_1564 = tpu.memref_squeeze %dma_wait3A_1563 : memref<1x16x2048xf32, #tpu.memory_space<vmem>> -> memref<16x2048xf32, #tpu.memory_space<vmem>>
    %dma_wait3A_1565 = arith.constant 0 : i32
    %dma_wait3A_1566 = tpu.memref_slice %arg2[%add3A_1558, %dma_wait3A_1565] : memref<28672x2048xf32, #tpu.memory_space<hbm>> -> memref<16x2048xf32, #tpu.memory_space<hbm>>
    %dma_wait3A_1567 = tpu.memref_slice %arg5[%dma_wait3A_1560] : memref<3x!tpu.dma_semaphore, #tpu.memory_space<semaphore_mem>> -> memref<1x!tpu.dma_semaphore, #tpu.memory_space<semaphore_mem>>
    %dma_wait3A_1568 = tpu.memref_squeeze %dma_wait3A_1567 : memref<1x!tpu.dma_semaphore, #tpu.memory_space<semaphore_mem>> -> memref<!tpu.dma_semaphore, #tpu.memory_space<semaphore_mem>>
    %dma_wait3A_1569 = arith.constant 0 : i32
    %dma_wait3A_1570 = arith.constant 0 : i32
    %dma_wait3A_1571 = tpu.memref_slice %arg4[%dma_wait3A_1559, %dma_wait3A_1569, %dma_wait3A_1570] : memref<3x16x2048xf32, #tpu.memory_space<vmem>> -> memref<1x16x2048xf32, #tpu.memory_space<vmem>>
    %dma_wait3A_1572 = tpu.memref_squeeze %dma_wait3A_1571 : memref<1x16x2048xf32, #tpu.memory_space<vmem>> -> memref<16x2048xf32, #tpu.memory_space<vmem>>
    %dma_wait3A_1573 = arith.constant 0 : i32
    %dma_wait3A_1574 = tpu.memref_slice %arg2[%add3A_1558, %dma_wait3A_1573] : memref<28672x2048xf32, #tpu.memory_space<hbm>> -> memref<16x2048xf32, #tpu.memory_space<hbm>>
    tpu.wait_dma2 semaphore(%dma_wait3A_1568 : memref<!tpu.dma_semaphore, #tpu.memory_space<semaphore_mem>>) src(%dma_wait3A_1574 : memref<16x2048xf32, #tpu.memory_space<hbm>>) dst(%dma_wait3A_1572 : memref<16x2048xf32, #tpu.memory_space<vmem>>)
    %add3A_1575 = arith.constant 320 : i32
    %add3A_1576 = arith.addi %mul3A_64, %add3A_1575 : i32
    %dma_start3A_1577 = arith.constant 2 : i32
    %dma_start3A_1578 = arith.constant 2 : i32
    %dma_start3A_1579 = arith.constant 0 : i32
    %dma_start3A_1580 = arith.constant 0 : i32
    %dma_start3A_1581 = tpu.memref_slice %arg4[%dma_start3A_1577, %dma_start3A_1579, %dma_start3A_1580] : memref<3x16x2048xf32, #tpu.memory_space<vmem>> -> memref<1x16x2048xf32, #tpu.memory_space<vmem>>
    %dma_start3A_1582 = tpu.memref_squeeze %dma_start3A_1581 : memref<1x16x2048xf32, #tpu.memory_space<vmem>> -> memref<16x2048xf32, #tpu.memory_space<vmem>>
    %dma_start3A_1583 = arith.constant 0 : i32
    %dma_start3A_1584 = tpu.memref_slice %arg3[%add3A_1576, %dma_start3A_1583] : memref<16384x2048xf32, #tpu.memory_space<hbm>> -> memref<16x2048xf32, #tpu.memory_space<hbm>>
    %dma_start3A_1585 = tpu.memref_slice %arg6[%dma_start3A_1578] : memref<3x!tpu.dma_semaphore, #tpu.memory_space<semaphore_mem>> -> memref<1x!tpu.dma_semaphore, #tpu.memory_space<semaphore_mem>>
    %dma_start3A_1586 = tpu.memref_squeeze %dma_start3A_1585 : memref<1x!tpu.dma_semaphore, #tpu.memory_space<semaphore_mem>> -> memref<!tpu.dma_semaphore, #tpu.memory_space<semaphore_mem>>
    %dma_start3A_1587 = arith.constant 0 : i32
    %dma_start3A_1588 = tpu.memref_slice %arg3[%add3A_1576, %dma_start3A_1587] : memref<16384x2048xf32, #tpu.memory_space<hbm>> -> memref<16x2048xf32, #tpu.memory_space<hbm>>
    %dma_start3A_1589 = arith.constant 0 : i32
    %dma_start3A_1590 = arith.constant 0 : i32
    %dma_start3A_1591 = tpu.memref_slice %arg4[%dma_start3A_1577, %dma_start3A_1589, %dma_start3A_1590] : memref<3x16x2048xf32, #tpu.memory_space<vmem>> -> memref<1x16x2048xf32, #tpu.memory_space<vmem>>
    %dma_start3A_1592 = tpu.memref_squeeze %dma_start3A_1591 : memref<1x16x2048xf32, #tpu.memory_space<vmem>> -> memref<16x2048xf32, #tpu.memory_space<vmem>>
    tpu.enqueue_dma source(%dma_start3A_1592 : memref<16x2048xf32, #tpu.memory_space<vmem>>) target(%dma_start3A_1588 : memref<16x2048xf32, #tpu.memory_space<hbm>>) target_semaphore(%dma_start3A_1586 : memref<!tpu.dma_semaphore, #tpu.memory_space<semaphore_mem>>)
    %add3A_1593 = arith.constant 320 : i32
    %add3A_1594 = arith.addi %mul3A_64, %add3A_1593 : i32
    %dma_wait3A_1595 = arith.constant 2 : i32
    %dma_wait3A_1596 = arith.constant 2 : i32
    %dma_wait3A_1597 = arith.constant 0 : i32
    %dma_wait3A_1598 = arith.constant 0 : i32
    %dma_wait3A_1599 = tpu.memref_slice %arg4[%dma_wait3A_1595, %dma_wait3A_1597, %dma_wait3A_1598] : memref<3x16x2048xf32, #tpu.memory_space<vmem>> -> memref<1x16x2048xf32, #tpu.memory_space<vmem>>
    %dma_wait3A_1600 = tpu.memref_squeeze %dma_wait3A_1599 : memref<1x16x2048xf32, #tpu.memory_space<vmem>> -> memref<16x2048xf32, #tpu.memory_space<vmem>>
    %dma_wait3A_1601 = arith.constant 0 : i32
    %dma_wait3A_1602 = tpu.memref_slice %arg3[%add3A_1594, %dma_wait3A_1601] : memref<16384x2048xf32, #tpu.memory_space<hbm>> -> memref<16x2048xf32, #tpu.memory_space<hbm>>
    %dma_wait3A_1603 = tpu.memref_slice %arg6[%dma_wait3A_1596] : memref<3x!tpu.dma_semaphore, #tpu.memory_space<semaphore_mem>> -> memref<1x!tpu.dma_semaphore, #tpu.memory_space<semaphore_mem>>
    %dma_wait3A_1604 = tpu.memref_squeeze %dma_wait3A_1603 : memref<1x!tpu.dma_semaphore, #tpu.memory_space<semaphore_mem>> -> memref<!tpu.dma_semaphore, #tpu.memory_space<semaphore_mem>>
    %dma_wait3A_1605 = arith.constant 0 : i32
    %dma_wait3A_1606 = tpu.memref_slice %arg3[%add3A_1594, %dma_wait3A_1605] : memref<16384x2048xf32, #tpu.memory_space<hbm>> -> memref<16x2048xf32, #tpu.memory_space<hbm>>
    %dma_wait3A_1607 = arith.constant 0 : i32
    %dma_wait3A_1608 = arith.constant 0 : i32
    %dma_wait3A_1609 = tpu.memref_slice %arg4[%dma_wait3A_1595, %dma_wait3A_1607, %dma_wait3A_1608] : memref<3x16x2048xf32, #tpu.memory_space<vmem>> -> memref<1x16x2048xf32, #tpu.memory_space<vmem>>
    %dma_wait3A_1610 = tpu.memref_squeeze %dma_wait3A_1609 : memref<1x16x2048xf32, #tpu.memory_space<vmem>> -> memref<16x2048xf32, #tpu.memory_space<vmem>>
    tpu.wait_dma2 semaphore(%dma_wait3A_1604 : memref<!tpu.dma_semaphore, #tpu.memory_space<semaphore_mem>>) src(%dma_wait3A_1610 : memref<16x2048xf32, #tpu.memory_space<vmem>>) dst(%dma_wait3A_1606 : memref<16x2048xf32, #tpu.memory_space<hbm>>)
    %add3A_1611 = arith.constant 368 : i32
    %add3A_1612 = arith.addi %add3A_62, %add3A_1611 : i32
    %dma_start3A_1613 = arith.constant 2 : i32
    %dma_start3A_1614 = arith.constant 2 : i32
    %dma_start3A_1615 = arith.constant 0 : i32
    %dma_start3A_1616 = arith.constant 0 : i32
    %dma_start3A_1617 = tpu.memref_slice %arg4[%dma_start3A_1613, %dma_start3A_1615, %dma_start3A_1616] : memref<3x16x2048xf32, #tpu.memory_space<vmem>> -> memref<1x16x2048xf32, #tpu.memory_space<vmem>>
    %dma_start3A_1618 = tpu.memref_squeeze %dma_start3A_1617 : memref<1x16x2048xf32, #tpu.memory_space<vmem>> -> memref<16x2048xf32, #tpu.memory_space<vmem>>
    %dma_start3A_1619 = arith.constant 0 : i32
    %dma_start3A_1620 = tpu.memref_slice %arg2[%add3A_1612, %dma_start3A_1619] : memref<28672x2048xf32, #tpu.memory_space<hbm>> -> memref<16x2048xf32, #tpu.memory_space<hbm>>
    %dma_start3A_1621 = tpu.memref_slice %arg5[%dma_start3A_1614] : memref<3x!tpu.dma_semaphore, #tpu.memory_space<semaphore_mem>> -> memref<1x!tpu.dma_semaphore, #tpu.memory_space<semaphore_mem>>
    %dma_start3A_1622 = tpu.memref_squeeze %dma_start3A_1621 : memref<1x!tpu.dma_semaphore, #tpu.memory_space<semaphore_mem>> -> memref<!tpu.dma_semaphore, #tpu.memory_space<semaphore_mem>>
    %dma_start3A_1623 = arith.constant 0 : i32
    %dma_start3A_1624 = arith.constant 0 : i32
    %dma_start3A_1625 = tpu.memref_slice %arg4[%dma_start3A_1613, %dma_start3A_1623, %dma_start3A_1624] : memref<3x16x2048xf32, #tpu.memory_space<vmem>> -> memref<1x16x2048xf32, #tpu.memory_space<vmem>>
    %dma_start3A_1626 = tpu.memref_squeeze %dma_start3A_1625 : memref<1x16x2048xf32, #tpu.memory_space<vmem>> -> memref<16x2048xf32, #tpu.memory_space<vmem>>
    %dma_start3A_1627 = arith.constant 0 : i32
    %dma_start3A_1628 = tpu.memref_slice %arg2[%add3A_1612, %dma_start3A_1627] : memref<28672x2048xf32, #tpu.memory_space<hbm>> -> memref<16x2048xf32, #tpu.memory_space<hbm>>
    tpu.enqueue_dma source(%dma_start3A_1628 : memref<16x2048xf32, #tpu.memory_space<hbm>>) target(%dma_start3A_1626 : memref<16x2048xf32, #tpu.memory_space<vmem>>) target_semaphore(%dma_start3A_1622 : memref<!tpu.dma_semaphore, #tpu.memory_space<semaphore_mem>>)
    %add3A_1629 = arith.constant 336 : i32
    %add3A_1630 = arith.addi %add3A_62, %add3A_1629 : i32
    %dma_wait3A_1631 = arith.constant 0 : i32
    %dma_wait3A_1632 = arith.constant 0 : i32
    %dma_wait3A_1633 = arith.constant 0 : i32
    %dma_wait3A_1634 = arith.constant 0 : i32
    %dma_wait3A_1635 = tpu.memref_slice %arg4[%dma_wait3A_1631, %dma_wait3A_1633, %dma_wait3A_1634] : memref<3x16x2048xf32, #tpu.memory_space<vmem>> -> memref<1x16x2048xf32, #tpu.memory_space<vmem>>
    %dma_wait3A_1636 = tpu.memref_squeeze %dma_wait3A_1635 : memref<1x16x2048xf32, #tpu.memory_space<vmem>> -> memref<16x2048xf32, #tpu.memory_space<vmem>>
    %dma_wait3A_1637 = arith.constant 0 : i32
    %dma_wait3A_1638 = tpu.memref_slice %arg2[%add3A_1630, %dma_wait3A_1637] : memref<28672x2048xf32, #tpu.memory_space<hbm>> -> memref<16x2048xf32, #tpu.memory_space<hbm>>
    %dma_wait3A_1639 = tpu.memref_slice %arg5[%dma_wait3A_1632] : memref<3x!tpu.dma_semaphore, #tpu.memory_space<semaphore_mem>> -> memref<1x!tpu.dma_semaphore, #tpu.memory_space<semaphore_mem>>
    %dma_wait3A_1640 = tpu.memref_squeeze %dma_wait3A_1639 : memref<1x!tpu.dma_semaphore, #tpu.memory_space<semaphore_mem>> -> memref<!tpu.dma_semaphore, #tpu.memory_space<semaphore_mem>>
    %dma_wait3A_1641 = arith.constant 0 : i32
    %dma_wait3A_1642 = arith.constant 0 : i32
    %dma_wait3A_1643 = tpu.memref_slice %arg4[%dma_wait3A_1631, %dma_wait3A_1641, %dma_wait3A_1642] : memref<3x16x2048xf32, #tpu.memory_space<vmem>> -> memref<1x16x2048xf32, #tpu.memory_space<vmem>>
    %dma_wait3A_1644 = tpu.memref_squeeze %dma_wait3A_1643 : memref<1x16x2048xf32, #tpu.memory_space<vmem>> -> memref<16x2048xf32, #tpu.memory_space<vmem>>
    %dma_wait3A_1645 = arith.constant 0 : i32
    %dma_wait3A_1646 = tpu.memref_slice %arg2[%add3A_1630, %dma_wait3A_1645] : memref<28672x2048xf32, #tpu.memory_space<hbm>> -> memref<16x2048xf32, #tpu.memory_space<hbm>>
    tpu.wait_dma2 semaphore(%dma_wait3A_1640 : memref<!tpu.dma_semaphore, #tpu.memory_space<semaphore_mem>>) src(%dma_wait3A_1646 : memref<16x2048xf32, #tpu.memory_space<hbm>>) dst(%dma_wait3A_1644 : memref<16x2048xf32, #tpu.memory_space<vmem>>)
    %add3A_1647 = arith.constant 336 : i32
    %add3A_1648 = arith.addi %mul3A_64, %add3A_1647 : i32
    %dma_start3A_1649 = arith.constant 0 : i32
    %dma_start3A_1650 = arith.constant 0 : i32
    %dma_start3A_1651 = arith.constant 0 : i32
    %dma_start3A_1652 = arith.constant 0 : i32
    %dma_start3A_1653 = tpu.memref_slice %arg4[%dma_start3A_1649, %dma_start3A_1651, %dma_start3A_1652] : memref<3x16x2048xf32, #tpu.memory_space<vmem>> -> memref<1x16x2048xf32, #tpu.memory_space<vmem>>
    %dma_start3A_1654 = tpu.memref_squeeze %dma_start3A_1653 : memref<1x16x2048xf32, #tpu.memory_space<vmem>> -> memref<16x2048xf32, #tpu.memory_space<vmem>>
    %dma_start3A_1655 = arith.constant 0 : i32
    %dma_start3A_1656 = tpu.memref_slice %arg3[%add3A_1648, %dma_start3A_1655] : memref<16384x2048xf32, #tpu.memory_space<hbm>> -> memref<16x2048xf32, #tpu.memory_space<hbm>>
    %dma_start3A_1657 = tpu.memref_slice %arg6[%dma_start3A_1650] : memref<3x!tpu.dma_semaphore, #tpu.memory_space<semaphore_mem>> -> memref<1x!tpu.dma_semaphore, #tpu.memory_space<semaphore_mem>>
    %dma_start3A_1658 = tpu.memref_squeeze %dma_start3A_1657 : memref<1x!tpu.dma_semaphore, #tpu.memory_space<semaphore_mem>> -> memref<!tpu.dma_semaphore, #tpu.memory_space<semaphore_mem>>
    %dma_start3A_1659 = arith.constant 0 : i32
    %dma_start3A_1660 = tpu.memref_slice %arg3[%add3A_1648, %dma_start3A_1659] : memref<16384x2048xf32, #tpu.memory_space<hbm>> -> memref<16x2048xf32, #tpu.memory_space<hbm>>
    %dma_start3A_1661 = arith.constant 0 : i32
    %dma_start3A_1662 = arith.constant 0 : i32
    %dma_start3A_1663 = tpu.memref_slice %arg4[%dma_start3A_1649, %dma_start3A_1661, %dma_start3A_1662] : memref<3x16x2048xf32, #tpu.memory_space<vmem>> -> memref<1x16x2048xf32, #tpu.memory_space<vmem>>
    %dma_start3A_1664 = tpu.memref_squeeze %dma_start3A_1663 : memref<1x16x2048xf32, #tpu.memory_space<vmem>> -> memref<16x2048xf32, #tpu.memory_space<vmem>>
    tpu.enqueue_dma source(%dma_start3A_1664 : memref<16x2048xf32, #tpu.memory_space<vmem>>) target(%dma_start3A_1660 : memref<16x2048xf32, #tpu.memory_space<hbm>>) target_semaphore(%dma_start3A_1658 : memref<!tpu.dma_semaphore, #tpu.memory_space<semaphore_mem>>)
    %add3A_1665 = arith.constant 336 : i32
    %add3A_1666 = arith.addi %mul3A_64, %add3A_1665 : i32
    %dma_wait3A_1667 = arith.constant 0 : i32
    %dma_wait3A_1668 = arith.constant 0 : i32
    %dma_wait3A_1669 = arith.constant 0 : i32
    %dma_wait3A_1670 = arith.constant 0 : i32
    %dma_wait3A_1671 = tpu.memref_slice %arg4[%dma_wait3A_1667, %dma_wait3A_1669, %dma_wait3A_1670] : memref<3x16x2048xf32, #tpu.memory_space<vmem>> -> memref<1x16x2048xf32, #tpu.memory_space<vmem>>
    %dma_wait3A_1672 = tpu.memref_squeeze %dma_wait3A_1671 : memref<1x16x2048xf32, #tpu.memory_space<vmem>> -> memref<16x2048xf32, #tpu.memory_space<vmem>>
    %dma_wait3A_1673 = arith.constant 0 : i32
    %dma_wait3A_1674 = tpu.memref_slice %arg3[%add3A_1666, %dma_wait3A_1673] : memref<16384x2048xf32, #tpu.memory_space<hbm>> -> memref<16x2048xf32, #tpu.memory_space<hbm>>
    %dma_wait3A_1675 = tpu.memref_slice %arg6[%dma_wait3A_1668] : memref<3x!tpu.dma_semaphore, #tpu.memory_space<semaphore_mem>> -> memref<1x!tpu.dma_semaphore, #tpu.memory_space<semaphore_mem>>
    %dma_wait3A_1676 = tpu.memref_squeeze %dma_wait3A_1675 : memref<1x!tpu.dma_semaphore, #tpu.memory_space<semaphore_mem>> -> memref<!tpu.dma_semaphore, #tpu.memory_space<semaphore_mem>>
    %dma_wait3A_1677 = arith.constant 0 : i32
    %dma_wait3A_1678 = tpu.memref_slice %arg3[%add3A_1666, %dma_wait3A_1677] : memref<16384x2048xf32, #tpu.memory_space<hbm>> -> memref<16x2048xf32, #tpu.memory_space<hbm>>
    %dma_wait3A_1679 = arith.constant 0 : i32
    %dma_wait3A_1680 = arith.constant 0 : i32
    %dma_wait3A_1681 = tpu.memref_slice %arg4[%dma_wait3A_1667, %dma_wait3A_1679, %dma_wait3A_1680] : memref<3x16x2048xf32, #tpu.memory_space<vmem>> -> memref<1x16x2048xf32, #tpu.memory_space<vmem>>
    %dma_wait3A_1682 = tpu.memref_squeeze %dma_wait3A_1681 : memref<1x16x2048xf32, #tpu.memory_space<vmem>> -> memref<16x2048xf32, #tpu.memory_space<vmem>>
    tpu.wait_dma2 semaphore(%dma_wait3A_1676 : memref<!tpu.dma_semaphore, #tpu.memory_space<semaphore_mem>>) src(%dma_wait3A_1682 : memref<16x2048xf32, #tpu.memory_space<vmem>>) dst(%dma_wait3A_1678 : memref<16x2048xf32, #tpu.memory_space<hbm>>)
    %add3A_1683 = arith.constant 384 : i32
    %add3A_1684 = arith.addi %add3A_62, %add3A_1683 : i32
    %dma_start3A_1685 = arith.constant 0 : i32
    %dma_start3A_1686 = arith.constant 0 : i32
    %dma_start3A_1687 = arith.constant 0 : i32
    %dma_start3A_1688 = arith.constant 0 : i32
    %dma_start3A_1689 = tpu.memref_slice %arg4[%dma_start3A_1685, %dma_start3A_1687, %dma_start3A_1688] : memref<3x16x2048xf32, #tpu.memory_space<vmem>> -> memref<1x16x2048xf32, #tpu.memory_space<vmem>>
    %dma_start3A_1690 = tpu.memref_squeeze %dma_start3A_1689 : memref<1x16x2048xf32, #tpu.memory_space<vmem>> -> memref<16x2048xf32, #tpu.memory_space<vmem>>
    %dma_start3A_1691 = arith.constant 0 : i32
    %dma_start3A_1692 = tpu.memref_slice %arg2[%add3A_1684, %dma_start3A_1691] : memref<28672x2048xf32, #tpu.memory_space<hbm>> -> memref<16x2048xf32, #tpu.memory_space<hbm>>
    %dma_start3A_1693 = tpu.memref_slice %arg5[%dma_start3A_1686] : memref<3x!tpu.dma_semaphore, #tpu.memory_space<semaphore_mem>> -> memref<1x!tpu.dma_semaphore, #tpu.memory_space<semaphore_mem>>
    %dma_start3A_1694 = tpu.memref_squeeze %dma_start3A_1693 : memref<1x!tpu.dma_semaphore, #tpu.memory_space<semaphore_mem>> -> memref<!tpu.dma_semaphore, #tpu.memory_space<semaphore_mem>>
    %dma_start3A_1695 = arith.constant 0 : i32
    %dma_start3A_1696 = arith.constant 0 : i32
    %dma_start3A_1697 = tpu.memref_slice %arg4[%dma_start3A_1685, %dma_start3A_1695, %dma_start3A_1696] : memref<3x16x2048xf32, #tpu.memory_space<vmem>> -> memref<1x16x2048xf32, #tpu.memory_space<vmem>>
    %dma_start3A_1698 = tpu.memref_squeeze %dma_start3A_1697 : memref<1x16x2048xf32, #tpu.memory_space<vmem>> -> memref<16x2048xf32, #tpu.memory_space<vmem>>
    %dma_start3A_1699 = arith.constant 0 : i32
    %dma_start3A_1700 = tpu.memref_slice %arg2[%add3A_1684, %dma_start3A_1699] : memref<28672x2048xf32, #tpu.memory_space<hbm>> -> memref<16x2048xf32, #tpu.memory_space<hbm>>
    tpu.enqueue_dma source(%dma_start3A_1700 : memref<16x2048xf32, #tpu.memory_space<hbm>>) target(%dma_start3A_1698 : memref<16x2048xf32, #tpu.memory_space<vmem>>) target_semaphore(%dma_start3A_1694 : memref<!tpu.dma_semaphore, #tpu.memory_space<semaphore_mem>>)
    %add3A_1701 = arith.constant 352 : i32
    %add3A_1702 = arith.addi %add3A_62, %add3A_1701 : i32
    %dma_wait3A_1703 = arith.constant 1 : i32
    %dma_wait3A_1704 = arith.constant 1 : i32
    %dma_wait3A_1705 = arith.constant 0 : i32
    %dma_wait3A_1706 = arith.constant 0 : i32
    %dma_wait3A_1707 = tpu.memref_slice %arg4[%dma_wait3A_1703, %dma_wait3A_1705, %dma_wait3A_1706] : memref<3x16x2048xf32, #tpu.memory_space<vmem>> -> memref<1x16x2048xf32, #tpu.memory_space<vmem>>
    %dma_wait3A_1708 = tpu.memref_squeeze %dma_wait3A_1707 : memref<1x16x2048xf32, #tpu.memory_space<vmem>> -> memref<16x2048xf32, #tpu.memory_space<vmem>>
    %dma_wait3A_1709 = arith.constant 0 : i32
    %dma_wait3A_1710 = tpu.memref_slice %arg2[%add3A_1702, %dma_wait3A_1709] : memref<28672x2048xf32, #tpu.memory_space<hbm>> -> memref<16x2048xf32, #tpu.memory_space<hbm>>
    %dma_wait3A_1711 = tpu.memref_slice %arg5[%dma_wait3A_1704] : memref<3x!tpu.dma_semaphore, #tpu.memory_space<semaphore_mem>> -> memref<1x!tpu.dma_semaphore, #tpu.memory_space<semaphore_mem>>
    %dma_wait3A_1712 = tpu.memref_squeeze %dma_wait3A_1711 : memref<1x!tpu.dma_semaphore, #tpu.memory_space<semaphore_mem>> -> memref<!tpu.dma_semaphore, #tpu.memory_space<semaphore_mem>>
    %dma_wait3A_1713 = arith.constant 0 : i32
    %dma_wait3A_1714 = arith.constant 0 : i32
    %dma_wait3A_1715 = tpu.memref_slice %arg4[%dma_wait3A_1703, %dma_wait3A_1713, %dma_wait3A_1714] : memref<3x16x2048xf32, #tpu.memory_space<vmem>> -> memref<1x16x2048xf32, #tpu.memory_space<vmem>>
    %dma_wait3A_1716 = tpu.memref_squeeze %dma_wait3A_1715 : memref<1x16x2048xf32, #tpu.memory_space<vmem>> -> memref<16x2048xf32, #tpu.memory_space<vmem>>
    %dma_wait3A_1717 = arith.constant 0 : i32
    %dma_wait3A_1718 = tpu.memref_slice %arg2[%add3A_1702, %dma_wait3A_1717] : memref<28672x2048xf32, #tpu.memory_space<hbm>> -> memref<16x2048xf32, #tpu.memory_space<hbm>>
    tpu.wait_dma2 semaphore(%dma_wait3A_1712 : memref<!tpu.dma_semaphore, #tpu.memory_space<semaphore_mem>>) src(%dma_wait3A_1718 : memref<16x2048xf32, #tpu.memory_space<hbm>>) dst(%dma_wait3A_1716 : memref<16x2048xf32, #tpu.memory_space<vmem>>)
    %add3A_1719 = arith.constant 352 : i32
    %add3A_1720 = arith.addi %mul3A_64, %add3A_1719 : i32
    %dma_start3A_1721 = arith.constant 1 : i32
    %dma_start3A_1722 = arith.constant 1 : i32
    %dma_start3A_1723 = arith.constant 0 : i32
    %dma_start3A_1724 = arith.constant 0 : i32
    %dma_start3A_1725 = tpu.memref_slice %arg4[%dma_start3A_1721, %dma_start3A_1723, %dma_start3A_1724] : memref<3x16x2048xf32, #tpu.memory_space<vmem>> -> memref<1x16x2048xf32, #tpu.memory_space<vmem>>
    %dma_start3A_1726 = tpu.memref_squeeze %dma_start3A_1725 : memref<1x16x2048xf32, #tpu.memory_space<vmem>> -> memref<16x2048xf32, #tpu.memory_space<vmem>>
    %dma_start3A_1727 = arith.constant 0 : i32
    %dma_start3A_1728 = tpu.memref_slice %arg3[%add3A_1720, %dma_start3A_1727] : memref<16384x2048xf32, #tpu.memory_space<hbm>> -> memref<16x2048xf32, #tpu.memory_space<hbm>>
    %dma_start3A_1729 = tpu.memref_slice %arg6[%dma_start3A_1722] : memref<3x!tpu.dma_semaphore, #tpu.memory_space<semaphore_mem>> -> memref<1x!tpu.dma_semaphore, #tpu.memory_space<semaphore_mem>>
    %dma_start3A_1730 = tpu.memref_squeeze %dma_start3A_1729 : memref<1x!tpu.dma_semaphore, #tpu.memory_space<semaphore_mem>> -> memref<!tpu.dma_semaphore, #tpu.memory_space<semaphore_mem>>
    %dma_start3A_1731 = arith.constant 0 : i32
    %dma_start3A_1732 = tpu.memref_slice %arg3[%add3A_1720, %dma_start3A_1731] : memref<16384x2048xf32, #tpu.memory_space<hbm>> -> memref<16x2048xf32, #tpu.memory_space<hbm>>
    %dma_start3A_1733 = arith.constant 0 : i32
    %dma_start3A_1734 = arith.constant 0 : i32
    %dma_start3A_1735 = tpu.memref_slice %arg4[%dma_start3A_1721, %dma_start3A_1733, %dma_start3A_1734] : memref<3x16x2048xf32, #tpu.memory_space<vmem>> -> memref<1x16x2048xf32, #tpu.memory_space<vmem>>
    %dma_start3A_1736 = tpu.memref_squeeze %dma_start3A_1735 : memref<1x16x2048xf32, #tpu.memory_space<vmem>> -> memref<16x2048xf32, #tpu.memory_space<vmem>>
    tpu.enqueue_dma source(%dma_start3A_1736 : memref<16x2048xf32, #tpu.memory_space<vmem>>) target(%dma_start3A_1732 : memref<16x2048xf32, #tpu.memory_space<hbm>>) target_semaphore(%dma_start3A_1730 : memref<!tpu.dma_semaphore, #tpu.memory_space<semaphore_mem>>)
    %add3A_1737 = arith.constant 352 : i32
    %add3A_1738 = arith.addi %mul3A_64, %add3A_1737 : i32
    %dma_wait3A_1739 = arith.constant 1 : i32
    %dma_wait3A_1740 = arith.constant 1 : i32
    %dma_wait3A_1741 = arith.constant 0 : i32
    %dma_wait3A_1742 = arith.constant 0 : i32
    %dma_wait3A_1743 = tpu.memref_slice %arg4[%dma_wait3A_1739, %dma_wait3A_1741, %dma_wait3A_1742] : memref<3x16x2048xf32, #tpu.memory_space<vmem>> -> memref<1x16x2048xf32, #tpu.memory_space<vmem>>
    %dma_wait3A_1744 = tpu.memref_squeeze %dma_wait3A_1743 : memref<1x16x2048xf32, #tpu.memory_space<vmem>> -> memref<16x2048xf32, #tpu.memory_space<vmem>>
    %dma_wait3A_1745 = arith.constant 0 : i32
    %dma_wait3A_1746 = tpu.memref_slice %arg3[%add3A_1738, %dma_wait3A_1745] : memref<16384x2048xf32, #tpu.memory_space<hbm>> -> memref<16x2048xf32, #tpu.memory_space<hbm>>
    %dma_wait3A_1747 = tpu.memref_slice %arg6[%dma_wait3A_1740] : memref<3x!tpu.dma_semaphore, #tpu.memory_space<semaphore_mem>> -> memref<1x!tpu.dma_semaphore, #tpu.memory_space<semaphore_mem>>
    %dma_wait3A_1748 = tpu.memref_squeeze %dma_wait3A_1747 : memref<1x!tpu.dma_semaphore, #tpu.memory_space<semaphore_mem>> -> memref<!tpu.dma_semaphore, #tpu.memory_space<semaphore_mem>>
    %dma_wait3A_1749 = arith.constant 0 : i32
    %dma_wait3A_1750 = tpu.memref_slice %arg3[%add3A_1738, %dma_wait3A_1749] : memref<16384x2048xf32, #tpu.memory_space<hbm>> -> memref<16x2048xf32, #tpu.memory_space<hbm>>
    %dma_wait3A_1751 = arith.constant 0 : i32
    %dma_wait3A_1752 = arith.constant 0 : i32
    %dma_wait3A_1753 = tpu.memref_slice %arg4[%dma_wait3A_1739, %dma_wait3A_1751, %dma_wait3A_1752] : memref<3x16x2048xf32, #tpu.memory_space<vmem>> -> memref<1x16x2048xf32, #tpu.memory_space<vmem>>
    %dma_wait3A_1754 = tpu.memref_squeeze %dma_wait3A_1753 : memref<1x16x2048xf32, #tpu.memory_space<vmem>> -> memref<16x2048xf32, #tpu.memory_space<vmem>>
    tpu.wait_dma2 semaphore(%dma_wait3A_1748 : memref<!tpu.dma_semaphore, #tpu.memory_space<semaphore_mem>>) src(%dma_wait3A_1754 : memref<16x2048xf32, #tpu.memory_space<vmem>>) dst(%dma_wait3A_1750 : memref<16x2048xf32, #tpu.memory_space<hbm>>)
    %add3A_1755 = arith.constant 400 : i32
    %add3A_1756 = arith.addi %add3A_62, %add3A_1755 : i32
    %dma_start3A_1757 = arith.constant 1 : i32
    %dma_start3A_1758 = arith.constant 1 : i32
    %dma_start3A_1759 = arith.constant 0 : i32
    %dma_start3A_1760 = arith.constant 0 : i32
    %dma_start3A_1761 = tpu.memref_slice %arg4[%dma_start3A_1757, %dma_start3A_1759, %dma_start3A_1760] : memref<3x16x2048xf32, #tpu.memory_space<vmem>> -> memref<1x16x2048xf32, #tpu.memory_space<vmem>>
    %dma_start3A_1762 = tpu.memref_squeeze %dma_start3A_1761 : memref<1x16x2048xf32, #tpu.memory_space<vmem>> -> memref<16x2048xf32, #tpu.memory_space<vmem>>
    %dma_start3A_1763 = arith.constant 0 : i32
    %dma_start3A_1764 = tpu.memref_slice %arg2[%add3A_1756, %dma_start3A_1763] : memref<28672x2048xf32, #tpu.memory_space<hbm>> -> memref<16x2048xf32, #tpu.memory_space<hbm>>
    %dma_start3A_1765 = tpu.memref_slice %arg5[%dma_start3A_1758] : memref<3x!tpu.dma_semaphore, #tpu.memory_space<semaphore_mem>> -> memref<1x!tpu.dma_semaphore, #tpu.memory_space<semaphore_mem>>
    %dma_start3A_1766 = tpu.memref_squeeze %dma_start3A_1765 : memref<1x!tpu.dma_semaphore, #tpu.memory_space<semaphore_mem>> -> memref<!tpu.dma_semaphore, #tpu.memory_space<semaphore_mem>>
    %dma_start3A_1767 = arith.constant 0 : i32
    %dma_start3A_1768 = arith.constant 0 : i32
    %dma_start3A_1769 = tpu.memref_slice %arg4[%dma_start3A_1757, %dma_start3A_1767, %dma_start3A_1768] : memref<3x16x2048xf32, #tpu.memory_space<vmem>> -> memref<1x16x2048xf32, #tpu.memory_space<vmem>>
    %dma_start3A_1770 = tpu.memref_squeeze %dma_start3A_1769 : memref<1x16x2048xf32, #tpu.memory_space<vmem>> -> memref<16x2048xf32, #tpu.memory_space<vmem>>
    %dma_start3A_1771 = arith.constant 0 : i32
    %dma_start3A_1772 = tpu.memref_slice %arg2[%add3A_1756, %dma_start3A_1771] : memref<28672x2048xf32, #tpu.memory_space<hbm>> -> memref<16x2048xf32, #tpu.memory_space<hbm>>
    tpu.enqueue_dma source(%dma_start3A_1772 : memref<16x2048xf32, #tpu.memory_space<hbm>>) target(%dma_start3A_1770 : memref<16x2048xf32, #tpu.memory_space<vmem>>) target_semaphore(%dma_start3A_1766 : memref<!tpu.dma_semaphore, #tpu.memory_space<semaphore_mem>>)
    %add3A_1773 = arith.constant 368 : i32
    %add3A_1774 = arith.addi %add3A_62, %add3A_1773 : i32
    %dma_wait3A_1775 = arith.constant 2 : i32
    %dma_wait3A_1776 = arith.constant 2 : i32
    %dma_wait3A_1777 = arith.constant 0 : i32
    %dma_wait3A_1778 = arith.constant 0 : i32
    %dma_wait3A_1779 = tpu.memref_slice %arg4[%dma_wait3A_1775, %dma_wait3A_1777, %dma_wait3A_1778] : memref<3x16x2048xf32, #tpu.memory_space<vmem>> -> memref<1x16x2048xf32, #tpu.memory_space<vmem>>
    %dma_wait3A_1780 = tpu.memref_squeeze %dma_wait3A_1779 : memref<1x16x2048xf32, #tpu.memory_space<vmem>> -> memref<16x2048xf32, #tpu.memory_space<vmem>>
    %dma_wait3A_1781 = arith.constant 0 : i32
    %dma_wait3A_1782 = tpu.memref_slice %arg2[%add3A_1774, %dma_wait3A_1781] : memref<28672x2048xf32, #tpu.memory_space<hbm>> -> memref<16x2048xf32, #tpu.memory_space<hbm>>
    %dma_wait3A_1783 = tpu.memref_slice %arg5[%dma_wait3A_1776] : memref<3x!tpu.dma_semaphore, #tpu.memory_space<semaphore_mem>> -> memref<1x!tpu.dma_semaphore, #tpu.memory_space<semaphore_mem>>
    %dma_wait3A_1784 = tpu.memref_squeeze %dma_wait3A_1783 : memref<1x!tpu.dma_semaphore, #tpu.memory_space<semaphore_mem>> -> memref<!tpu.dma_semaphore, #tpu.memory_space<semaphore_mem>>
    %dma_wait3A_1785 = arith.constant 0 : i32
    %dma_wait3A_1786 = arith.constant 0 : i32
    %dma_wait3A_1787 = tpu.memref_slice %arg4[%dma_wait3A_1775, %dma_wait3A_1785, %dma_wait3A_1786] : memref<3x16x2048xf32, #tpu.memory_space<vmem>> -> memref<1x16x2048xf32, #tpu.memory_space<vmem>>
    %dma_wait3A_1788 = tpu.memref_squeeze %dma_wait3A_1787 : memref<1x16x2048xf32, #tpu.memory_space<vmem>> -> memref<16x2048xf32, #tpu.memory_space<vmem>>
    %dma_wait3A_1789 = arith.constant 0 : i32
    %dma_wait3A_1790 = tpu.memref_slice %arg2[%add3A_1774, %dma_wait3A_1789] : memref<28672x2048xf32, #tpu.memory_space<hbm>> -> memref<16x2048xf32, #tpu.memory_space<hbm>>
    tpu.wait_dma2 semaphore(%dma_wait3A_1784 : memref<!tpu.dma_semaphore, #tpu.memory_space<semaphore_mem>>) src(%dma_wait3A_1790 : memref<16x2048xf32, #tpu.memory_space<hbm>>) dst(%dma_wait3A_1788 : memref<16x2048xf32, #tpu.memory_space<vmem>>)
    %add3A_1791 = arith.constant 368 : i32
    %add3A_1792 = arith.addi %mul3A_64, %add3A_1791 : i32
    %dma_start3A_1793 = arith.constant 2 : i32
    %dma_start3A_1794 = arith.constant 2 : i32
    %dma_start3A_1795 = arith.constant 0 : i32
    %dma_start3A_1796 = arith.constant 0 : i32
    %dma_start3A_1797 = tpu.memref_slice %arg4[%dma_start3A_1793, %dma_start3A_1795, %dma_start3A_1796] : memref<3x16x2048xf32, #tpu.memory_space<vmem>> -> memref<1x16x2048xf32, #tpu.memory_space<vmem>>
    %dma_start3A_1798 = tpu.memref_squeeze %dma_start3A_1797 : memref<1x16x2048xf32, #tpu.memory_space<vmem>> -> memref<16x2048xf32, #tpu.memory_space<vmem>>
    %dma_start3A_1799 = arith.constant 0 : i32
    %dma_start3A_1800 = tpu.memref_slice %arg3[%add3A_1792, %dma_start3A_1799] : memref<16384x2048xf32, #tpu.memory_space<hbm>> -> memref<16x2048xf32, #tpu.memory_space<hbm>>
    %dma_start3A_1801 = tpu.memref_slice %arg6[%dma_start3A_1794] : memref<3x!tpu.dma_semaphore, #tpu.memory_space<semaphore_mem>> -> memref<1x!tpu.dma_semaphore, #tpu.memory_space<semaphore_mem>>
    %dma_start3A_1802 = tpu.memref_squeeze %dma_start3A_1801 : memref<1x!tpu.dma_semaphore, #tpu.memory_space<semaphore_mem>> -> memref<!tpu.dma_semaphore, #tpu.memory_space<semaphore_mem>>
    %dma_start3A_1803 = arith.constant 0 : i32
    %dma_start3A_1804 = tpu.memref_slice %arg3[%add3A_1792, %dma_start3A_1803] : memref<16384x2048xf32, #tpu.memory_space<hbm>> -> memref<16x2048xf32, #tpu.memory_space<hbm>>
    %dma_start3A_1805 = arith.constant 0 : i32
    %dma_start3A_1806 = arith.constant 0 : i32
    %dma_start3A_1807 = tpu.memref_slice %arg4[%dma_start3A_1793, %dma_start3A_1805, %dma_start3A_1806] : memref<3x16x2048xf32, #tpu.memory_space<vmem>> -> memref<1x16x2048xf32, #tpu.memory_space<vmem>>
    %dma_start3A_1808 = tpu.memref_squeeze %dma_start3A_1807 : memref<1x16x2048xf32, #tpu.memory_space<vmem>> -> memref<16x2048xf32, #tpu.memory_space<vmem>>
    tpu.enqueue_dma source(%dma_start3A_1808 : memref<16x2048xf32, #tpu.memory_space<vmem>>) target(%dma_start3A_1804 : memref<16x2048xf32, #tpu.memory_space<hbm>>) target_semaphore(%dma_start3A_1802 : memref<!tpu.dma_semaphore, #tpu.memory_space<semaphore_mem>>)
    %add3A_1809 = arith.constant 368 : i32
    %add3A_1810 = arith.addi %mul3A_64, %add3A_1809 : i32
    %dma_wait3A_1811 = arith.constant 2 : i32
    %dma_wait3A_1812 = arith.constant 2 : i32
    %dma_wait3A_1813 = arith.constant 0 : i32
    %dma_wait3A_1814 = arith.constant 0 : i32
    %dma_wait3A_1815 = tpu.memref_slice %arg4[%dma_wait3A_1811, %dma_wait3A_1813, %dma_wait3A_1814] : memref<3x16x2048xf32, #tpu.memory_space<vmem>> -> memref<1x16x2048xf32, #tpu.memory_space<vmem>>
    %dma_wait3A_1816 = tpu.memref_squeeze %dma_wait3A_1815 : memref<1x16x2048xf32, #tpu.memory_space<vmem>> -> memref<16x2048xf32, #tpu.memory_space<vmem>>
    %dma_wait3A_1817 = arith.constant 0 : i32
    %dma_wait3A_1818 = tpu.memref_slice %arg3[%add3A_1810, %dma_wait3A_1817] : memref<16384x2048xf32, #tpu.memory_space<hbm>> -> memref<16x2048xf32, #tpu.memory_space<hbm>>
    %dma_wait3A_1819 = tpu.memref_slice %arg6[%dma_wait3A_1812] : memref<3x!tpu.dma_semaphore, #tpu.memory_space<semaphore_mem>> -> memref<1x!tpu.dma_semaphore, #tpu.memory_space<semaphore_mem>>
    %dma_wait3A_1820 = tpu.memref_squeeze %dma_wait3A_1819 : memref<1x!tpu.dma_semaphore, #tpu.memory_space<semaphore_mem>> -> memref<!tpu.dma_semaphore, #tpu.memory_space<semaphore_mem>>
    %dma_wait3A_1821 = arith.constant 0 : i32
    %dma_wait3A_1822 = tpu.memref_slice %arg3[%add3A_1810, %dma_wait3A_1821] : memref<16384x2048xf32, #tpu.memory_space<hbm>> -> memref<16x2048xf32, #tpu.memory_space<hbm>>
    %dma_wait3A_1823 = arith.constant 0 : i32
    %dma_wait3A_1824 = arith.constant 0 : i32
    %dma_wait3A_1825 = tpu.memref_slice %arg4[%dma_wait3A_1811, %dma_wait3A_1823, %dma_wait3A_1824] : memref<3x16x2048xf32, #tpu.memory_space<vmem>> -> memref<1x16x2048xf32, #tpu.memory_space<vmem>>
    %dma_wait3A_1826 = tpu.memref_squeeze %dma_wait3A_1825 : memref<1x16x2048xf32, #tpu.memory_space<vmem>> -> memref<16x2048xf32, #tpu.memory_space<vmem>>
    tpu.wait_dma2 semaphore(%dma_wait3A_1820 : memref<!tpu.dma_semaphore, #tpu.memory_space<semaphore_mem>>) src(%dma_wait3A_1826 : memref<16x2048xf32, #tpu.memory_space<vmem>>) dst(%dma_wait3A_1822 : memref<16x2048xf32, #tpu.memory_space<hbm>>)
    %add3A_1827 = arith.constant 416 : i32
    %add3A_1828 = arith.addi %add3A_62, %add3A_1827 : i32
    %dma_start3A_1829 = arith.constant 2 : i32
    %dma_start3A_1830 = arith.constant 2 : i32
    %dma_start3A_1831 = arith.constant 0 : i32
    %dma_start3A_1832 = arith.constant 0 : i32
    %dma_start3A_1833 = tpu.memref_slice %arg4[%dma_start3A_1829, %dma_start3A_1831, %dma_start3A_1832] : memref<3x16x2048xf32, #tpu.memory_space<vmem>> -> memref<1x16x2048xf32, #tpu.memory_space<vmem>>
    %dma_start3A_1834 = tpu.memref_squeeze %dma_start3A_1833 : memref<1x16x2048xf32, #tpu.memory_space<vmem>> -> memref<16x2048xf32, #tpu.memory_space<vmem>>
    %dma_start3A_1835 = arith.constant 0 : i32
    %dma_start3A_1836 = tpu.memref_slice %arg2[%add3A_1828, %dma_start3A_1835] : memref<28672x2048xf32, #tpu.memory_space<hbm>> -> memref<16x2048xf32, #tpu.memory_space<hbm>>
    %dma_start3A_1837 = tpu.memref_slice %arg5[%dma_start3A_1830] : memref<3x!tpu.dma_semaphore, #tpu.memory_space<semaphore_mem>> -> memref<1x!tpu.dma_semaphore, #tpu.memory_space<semaphore_mem>>
    %dma_start3A_1838 = tpu.memref_squeeze %dma_start3A_1837 : memref<1x!tpu.dma_semaphore, #tpu.memory_space<semaphore_mem>> -> memref<!tpu.dma_semaphore, #tpu.memory_space<semaphore_mem>>
    %dma_start3A_1839 = arith.constant 0 : i32
    %dma_start3A_1840 = arith.constant 0 : i32
    %dma_start3A_1841 = tpu.memref_slice %arg4[%dma_start3A_1829, %dma_start3A_1839, %dma_start3A_1840] : memref<3x16x2048xf32, #tpu.memory_space<vmem>> -> memref<1x16x2048xf32, #tpu.memory_space<vmem>>
    %dma_start3A_1842 = tpu.memref_squeeze %dma_start3A_1841 : memref<1x16x2048xf32, #tpu.memory_space<vmem>> -> memref<16x2048xf32, #tpu.memory_space<vmem>>
    %dma_start3A_1843 = arith.constant 0 : i32
    %dma_start3A_1844 = tpu.memref_slice %arg2[%add3A_1828, %dma_start3A_1843] : memref<28672x2048xf32, #tpu.memory_space<hbm>> -> memref<16x2048xf32, #tpu.memory_space<hbm>>
    tpu.enqueue_dma source(%dma_start3A_1844 : memref<16x2048xf32, #tpu.memory_space<hbm>>) target(%dma_start3A_1842 : memref<16x2048xf32, #tpu.memory_space<vmem>>) target_semaphore(%dma_start3A_1838 : memref<!tpu.dma_semaphore, #tpu.memory_space<semaphore_mem>>)
    %add3A_1845 = arith.constant 384 : i32
    %add3A_1846 = arith.addi %add3A_62, %add3A_1845 : i32
    %dma_wait3A_1847 = arith.constant 0 : i32
    %dma_wait3A_1848 = arith.constant 0 : i32
    %dma_wait3A_1849 = arith.constant 0 : i32
    %dma_wait3A_1850 = arith.constant 0 : i32
    %dma_wait3A_1851 = tpu.memref_slice %arg4[%dma_wait3A_1847, %dma_wait3A_1849, %dma_wait3A_1850] : memref<3x16x2048xf32, #tpu.memory_space<vmem>> -> memref<1x16x2048xf32, #tpu.memory_space<vmem>>
    %dma_wait3A_1852 = tpu.memref_squeeze %dma_wait3A_1851 : memref<1x16x2048xf32, #tpu.memory_space<vmem>> -> memref<16x2048xf32, #tpu.memory_space<vmem>>
    %dma_wait3A_1853 = arith.constant 0 : i32
    %dma_wait3A_1854 = tpu.memref_slice %arg2[%add3A_1846, %dma_wait3A_1853] : memref<28672x2048xf32, #tpu.memory_space<hbm>> -> memref<16x2048xf32, #tpu.memory_space<hbm>>
    %dma_wait3A_1855 = tpu.memref_slice %arg5[%dma_wait3A_1848] : memref<3x!tpu.dma_semaphore, #tpu.memory_space<semaphore_mem>> -> memref<1x!tpu.dma_semaphore, #tpu.memory_space<semaphore_mem>>
    %dma_wait3A_1856 = tpu.memref_squeeze %dma_wait3A_1855 : memref<1x!tpu.dma_semaphore, #tpu.memory_space<semaphore_mem>> -> memref<!tpu.dma_semaphore, #tpu.memory_space<semaphore_mem>>
    %dma_wait3A_1857 = arith.constant 0 : i32
    %dma_wait3A_1858 = arith.constant 0 : i32
    %dma_wait3A_1859 = tpu.memref_slice %arg4[%dma_wait3A_1847, %dma_wait3A_1857, %dma_wait3A_1858] : memref<3x16x2048xf32, #tpu.memory_space<vmem>> -> memref<1x16x2048xf32, #tpu.memory_space<vmem>>
    %dma_wait3A_1860 = tpu.memref_squeeze %dma_wait3A_1859 : memref<1x16x2048xf32, #tpu.memory_space<vmem>> -> memref<16x2048xf32, #tpu.memory_space<vmem>>
    %dma_wait3A_1861 = arith.constant 0 : i32
    %dma_wait3A_1862 = tpu.memref_slice %arg2[%add3A_1846, %dma_wait3A_1861] : memref<28672x2048xf32, #tpu.memory_space<hbm>> -> memref<16x2048xf32, #tpu.memory_space<hbm>>
    tpu.wait_dma2 semaphore(%dma_wait3A_1856 : memref<!tpu.dma_semaphore, #tpu.memory_space<semaphore_mem>>) src(%dma_wait3A_1862 : memref<16x2048xf32, #tpu.memory_space<hbm>>) dst(%dma_wait3A_1860 : memref<16x2048xf32, #tpu.memory_space<vmem>>)
    %add3A_1863 = arith.constant 384 : i32
    %add3A_1864 = arith.addi %mul3A_64, %add3A_1863 : i32
    %dma_start3A_1865 = arith.constant 0 : i32
    %dma_start3A_1866 = arith.constant 0 : i32
    %dma_start3A_1867 = arith.constant 0 : i32
    %dma_start3A_1868 = arith.constant 0 : i32
    %dma_start3A_1869 = tpu.memref_slice %arg4[%dma_start3A_1865, %dma_start3A_1867, %dma_start3A_1868] : memref<3x16x2048xf32, #tpu.memory_space<vmem>> -> memref<1x16x2048xf32, #tpu.memory_space<vmem>>
    %dma_start3A_1870 = tpu.memref_squeeze %dma_start3A_1869 : memref<1x16x2048xf32, #tpu.memory_space<vmem>> -> memref<16x2048xf32, #tpu.memory_space<vmem>>
    %dma_start3A_1871 = arith.constant 0 : i32
    %dma_start3A_1872 = tpu.memref_slice %arg3[%add3A_1864, %dma_start3A_1871] : memref<16384x2048xf32, #tpu.memory_space<hbm>> -> memref<16x2048xf32, #tpu.memory_space<hbm>>
    %dma_start3A_1873 = tpu.memref_slice %arg6[%dma_start3A_1866] : memref<3x!tpu.dma_semaphore, #tpu.memory_space<semaphore_mem>> -> memref<1x!tpu.dma_semaphore, #tpu.memory_space<semaphore_mem>>
    %dma_start3A_1874 = tpu.memref_squeeze %dma_start3A_1873 : memref<1x!tpu.dma_semaphore, #tpu.memory_space<semaphore_mem>> -> memref<!tpu.dma_semaphore, #tpu.memory_space<semaphore_mem>>
    %dma_start3A_1875 = arith.constant 0 : i32
    %dma_start3A_1876 = tpu.memref_slice %arg3[%add3A_1864, %dma_start3A_1875] : memref<16384x2048xf32, #tpu.memory_space<hbm>> -> memref<16x2048xf32, #tpu.memory_space<hbm>>
    %dma_start3A_1877 = arith.constant 0 : i32
    %dma_start3A_1878 = arith.constant 0 : i32
    %dma_start3A_1879 = tpu.memref_slice %arg4[%dma_start3A_1865, %dma_start3A_1877, %dma_start3A_1878] : memref<3x16x2048xf32, #tpu.memory_space<vmem>> -> memref<1x16x2048xf32, #tpu.memory_space<vmem>>
    %dma_start3A_1880 = tpu.memref_squeeze %dma_start3A_1879 : memref<1x16x2048xf32, #tpu.memory_space<vmem>> -> memref<16x2048xf32, #tpu.memory_space<vmem>>
    tpu.enqueue_dma source(%dma_start3A_1880 : memref<16x2048xf32, #tpu.memory_space<vmem>>) target(%dma_start3A_1876 : memref<16x2048xf32, #tpu.memory_space<hbm>>) target_semaphore(%dma_start3A_1874 : memref<!tpu.dma_semaphore, #tpu.memory_space<semaphore_mem>>)
    %add3A_1881 = arith.constant 384 : i32
    %add3A_1882 = arith.addi %mul3A_64, %add3A_1881 : i32
    %dma_wait3A_1883 = arith.constant 0 : i32
    %dma_wait3A_1884 = arith.constant 0 : i32
    %dma_wait3A_1885 = arith.constant 0 : i32
    %dma_wait3A_1886 = arith.constant 0 : i32
    %dma_wait3A_1887 = tpu.memref_slice %arg4[%dma_wait3A_1883, %dma_wait3A_1885, %dma_wait3A_1886] : memref<3x16x2048xf32, #tpu.memory_space<vmem>> -> memref<1x16x2048xf32, #tpu.memory_space<vmem>>
    %dma_wait3A_1888 = tpu.memref_squeeze %dma_wait3A_1887 : memref<1x16x2048xf32, #tpu.memory_space<vmem>> -> memref<16x2048xf32, #tpu.memory_space<vmem>>
    %dma_wait3A_1889 = arith.constant 0 : i32
    %dma_wait3A_1890 = tpu.memref_slice %arg3[%add3A_1882, %dma_wait3A_1889] : memref<16384x2048xf32, #tpu.memory_space<hbm>> -> memref<16x2048xf32, #tpu.memory_space<hbm>>
    %dma_wait3A_1891 = tpu.memref_slice %arg6[%dma_wait3A_1884] : memref<3x!tpu.dma_semaphore, #tpu.memory_space<semaphore_mem>> -> memref<1x!tpu.dma_semaphore, #tpu.memory_space<semaphore_mem>>
    %dma_wait3A_1892 = tpu.memref_squeeze %dma_wait3A_1891 : memref<1x!tpu.dma_semaphore, #tpu.memory_space<semaphore_mem>> -> memref<!tpu.dma_semaphore, #tpu.memory_space<semaphore_mem>>
    %dma_wait3A_1893 = arith.constant 0 : i32
    %dma_wait3A_1894 = tpu.memref_slice %arg3[%add3A_1882, %dma_wait3A_1893] : memref<16384x2048xf32, #tpu.memory_space<hbm>> -> memref<16x2048xf32, #tpu.memory_space<hbm>>
    %dma_wait3A_1895 = arith.constant 0 : i32
    %dma_wait3A_1896 = arith.constant 0 : i32
    %dma_wait3A_1897 = tpu.memref_slice %arg4[%dma_wait3A_1883, %dma_wait3A_1895, %dma_wait3A_1896] : memref<3x16x2048xf32, #tpu.memory_space<vmem>> -> memref<1x16x2048xf32, #tpu.memory_space<vmem>>
    %dma_wait3A_1898 = tpu.memref_squeeze %dma_wait3A_1897 : memref<1x16x2048xf32, #tpu.memory_space<vmem>> -> memref<16x2048xf32, #tpu.memory_space<vmem>>
    tpu.wait_dma2 semaphore(%dma_wait3A_1892 : memref<!tpu.dma_semaphore, #tpu.memory_space<semaphore_mem>>) src(%dma_wait3A_1898 : memref<16x2048xf32, #tpu.memory_space<vmem>>) dst(%dma_wait3A_1894 : memref<16x2048xf32, #tpu.memory_space<hbm>>)
    %add3A_1899 = arith.constant 432 : i32
    %add3A_1900 = arith.addi %add3A_62, %add3A_1899 : i32
    %dma_start3A_1901 = arith.constant 0 : i32
    %dma_start3A_1902 = arith.constant 0 : i32
    %dma_start3A_1903 = arith.constant 0 : i32
    %dma_start3A_1904 = arith.constant 0 : i32
    %dma_start3A_1905 = tpu.memref_slice %arg4[%dma_start3A_1901, %dma_start3A_1903, %dma_start3A_1904] : memref<3x16x2048xf32, #tpu.memory_space<vmem>> -> memref<1x16x2048xf32, #tpu.memory_space<vmem>>
    %dma_start3A_1906 = tpu.memref_squeeze %dma_start3A_1905 : memref<1x16x2048xf32, #tpu.memory_space<vmem>> -> memref<16x2048xf32, #tpu.memory_space<vmem>>
    %dma_start3A_1907 = arith.constant 0 : i32
    %dma_start3A_1908 = tpu.memref_slice %arg2[%add3A_1900, %dma_start3A_1907] : memref<28672x2048xf32, #tpu.memory_space<hbm>> -> memref<16x2048xf32, #tpu.memory_space<hbm>>
    %dma_start3A_1909 = tpu.memref_slice %arg5[%dma_start3A_1902] : memref<3x!tpu.dma_semaphore, #tpu.memory_space<semaphore_mem>> -> memref<1x!tpu.dma_semaphore, #tpu.memory_space<semaphore_mem>>
    %dma_start3A_1910 = tpu.memref_squeeze %dma_start3A_1909 : memref<1x!tpu.dma_semaphore, #tpu.memory_space<semaphore_mem>> -> memref<!tpu.dma_semaphore, #tpu.memory_space<semaphore_mem>>
    %dma_start3A_1911 = arith.constant 0 : i32
    %dma_start3A_1912 = arith.constant 0 : i32
    %dma_start3A_1913 = tpu.memref_slice %arg4[%dma_start3A_1901, %dma_start3A_1911, %dma_start3A_1912] : memref<3x16x2048xf32, #tpu.memory_space<vmem>> -> memref<1x16x2048xf32, #tpu.memory_space<vmem>>
    %dma_start3A_1914 = tpu.memref_squeeze %dma_start3A_1913 : memref<1x16x2048xf32, #tpu.memory_space<vmem>> -> memref<16x2048xf32, #tpu.memory_space<vmem>>
    %dma_start3A_1915 = arith.constant 0 : i32
    %dma_start3A_1916 = tpu.memref_slice %arg2[%add3A_1900, %dma_start3A_1915] : memref<28672x2048xf32, #tpu.memory_space<hbm>> -> memref<16x2048xf32, #tpu.memory_space<hbm>>
    tpu.enqueue_dma source(%dma_start3A_1916 : memref<16x2048xf32, #tpu.memory_space<hbm>>) target(%dma_start3A_1914 : memref<16x2048xf32, #tpu.memory_space<vmem>>) target_semaphore(%dma_start3A_1910 : memref<!tpu.dma_semaphore, #tpu.memory_space<semaphore_mem>>)
    %add3A_1917 = arith.constant 400 : i32
    %add3A_1918 = arith.addi %add3A_62, %add3A_1917 : i32
    %dma_wait3A_1919 = arith.constant 1 : i32
    %dma_wait3A_1920 = arith.constant 1 : i32
    %dma_wait3A_1921 = arith.constant 0 : i32
    %dma_wait3A_1922 = arith.constant 0 : i32
    %dma_wait3A_1923 = tpu.memref_slice %arg4[%dma_wait3A_1919, %dma_wait3A_1921, %dma_wait3A_1922] : memref<3x16x2048xf32, #tpu.memory_space<vmem>> -> memref<1x16x2048xf32, #tpu.memory_space<vmem>>
    %dma_wait3A_1924 = tpu.memref_squeeze %dma_wait3A_1923 : memref<1x16x2048xf32, #tpu.memory_space<vmem>> -> memref<16x2048xf32, #tpu.memory_space<vmem>>
    %dma_wait3A_1925 = arith.constant 0 : i32
    %dma_wait3A_1926 = tpu.memref_slice %arg2[%add3A_1918, %dma_wait3A_1925] : memref<28672x2048xf32, #tpu.memory_space<hbm>> -> memref<16x2048xf32, #tpu.memory_space<hbm>>
    %dma_wait3A_1927 = tpu.memref_slice %arg5[%dma_wait3A_1920] : memref<3x!tpu.dma_semaphore, #tpu.memory_space<semaphore_mem>> -> memref<1x!tpu.dma_semaphore, #tpu.memory_space<semaphore_mem>>
    %dma_wait3A_1928 = tpu.memref_squeeze %dma_wait3A_1927 : memref<1x!tpu.dma_semaphore, #tpu.memory_space<semaphore_mem>> -> memref<!tpu.dma_semaphore, #tpu.memory_space<semaphore_mem>>
    %dma_wait3A_1929 = arith.constant 0 : i32
    %dma_wait3A_1930 = arith.constant 0 : i32
    %dma_wait3A_1931 = tpu.memref_slice %arg4[%dma_wait3A_1919, %dma_wait3A_1929, %dma_wait3A_1930] : memref<3x16x2048xf32, #tpu.memory_space<vmem>> -> memref<1x16x2048xf32, #tpu.memory_space<vmem>>
    %dma_wait3A_1932 = tpu.memref_squeeze %dma_wait3A_1931 : memref<1x16x2048xf32, #tpu.memory_space<vmem>> -> memref<16x2048xf32, #tpu.memory_space<vmem>>
    %dma_wait3A_1933 = arith.constant 0 : i32
    %dma_wait3A_1934 = tpu.memref_slice %arg2[%add3A_1918, %dma_wait3A_1933] : memref<28672x2048xf32, #tpu.memory_space<hbm>> -> memref<16x2048xf32, #tpu.memory_space<hbm>>
    tpu.wait_dma2 semaphore(%dma_wait3A_1928 : memref<!tpu.dma_semaphore, #tpu.memory_space<semaphore_mem>>) src(%dma_wait3A_1934 : memref<16x2048xf32, #tpu.memory_space<hbm>>) dst(%dma_wait3A_1932 : memref<16x2048xf32, #tpu.memory_space<vmem>>)
    %add3A_1935 = arith.constant 400 : i32
    %add3A_1936 = arith.addi %mul3A_64, %add3A_1935 : i32
    %dma_start3A_1937 = arith.constant 1 : i32
    %dma_start3A_1938 = arith.constant 1 : i32
    %dma_start3A_1939 = arith.constant 0 : i32
    %dma_start3A_1940 = arith.constant 0 : i32
    %dma_start3A_1941 = tpu.memref_slice %arg4[%dma_start3A_1937, %dma_start3A_1939, %dma_start3A_1940] : memref<3x16x2048xf32, #tpu.memory_space<vmem>> -> memref<1x16x2048xf32, #tpu.memory_space<vmem>>
    %dma_start3A_1942 = tpu.memref_squeeze %dma_start3A_1941 : memref<1x16x2048xf32, #tpu.memory_space<vmem>> -> memref<16x2048xf32, #tpu.memory_space<vmem>>
    %dma_start3A_1943 = arith.constant 0 : i32
    %dma_start3A_1944 = tpu.memref_slice %arg3[%add3A_1936, %dma_start3A_1943] : memref<16384x2048xf32, #tpu.memory_space<hbm>> -> memref<16x2048xf32, #tpu.memory_space<hbm>>
    %dma_start3A_1945 = tpu.memref_slice %arg6[%dma_start3A_1938] : memref<3x!tpu.dma_semaphore, #tpu.memory_space<semaphore_mem>> -> memref<1x!tpu.dma_semaphore, #tpu.memory_space<semaphore_mem>>
    %dma_start3A_1946 = tpu.memref_squeeze %dma_start3A_1945 : memref<1x!tpu.dma_semaphore, #tpu.memory_space<semaphore_mem>> -> memref<!tpu.dma_semaphore, #tpu.memory_space<semaphore_mem>>
    %dma_start3A_1947 = arith.constant 0 : i32
    %dma_start3A_1948 = tpu.memref_slice %arg3[%add3A_1936, %dma_start3A_1947] : memref<16384x2048xf32, #tpu.memory_space<hbm>> -> memref<16x2048xf32, #tpu.memory_space<hbm>>
    %dma_start3A_1949 = arith.constant 0 : i32
    %dma_start3A_1950 = arith.constant 0 : i32
    %dma_start3A_1951 = tpu.memref_slice %arg4[%dma_start3A_1937, %dma_start3A_1949, %dma_start3A_1950] : memref<3x16x2048xf32, #tpu.memory_space<vmem>> -> memref<1x16x2048xf32, #tpu.memory_space<vmem>>
    %dma_start3A_1952 = tpu.memref_squeeze %dma_start3A_1951 : memref<1x16x2048xf32, #tpu.memory_space<vmem>> -> memref<16x2048xf32, #tpu.memory_space<vmem>>
    tpu.enqueue_dma source(%dma_start3A_1952 : memref<16x2048xf32, #tpu.memory_space<vmem>>) target(%dma_start3A_1948 : memref<16x2048xf32, #tpu.memory_space<hbm>>) target_semaphore(%dma_start3A_1946 : memref<!tpu.dma_semaphore, #tpu.memory_space<semaphore_mem>>)
    %add3A_1953 = arith.constant 400 : i32
    %add3A_1954 = arith.addi %mul3A_64, %add3A_1953 : i32
    %dma_wait3A_1955 = arith.constant 1 : i32
    %dma_wait3A_1956 = arith.constant 1 : i32
    %dma_wait3A_1957 = arith.constant 0 : i32
    %dma_wait3A_1958 = arith.constant 0 : i32
    %dma_wait3A_1959 = tpu.memref_slice %arg4[%dma_wait3A_1955, %dma_wait3A_1957, %dma_wait3A_1958] : memref<3x16x2048xf32, #tpu.memory_space<vmem>> -> memref<1x16x2048xf32, #tpu.memory_space<vmem>>
    %dma_wait3A_1960 = tpu.memref_squeeze %dma_wait3A_1959 : memref<1x16x2048xf32, #tpu.memory_space<vmem>> -> memref<16x2048xf32, #tpu.memory_space<vmem>>
    %dma_wait3A_1961 = arith.constant 0 : i32
    %dma_wait3A_1962 = tpu.memref_slice %arg3[%add3A_1954, %dma_wait3A_1961] : memref<16384x2048xf32, #tpu.memory_space<hbm>> -> memref<16x2048xf32, #tpu.memory_space<hbm>>
    %dma_wait3A_1963 = tpu.memref_slice %arg6[%dma_wait3A_1956] : memref<3x!tpu.dma_semaphore, #tpu.memory_space<semaphore_mem>> -> memref<1x!tpu.dma_semaphore, #tpu.memory_space<semaphore_mem>>
    %dma_wait3A_1964 = tpu.memref_squeeze %dma_wait3A_1963 : memref<1x!tpu.dma_semaphore, #tpu.memory_space<semaphore_mem>> -> memref<!tpu.dma_semaphore, #tpu.memory_space<semaphore_mem>>
    %dma_wait3A_1965 = arith.constant 0 : i32
    %dma_wait3A_1966 = tpu.memref_slice %arg3[%add3A_1954, %dma_wait3A_1965] : memref<16384x2048xf32, #tpu.memory_space<hbm>> -> memref<16x2048xf32, #tpu.memory_space<hbm>>
    %dma_wait3A_1967 = arith.constant 0 : i32
    %dma_wait3A_1968 = arith.constant 0 : i32
    %dma_wait3A_1969 = tpu.memref_slice %arg4[%dma_wait3A_1955, %dma_wait3A_1967, %dma_wait3A_1968] : memref<3x16x2048xf32, #tpu.memory_space<vmem>> -> memref<1x16x2048xf32, #tpu.memory_space<vmem>>
    %dma_wait3A_1970 = tpu.memref_squeeze %dma_wait3A_1969 : memref<1x16x2048xf32, #tpu.memory_space<vmem>> -> memref<16x2048xf32, #tpu.memory_space<vmem>>
    tpu.wait_dma2 semaphore(%dma_wait3A_1964 : memref<!tpu.dma_semaphore, #tpu.memory_space<semaphore_mem>>) src(%dma_wait3A_1970 : memref<16x2048xf32, #tpu.memory_space<vmem>>) dst(%dma_wait3A_1966 : memref<16x2048xf32, #tpu.memory_space<hbm>>)
    %add3A_1971 = arith.constant 448 : i32
    %add3A_1972 = arith.addi %add3A_62, %add3A_1971 : i32
    %dma_start3A_1973 = arith.constant 1 : i32
    %dma_start3A_1974 = arith.constant 1 : i32
    %dma_start3A_1975 = arith.constant 0 : i32
    %dma_start3A_1976 = arith.constant 0 : i32
    %dma_start3A_1977 = tpu.memref_slice %arg4[%dma_start3A_1973, %dma_start3A_1975, %dma_start3A_1976] : memref<3x16x2048xf32, #tpu.memory_space<vmem>> -> memref<1x16x2048xf32, #tpu.memory_space<vmem>>
    %dma_start3A_1978 = tpu.memref_squeeze %dma_start3A_1977 : memref<1x16x2048xf32, #tpu.memory_space<vmem>> -> memref<16x2048xf32, #tpu.memory_space<vmem>>
    %dma_start3A_1979 = arith.constant 0 : i32
    %dma_start3A_1980 = tpu.memref_slice %arg2[%add3A_1972, %dma_start3A_1979] : memref<28672x2048xf32, #tpu.memory_space<hbm>> -> memref<16x2048xf32, #tpu.memory_space<hbm>>
    %dma_start3A_1981 = tpu.memref_slice %arg5[%dma_start3A_1974] : memref<3x!tpu.dma_semaphore, #tpu.memory_space<semaphore_mem>> -> memref<1x!tpu.dma_semaphore, #tpu.memory_space<semaphore_mem>>
    %dma_start3A_1982 = tpu.memref_squeeze %dma_start3A_1981 : memref<1x!tpu.dma_semaphore, #tpu.memory_space<semaphore_mem>> -> memref<!tpu.dma_semaphore, #tpu.memory_space<semaphore_mem>>
    %dma_start3A_1983 = arith.constant 0 : i32
    %dma_start3A_1984 = arith.constant 0 : i32
    %dma_start3A_1985 = tpu.memref_slice %arg4[%dma_start3A_1973, %dma_start3A_1983, %dma_start3A_1984] : memref<3x16x2048xf32, #tpu.memory_space<vmem>> -> memref<1x16x2048xf32, #tpu.memory_space<vmem>>
    %dma_start3A_1986 = tpu.memref_squeeze %dma_start3A_1985 : memref<1x16x2048xf32, #tpu.memory_space<vmem>> -> memref<16x2048xf32, #tpu.memory_space<vmem>>
    %dma_start3A_1987 = arith.constant 0 : i32
    %dma_start3A_1988 = tpu.memref_slice %arg2[%add3A_1972, %dma_start3A_1987] : memref<28672x2048xf32, #tpu.memory_space<hbm>> -> memref<16x2048xf32, #tpu.memory_space<hbm>>
    tpu.enqueue_dma source(%dma_start3A_1988 : memref<16x2048xf32, #tpu.memory_space<hbm>>) target(%dma_start3A_1986 : memref<16x2048xf32, #tpu.memory_space<vmem>>) target_semaphore(%dma_start3A_1982 : memref<!tpu.dma_semaphore, #tpu.memory_space<semaphore_mem>>)
    %add3A_1989 = arith.constant 416 : i32
    %add3A_1990 = arith.addi %add3A_62, %add3A_1989 : i32
    %dma_wait3A_1991 = arith.constant 2 : i32
    %dma_wait3A_1992 = arith.constant 2 : i32
    %dma_wait3A_1993 = arith.constant 0 : i32
    %dma_wait3A_1994 = arith.constant 0 : i32
    %dma_wait3A_1995 = tpu.memref_slice %arg4[%dma_wait3A_1991, %dma_wait3A_1993, %dma_wait3A_1994] : memref<3x16x2048xf32, #tpu.memory_space<vmem>> -> memref<1x16x2048xf32, #tpu.memory_space<vmem>>
    %dma_wait3A_1996 = tpu.memref_squeeze %dma_wait3A_1995 : memref<1x16x2048xf32, #tpu.memory_space<vmem>> -> memref<16x2048xf32, #tpu.memory_space<vmem>>
    %dma_wait3A_1997 = arith.constant 0 : i32
    %dma_wait3A_1998 = tpu.memref_slice %arg2[%add3A_1990, %dma_wait3A_1997] : memref<28672x2048xf32, #tpu.memory_space<hbm>> -> memref<16x2048xf32, #tpu.memory_space<hbm>>
    %dma_wait3A_1999 = tpu.memref_slice %arg5[%dma_wait3A_1992] : memref<3x!tpu.dma_semaphore, #tpu.memory_space<semaphore_mem>> -> memref<1x!tpu.dma_semaphore, #tpu.memory_space<semaphore_mem>>
    %dma_wait3A_2000 = tpu.memref_squeeze %dma_wait3A_1999 : memref<1x!tpu.dma_semaphore, #tpu.memory_space<semaphore_mem>> -> memref<!tpu.dma_semaphore, #tpu.memory_space<semaphore_mem>>
    %dma_wait3A_2001 = arith.constant 0 : i32
    %dma_wait3A_2002 = arith.constant 0 : i32
    %dma_wait3A_2003 = tpu.memref_slice %arg4[%dma_wait3A_1991, %dma_wait3A_2001, %dma_wait3A_2002] : memref<3x16x2048xf32, #tpu.memory_space<vmem>> -> memref<1x16x2048xf32, #tpu.memory_space<vmem>>
    %dma_wait3A_2004 = tpu.memref_squeeze %dma_wait3A_2003 : memref<1x16x2048xf32, #tpu.memory_space<vmem>> -> memref<16x2048xf32, #tpu.memory_space<vmem>>
    %dma_wait3A_2005 = arith.constant 0 : i32
    %dma_wait3A_2006 = tpu.memref_slice %arg2[%add3A_1990, %dma_wait3A_2005] : memref<28672x2048xf32, #tpu.memory_space<hbm>> -> memref<16x2048xf32, #tpu.memory_space<hbm>>
    tpu.wait_dma2 semaphore(%dma_wait3A_2000 : memref<!tpu.dma_semaphore, #tpu.memory_space<semaphore_mem>>) src(%dma_wait3A_2006 : memref<16x2048xf32, #tpu.memory_space<hbm>>) dst(%dma_wait3A_2004 : memref<16x2048xf32, #tpu.memory_space<vmem>>)
    %add3A_2007 = arith.constant 416 : i32
    %add3A_2008 = arith.addi %mul3A_64, %add3A_2007 : i32
    %dma_start3A_2009 = arith.constant 2 : i32
    %dma_start3A_2010 = arith.constant 2 : i32
    %dma_start3A_2011 = arith.constant 0 : i32
    %dma_start3A_2012 = arith.constant 0 : i32
    %dma_start3A_2013 = tpu.memref_slice %arg4[%dma_start3A_2009, %dma_start3A_2011, %dma_start3A_2012] : memref<3x16x2048xf32, #tpu.memory_space<vmem>> -> memref<1x16x2048xf32, #tpu.memory_space<vmem>>
    %dma_start3A_2014 = tpu.memref_squeeze %dma_start3A_2013 : memref<1x16x2048xf32, #tpu.memory_space<vmem>> -> memref<16x2048xf32, #tpu.memory_space<vmem>>
    %dma_start3A_2015 = arith.constant 0 : i32
    %dma_start3A_2016 = tpu.memref_slice %arg3[%add3A_2008, %dma_start3A_2015] : memref<16384x2048xf32, #tpu.memory_space<hbm>> -> memref<16x2048xf32, #tpu.memory_space<hbm>>
    %dma_start3A_2017 = tpu.memref_slice %arg6[%dma_start3A_2010] : memref<3x!tpu.dma_semaphore, #tpu.memory_space<semaphore_mem>> -> memref<1x!tpu.dma_semaphore, #tpu.memory_space<semaphore_mem>>
    %dma_start3A_2018 = tpu.memref_squeeze %dma_start3A_2017 : memref<1x!tpu.dma_semaphore, #tpu.memory_space<semaphore_mem>> -> memref<!tpu.dma_semaphore, #tpu.memory_space<semaphore_mem>>
    %dma_start3A_2019 = arith.constant 0 : i32
    %dma_start3A_2020 = tpu.memref_slice %arg3[%add3A_2008, %dma_start3A_2019] : memref<16384x2048xf32, #tpu.memory_space<hbm>> -> memref<16x2048xf32, #tpu.memory_space<hbm>>
    %dma_start3A_2021 = arith.constant 0 : i32
    %dma_start3A_2022 = arith.constant 0 : i32
    %dma_start3A_2023 = tpu.memref_slice %arg4[%dma_start3A_2009, %dma_start3A_2021, %dma_start3A_2022] : memref<3x16x2048xf32, #tpu.memory_space<vmem>> -> memref<1x16x2048xf32, #tpu.memory_space<vmem>>
    %dma_start3A_2024 = tpu.memref_squeeze %dma_start3A_2023 : memref<1x16x2048xf32, #tpu.memory_space<vmem>> -> memref<16x2048xf32, #tpu.memory_space<vmem>>
    tpu.enqueue_dma source(%dma_start3A_2024 : memref<16x2048xf32, #tpu.memory_space<vmem>>) target(%dma_start3A_2020 : memref<16x2048xf32, #tpu.memory_space<hbm>>) target_semaphore(%dma_start3A_2018 : memref<!tpu.dma_semaphore, #tpu.memory_space<semaphore_mem>>)
    %add3A_2025 = arith.constant 416 : i32
    %add3A_2026 = arith.addi %mul3A_64, %add3A_2025 : i32
    %dma_wait3A_2027 = arith.constant 2 : i32
    %dma_wait3A_2028 = arith.constant 2 : i32
    %dma_wait3A_2029 = arith.constant 0 : i32
    %dma_wait3A_2030 = arith.constant 0 : i32
    %dma_wait3A_2031 = tpu.memref_slice %arg4[%dma_wait3A_2027, %dma_wait3A_2029, %dma_wait3A_2030] : memref<3x16x2048xf32, #tpu.memory_space<vmem>> -> memref<1x16x2048xf32, #tpu.memory_space<vmem>>
    %dma_wait3A_2032 = tpu.memref_squeeze %dma_wait3A_2031 : memref<1x16x2048xf32, #tpu.memory_space<vmem>> -> memref<16x2048xf32, #tpu.memory_space<vmem>>
    %dma_wait3A_2033 = arith.constant 0 : i32
    %dma_wait3A_2034 = tpu.memref_slice %arg3[%add3A_2026, %dma_wait3A_2033] : memref<16384x2048xf32, #tpu.memory_space<hbm>> -> memref<16x2048xf32, #tpu.memory_space<hbm>>
    %dma_wait3A_2035 = tpu.memref_slice %arg6[%dma_wait3A_2028] : memref<3x!tpu.dma_semaphore, #tpu.memory_space<semaphore_mem>> -> memref<1x!tpu.dma_semaphore, #tpu.memory_space<semaphore_mem>>
    %dma_wait3A_2036 = tpu.memref_squeeze %dma_wait3A_2035 : memref<1x!tpu.dma_semaphore, #tpu.memory_space<semaphore_mem>> -> memref<!tpu.dma_semaphore, #tpu.memory_space<semaphore_mem>>
    %dma_wait3A_2037 = arith.constant 0 : i32
    %dma_wait3A_2038 = tpu.memref_slice %arg3[%add3A_2026, %dma_wait3A_2037] : memref<16384x2048xf32, #tpu.memory_space<hbm>> -> memref<16x2048xf32, #tpu.memory_space<hbm>>
    %dma_wait3A_2039 = arith.constant 0 : i32
    %dma_wait3A_2040 = arith.constant 0 : i32
    %dma_wait3A_2041 = tpu.memref_slice %arg4[%dma_wait3A_2027, %dma_wait3A_2039, %dma_wait3A_2040] : memref<3x16x2048xf32, #tpu.memory_space<vmem>> -> memref<1x16x2048xf32, #tpu.memory_space<vmem>>
    %dma_wait3A_2042 = tpu.memref_squeeze %dma_wait3A_2041 : memref<1x16x2048xf32, #tpu.memory_space<vmem>> -> memref<16x2048xf32, #tpu.memory_space<vmem>>
    tpu.wait_dma2 semaphore(%dma_wait3A_2036 : memref<!tpu.dma_semaphore, #tpu.memory_space<semaphore_mem>>) src(%dma_wait3A_2042 : memref<16x2048xf32, #tpu.memory_space<vmem>>) dst(%dma_wait3A_2038 : memref<16x2048xf32, #tpu.memory_space<hbm>>)
    %add3A_2043 = arith.constant 464 : i32
    %add3A_2044 = arith.addi %add3A_62, %add3A_2043 : i32
    %dma_start3A_2045 = arith.constant 2 : i32
    %dma_start3A_2046 = arith.constant 2 : i32
    %dma_start3A_2047 = arith.constant 0 : i32
    %dma_start3A_2048 = arith.constant 0 : i32
    %dma_start3A_2049 = tpu.memref_slice %arg4[%dma_start3A_2045, %dma_start3A_2047, %dma_start3A_2048] : memref<3x16x2048xf32, #tpu.memory_space<vmem>> -> memref<1x16x2048xf32, #tpu.memory_space<vmem>>
    %dma_start3A_2050 = tpu.memref_squeeze %dma_start3A_2049 : memref<1x16x2048xf32, #tpu.memory_space<vmem>> -> memref<16x2048xf32, #tpu.memory_space<vmem>>
    %dma_start3A_2051 = arith.constant 0 : i32
    %dma_start3A_2052 = tpu.memref_slice %arg2[%add3A_2044, %dma_start3A_2051] : memref<28672x2048xf32, #tpu.memory_space<hbm>> -> memref<16x2048xf32, #tpu.memory_space<hbm>>
    %dma_start3A_2053 = tpu.memref_slice %arg5[%dma_start3A_2046] : memref<3x!tpu.dma_semaphore, #tpu.memory_space<semaphore_mem>> -> memref<1x!tpu.dma_semaphore, #tpu.memory_space<semaphore_mem>>
    %dma_start3A_2054 = tpu.memref_squeeze %dma_start3A_2053 : memref<1x!tpu.dma_semaphore, #tpu.memory_space<semaphore_mem>> -> memref<!tpu.dma_semaphore, #tpu.memory_space<semaphore_mem>>
    %dma_start3A_2055 = arith.constant 0 : i32
    %dma_start3A_2056 = arith.constant 0 : i32
    %dma_start3A_2057 = tpu.memref_slice %arg4[%dma_start3A_2045, %dma_start3A_2055, %dma_start3A_2056] : memref<3x16x2048xf32, #tpu.memory_space<vmem>> -> memref<1x16x2048xf32, #tpu.memory_space<vmem>>
    %dma_start3A_2058 = tpu.memref_squeeze %dma_start3A_2057 : memref<1x16x2048xf32, #tpu.memory_space<vmem>> -> memref<16x2048xf32, #tpu.memory_space<vmem>>
    %dma_start3A_2059 = arith.constant 0 : i32
    %dma_start3A_2060 = tpu.memref_slice %arg2[%add3A_2044, %dma_start3A_2059] : memref<28672x2048xf32, #tpu.memory_space<hbm>> -> memref<16x2048xf32, #tpu.memory_space<hbm>>
    tpu.enqueue_dma source(%dma_start3A_2060 : memref<16x2048xf32, #tpu.memory_space<hbm>>) target(%dma_start3A_2058 : memref<16x2048xf32, #tpu.memory_space<vmem>>) target_semaphore(%dma_start3A_2054 : memref<!tpu.dma_semaphore, #tpu.memory_space<semaphore_mem>>)
    %add3A_2061 = arith.constant 432 : i32
    %add3A_2062 = arith.addi %add3A_62, %add3A_2061 : i32
    %dma_wait3A_2063 = arith.constant 0 : i32
    %dma_wait3A_2064 = arith.constant 0 : i32
    %dma_wait3A_2065 = arith.constant 0 : i32
    %dma_wait3A_2066 = arith.constant 0 : i32
    %dma_wait3A_2067 = tpu.memref_slice %arg4[%dma_wait3A_2063, %dma_wait3A_2065, %dma_wait3A_2066] : memref<3x16x2048xf32, #tpu.memory_space<vmem>> -> memref<1x16x2048xf32, #tpu.memory_space<vmem>>
    %dma_wait3A_2068 = tpu.memref_squeeze %dma_wait3A_2067 : memref<1x16x2048xf32, #tpu.memory_space<vmem>> -> memref<16x2048xf32, #tpu.memory_space<vmem>>
    %dma_wait3A_2069 = arith.constant 0 : i32
    %dma_wait3A_2070 = tpu.memref_slice %arg2[%add3A_2062, %dma_wait3A_2069] : memref<28672x2048xf32, #tpu.memory_space<hbm>> -> memref<16x2048xf32, #tpu.memory_space<hbm>>
    %dma_wait3A_2071 = tpu.memref_slice %arg5[%dma_wait3A_2064] : memref<3x!tpu.dma_semaphore, #tpu.memory_space<semaphore_mem>> -> memref<1x!tpu.dma_semaphore, #tpu.memory_space<semaphore_mem>>
    %dma_wait3A_2072 = tpu.memref_squeeze %dma_wait3A_2071 : memref<1x!tpu.dma_semaphore, #tpu.memory_space<semaphore_mem>> -> memref<!tpu.dma_semaphore, #tpu.memory_space<semaphore_mem>>
    %dma_wait3A_2073 = arith.constant 0 : i32
    %dma_wait3A_2074 = arith.constant 0 : i32
    %dma_wait3A_2075 = tpu.memref_slice %arg4[%dma_wait3A_2063, %dma_wait3A_2073, %dma_wait3A_2074] : memref<3x16x2048xf32, #tpu.memory_space<vmem>> -> memref<1x16x2048xf32, #tpu.memory_space<vmem>>
    %dma_wait3A_2076 = tpu.memref_squeeze %dma_wait3A_2075 : memref<1x16x2048xf32, #tpu.memory_space<vmem>> -> memref<16x2048xf32, #tpu.memory_space<vmem>>
    %dma_wait3A_2077 = arith.constant 0 : i32
    %dma_wait3A_2078 = tpu.memref_slice %arg2[%add3A_2062, %dma_wait3A_2077] : memref<28672x2048xf32, #tpu.memory_space<hbm>> -> memref<16x2048xf32, #tpu.memory_space<hbm>>
    tpu.wait_dma2 semaphore(%dma_wait3A_2072 : memref<!tpu.dma_semaphore, #tpu.memory_space<semaphore_mem>>) src(%dma_wait3A_2078 : memref<16x2048xf32, #tpu.memory_space<hbm>>) dst(%dma_wait3A_2076 : memref<16x2048xf32, #tpu.memory_space<vmem>>)
    %add3A_2079 = arith.constant 432 : i32
    %add3A_2080 = arith.addi %mul3A_64, %add3A_2079 : i32
    %dma_start3A_2081 = arith.constant 0 : i32
    %dma_start3A_2082 = arith.constant 0 : i32
    %dma_start3A_2083 = arith.constant 0 : i32
    %dma_start3A_2084 = arith.constant 0 : i32
    %dma_start3A_2085 = tpu.memref_slice %arg4[%dma_start3A_2081, %dma_start3A_2083, %dma_start3A_2084] : memref<3x16x2048xf32, #tpu.memory_space<vmem>> -> memref<1x16x2048xf32, #tpu.memory_space<vmem>>
    %dma_start3A_2086 = tpu.memref_squeeze %dma_start3A_2085 : memref<1x16x2048xf32, #tpu.memory_space<vmem>> -> memref<16x2048xf32, #tpu.memory_space<vmem>>
    %dma_start3A_2087 = arith.constant 0 : i32
    %dma_start3A_2088 = tpu.memref_slice %arg3[%add3A_2080, %dma_start3A_2087] : memref<16384x2048xf32, #tpu.memory_space<hbm>> -> memref<16x2048xf32, #tpu.memory_space<hbm>>
    %dma_start3A_2089 = tpu.memref_slice %arg6[%dma_start3A_2082] : memref<3x!tpu.dma_semaphore, #tpu.memory_space<semaphore_mem>> -> memref<1x!tpu.dma_semaphore, #tpu.memory_space<semaphore_mem>>
    %dma_start3A_2090 = tpu.memref_squeeze %dma_start3A_2089 : memref<1x!tpu.dma_semaphore, #tpu.memory_space<semaphore_mem>> -> memref<!tpu.dma_semaphore, #tpu.memory_space<semaphore_mem>>
    %dma_start3A_2091 = arith.constant 0 : i32
    %dma_start3A_2092 = tpu.memref_slice %arg3[%add3A_2080, %dma_start3A_2091] : memref<16384x2048xf32, #tpu.memory_space<hbm>> -> memref<16x2048xf32, #tpu.memory_space<hbm>>
    %dma_start3A_2093 = arith.constant 0 : i32
    %dma_start3A_2094 = arith.constant 0 : i32
    %dma_start3A_2095 = tpu.memref_slice %arg4[%dma_start3A_2081, %dma_start3A_2093, %dma_start3A_2094] : memref<3x16x2048xf32, #tpu.memory_space<vmem>> -> memref<1x16x2048xf32, #tpu.memory_space<vmem>>
    %dma_start3A_2096 = tpu.memref_squeeze %dma_start3A_2095 : memref<1x16x2048xf32, #tpu.memory_space<vmem>> -> memref<16x2048xf32, #tpu.memory_space<vmem>>
    tpu.enqueue_dma source(%dma_start3A_2096 : memref<16x2048xf32, #tpu.memory_space<vmem>>) target(%dma_start3A_2092 : memref<16x2048xf32, #tpu.memory_space<hbm>>) target_semaphore(%dma_start3A_2090 : memref<!tpu.dma_semaphore, #tpu.memory_space<semaphore_mem>>)
    %add3A_2097 = arith.constant 432 : i32
    %add3A_2098 = arith.addi %mul3A_64, %add3A_2097 : i32
    %dma_wait3A_2099 = arith.constant 0 : i32
    %dma_wait3A_2100 = arith.constant 0 : i32
    %dma_wait3A_2101 = arith.constant 0 : i32
    %dma_wait3A_2102 = arith.constant 0 : i32
    %dma_wait3A_2103 = tpu.memref_slice %arg4[%dma_wait3A_2099, %dma_wait3A_2101, %dma_wait3A_2102] : memref<3x16x2048xf32, #tpu.memory_space<vmem>> -> memref<1x16x2048xf32, #tpu.memory_space<vmem>>
    %dma_wait3A_2104 = tpu.memref_squeeze %dma_wait3A_2103 : memref<1x16x2048xf32, #tpu.memory_space<vmem>> -> memref<16x2048xf32, #tpu.memory_space<vmem>>
    %dma_wait3A_2105 = arith.constant 0 : i32
    %dma_wait3A_2106 = tpu.memref_slice %arg3[%add3A_2098, %dma_wait3A_2105] : memref<16384x2048xf32, #tpu.memory_space<hbm>> -> memref<16x2048xf32, #tpu.memory_space<hbm>>
    %dma_wait3A_2107 = tpu.memref_slice %arg6[%dma_wait3A_2100] : memref<3x!tpu.dma_semaphore, #tpu.memory_space<semaphore_mem>> -> memref<1x!tpu.dma_semaphore, #tpu.memory_space<semaphore_mem>>
    %dma_wait3A_2108 = tpu.memref_squeeze %dma_wait3A_2107 : memref<1x!tpu.dma_semaphore, #tpu.memory_space<semaphore_mem>> -> memref<!tpu.dma_semaphore, #tpu.memory_space<semaphore_mem>>
    %dma_wait3A_2109 = arith.constant 0 : i32
    %dma_wait3A_2110 = tpu.memref_slice %arg3[%add3A_2098, %dma_wait3A_2109] : memref<16384x2048xf32, #tpu.memory_space<hbm>> -> memref<16x2048xf32, #tpu.memory_space<hbm>>
    %dma_wait3A_2111 = arith.constant 0 : i32
    %dma_wait3A_2112 = arith.constant 0 : i32
    %dma_wait3A_2113 = tpu.memref_slice %arg4[%dma_wait3A_2099, %dma_wait3A_2111, %dma_wait3A_2112] : memref<3x16x2048xf32, #tpu.memory_space<vmem>> -> memref<1x16x2048xf32, #tpu.memory_space<vmem>>
    %dma_wait3A_2114 = tpu.memref_squeeze %dma_wait3A_2113 : memref<1x16x2048xf32, #tpu.memory_space<vmem>> -> memref<16x2048xf32, #tpu.memory_space<vmem>>
    tpu.wait_dma2 semaphore(%dma_wait3A_2108 : memref<!tpu.dma_semaphore, #tpu.memory_space<semaphore_mem>>) src(%dma_wait3A_2114 : memref<16x2048xf32, #tpu.memory_space<vmem>>) dst(%dma_wait3A_2110 : memref<16x2048xf32, #tpu.memory_space<hbm>>)
    %add3A_2115 = arith.constant 480 : i32
    %add3A_2116 = arith.addi %add3A_62, %add3A_2115 : i32
    %dma_start3A_2117 = arith.constant 0 : i32
    %dma_start3A_2118 = arith.constant 0 : i32
    %dma_start3A_2119 = arith.constant 0 : i32
    %dma_start3A_2120 = arith.constant 0 : i32
    %dma_start3A_2121 = tpu.memref_slice %arg4[%dma_start3A_2117, %dma_start3A_2119, %dma_start3A_2120] : memref<3x16x2048xf32, #tpu.memory_space<vmem>> -> memref<1x16x2048xf32, #tpu.memory_space<vmem>>
    %dma_start3A_2122 = tpu.memref_squeeze %dma_start3A_2121 : memref<1x16x2048xf32, #tpu.memory_space<vmem>> -> memref<16x2048xf32, #tpu.memory_space<vmem>>
    %dma_start3A_2123 = arith.constant 0 : i32
    %dma_start3A_2124 = tpu.memref_slice %arg2[%add3A_2116, %dma_start3A_2123] : memref<28672x2048xf32, #tpu.memory_space<hbm>> -> memref<16x2048xf32, #tpu.memory_space<hbm>>
    %dma_start3A_2125 = tpu.memref_slice %arg5[%dma_start3A_2118] : memref<3x!tpu.dma_semaphore, #tpu.memory_space<semaphore_mem>> -> memref<1x!tpu.dma_semaphore, #tpu.memory_space<semaphore_mem>>
    %dma_start3A_2126 = tpu.memref_squeeze %dma_start3A_2125 : memref<1x!tpu.dma_semaphore, #tpu.memory_space<semaphore_mem>> -> memref<!tpu.dma_semaphore, #tpu.memory_space<semaphore_mem>>
    %dma_start3A_2127 = arith.constant 0 : i32
    %dma_start3A_2128 = arith.constant 0 : i32
    %dma_start3A_2129 = tpu.memref_slice %arg4[%dma_start3A_2117, %dma_start3A_2127, %dma_start3A_2128] : memref<3x16x2048xf32, #tpu.memory_space<vmem>> -> memref<1x16x2048xf32, #tpu.memory_space<vmem>>
    %dma_start3A_2130 = tpu.memref_squeeze %dma_start3A_2129 : memref<1x16x2048xf32, #tpu.memory_space<vmem>> -> memref<16x2048xf32, #tpu.memory_space<vmem>>
    %dma_start3A_2131 = arith.constant 0 : i32
    %dma_start3A_2132 = tpu.memref_slice %arg2[%add3A_2116, %dma_start3A_2131] : memref<28672x2048xf32, #tpu.memory_space<hbm>> -> memref<16x2048xf32, #tpu.memory_space<hbm>>
    tpu.enqueue_dma source(%dma_start3A_2132 : memref<16x2048xf32, #tpu.memory_space<hbm>>) target(%dma_start3A_2130 : memref<16x2048xf32, #tpu.memory_space<vmem>>) target_semaphore(%dma_start3A_2126 : memref<!tpu.dma_semaphore, #tpu.memory_space<semaphore_mem>>)
    %add3A_2133 = arith.constant 448 : i32
    %add3A_2134 = arith.addi %add3A_62, %add3A_2133 : i32
    %dma_wait3A_2135 = arith.constant 1 : i32
    %dma_wait3A_2136 = arith.constant 1 : i32
    %dma_wait3A_2137 = arith.constant 0 : i32
    %dma_wait3A_2138 = arith.constant 0 : i32
    %dma_wait3A_2139 = tpu.memref_slice %arg4[%dma_wait3A_2135, %dma_wait3A_2137, %dma_wait3A_2138] : memref<3x16x2048xf32, #tpu.memory_space<vmem>> -> memref<1x16x2048xf32, #tpu.memory_space<vmem>>
    %dma_wait3A_2140 = tpu.memref_squeeze %dma_wait3A_2139 : memref<1x16x2048xf32, #tpu.memory_space<vmem>> -> memref<16x2048xf32, #tpu.memory_space<vmem>>
    %dma_wait3A_2141 = arith.constant 0 : i32
    %dma_wait3A_2142 = tpu.memref_slice %arg2[%add3A_2134, %dma_wait3A_2141] : memref<28672x2048xf32, #tpu.memory_space<hbm>> -> memref<16x2048xf32, #tpu.memory_space<hbm>>
    %dma_wait3A_2143 = tpu.memref_slice %arg5[%dma_wait3A_2136] : memref<3x!tpu.dma_semaphore, #tpu.memory_space<semaphore_mem>> -> memref<1x!tpu.dma_semaphore, #tpu.memory_space<semaphore_mem>>
    %dma_wait3A_2144 = tpu.memref_squeeze %dma_wait3A_2143 : memref<1x!tpu.dma_semaphore, #tpu.memory_space<semaphore_mem>> -> memref<!tpu.dma_semaphore, #tpu.memory_space<semaphore_mem>>
    %dma_wait3A_2145 = arith.constant 0 : i32
    %dma_wait3A_2146 = arith.constant 0 : i32
    %dma_wait3A_2147 = tpu.memref_slice %arg4[%dma_wait3A_2135, %dma_wait3A_2145, %dma_wait3A_2146] : memref<3x16x2048xf32, #tpu.memory_space<vmem>> -> memref<1x16x2048xf32, #tpu.memory_space<vmem>>
    %dma_wait3A_2148 = tpu.memref_squeeze %dma_wait3A_2147 : memref<1x16x2048xf32, #tpu.memory_space<vmem>> -> memref<16x2048xf32, #tpu.memory_space<vmem>>
    %dma_wait3A_2149 = arith.constant 0 : i32
    %dma_wait3A_2150 = tpu.memref_slice %arg2[%add3A_2134, %dma_wait3A_2149] : memref<28672x2048xf32, #tpu.memory_space<hbm>> -> memref<16x2048xf32, #tpu.memory_space<hbm>>
    tpu.wait_dma2 semaphore(%dma_wait3A_2144 : memref<!tpu.dma_semaphore, #tpu.memory_space<semaphore_mem>>) src(%dma_wait3A_2150 : memref<16x2048xf32, #tpu.memory_space<hbm>>) dst(%dma_wait3A_2148 : memref<16x2048xf32, #tpu.memory_space<vmem>>)
    %add3A_2151 = arith.constant 448 : i32
    %add3A_2152 = arith.addi %mul3A_64, %add3A_2151 : i32
    %dma_start3A_2153 = arith.constant 1 : i32
    %dma_start3A_2154 = arith.constant 1 : i32
    %dma_start3A_2155 = arith.constant 0 : i32
    %dma_start3A_2156 = arith.constant 0 : i32
    %dma_start3A_2157 = tpu.memref_slice %arg4[%dma_start3A_2153, %dma_start3A_2155, %dma_start3A_2156] : memref<3x16x2048xf32, #tpu.memory_space<vmem>> -> memref<1x16x2048xf32, #tpu.memory_space<vmem>>
    %dma_start3A_2158 = tpu.memref_squeeze %dma_start3A_2157 : memref<1x16x2048xf32, #tpu.memory_space<vmem>> -> memref<16x2048xf32, #tpu.memory_space<vmem>>
    %dma_start3A_2159 = arith.constant 0 : i32
    %dma_start3A_2160 = tpu.memref_slice %arg3[%add3A_2152, %dma_start3A_2159] : memref<16384x2048xf32, #tpu.memory_space<hbm>> -> memref<16x2048xf32, #tpu.memory_space<hbm>>
    %dma_start3A_2161 = tpu.memref_slice %arg6[%dma_start3A_2154] : memref<3x!tpu.dma_semaphore, #tpu.memory_space<semaphore_mem>> -> memref<1x!tpu.dma_semaphore, #tpu.memory_space<semaphore_mem>>
    %dma_start3A_2162 = tpu.memref_squeeze %dma_start3A_2161 : memref<1x!tpu.dma_semaphore, #tpu.memory_space<semaphore_mem>> -> memref<!tpu.dma_semaphore, #tpu.memory_space<semaphore_mem>>
    %dma_start3A_2163 = arith.constant 0 : i32
    %dma_start3A_2164 = tpu.memref_slice %arg3[%add3A_2152, %dma_start3A_2163] : memref<16384x2048xf32, #tpu.memory_space<hbm>> -> memref<16x2048xf32, #tpu.memory_space<hbm>>
    %dma_start3A_2165 = arith.constant 0 : i32
    %dma_start3A_2166 = arith.constant 0 : i32
    %dma_start3A_2167 = tpu.memref_slice %arg4[%dma_start3A_2153, %dma_start3A_2165, %dma_start3A_2166] : memref<3x16x2048xf32, #tpu.memory_space<vmem>> -> memref<1x16x2048xf32, #tpu.memory_space<vmem>>
    %dma_start3A_2168 = tpu.memref_squeeze %dma_start3A_2167 : memref<1x16x2048xf32, #tpu.memory_space<vmem>> -> memref<16x2048xf32, #tpu.memory_space<vmem>>
    tpu.enqueue_dma source(%dma_start3A_2168 : memref<16x2048xf32, #tpu.memory_space<vmem>>) target(%dma_start3A_2164 : memref<16x2048xf32, #tpu.memory_space<hbm>>) target_semaphore(%dma_start3A_2162 : memref<!tpu.dma_semaphore, #tpu.memory_space<semaphore_mem>>)
    %add3A_2169 = arith.constant 448 : i32
    %add3A_2170 = arith.addi %mul3A_64, %add3A_2169 : i32
    %dma_wait3A_2171 = arith.constant 1 : i32
    %dma_wait3A_2172 = arith.constant 1 : i32
    %dma_wait3A_2173 = arith.constant 0 : i32
    %dma_wait3A_2174 = arith.constant 0 : i32
    %dma_wait3A_2175 = tpu.memref_slice %arg4[%dma_wait3A_2171, %dma_wait3A_2173, %dma_wait3A_2174] : memref<3x16x2048xf32, #tpu.memory_space<vmem>> -> memref<1x16x2048xf32, #tpu.memory_space<vmem>>
    %dma_wait3A_2176 = tpu.memref_squeeze %dma_wait3A_2175 : memref<1x16x2048xf32, #tpu.memory_space<vmem>> -> memref<16x2048xf32, #tpu.memory_space<vmem>>
    %dma_wait3A_2177 = arith.constant 0 : i32
    %dma_wait3A_2178 = tpu.memref_slice %arg3[%add3A_2170, %dma_wait3A_2177] : memref<16384x2048xf32, #tpu.memory_space<hbm>> -> memref<16x2048xf32, #tpu.memory_space<hbm>>
    %dma_wait3A_2179 = tpu.memref_slice %arg6[%dma_wait3A_2172] : memref<3x!tpu.dma_semaphore, #tpu.memory_space<semaphore_mem>> -> memref<1x!tpu.dma_semaphore, #tpu.memory_space<semaphore_mem>>
    %dma_wait3A_2180 = tpu.memref_squeeze %dma_wait3A_2179 : memref<1x!tpu.dma_semaphore, #tpu.memory_space<semaphore_mem>> -> memref<!tpu.dma_semaphore, #tpu.memory_space<semaphore_mem>>
    %dma_wait3A_2181 = arith.constant 0 : i32
    %dma_wait3A_2182 = tpu.memref_slice %arg3[%add3A_2170, %dma_wait3A_2181] : memref<16384x2048xf32, #tpu.memory_space<hbm>> -> memref<16x2048xf32, #tpu.memory_space<hbm>>
    %dma_wait3A_2183 = arith.constant 0 : i32
    %dma_wait3A_2184 = arith.constant 0 : i32
    %dma_wait3A_2185 = tpu.memref_slice %arg4[%dma_wait3A_2171, %dma_wait3A_2183, %dma_wait3A_2184] : memref<3x16x2048xf32, #tpu.memory_space<vmem>> -> memref<1x16x2048xf32, #tpu.memory_space<vmem>>
    %dma_wait3A_2186 = tpu.memref_squeeze %dma_wait3A_2185 : memref<1x16x2048xf32, #tpu.memory_space<vmem>> -> memref<16x2048xf32, #tpu.memory_space<vmem>>
    tpu.wait_dma2 semaphore(%dma_wait3A_2180 : memref<!tpu.dma_semaphore, #tpu.memory_space<semaphore_mem>>) src(%dma_wait3A_2186 : memref<16x2048xf32, #tpu.memory_space<vmem>>) dst(%dma_wait3A_2182 : memref<16x2048xf32, #tpu.memory_space<hbm>>)
    %add3A_2187 = arith.constant 496 : i32
    %add3A_2188 = arith.addi %add3A_62, %add3A_2187 : i32
    %dma_start3A_2189 = arith.constant 1 : i32
    %dma_start3A_2190 = arith.constant 1 : i32
    %dma_start3A_2191 = arith.constant 0 : i32
    %dma_start3A_2192 = arith.constant 0 : i32
    %dma_start3A_2193 = tpu.memref_slice %arg4[%dma_start3A_2189, %dma_start3A_2191, %dma_start3A_2192] : memref<3x16x2048xf32, #tpu.memory_space<vmem>> -> memref<1x16x2048xf32, #tpu.memory_space<vmem>>
    %dma_start3A_2194 = tpu.memref_squeeze %dma_start3A_2193 : memref<1x16x2048xf32, #tpu.memory_space<vmem>> -> memref<16x2048xf32, #tpu.memory_space<vmem>>
    %dma_start3A_2195 = arith.constant 0 : i32
    %dma_start3A_2196 = tpu.memref_slice %arg2[%add3A_2188, %dma_start3A_2195] : memref<28672x2048xf32, #tpu.memory_space<hbm>> -> memref<16x2048xf32, #tpu.memory_space<hbm>>
    %dma_start3A_2197 = tpu.memref_slice %arg5[%dma_start3A_2190] : memref<3x!tpu.dma_semaphore, #tpu.memory_space<semaphore_mem>> -> memref<1x!tpu.dma_semaphore, #tpu.memory_space<semaphore_mem>>
    %dma_start3A_2198 = tpu.memref_squeeze %dma_start3A_2197 : memref<1x!tpu.dma_semaphore, #tpu.memory_space<semaphore_mem>> -> memref<!tpu.dma_semaphore, #tpu.memory_space<semaphore_mem>>
    %dma_start3A_2199 = arith.constant 0 : i32
    %dma_start3A_2200 = arith.constant 0 : i32
    %dma_start3A_2201 = tpu.memref_slice %arg4[%dma_start3A_2189, %dma_start3A_2199, %dma_start3A_2200] : memref<3x16x2048xf32, #tpu.memory_space<vmem>> -> memref<1x16x2048xf32, #tpu.memory_space<vmem>>
    %dma_start3A_2202 = tpu.memref_squeeze %dma_start3A_2201 : memref<1x16x2048xf32, #tpu.memory_space<vmem>> -> memref<16x2048xf32, #tpu.memory_space<vmem>>
    %dma_start3A_2203 = arith.constant 0 : i32
    %dma_start3A_2204 = tpu.memref_slice %arg2[%add3A_2188, %dma_start3A_2203] : memref<28672x2048xf32, #tpu.memory_space<hbm>> -> memref<16x2048xf32, #tpu.memory_space<hbm>>
    tpu.enqueue_dma source(%dma_start3A_2204 : memref<16x2048xf32, #tpu.memory_space<hbm>>) target(%dma_start3A_2202 : memref<16x2048xf32, #tpu.memory_space<vmem>>) target_semaphore(%dma_start3A_2198 : memref<!tpu.dma_semaphore, #tpu.memory_space<semaphore_mem>>)
    %add3A_2205 = arith.constant 464 : i32
    %add3A_2206 = arith.addi %add3A_62, %add3A_2205 : i32
    %dma_wait3A_2207 = arith.constant 2 : i32
    %dma_wait3A_2208 = arith.constant 2 : i32
    %dma_wait3A_2209 = arith.constant 0 : i32
    %dma_wait3A_2210 = arith.constant 0 : i32
    %dma_wait3A_2211 = tpu.memref_slice %arg4[%dma_wait3A_2207, %dma_wait3A_2209, %dma_wait3A_2210] : memref<3x16x2048xf32, #tpu.memory_space<vmem>> -> memref<1x16x2048xf32, #tpu.memory_space<vmem>>
    %dma_wait3A_2212 = tpu.memref_squeeze %dma_wait3A_2211 : memref<1x16x2048xf32, #tpu.memory_space<vmem>> -> memref<16x2048xf32, #tpu.memory_space<vmem>>
    %dma_wait3A_2213 = arith.constant 0 : i32
    %dma_wait3A_2214 = tpu.memref_slice %arg2[%add3A_2206, %dma_wait3A_2213] : memref<28672x2048xf32, #tpu.memory_space<hbm>> -> memref<16x2048xf32, #tpu.memory_space<hbm>>
    %dma_wait3A_2215 = tpu.memref_slice %arg5[%dma_wait3A_2208] : memref<3x!tpu.dma_semaphore, #tpu.memory_space<semaphore_mem>> -> memref<1x!tpu.dma_semaphore, #tpu.memory_space<semaphore_mem>>
    %dma_wait3A_2216 = tpu.memref_squeeze %dma_wait3A_2215 : memref<1x!tpu.dma_semaphore, #tpu.memory_space<semaphore_mem>> -> memref<!tpu.dma_semaphore, #tpu.memory_space<semaphore_mem>>
    %dma_wait3A_2217 = arith.constant 0 : i32
    %dma_wait3A_2218 = arith.constant 0 : i32
    %dma_wait3A_2219 = tpu.memref_slice %arg4[%dma_wait3A_2207, %dma_wait3A_2217, %dma_wait3A_2218] : memref<3x16x2048xf32, #tpu.memory_space<vmem>> -> memref<1x16x2048xf32, #tpu.memory_space<vmem>>
    %dma_wait3A_2220 = tpu.memref_squeeze %dma_wait3A_2219 : memref<1x16x2048xf32, #tpu.memory_space<vmem>> -> memref<16x2048xf32, #tpu.memory_space<vmem>>
    %dma_wait3A_2221 = arith.constant 0 : i32
    %dma_wait3A_2222 = tpu.memref_slice %arg2[%add3A_2206, %dma_wait3A_2221] : memref<28672x2048xf32, #tpu.memory_space<hbm>> -> memref<16x2048xf32, #tpu.memory_space<hbm>>
    tpu.wait_dma2 semaphore(%dma_wait3A_2216 : memref<!tpu.dma_semaphore, #tpu.memory_space<semaphore_mem>>) src(%dma_wait3A_2222 : memref<16x2048xf32, #tpu.memory_space<hbm>>) dst(%dma_wait3A_2220 : memref<16x2048xf32, #tpu.memory_space<vmem>>)
    %add3A_2223 = arith.constant 464 : i32
    %add3A_2224 = arith.addi %mul3A_64, %add3A_2223 : i32
    %dma_start3A_2225 = arith.constant 2 : i32
    %dma_start3A_2226 = arith.constant 2 : i32
    %dma_start3A_2227 = arith.constant 0 : i32
    %dma_start3A_2228 = arith.constant 0 : i32
    %dma_start3A_2229 = tpu.memref_slice %arg4[%dma_start3A_2225, %dma_start3A_2227, %dma_start3A_2228] : memref<3x16x2048xf32, #tpu.memory_space<vmem>> -> memref<1x16x2048xf32, #tpu.memory_space<vmem>>
    %dma_start3A_2230 = tpu.memref_squeeze %dma_start3A_2229 : memref<1x16x2048xf32, #tpu.memory_space<vmem>> -> memref<16x2048xf32, #tpu.memory_space<vmem>>
    %dma_start3A_2231 = arith.constant 0 : i32
    %dma_start3A_2232 = tpu.memref_slice %arg3[%add3A_2224, %dma_start3A_2231] : memref<16384x2048xf32, #tpu.memory_space<hbm>> -> memref<16x2048xf32, #tpu.memory_space<hbm>>
    %dma_start3A_2233 = tpu.memref_slice %arg6[%dma_start3A_2226] : memref<3x!tpu.dma_semaphore, #tpu.memory_space<semaphore_mem>> -> memref<1x!tpu.dma_semaphore, #tpu.memory_space<semaphore_mem>>
    %dma_start3A_2234 = tpu.memref_squeeze %dma_start3A_2233 : memref<1x!tpu.dma_semaphore, #tpu.memory_space<semaphore_mem>> -> memref<!tpu.dma_semaphore, #tpu.memory_space<semaphore_mem>>
    %dma_start3A_2235 = arith.constant 0 : i32
    %dma_start3A_2236 = tpu.memref_slice %arg3[%add3A_2224, %dma_start3A_2235] : memref<16384x2048xf32, #tpu.memory_space<hbm>> -> memref<16x2048xf32, #tpu.memory_space<hbm>>
    %dma_start3A_2237 = arith.constant 0 : i32
    %dma_start3A_2238 = arith.constant 0 : i32
    %dma_start3A_2239 = tpu.memref_slice %arg4[%dma_start3A_2225, %dma_start3A_2237, %dma_start3A_2238] : memref<3x16x2048xf32, #tpu.memory_space<vmem>> -> memref<1x16x2048xf32, #tpu.memory_space<vmem>>
    %dma_start3A_2240 = tpu.memref_squeeze %dma_start3A_2239 : memref<1x16x2048xf32, #tpu.memory_space<vmem>> -> memref<16x2048xf32, #tpu.memory_space<vmem>>
    tpu.enqueue_dma source(%dma_start3A_2240 : memref<16x2048xf32, #tpu.memory_space<vmem>>) target(%dma_start3A_2236 : memref<16x2048xf32, #tpu.memory_space<hbm>>) target_semaphore(%dma_start3A_2234 : memref<!tpu.dma_semaphore, #tpu.memory_space<semaphore_mem>>)
    %add3A_2241 = arith.constant 480 : i32
    %add3A_2242 = arith.addi %add3A_62, %add3A_2241 : i32
    %dma_wait3A_2243 = arith.constant 0 : i32
    %dma_wait3A_2244 = arith.constant 0 : i32
    %dma_wait3A_2245 = arith.constant 0 : i32
    %dma_wait3A_2246 = arith.constant 0 : i32
    %dma_wait3A_2247 = tpu.memref_slice %arg4[%dma_wait3A_2243, %dma_wait3A_2245, %dma_wait3A_2246] : memref<3x16x2048xf32, #tpu.memory_space<vmem>> -> memref<1x16x2048xf32, #tpu.memory_space<vmem>>
    %dma_wait3A_2248 = tpu.memref_squeeze %dma_wait3A_2247 : memref<1x16x2048xf32, #tpu.memory_space<vmem>> -> memref<16x2048xf32, #tpu.memory_space<vmem>>
    %dma_wait3A_2249 = arith.constant 0 : i32
    %dma_wait3A_2250 = tpu.memref_slice %arg2[%add3A_2242, %dma_wait3A_2249] : memref<28672x2048xf32, #tpu.memory_space<hbm>> -> memref<16x2048xf32, #tpu.memory_space<hbm>>
    %dma_wait3A_2251 = tpu.memref_slice %arg5[%dma_wait3A_2244] : memref<3x!tpu.dma_semaphore, #tpu.memory_space<semaphore_mem>> -> memref<1x!tpu.dma_semaphore, #tpu.memory_space<semaphore_mem>>
    %dma_wait3A_2252 = tpu.memref_squeeze %dma_wait3A_2251 : memref<1x!tpu.dma_semaphore, #tpu.memory_space<semaphore_mem>> -> memref<!tpu.dma_semaphore, #tpu.memory_space<semaphore_mem>>
    %dma_wait3A_2253 = arith.constant 0 : i32
    %dma_wait3A_2254 = arith.constant 0 : i32
    %dma_wait3A_2255 = tpu.memref_slice %arg4[%dma_wait3A_2243, %dma_wait3A_2253, %dma_wait3A_2254] : memref<3x16x2048xf32, #tpu.memory_space<vmem>> -> memref<1x16x2048xf32, #tpu.memory_space<vmem>>
    %dma_wait3A_2256 = tpu.memref_squeeze %dma_wait3A_2255 : memref<1x16x2048xf32, #tpu.memory_space<vmem>> -> memref<16x2048xf32, #tpu.memory_space<vmem>>
    %dma_wait3A_2257 = arith.constant 0 : i32
    %dma_wait3A_2258 = tpu.memref_slice %arg2[%add3A_2242, %dma_wait3A_2257] : memref<28672x2048xf32, #tpu.memory_space<hbm>> -> memref<16x2048xf32, #tpu.memory_space<hbm>>
    tpu.wait_dma2 semaphore(%dma_wait3A_2252 : memref<!tpu.dma_semaphore, #tpu.memory_space<semaphore_mem>>) src(%dma_wait3A_2258 : memref<16x2048xf32, #tpu.memory_space<hbm>>) dst(%dma_wait3A_2256 : memref<16x2048xf32, #tpu.memory_space<vmem>>)
    %add3A_2259 = arith.constant 480 : i32
    %add3A_2260 = arith.addi %mul3A_64, %add3A_2259 : i32
    %dma_start3A_2261 = arith.constant 0 : i32
    %dma_start3A_2262 = arith.constant 0 : i32
    %dma_start3A_2263 = arith.constant 0 : i32
    %dma_start3A_2264 = arith.constant 0 : i32
    %dma_start3A_2265 = tpu.memref_slice %arg4[%dma_start3A_2261, %dma_start3A_2263, %dma_start3A_2264] : memref<3x16x2048xf32, #tpu.memory_space<vmem>> -> memref<1x16x2048xf32, #tpu.memory_space<vmem>>
    %dma_start3A_2266 = tpu.memref_squeeze %dma_start3A_2265 : memref<1x16x2048xf32, #tpu.memory_space<vmem>> -> memref<16x2048xf32, #tpu.memory_space<vmem>>
    %dma_start3A_2267 = arith.constant 0 : i32
    %dma_start3A_2268 = tpu.memref_slice %arg3[%add3A_2260, %dma_start3A_2267] : memref<16384x2048xf32, #tpu.memory_space<hbm>> -> memref<16x2048xf32, #tpu.memory_space<hbm>>
    %dma_start3A_2269 = tpu.memref_slice %arg6[%dma_start3A_2262] : memref<3x!tpu.dma_semaphore, #tpu.memory_space<semaphore_mem>> -> memref<1x!tpu.dma_semaphore, #tpu.memory_space<semaphore_mem>>
    %dma_start3A_2270 = tpu.memref_squeeze %dma_start3A_2269 : memref<1x!tpu.dma_semaphore, #tpu.memory_space<semaphore_mem>> -> memref<!tpu.dma_semaphore, #tpu.memory_space<semaphore_mem>>
    %dma_start3A_2271 = arith.constant 0 : i32
    %dma_start3A_2272 = tpu.memref_slice %arg3[%add3A_2260, %dma_start3A_2271] : memref<16384x2048xf32, #tpu.memory_space<hbm>> -> memref<16x2048xf32, #tpu.memory_space<hbm>>
    %dma_start3A_2273 = arith.constant 0 : i32
    %dma_start3A_2274 = arith.constant 0 : i32
    %dma_start3A_2275 = tpu.memref_slice %arg4[%dma_start3A_2261, %dma_start3A_2273, %dma_start3A_2274] : memref<3x16x2048xf32, #tpu.memory_space<vmem>> -> memref<1x16x2048xf32, #tpu.memory_space<vmem>>
    %dma_start3A_2276 = tpu.memref_squeeze %dma_start3A_2275 : memref<1x16x2048xf32, #tpu.memory_space<vmem>> -> memref<16x2048xf32, #tpu.memory_space<vmem>>
    tpu.enqueue_dma source(%dma_start3A_2276 : memref<16x2048xf32, #tpu.memory_space<vmem>>) target(%dma_start3A_2272 : memref<16x2048xf32, #tpu.memory_space<hbm>>) target_semaphore(%dma_start3A_2270 : memref<!tpu.dma_semaphore, #tpu.memory_space<semaphore_mem>>)
    %add3A_2277 = arith.constant 496 : i32
    %add3A_2278 = arith.addi %add3A_62, %add3A_2277 : i32
    %dma_wait3A_2279 = arith.constant 1 : i32
    %dma_wait3A_2280 = arith.constant 1 : i32
    %dma_wait3A_2281 = arith.constant 0 : i32
    %dma_wait3A_2282 = arith.constant 0 : i32
    %dma_wait3A_2283 = tpu.memref_slice %arg4[%dma_wait3A_2279, %dma_wait3A_2281, %dma_wait3A_2282] : memref<3x16x2048xf32, #tpu.memory_space<vmem>> -> memref<1x16x2048xf32, #tpu.memory_space<vmem>>
    %dma_wait3A_2284 = tpu.memref_squeeze %dma_wait3A_2283 : memref<1x16x2048xf32, #tpu.memory_space<vmem>> -> memref<16x2048xf32, #tpu.memory_space<vmem>>
    %dma_wait3A_2285 = arith.constant 0 : i32
    %dma_wait3A_2286 = tpu.memref_slice %arg2[%add3A_2278, %dma_wait3A_2285] : memref<28672x2048xf32, #tpu.memory_space<hbm>> -> memref<16x2048xf32, #tpu.memory_space<hbm>>
    %dma_wait3A_2287 = tpu.memref_slice %arg5[%dma_wait3A_2280] : memref<3x!tpu.dma_semaphore, #tpu.memory_space<semaphore_mem>> -> memref<1x!tpu.dma_semaphore, #tpu.memory_space<semaphore_mem>>
    %dma_wait3A_2288 = tpu.memref_squeeze %dma_wait3A_2287 : memref<1x!tpu.dma_semaphore, #tpu.memory_space<semaphore_mem>> -> memref<!tpu.dma_semaphore, #tpu.memory_space<semaphore_mem>>
    %dma_wait3A_2289 = arith.constant 0 : i32
    %dma_wait3A_2290 = arith.constant 0 : i32
    %dma_wait3A_2291 = tpu.memref_slice %arg4[%dma_wait3A_2279, %dma_wait3A_2289, %dma_wait3A_2290] : memref<3x16x2048xf32, #tpu.memory_space<vmem>> -> memref<1x16x2048xf32, #tpu.memory_space<vmem>>
    %dma_wait3A_2292 = tpu.memref_squeeze %dma_wait3A_2291 : memref<1x16x2048xf32, #tpu.memory_space<vmem>> -> memref<16x2048xf32, #tpu.memory_space<vmem>>
    %dma_wait3A_2293 = arith.constant 0 : i32
    %dma_wait3A_2294 = tpu.memref_slice %arg2[%add3A_2278, %dma_wait3A_2293] : memref<28672x2048xf32, #tpu.memory_space<hbm>> -> memref<16x2048xf32, #tpu.memory_space<hbm>>
    tpu.wait_dma2 semaphore(%dma_wait3A_2288 : memref<!tpu.dma_semaphore, #tpu.memory_space<semaphore_mem>>) src(%dma_wait3A_2294 : memref<16x2048xf32, #tpu.memory_space<hbm>>) dst(%dma_wait3A_2292 : memref<16x2048xf32, #tpu.memory_space<vmem>>)
    %add3A_2295 = arith.constant 496 : i32
    %add3A_2296 = arith.addi %mul3A_64, %add3A_2295 : i32
    %dma_start3A_2297 = arith.constant 1 : i32
    %dma_start3A_2298 = arith.constant 1 : i32
    %dma_start3A_2299 = arith.constant 0 : i32
    %dma_start3A_2300 = arith.constant 0 : i32
    %dma_start3A_2301 = tpu.memref_slice %arg4[%dma_start3A_2297, %dma_start3A_2299, %dma_start3A_2300] : memref<3x16x2048xf32, #tpu.memory_space<vmem>> -> memref<1x16x2048xf32, #tpu.memory_space<vmem>>
    %dma_start3A_2302 = tpu.memref_squeeze %dma_start3A_2301 : memref<1x16x2048xf32, #tpu.memory_space<vmem>> -> memref<16x2048xf32, #tpu.memory_space<vmem>>
    %dma_start3A_2303 = arith.constant 0 : i32
    %dma_start3A_2304 = tpu.memref_slice %arg3[%add3A_2296, %dma_start3A_2303] : memref<16384x2048xf32, #tpu.memory_space<hbm>> -> memref<16x2048xf32, #tpu.memory_space<hbm>>
    %dma_start3A_2305 = tpu.memref_slice %arg6[%dma_start3A_2298] : memref<3x!tpu.dma_semaphore, #tpu.memory_space<semaphore_mem>> -> memref<1x!tpu.dma_semaphore, #tpu.memory_space<semaphore_mem>>
    %dma_start3A_2306 = tpu.memref_squeeze %dma_start3A_2305 : memref<1x!tpu.dma_semaphore, #tpu.memory_space<semaphore_mem>> -> memref<!tpu.dma_semaphore, #tpu.memory_space<semaphore_mem>>
    %dma_start3A_2307 = arith.constant 0 : i32
    %dma_start3A_2308 = tpu.memref_slice %arg3[%add3A_2296, %dma_start3A_2307] : memref<16384x2048xf32, #tpu.memory_space<hbm>> -> memref<16x2048xf32, #tpu.memory_space<hbm>>
    %dma_start3A_2309 = arith.constant 0 : i32
    %dma_start3A_2310 = arith.constant 0 : i32
    %dma_start3A_2311 = tpu.memref_slice %arg4[%dma_start3A_2297, %dma_start3A_2309, %dma_start3A_2310] : memref<3x16x2048xf32, #tpu.memory_space<vmem>> -> memref<1x16x2048xf32, #tpu.memory_space<vmem>>
    %dma_start3A_2312 = tpu.memref_squeeze %dma_start3A_2311 : memref<1x16x2048xf32, #tpu.memory_space<vmem>> -> memref<16x2048xf32, #tpu.memory_space<vmem>>
    tpu.enqueue_dma source(%dma_start3A_2312 : memref<16x2048xf32, #tpu.memory_space<vmem>>) target(%dma_start3A_2308 : memref<16x2048xf32, #tpu.memory_space<hbm>>) target_semaphore(%dma_start3A_2306 : memref<!tpu.dma_semaphore, #tpu.memory_space<semaphore_mem>>)
    %add3A_2313 = arith.constant 464 : i32
    %add3A_2314 = arith.addi %mul3A_64, %add3A_2313 : i32
    %dma_wait3A_2315 = arith.constant 2 : i32
    %dma_wait3A_2316 = arith.constant 2 : i32
    %dma_wait3A_2317 = arith.constant 0 : i32
    %dma_wait3A_2318 = arith.constant 0 : i32
    %dma_wait3A_2319 = tpu.memref_slice %arg4[%dma_wait3A_2315, %dma_wait3A_2317, %dma_wait3A_2318] : memref<3x16x2048xf32, #tpu.memory_space<vmem>> -> memref<1x16x2048xf32, #tpu.memory_space<vmem>>
    %dma_wait3A_2320 = tpu.memref_squeeze %dma_wait3A_2319 : memref<1x16x2048xf32, #tpu.memory_space<vmem>> -> memref<16x2048xf32, #tpu.memory_space<vmem>>
    %dma_wait3A_2321 = arith.constant 0 : i32
    %dma_wait3A_2322 = tpu.memref_slice %arg3[%add3A_2314, %dma_wait3A_2321] : memref<16384x2048xf32, #tpu.memory_space<hbm>> -> memref<16x2048xf32, #tpu.memory_space<hbm>>
    %dma_wait3A_2323 = tpu.memref_slice %arg6[%dma_wait3A_2316] : memref<3x!tpu.dma_semaphore, #tpu.memory_space<semaphore_mem>> -> memref<1x!tpu.dma_semaphore, #tpu.memory_space<semaphore_mem>>
    %dma_wait3A_2324 = tpu.memref_squeeze %dma_wait3A_2323 : memref<1x!tpu.dma_semaphore, #tpu.memory_space<semaphore_mem>> -> memref<!tpu.dma_semaphore, #tpu.memory_space<semaphore_mem>>
    %dma_wait3A_2325 = arith.constant 0 : i32
    %dma_wait3A_2326 = tpu.memref_slice %arg3[%add3A_2314, %dma_wait3A_2325] : memref<16384x2048xf32, #tpu.memory_space<hbm>> -> memref<16x2048xf32, #tpu.memory_space<hbm>>
    %dma_wait3A_2327 = arith.constant 0 : i32
    %dma_wait3A_2328 = arith.constant 0 : i32
    %dma_wait3A_2329 = tpu.memref_slice %arg4[%dma_wait3A_2315, %dma_wait3A_2327, %dma_wait3A_2328] : memref<3x16x2048xf32, #tpu.memory_space<vmem>> -> memref<1x16x2048xf32, #tpu.memory_space<vmem>>
    %dma_wait3A_2330 = tpu.memref_squeeze %dma_wait3A_2329 : memref<1x16x2048xf32, #tpu.memory_space<vmem>> -> memref<16x2048xf32, #tpu.memory_space<vmem>>
    tpu.wait_dma2 semaphore(%dma_wait3A_2324 : memref<!tpu.dma_semaphore, #tpu.memory_space<semaphore_mem>>) src(%dma_wait3A_2330 : memref<16x2048xf32, #tpu.memory_space<vmem>>) dst(%dma_wait3A_2326 : memref<16x2048xf32, #tpu.memory_space<hbm>>)
    %add3A_2331 = arith.constant 480 : i32
    %add3A_2332 = arith.addi %mul3A_64, %add3A_2331 : i32
    %dma_wait3A_2333 = arith.constant 0 : i32
    %dma_wait3A_2334 = arith.constant 0 : i32
    %dma_wait3A_2335 = arith.constant 0 : i32
    %dma_wait3A_2336 = arith.constant 0 : i32
    %dma_wait3A_2337 = tpu.memref_slice %arg4[%dma_wait3A_2333, %dma_wait3A_2335, %dma_wait3A_2336] : memref<3x16x2048xf32, #tpu.memory_space<vmem>> -> memref<1x16x2048xf32, #tpu.memory_space<vmem>>
    %dma_wait3A_2338 = tpu.memref_squeeze %dma_wait3A_2337 : memref<1x16x2048xf32, #tpu.memory_space<vmem>> -> memref<16x2048xf32, #tpu.memory_space<vmem>>
    %dma_wait3A_2339 = arith.constant 0 : i32
    %dma_wait3A_2340 = tpu.memref_slice %arg3[%add3A_2332, %dma_wait3A_2339] : memref<16384x2048xf32, #tpu.memory_space<hbm>> -> memref<16x2048xf32, #tpu.memory_space<hbm>>
    %dma_wait3A_2341 = tpu.memref_slice %arg6[%dma_wait3A_2334] : memref<3x!tpu.dma_semaphore, #tpu.memory_space<semaphore_mem>> -> memref<1x!tpu.dma_semaphore, #tpu.memory_space<semaphore_mem>>
    %dma_wait3A_2342 = tpu.memref_squeeze %dma_wait3A_2341 : memref<1x!tpu.dma_semaphore, #tpu.memory_space<semaphore_mem>> -> memref<!tpu.dma_semaphore, #tpu.memory_space<semaphore_mem>>
    %dma_wait3A_2343 = arith.constant 0 : i32
    %dma_wait3A_2344 = tpu.memref_slice %arg3[%add3A_2332, %dma_wait3A_2343] : memref<16384x2048xf32, #tpu.memory_space<hbm>> -> memref<16x2048xf32, #tpu.memory_space<hbm>>
    %dma_wait3A_2345 = arith.constant 0 : i32
    %dma_wait3A_2346 = arith.constant 0 : i32
    %dma_wait3A_2347 = tpu.memref_slice %arg4[%dma_wait3A_2333, %dma_wait3A_2345, %dma_wait3A_2346] : memref<3x16x2048xf32, #tpu.memory_space<vmem>> -> memref<1x16x2048xf32, #tpu.memory_space<vmem>>
    %dma_wait3A_2348 = tpu.memref_squeeze %dma_wait3A_2347 : memref<1x16x2048xf32, #tpu.memory_space<vmem>> -> memref<16x2048xf32, #tpu.memory_space<vmem>>
    tpu.wait_dma2 semaphore(%dma_wait3A_2342 : memref<!tpu.dma_semaphore, #tpu.memory_space<semaphore_mem>>) src(%dma_wait3A_2348 : memref<16x2048xf32, #tpu.memory_space<vmem>>) dst(%dma_wait3A_2344 : memref<16x2048xf32, #tpu.memory_space<hbm>>)
    %add3A_2349 = arith.constant 496 : i32
    %add3A_2350 = arith.addi %mul3A_64, %add3A_2349 : i32
    %dma_wait3A_2351 = arith.constant 1 : i32
    %dma_wait3A_2352 = arith.constant 1 : i32
    %dma_wait3A_2353 = arith.constant 0 : i32
    %dma_wait3A_2354 = arith.constant 0 : i32
    %dma_wait3A_2355 = tpu.memref_slice %arg4[%dma_wait3A_2351, %dma_wait3A_2353, %dma_wait3A_2354] : memref<3x16x2048xf32, #tpu.memory_space<vmem>> -> memref<1x16x2048xf32, #tpu.memory_space<vmem>>
    %dma_wait3A_2356 = tpu.memref_squeeze %dma_wait3A_2355 : memref<1x16x2048xf32, #tpu.memory_space<vmem>> -> memref<16x2048xf32, #tpu.memory_space<vmem>>
    %dma_wait3A_2357 = arith.constant 0 : i32
    %dma_wait3A_2358 = tpu.memref_slice %arg3[%add3A_2350, %dma_wait3A_2357] : memref<16384x2048xf32, #tpu.memory_space<hbm>> -> memref<16x2048xf32, #tpu.memory_space<hbm>>
    %dma_wait3A_2359 = tpu.memref_slice %arg6[%dma_wait3A_2352] : memref<3x!tpu.dma_semaphore, #tpu.memory_space<semaphore_mem>> -> memref<1x!tpu.dma_semaphore, #tpu.memory_space<semaphore_mem>>
    %dma_wait3A_2360 = tpu.memref_squeeze %dma_wait3A_2359 : memref<1x!tpu.dma_semaphore, #tpu.memory_space<semaphore_mem>> -> memref<!tpu.dma_semaphore, #tpu.memory_space<semaphore_mem>>
    %dma_wait3A_2361 = arith.constant 0 : i32
    %dma_wait3A_2362 = tpu.memref_slice %arg3[%add3A_2350, %dma_wait3A_2361] : memref<16384x2048xf32, #tpu.memory_space<hbm>> -> memref<16x2048xf32, #tpu.memory_space<hbm>>
    %dma_wait3A_2363 = arith.constant 0 : i32
    %dma_wait3A_2364 = arith.constant 0 : i32
    %dma_wait3A_2365 = tpu.memref_slice %arg4[%dma_wait3A_2351, %dma_wait3A_2363, %dma_wait3A_2364] : memref<3x16x2048xf32, #tpu.memory_space<vmem>> -> memref<1x16x2048xf32, #tpu.memory_space<vmem>>
    %dma_wait3A_2366 = tpu.memref_squeeze %dma_wait3A_2365 : memref<1x16x2048xf32, #tpu.memory_space<vmem>> -> memref<16x2048xf32, #tpu.memory_space<vmem>>
    tpu.wait_dma2 semaphore(%dma_wait3A_2360 : memref<!tpu.dma_semaphore, #tpu.memory_space<semaphore_mem>>) src(%dma_wait3A_2366 : memref<16x2048xf32, #tpu.memory_space<vmem>>) dst(%dma_wait3A_2362 : memref<16x2048xf32, #tpu.memory_space<hbm>>)
    return
  }
}

</mosaic_0001>

<sc_bundles>
// kernel: kernel.3.cloned.1.call-start
scs
__scs_entry_jumppad:
0x0: {  	(pc) =	sbr.rel $0x88, $3  }
0x1: {  	(tag) =	ssettag $0x0;
	lr =	simm.s32 $0x1  }
0x2: {  	[smem:$0x3FA0] =	sst lr;
	_ =	strace $0xD0000000  }
0x3: {  	_ = 	snop  }
0x4: {  	_ = 	snop  }
0x5: {  	_ = 	snop  }
0x6: {  	_ = 	snop  }
0x7: {  	_ = 	snop  }
__scs_overlays_trampoline_lowered:
0x8: {  	[smem:$0x3FAF] =	sst s0  }
0x9: {  	[smem:$0x3FB0] =	sst s1  }
0xa: {  	[smem:$0x3FB1] =	sst s2  }
0xb: {  	[smem:$0x3FB2] =	sst s3  }
0xc: {  	[smem:$0x3FB3] =	sst s4  }
0xd: {  	[smem:$0x3FB4] =	sst s5  }
0xe: {  	[smem:$0x3FB5] =	sst s6  }
0xf: {  	[smem:$0x3FB6] =	sst s7  }
0x10: {  	[smem:$0x3FB7] =	sst s8  }
0x11: {  	[smem:$0x3FB8] =	sst s9;
	s0 =	simm.s32 @!p0 $0x0  }
0x12: {  	s1 =	sld [smem:$0x3F9E];
	s0 =	simm.s32 @p0 $0x1  }
0x13: {  	[smem:$0x3FB9] =	sst s0;
	s0 =	simm.s32 @!p1 $0x0  }
0x14: {  	s2 =	sld [smem:$0x3F9D];
	s0 =	simm.s32 @p1 $0x1  }
0x15: {  	[smem:$0x3FBA] =	sst s0;
	s0 =	simm.s32 @!p2 $0x0  }
0x16: {  	s3 =	sld [smem:$0x3FDB];
	s0 =	simm.s32 @p2 $0x1  }
0x17: {  	s4 =	simm.s32 $0x1BF5;
	[smem:$0x3FBC] =	sst s0  }
0x18: {  	s0 =	sld [smem:$0x3F9F];
	_ =	swait.ge [sflag:s4], $0x0  }
0x19: {  	s7 =	sld [smem:$0x3FA0]  }
0x1a: {  	s8 =	sadd.s32 $0xFFFFE003, lr  }
0x1b: {  	s9 =	sadd.s32 $0xFFFFFEF7, lr;
	s5 =	simm.s32 $0xFFFFFFFF;
	p2 =	slt.u32 s8, $0xFFFFF086  }
0x1c: {  	p1 =	slt.u32 s9, $0xF7A;
	s5 =	simm.s32 @!p2 $0x0  }
0x1d: {  	s5 =	simm.s32 @p1 $0x1;
	p0 =	seq.s32 s7, s2  }
0x1e: {  	s7 =	smul.u32 @!p0 $0xF7A, s2;
	p2 =	seq.s32 @!p0 s5, $0x0  }
0x1f: {  	s9 =	smul.u32 $0xF7A, s1;
	s8 =	simm.s32 @!p0 $0x1BF5;
	p2 =	por !p2, p0  }
0x20: {  	[sflag:s8] =	ssyncset.s32 @!p0 $0xFFFFF086;
	s6 =	sadd.s32 @!p0 s3, s7;
	s7 =	simm.s32 @!p0 $0x108  }
0x21: {  	s3 =	sadd.s32 s3, s9;
	s6 =	sadd.s32 @!p0 $0x88, s6;
	s7 =	simm.s32 @p2 $0x1082  }
0x22: {  	[simem:s7], [sflag:s8] =	dma.local @!p0 [hbm:s6], $0xF7A  }
0x23: {  	s9 =	sor.u32 $0xD0000000, s2;
	s6 =	simm.s32 $0x108;
	_ =	swait.ge @!p0 [sflag:s8], $0x0  }
0x24: {  	s3 =	sadd.s32 $0x88, s3;
	s6 =	simm.s32 @!p1 $0x1082;
	[sflag:s4] =	ssyncset.s32 $0xFFFFF086  }
0x25: {  	[simem:s6], [sflag:s4] =	dma.local [hbm:s3], $0xF7A  }
0x26: {  	[smem:$0x3FA0] =	sst s1;
	(tag) =	ssettag s2;
	_ =	strace s9  }
0x27: {  	s1 =	sld [smem:$0x3FB0]  }
0x28: {  	s2 =	sld [smem:$0x3FB1]  }
0x29: {  	s4 =	sld [smem:$0x3FB3]  }
0x2a: {  	p0 =	seq.s32 s5, $0x0;
	s5 =	sld [smem:$0x3FB4]  }
0x2b: {  	s6 =	sld [smem:$0x3FB5]  }
0x2c: {  	s7 =	sld [smem:$0x3FB6]  }
0x2d: {  	s3 =	simm.s32 $0x108;
	s8 =	sld [smem:$0x3FB7]  }
0x2e: {  	s3 =	simm.s32 @!p0 $0x1082;
	s9 =	sld [smem:$0x3FB8]  }
0x2f: {  	lr =	sadd.s32 s0, s3;
	s0 =	sld [smem:$0x3FAF]  }
0x30: {  	s3 =	sld [smem:$0x3FB2]  }
0x31: {  	[smem:$0x3FBB] =	sst s10  }
0x32: {  	s10 =	sld [smem:$0x3FB9];
	_ =	sdelay $0x3  }
0x33: {  	p0 =	seq.s32 s10, $0x1;
	s10 =	sld [smem:$0x3FBB];
	_ =	sdelay $0x3  }
0x34: {  	[smem:$0x3FBB] =	sst s10  }
0x35: {  	s10 =	sld [smem:$0x3FBA];
	_ =	sdelay $0x3  }
0x36: {  	p1 =	seq.s32 s10, $0x1;
	s10 =	sld [smem:$0x3FBB];
	_ =	sdelay $0x3  }
0x37: {  	[smem:$0x3FBB] =	sst s10  }
0x38: {  	s10 =	sld [smem:$0x3FBC]  }
0x39: {  	_ = 	snop;
	(pc) =	sbr.ind lr, $3  }
0x3a: {  	_ = 	snop  }
0x3b: {  	_ = 	snop  }
0x3c: {  	p2 =	seq.s32 s10, $0x1;
	s10 =	sld [smem:$0x3FBB]  }
0x3d: {  	_ =	shalt  }
0x3e: {  	_ =	shalt  }
0x3f: {  	_ =	shalt  }
0x40: {  	_ =	shalt  }
0x41: {  	_ =	shalt  }
0x42: {  	_ =	shalt  }
0x43: {  	_ =	shalt  }
0x44: {  	_ =	shalt  }
0x45: {  	_ =	shalt  }
0x46: {  	_ =	shalt  }
0x47: {  	_ =	shalt  }
0x48: {  	_ =	shalt  }
0x49: {  	_ =	shalt  }
0x4a: {  	_ =	shalt  }
0x4b: {  	_ =	shalt  }
0x4c: {  	_ =	shalt  }
0x4d: {  	_ =	shalt  }
0x4e: {  	_ =	shalt  }
0x4f: {  	_ =	shalt  }
0x50: {  	_ =	shalt  }
0x51: {  	_ =	shalt  }
0x52: {  	_ =	shalt  }
0x53: {  	_ =	shalt  }
0x54: {  	_ =	shalt  }
0x55: {  	_ =	shalt  }
0x56: {  	_ =	shalt  }
0x57: {  	_ =	shalt  }
0x58: {  	_ =	shalt  }
0x59: {  	_ =	shalt  }
0x5a: {  	_ =	shalt  }
0x5b: {  	_ =	shalt  }
0x5c: {  	_ =	shalt  }
0x5d: {  	_ =	shalt  }
0x5e: {  	_ =	shalt  }
0x5f: {  	_ =	shalt  }
0x60: {  	_ =	shalt  }
0x61: {  	_ =	shalt  }
0x62: {  	_ =	shalt  }
0x63: {  	_ =	shalt  }
0x64: {  	_ =	shalt  }
0x65: {  	_ =	shalt  }
0x66: {  	_ =	shalt  }
0x67: {  	_ =	shalt  }
0x68: {  	_ =	shalt  }
0x69: {  	_ =	shalt  }
0x6a: {  	_ =	shalt  }
0x6b: {  	_ =	shalt  }
0x6c: {  	_ =	shalt  }
0x6d: {  	_ =	shalt  }
0x6e: {  	_ =	shalt  }
0x6f: {  	_ =	shalt  }
0x70: {  	_ =	shalt  }
0x71: {  	_ =	shalt  }
0x72: {  	_ =	shalt  }
0x73: {  	_ =	shalt  }
0x74: {  	_ =	shalt  }
0x75: {  	_ =	shalt  }
0x76: {  	_ =	shalt  }
0x77: {  	_ =	shalt  }
0x78: {  	_ =	shalt  }
0x79: {  	_ =	shalt  }
0x7a: {  	_ =	shalt  }
0x7b: {  	_ =	shalt  }
0x7c: {  	_ =	shalt  }
0x7d: {  	_ =	shalt  }
0x7e: {  	_ =	shalt  }
0x7f: {  	_ =	shalt  }
0x80: {  	_ =	shalt  }
0x81: {  	_ =	shalt  }
0x82: {  	_ =	shalt  }
0x83: {  	_ =	shalt  }
0x84: {  	_ =	shalt  }
0x85: {  	_ =	shalt  }
0x86: {  	_ =	shalt  }
0x87: {  	_ =	shalt  }
.Lfunc_end0:
.L_simem_size_0:
called_computation_lowered:
.L_overlay_start_0:
0x88: {  	s2 =	sld [smem:$0x3FD9]  }
0x89: {  	s3 =	sld [smem:$0x3FFE];
	_ =	sdelay $0x1  }
0x8a: {  	s1 =	srdreg.scid  }
0x8b: {  	s0 =	sand.u32 $0x1, s1  }
0x8c: {  	s18 =	sshll.u32 s0, $0xA;
	s2 =	sadd.s32 s3, s2  }
0x8d: {  	s2 =	sadd.s32 s2, s18  }
0x8e: {  	[smem:$0x3FC7] =	sst s2  }
0x8f: {  	_ = 	snop  }
0x90: {  	s2 =	sld [smem:$0x3FC9]  }
0x91: {  	s19 =	sld [smem:$0x3FD0];
	(tm) =	ssettm $0x1  }
0x92: {  	s4 =	sld [smem:$0x3FFB];
	_ =	sdelay $0x3  }
0x93: {  	_ =	strace s4  }
0x94: {  	s4 =	sld [smem:$0x3FFC];
	_ =	sdelay $0x3  }
0x95: {  	_ =	strace s4  }
0x96: {  	s4 =	sld [smem:$0x3FFD];
	_ =	sdelay $0x3  }
0x97: {  	_ =	strace s4  }
0x98: {  	_ =	strace $0x8FFFFFFF  }
0x99: {  	s20 =	sld [smem:$0x3FDB];
	_ =	sdelay $0x1  }
0x9a: {  	s5 =	simm.s32 $_scs_section_size  }
0x9b: {  	s6 =	simm.s32 $_size__tile_overlayer_lowered;
	s7 =	simm.s32 $_tile_overlayer_lowered  }
0x9c: {  	s23 =	simm.s32 $0x1BFF;
	s22 =	sshll.u32 s7, $0x1;
	s4 =	sadd.s32 s5, s20  }
0x9d: {  	s8 =	simm.s32 $0x0;
	s21 =	sshll.u32 s6, $0x1;
	s6 =	sadd.s32 s22, s4  }
0x9e: {  	[timem:s8], [sflag:s23] =	dma.local [hbm:s6], s21  }
0x9f: {  	_ =	swait.ge [sflag:s23], s21  }
0xa0: {  	s5 =	ssub.s32 $0x0, s21;
	[sflag:s23] =	ssyncset.done $0x0  }
0xa1: {  	[sflag:s23] =	ssyncadd.s32 s5;
	_ =	sdelay $0x1  }
0xa2: {  	s24 =	simm.s32 $0x1B8B  }
0xa3: {  	_ =	swait.ge [sflag:s24], $0x1  }
0xa4: {  	[sflag:s24] =	ssyncset.done $0x0  }
0xa5: {  	s25 =	simm.s32 $0x1B8E;
	[sflag:s24] =	ssyncadd.s32 $0xFFFFFFFF  }
0xa6: {  	s26 =	simm.s32 $execute0_lowered;
	[smem:$0x3FD2] =	sst s25  }
0xa7: {  	s5 =	sshll.u32 s26, $0x1;
	_ =	strace $0x80000046;
	[dreg:$0x1] =	wrdreg $0xFFFFFFFF  }
0xa8: {  	s28 =	simm.s32 $_size_execute0_lowered;
	s4 =	sadd.s32 s4, s5;
	[dreg:$0x0] =	wrdreg $0x0  }
0xa9: {  	s5 =	sshll.u32 s28, $0x1;
	[dreg:$0x2] =	wrdreg s4  }
0xaa: {  	[dreg:$0x3] =	wrdreg s5  }
0xab: {  	[dreg:$0x4] =	wrdreg $0xC0  }
0xac: {  	_ =	task [dreg:s8], $0x5FFFF  }
0xad: {  	[dreg:$0x1] =	wrdreg $0xFFFFFFFF  }
0xae: {  	[dreg:$0x0] =	wrdreg $0x60  }
0xaf: {  	[dreg:$0x2] =	wrdreg s2  }
0xb0: {  	[dreg:$0x3] =	wrdreg s19  }
0xb1: {  	[dreg:$0x4] =	wrdreg $0x9  }
0xb2: {  	_ =	task.clear_ibuf [dreg:s8], $0x5FFFF;
	_ =	strace $0x90000046  }
0xb3: {  	s29 =	simm.s32 $0x9;
	_ =	strace $0x80000048  }
0xb4: {  	_ =	swait.ge [sflag:s29], $0x1  }
0xb5: {  	[sflag:s29] =	ssyncadd.s32 $0xFFFFFFFF  }
0xb6: {  	_ =	strace $0x90000048  }
0xb7: {  	_ =	sfence  }
0xb8: {  	s30 =	sld [smem:$0x0];
	_ =	sdelay $0x2  }
0xb9: {  	s31 =	sshll.u32 s1, $0xD;
	s1 =	sshrl.u32 s1, $0x2  }
0xba: {  	s3 =	sand.u32 $0x4000, s31;
	s1 =	sadd.s32 s1, s30  }
0xbb: {  	s0 =	sor.u32 s3, s0;
	s1 =	sshll.u32 s1, $0x11  }
0xbc: {  	s0 =	sor.u32 s1, s0  }
0xbd: {  	s0 =	sadd.s32 $0x8F2B, s0  }
0xbe: {  	[sflag:s0] =	ssyncadd.remote.s32 $0x1  }
0xbf: {  	_ =	sfence.sel $0xFFFF  }
0xc0: {  	[dreg:$0x0] =	wrdreg $0xFFFFFFFF;
	(pc) =	sbr.abs _section_cstart, $3  }
0xc1: {  	[dreg:$0x1] =	wrdreg $0xFFFFFFFF  }
0xc2: {  	_ =	task.clear_ibuf [dreg:s8], $0x2FFFF;
	_ =	strace $0x9FFFFFFF  }
0xc3: {  	(tm) =	ssettm $0x7FFFFFFF  }
tec
execute0_lowered:
.L_overlay_start_1:
0x0: {  	(tag) =	ssettag $0x1  }
0x1: {  	s0 =	stileid.u32  }
0x2: {  	s1 =	srdreg.scid;
	s2 =	sshrl.u32 s0, $0x3  }
0x3: {  	s6 =	rddreg [dreg:$0x0];
	s1 =	sand.u32 $0x1, s1;
	s2 =	smul.u32 $0x3, s2  }
0x4: {  	s3 =	sshrl.u32 s0, $0x1;
	s4 =	sshll.u32 s0, $0x12;
	s5 =	sshll.u32 s1, $0x11  }
0x5: {  	s0 =	rddreg [dreg:$0x1];
	s26 =	sor.u32 s5, s4;
	s2 =	sadd.s32 s3, s2  }
0x6: {  	s30 =	sadd.s32 s0, s26;
	s7 =	sshll.u32 s2, $0x13;
	s2 =	simm.s32 $0x0  }
0x7: {  	s9 =	sadd.s32 $0x1000, s30;
	[smem:$0x7FF] =	sst s2  }
0x8: {  	s11 =	sadd.s32 $0x2000, s30;
	_ =	strace $0x80000047;
	[dreg:$0x6] =	wrdreg s9  }
0x9: {  	s13 =	sadd.s32 $0x3000, s30;
	[dreg:$0x8] =	wrdreg s11  }
0xa: {  	s15 =	sadd.s32 $0x4000, s30;
	[dreg:$0xa] =	wrdreg s13  }
0xb: {  	s17 =	sadd.s32 $0x5000, s30;
	[dreg:$0xc] =	wrdreg s15  }
0xc: {  	s19 =	sadd.s32 $0x6000, s30;
	[dreg:$0xe] =	wrdreg s17  }
0xd: {  	s21 =	sadd.s32 $0x7000, s30;
	[dreg:$0x10] =	wrdreg s19  }
0xe: {  	s23 =	sadd.s32 $0x8000, s30;
	[dreg:$0x12] =	wrdreg s21  }
0xf: {  	s25 =	sadd.s32 $0x9000, s30;
	[dreg:$0x14] =	wrdreg s23  }
0x10: {  	s0 =	sadd.s32 $0xA000, s30;
	[dreg:$0x16] =	wrdreg s25  }
0x11: {  	[dreg:$0x18] =	wrdreg s0;
	s9 =	sadd.s32 $0xD000, s30  }
0x12: {  	s11 =	sadd.s32 $0xE000, s30;
	[dreg:$0x1e] =	wrdreg s9  }
0x13: {  	s13 =	sadd.s32 $0xF000, s30;
	[smem:$0x7EF] =	sst s11  }
0x14: {  	s15 =	sadd.s32 $0x10000, s30;
	[smem:$0x7F1] =	sst s13  }
0x15: {  	s17 =	sadd.s32 $0x11000, s30;
	[smem:$0x7F3] =	sst s15  }
0x16: {  	s5 =	sand.u32 $0x60000, s26;
	s19 =	sadd.s32 $0x12000, s30;
	[smem:$0x7F5] =	sst s17  }
0x17: {  	s5 =	sor.u32 s5, s7;
	s21 =	sadd.s32 $0x13000, s30;
	[smem:$0x7F7] =	sst s19  }
0x18: {  	s31 =	sadd.s32 s6, s5;
	s23 =	sadd.s32 $0x14000, s30;
	[smem:$0x7F9] =	sst s21  }
0x19: {  	s5 =	sadd.s32 $0x1000, s31;
	[smem:$0x7FB] =	sst s23  }
0x1a: {  	s7 =	sadd.s32 $0x2000, s31;
	[dreg:$0x3] =	wrdreg s5  }
0x1b: {  	s8 =	sadd.s32 $0x3000, s31;
	[dreg:$0x4] =	wrdreg s7  }
0x1c: {  	s10 =	sadd.s32 $0x4000, s31;
	[dreg:$0x5] =	wrdreg s8  }
0x1d: {  	s12 =	sadd.s32 $0x5000, s31;
	[dreg:$0x7] =	wrdreg s10  }
0x1e: {  	s14 =	sadd.s32 $0x6000, s31;
	[dreg:$0x9] =	wrdreg s12  }
0x1f: {  	p0 =	por $0x0, $0x0;
	s16 =	sadd.s32 $0x7000, s31;
	[dreg:$0xb] =	wrdreg s14  }
0x20: {  	s1 =	ssub.s32 $0x2, s1;
	s18 =	sadd.s32 $0x8000, s31;
	[dreg:$0xd] =	wrdreg s16  }
0x21: {  	s28 =	sadd.s32 $0x16000, s30;
	s20 =	sadd.s32 $0x9000, s31;
	[dreg:$0xf] =	wrdreg s18  }
0x22: {  	s3 =	sadd.s32 $0x1F000, s30;
	s22 =	sadd.s32 $0xA000, s31;
	[dreg:$0x11] =	wrdreg s20  }
0x23: {  	s25 =	sshrl.u32 s1, $0x1;
	s24 =	sadd.s32 $0xB000, s31;
	[dreg:$0x13] =	wrdreg s22  }
0x24: {  	s26 =	sadd.s32 $0xC000, s31;
	s4 =	sadd.s32 $0xD000, s31;
	[dreg:$0x15] =	wrdreg s24  }
0x25: {  	s6 =	sadd.s32 $0xE000, s31;
	s1 =	ssub.s32 s1, s25;
	[dreg:$0x17] =	wrdreg s26  }
0x26: {  	s29 =	sadd.s32 $0x18000, s31;
	s25 =	sadd.s32 $0x17000, s30;
	[dreg:$0x19] =	wrdreg s4  }
0x27: {  	s23 =	sadd.s32 $0x18000, s30;
	s5 =	sadd.s32 $0xB000, s30;
	[dreg:$0x1b] =	wrdreg s6  }
0x28: {  	s21 =	sadd.s32 $0x19000, s30;
	s7 =	sadd.s32 $0xC000, s30;
	[dreg:$0x1a] =	wrdreg s5  }
0x29: {  	s19 =	sadd.s32 $0x1A000, s30;
	s8 =	sadd.s32 $0xF000, s31;
	[dreg:$0x1c] =	wrdreg s7  }
0x2a: {  	s15 =	sadd.s32 $0x1E000, s31;
	s10 =	sadd.s32 $0x10000, s31;
	[dreg:$0x1d] =	wrdreg s8  }
0x2b: {  	s13 =	sadd.s32 $0x1C000, s30;
	s12 =	sadd.s32 $0x11000, s31;
	[dreg:$0x1f] =	wrdreg s10  }
0x2c: {  	s9 =	sadd.s32 $0x1F000, s31;
	s14 =	sadd.s32 $0x12000, s31;
	[smem:$0x7F0] =	sst s12  }
0x2d: {  	s11 =	simm.s32 $0x2;
	s16 =	sadd.s32 $0x13000, s31;
	[smem:$0x7F2] =	sst s14  }
0x2e: {  	s17 =	simm.s32 $0x3;
	s18 =	sadd.s32 $0x14000, s31;
	[smem:$0x7F4] =	sst s16  }
0x2f: {  	s20 =	sadd.s32 $0x15000, s31;
	s22 =	sadd.s32 $0x16000, s31;
	[smem:$0x7F6] =	sst s18  }
0x30: {  	s24 =	sadd.s32 $0x17000, s31;
	s26 =	sadd.s32 $0x15000, s30;
	[smem:$0x7F8] =	sst s20  }
0x31: {  	s1 =	smax.u32 s1, $0x1;
	s6 =	simm.s32 $0x4;
	[smem:$0x7FA] =	sst s22  }
0x32: {  	s4 =	simm.s32 $0x5;
	[smem:$0x7FC] =	sst s24;
	p1 =	sne.s32 s1, $0x1  }
.Ltmp0:
0x33: {  	[smem:$0x7FD] =	sst s26;
	s26 =	sadd.s32 $0x19000, s31;
	(pc) =	sbr.rel @!p1 .LBB2_3-.Ltmp0, $4  }
0x34: {  	s24 =	sadd.s32 $0x1A000, s31;
	s22 =	sadd.s32 $0x1B000, s31;
	s20 =	sadd.s32 $0x1C000, s31  }
0x35: {  	s18 =	sadd.s32 $0x1D000, s31;
	s16 =	sadd.s32 $0x1B000, s30;
	s8 =	sadd.s32 $0x1D000, s30  }
0x36: {  	s7 =	sadd.s32 $0x1E000, s30;
	s5 =	simm.s32 $0x8000;
	s12 =	simm.s32 $0x10000  }
0x37: {  	s0 =	sadd.s32 $0xFFFFFFFF, s1;
	s14 =	simm.s32 $0x1;
	s10 =	simm.s32 $0x6  }
0x38: {  	[smem:$0x7EE] =	sst s0  }
0x39: {  	[tilespmem:s2], [sflag:$0x1] =	stream.linear.gather [hbm4b:s31+s2], $0x8000, $0x38;
	[tilespmem:$0x18000] =	vst v63  }
0x3a: {  	s0 =	rddreg [dreg:$0x3]  }
0x3b: {  	[tilespmem:s5], [sflag:$0x2] =	stream.linear.gather [hbm4b:s0+s2], $0x8000, $0x38;
	[tilespmem:$0x18000] =	vst v63  }
0x3c: {  	s1 =	rddreg [dreg:$0x4]  }
0x3d: {  	[tilespmem:s12], [sflag:$0x3] =	stream.linear.gather [hbm4b:s1+s2], $0x8000, $0x38;
	[tilespmem:$0x18000] =	vst v63  }
0x3e: {  	_ =	swait.ge [sflag:s14], $0x8000  }
0x3f: {  	[sflag:s14] =	ssyncset.done $0x0  }
0x40: {  	[sflag:s14] =	ssyncadd.s32 $0xFFFF8000  }
0x41: {  	[hbm4b:s30+s2] =	stream.linear.scatter [tilespmem:s2], [sflag:$0x4], $0x8000, $0x38;
	[tilespmem:$0x18000] =	vst v63  }
0x42: {  	_ =	swait.ge [sflag:s6], $0x8000  }
0x43: {  	[sflag:s6] =	ssyncset.done $0x0  }
0x44: {  	s1 =	rddreg [dreg:$0x5];
	[sflag:s6] =	ssyncadd.s32 $0xFFFF8000  }
0x45: {  	[tilespmem:s2], [sflag:$0x1] =	stream.linear.gather [hbm4b:s1+s2], $0x8000, $0x38;
	[tilespmem:$0x18000] =	vst v63  }
0x46: {  	_ =	swait.ge [sflag:s11], $0x8000  }
0x47: {  	[sflag:s11] =	ssyncset.done $0x0  }
0x48: {  	s1 =	rddreg [dreg:$0x6];
	[sflag:s11] =	ssyncadd.s32 $0xFFFF8000  }
0x49: {  	[hbm4b:s1+s2] =	stream.linear.scatter [tilespmem:s5], [sflag:$0x5], $0x8000, $0x38;
	[tilespmem:$0x18000] =	vst v63  }
0x4a: {  	_ =	swait.ge [sflag:s4], $0x8000  }
0x4b: {  	[sflag:s4] =	ssyncset.done $0x0  }
0x4c: {  	s1 =	rddreg [dreg:$0x7];
	[sflag:s4] =	ssyncadd.s32 $0xFFFF8000  }
0x4d: {  	[tilespmem:s5], [sflag:$0x2] =	stream.linear.gather [hbm4b:s1+s2], $0x8000, $0x38;
	[tilespmem:$0x18000] =	vst v63  }
0x4e: {  	_ =	swait.ge [sflag:s17], $0x8000  }
0x4f: {  	[sflag:s17] =	ssyncset.done $0x0  }
0x50: {  	s1 =	rddreg [dreg:$0x8];
	[sflag:s17] =	ssyncadd.s32 $0xFFFF8000  }
0x51: {  	[hbm4b:s1+s2] =	stream.linear.scatter [tilespmem:s12], [sflag:$0x6], $0x8000, $0x38;
	[tilespmem:$0x18000] =	vst v63  }
0x52: {  	_ =	swait.ge [sflag:s10], $0x8000  }
0x53: {  	[sflag:s10] =	ssyncset.done $0x0  }
0x54: {  	s1 =	rddreg [dreg:$0x9];
	[sflag:s10] =	ssyncadd.s32 $0xFFFF8000  }
0x55: {  	[tilespmem:s12], [sflag:$0x3] =	stream.linear.gather [hbm4b:s1+s2], $0x8000, $0x38;
	[tilespmem:$0x18000] =	vst v63  }
0x56: {  	_ =	swait.ge [sflag:s14], $0x8000  }
0x57: {  	[sflag:s14] =	ssyncset.done $0x0  }
0x58: {  	s1 =	rddreg [dreg:$0xa];
	[sflag:s14] =	ssyncadd.s32 $0xFFFF8000  }
0x59: {  	[hbm4b:s1+s2] =	stream.linear.scatter [tilespmem:s2], [sflag:$0x4], $0x8000, $0x38;
	[tilespmem:$0x18000] =	vst v63  }
0x5a: {  	_ =	swait.ge [sflag:s6], $0x8000  }
0x5b: {  	[sflag:s6] =	ssyncset.done $0x0  }
0x5c: {  	s1 =	rddreg [dreg:$0xb];
	[sflag:s6] =	ssyncadd.s32 $0xFFFF8000  }
0x5d: {  	[tilespmem:s2], [sflag:$0x1] =	stream.linear.gather [hbm4b:s1+s2], $0x8000, $0x38;
	[tilespmem:$0x18000] =	vst v63  }
0x5e: {  	_ =	swait.ge [sflag:s11], $0x8000  }
0x5f: {  	[sflag:s11] =	ssyncset.done $0x0  }
0x60: {  	s1 =	rddreg [dreg:$0xc];
	[sflag:s11] =	ssyncadd.s32 $0xFFFF8000  }
0x61: {  	[hbm4b:s1+s2] =	stream.linear.scatter [tilespmem:s5], [sflag:$0x5], $0x8000, $0x38;
	[tilespmem:$0x18000] =	vst v63  }
0x62: {  	_ =	swait.ge [sflag:s4], $0x8000  }
0x63: {  	[sflag:s4] =	ssyncset.done $0x0  }
0x64: {  	s1 =	rddreg [dreg:$0xd];
	[sflag:s4] =	ssyncadd.s32 $0xFFFF8000  }
0x65: {  	[tilespmem:s5], [sflag:$0x2] =	stream.linear.gather [hbm4b:s1+s2], $0x8000, $0x38;
	[tilespmem:$0x18000] =	vst v63  }
0x66: {  	_ =	swait.ge [sflag:s17], $0x8000  }
0x67: {  	[sflag:s17] =	ssyncset.done $0x0  }
0x68: {  	s1 =	rddreg [dreg:$0xe];
	[sflag:s17] =	ssyncadd.s32 $0xFFFF8000  }
0x69: {  	[hbm4b:s1+s2] =	stream.linear.scatter [tilespmem:s12], [sflag:$0x6], $0x8000, $0x38;
	[tilespmem:$0x18000] =	vst v63  }
0x6a: {  	_ =	swait.ge [sflag:s10], $0x8000  }
0x6b: {  	[sflag:s10] =	ssyncset.done $0x0  }
0x6c: {  	s1 =	rddreg [dreg:$0xf];
	[sflag:s10] =	ssyncadd.s32 $0xFFFF8000  }
0x6d: {  	[tilespmem:s12], [sflag:$0x3] =	stream.linear.gather [hbm4b:s1+s2], $0x8000, $0x38;
	[tilespmem:$0x18000] =	vst v63  }
0x6e: {  	_ =	swait.ge [sflag:s14], $0x8000  }
0x6f: {  	[sflag:s14] =	ssyncset.done $0x0  }
0x70: {  	s1 =	rddreg [dreg:$0x10];
	[sflag:s14] =	ssyncadd.s32 $0xFFFF8000  }
0x71: {  	[hbm4b:s1+s2] =	stream.linear.scatter [tilespmem:s2], [sflag:$0x4], $0x8000, $0x38;
	[tilespmem:$0x18000] =	vst v63  }
0x72: {  	_ =	swait.ge [sflag:s6], $0x8000  }
0x73: {  	[sflag:s6] =	ssyncset.done $0x0  }
0x74: {  	s1 =	rddreg [dreg:$0x11];
	[sflag:s6] =	ssyncadd.s32 $0xFFFF8000  }
0x75: {  	[tilespmem:s2], [sflag:$0x1] =	stream.linear.gather [hbm4b:s1+s2], $0x8000, $0x38;
	[tilespmem:$0x18000] =	vst v63  }
0x76: {  	_ =	swait.ge [sflag:s11], $0x8000  }
0x77: {  	[sflag:s11] =	ssyncset.done $0x0  }
0x78: {  	s1 =	rddreg [dreg:$0x12];
	[sflag:s11] =	ssyncadd.s32 $0xFFFF8000  }
0x79: {  	[hbm4b:s1+s2] =	stream.linear.scatter [tilespmem:s5], [sflag:$0x5], $0x8000, $0x38;
	[tilespmem:$0x18000] =	vst v63  }
0x7a: {  	_ =	swait.ge [sflag:s4], $0x8000  }
0x7b: {  	[sflag:s4] =	ssyncset.done $0x0  }
0x7c: {  	s1 =	rddreg [dreg:$0x13];
	[sflag:s4] =	ssyncadd.s32 $0xFFFF8000  }
0x7d: {  	[tilespmem:s5], [sflag:$0x2] =	stream.linear.gather [hbm4b:s1+s2], $0x8000, $0x38;
	[tilespmem:$0x18000] =	vst v63  }
0x7e: {  	_ =	swait.ge [sflag:s17], $0x8000  }
0x7f: {  	[sflag:s17] =	ssyncset.done $0x0  }
0x80: {  	s1 =	rddreg [dreg:$0x14];
	[sflag:s17] =	ssyncadd.s32 $0xFFFF8000  }
0x81: {  	[hbm4b:s1+s2] =	stream.linear.scatter [tilespmem:s12], [sflag:$0x6], $0x8000, $0x38;
	[tilespmem:$0x18000] =	vst v63  }
0x82: {  	_ =	swait.ge [sflag:s10], $0x8000  }
0x83: {  	[sflag:s10] =	ssyncset.done $0x0  }
0x84: {  	s1 =	rddreg [dreg:$0x15];
	[sflag:s10] =	ssyncadd.s32 $0xFFFF8000  }
0x85: {  	[tilespmem:s12], [sflag:$0x3] =	stream.linear.gather [hbm4b:s1+s2], $0x8000, $0x38;
	[tilespmem:$0x18000] =	vst v63  }
0x86: {  	_ =	swait.ge [sflag:s14], $0x8000  }
0x87: {  	[sflag:s14] =	ssyncset.done $0x0  }
0x88: {  	s1 =	rddreg [dreg:$0x16];
	[sflag:s14] =	ssyncadd.s32 $0xFFFF8000  }
0x89: {  	[hbm4b:s1+s2] =	stream.linear.scatter [tilespmem:s2], [sflag:$0x4], $0x8000, $0x38;
	[tilespmem:$0x18000] =	vst v63  }
0x8a: {  	_ =	swait.ge [sflag:s6], $0x8000  }
0x8b: {  	[sflag:s6] =	ssyncset.done $0x0  }
0x8c: {  	s1 =	rddreg [dreg:$0x17];
	[sflag:s6] =	ssyncadd.s32 $0xFFFF8000  }
0x8d: {  	[tilespmem:s2], [sflag:$0x1] =	stream.linear.gather [hbm4b:s1+s2], $0x8000, $0x38;
	[tilespmem:$0x18000] =	vst v63  }
0x8e: {  	_ =	swait.ge [sflag:s11], $0x8000  }
0x8f: {  	[sflag:s11] =	ssyncset.done $0x0  }
0x90: {  	s1 =	rddreg [dreg:$0x18];
	[sflag:s11] =	ssyncadd.s32 $0xFFFF8000  }
0x91: {  	[hbm4b:s1+s2] =	stream.linear.scatter [tilespmem:s5], [sflag:$0x5], $0x8000, $0x38;
	[tilespmem:$0x18000] =	vst v63  }
0x92: {  	_ =	swait.ge [sflag:s4], $0x8000  }
0x93: {  	[sflag:s4] =	ssyncset.done $0x0  }
0x94: {  	s1 =	rddreg [dreg:$0x19];
	[sflag:s4] =	ssyncadd.s32 $0xFFFF8000  }
0x95: {  	[tilespmem:s5], [sflag:$0x2] =	stream.linear.gather [hbm4b:s1+s2], $0x8000, $0x38;
	[tilespmem:$0x18000] =	vst v63  }
0x96: {  	_ =	swait.ge [sflag:s17], $0x8000  }
0x97: {  	[sflag:s17] =	ssyncset.done $0x0  }
0x98: {  	s1 =	rddreg [dreg:$0x1a];
	[sflag:s17] =	ssyncadd.s32 $0xFFFF8000  }
0x99: {  	[hbm4b:s1+s2] =	stream.linear.scatter [tilespmem:s12], [sflag:$0x6], $0x8000, $0x38;
	[tilespmem:$0x18000] =	vst v63  }
0x9a: {  	_ =	swait.ge [sflag:s10], $0x8000  }
0x9b: {  	[sflag:s10] =	ssyncset.done $0x0  }
0x9c: {  	s1 =	rddreg [dreg:$0x1b];
	[sflag:s10] =	ssyncadd.s32 $0xFFFF8000  }
0x9d: {  	[tilespmem:s12], [sflag:$0x3] =	stream.linear.gather [hbm4b:s1+s2], $0x8000, $0x38;
	[tilespmem:$0x18000] =	vst v63  }
0x9e: {  	_ =	swait.ge [sflag:s14], $0x8000  }
0x9f: {  	[sflag:s14] =	ssyncset.done $0x0  }
0xa0: {  	s1 =	rddreg [dreg:$0x1c];
	[sflag:s14] =	ssyncadd.s32 $0xFFFF8000  }
0xa1: {  	[hbm4b:s1+s2] =	stream.linear.scatter [tilespmem:s2], [sflag:$0x4], $0x8000, $0x38;
	[tilespmem:$0x18000] =	vst v63  }
0xa2: {  	_ =	swait.ge [sflag:s6], $0x8000  }
0xa3: {  	[sflag:s6] =	ssyncset.done $0x0  }
0xa4: {  	s1 =	rddreg [dreg:$0x1d];
	[sflag:s6] =	ssyncadd.s32 $0xFFFF8000  }
0xa5: {  	[tilespmem:s2], [sflag:$0x1] =	stream.linear.gather [hbm4b:s1+s2], $0x8000, $0x38;
	[tilespmem:$0x18000] =	vst v63  }
0xa6: {  	_ =	swait.ge [sflag:s11], $0x8000  }
0xa7: {  	[sflag:s11] =	ssyncset.done $0x0  }
0xa8: {  	s1 =	rddreg [dreg:$0x1e];
	[sflag:s11] =	ssyncadd.s32 $0xFFFF8000  }
0xa9: {  	[hbm4b:s1+s2] =	stream.linear.scatter [tilespmem:s5], [sflag:$0x5], $0x8000, $0x38;
	[tilespmem:$0x18000] =	vst v63  }
0xaa: {  	_ =	swait.ge [sflag:s4], $0x8000  }
0xab: {  	[sflag:s4] =	ssyncset.done $0x0  }
0xac: {  	s1 =	rddreg [dreg:$0x1f];
	[sflag:s4] =	ssyncadd.s32 $0xFFFF8000  }
0xad: {  	[tilespmem:s5], [sflag:$0x2] =	stream.linear.gather [hbm4b:s1+s2], $0x8000, $0x38;
	[tilespmem:$0x18000] =	vst v63  }
0xae: {  	_ =	swait.ge [sflag:s17], $0x8000  }
0xaf: {  	s1 =	sld [smem:$0x7EF]  }
0xb0: {  	[sflag:s17] =	ssyncset.done $0x0  }
0xb1: {  	[sflag:s17] =	ssyncadd.s32 $0xFFFF8000  }
0xb2: {  	[hbm4b:s1+s2] =	stream.linear.scatter [tilespmem:s12], [sflag:$0x6], $0x8000, $0x38;
	[tilespmem:$0x18000] =	vst v63  }
0xb3: {  	_ =	swait.ge [sflag:s10], $0x8000  }
0xb4: {  	s1 =	sld [smem:$0x7F0]  }
0xb5: {  	[sflag:s10] =	ssyncset.done $0x0  }
0xb6: {  	[sflag:s10] =	ssyncadd.s32 $0xFFFF8000  }
0xb7: {  	[tilespmem:s12], [sflag:$0x3] =	stream.linear.gather [hbm4b:s1+s2], $0x8000, $0x38;
	[tilespmem:$0x18000] =	vst v63  }
0xb8: {  	_ =	swait.ge [sflag:s14], $0x8000  }
0xb9: {  	s1 =	sld [smem:$0x7F1]  }
0xba: {  	[sflag:s14] =	ssyncset.done $0x0  }
0xbb: {  	[sflag:s14] =	ssyncadd.s32 $0xFFFF8000  }
0xbc: {  	[hbm4b:s1+s2] =	stream.linear.scatter [tilespmem:s2], [sflag:$0x4], $0x8000, $0x38;
	[tilespmem:$0x18000] =	vst v63  }
0xbd: {  	_ =	swait.ge [sflag:s6], $0x8000  }
0xbe: {  	s1 =	sld [smem:$0x7F2]  }
0xbf: {  	[sflag:s6] =	ssyncset.done $0x0  }
0xc0: {  	[sflag:s6] =	ssyncadd.s32 $0xFFFF8000  }
0xc1: {  	[tilespmem:s2], [sflag:$0x1] =	stream.linear.gather [hbm4b:s1+s2], $0x8000, $0x38;
	[tilespmem:$0x18000] =	vst v63  }
0xc2: {  	_ =	swait.ge [sflag:s11], $0x8000  }
0xc3: {  	s1 =	sld [smem:$0x7F3]  }
0xc4: {  	[sflag:s11] =	ssyncset.done $0x0  }
0xc5: {  	[sflag:s11] =	ssyncadd.s32 $0xFFFF8000  }
0xc6: {  	[hbm4b:s1+s2] =	stream.linear.scatter [tilespmem:s5], [sflag:$0x5], $0x8000, $0x38;
	[tilespmem:$0x18000] =	vst v63  }
0xc7: {  	_ =	swait.ge [sflag:s4], $0x8000  }
0xc8: {  	s1 =	sld [smem:$0x7F4]  }
0xc9: {  	[sflag:s4] =	ssyncset.done $0x0  }
0xca: {  	[sflag:s4] =	ssyncadd.s32 $0xFFFF8000  }
0xcb: {  	[tilespmem:s5], [sflag:$0x2] =	stream.linear.gather [hbm4b:s1+s2], $0x8000, $0x38;
	[tilespmem:$0x18000] =	vst v63  }
0xcc: {  	_ =	swait.ge [sflag:s17], $0x8000  }
0xcd: {  	s1 =	sld [smem:$0x7F5]  }
0xce: {  	[sflag:s17] =	ssyncset.done $0x0  }
0xcf: {  	[sflag:s17] =	ssyncadd.s32 $0xFFFF8000  }
0xd0: {  	[hbm4b:s1+s2] =	stream.linear.scatter [tilespmem:s12], [sflag:$0x6], $0x8000, $0x38;
	[tilespmem:$0x18000] =	vst v63  }
0xd1: {  	_ =	swait.ge [sflag:s10], $0x8000  }
0xd2: {  	s1 =	sld [smem:$0x7F6]  }
0xd3: {  	[sflag:s10] =	ssyncset.done $0x0  }
0xd4: {  	[sflag:s10] =	ssyncadd.s32 $0xFFFF8000  }
0xd5: {  	[tilespmem:s12], [sflag:$0x3] =	stream.linear.gather [hbm4b:s1+s2], $0x8000, $0x38;
	[tilespmem:$0x18000] =	vst v63  }
0xd6: {  	_ =	swait.ge [sflag:s14], $0x8000  }
0xd7: {  	s1 =	sld [smem:$0x7F7]  }
0xd8: {  	[sflag:s14] =	ssyncset.done $0x0  }
0xd9: {  	[sflag:s14] =	ssyncadd.s32 $0xFFFF8000  }
0xda: {  	[hbm4b:s1+s2] =	stream.linear.scatter [tilespmem:s2], [sflag:$0x4], $0x8000, $0x38;
	[tilespmem:$0x18000] =	vst v63  }
0xdb: {  	_ =	swait.ge [sflag:s6], $0x8000  }
0xdc: {  	s1 =	sld [smem:$0x7F8]  }
0xdd: {  	[sflag:s6] =	ssyncset.done $0x0  }
0xde: {  	[sflag:s6] =	ssyncadd.s32 $0xFFFF8000  }
0xdf: {  	[tilespmem:s2], [sflag:$0x1] =	stream.linear.gather [hbm4b:s1+s2], $0x8000, $0x38;
	[tilespmem:$0x18000] =	vst v63  }
0xe0: {  	_ =	swait.ge [sflag:s11], $0x8000  }
0xe1: {  	s1 =	sld [smem:$0x7F9]  }
0xe2: {  	[sflag:s11] =	ssyncset.done $0x0  }
0xe3: {  	[sflag:s11] =	ssyncadd.s32 $0xFFFF8000  }
0xe4: {  	[hbm4b:s1+s2] =	stream.linear.scatter [tilespmem:s5], [sflag:$0x5], $0x8000, $0x38;
	[tilespmem:$0x18000] =	vst v63  }
0xe5: {  	_ =	swait.ge [sflag:s4], $0x8000  }
0xe6: {  	s1 =	sld [smem:$0x7FA]  }
0xe7: {  	[sflag:s4] =	ssyncset.done $0x0  }
0xe8: {  	[sflag:s4] =	ssyncadd.s32 $0xFFFF8000  }
0xe9: {  	[tilespmem:s5], [sflag:$0x2] =	stream.linear.gather [hbm4b:s1+s2], $0x8000, $0x38;
	[tilespmem:$0x18000] =	vst v63  }
0xea: {  	_ =	swait.ge [sflag:s17], $0x8000  }
0xeb: {  	s1 =	sld [smem:$0x7FB]  }
0xec: {  	[sflag:s17] =	ssyncset.done $0x0  }
0xed: {  	[sflag:s17] =	ssyncadd.s32 $0xFFFF8000  }
0xee: {  	[hbm4b:s1+s2] =	stream.linear.scatter [tilespmem:s12], [sflag:$0x6], $0x8000, $0x38;
	[tilespmem:$0x18000] =	vst v63  }
0xef: {  	_ =	swait.ge [sflag:s10], $0x8000  }
0xf0: {  	s1 =	sld [smem:$0x7FC]  }
0xf1: {  	[sflag:s10] =	ssyncset.done $0x0  }
0xf2: {  	[sflag:s10] =	ssyncadd.s32 $0xFFFF8000  }
0xf3: {  	[tilespmem:s12], [sflag:$0x3] =	stream.linear.gather [hbm4b:s1+s2], $0x8000, $0x38;
	[tilespmem:$0x18000] =	vst v63  }
0xf4: {  	_ =	swait.ge [sflag:s14], $0x8000  }
0xf5: {  	s1 =	sld [smem:$0x7FD]  }
0xf6: {  	[sflag:s14] =	ssyncset.done $0x0  }
0xf7: {  	[sflag:s14] =	ssyncadd.s32 $0xFFFF8000  }
0xf8: {  	[hbm4b:s1+s2] =	stream.linear.scatter [tilespmem:s2], [sflag:$0x4], $0x8000, $0x38;
	[tilespmem:$0x18000] =	vst v63  }
0xf9: {  	_ =	swait.ge [sflag:s6], $0x8000  }
0xfa: {  	[sflag:s6] =	ssyncset.done $0x0  }
0xfb: {  	[sflag:s6] =	ssyncadd.s32 $0xFFFF8000  }
0xfc: {  	[tilespmem:s2], [sflag:$0x1] =	stream.linear.gather [hbm4b:s29+s2], $0x8000, $0x38;
	[tilespmem:$0x18000] =	vst v63  }
0xfd: {  	_ =	swait.ge [sflag:s11], $0x8000  }
0xfe: {  	[sflag:s11] =	ssyncset.done $0x0  }
0xff: {  	[sflag:s11] =	ssyncadd.s32 $0xFFFF8000  }
0x100: {  	[hbm4b:s28+s2] =	stream.linear.scatter [tilespmem:s5], [sflag:$0x5], $0x8000, $0x38;
	[tilespmem:$0x18000] =	vst v63  }
0x101: {  	_ =	swait.ge [sflag:s4], $0x8000  }
0x102: {  	[sflag:s4] =	ssyncset.done $0x0  }
0x103: {  	[sflag:s4] =	ssyncadd.s32 $0xFFFF8000  }
0x104: {  	[tilespmem:s5], [sflag:$0x2] =	stream.linear.gather [hbm4b:s26+s2], $0x8000, $0x38;
	[tilespmem:$0x18000] =	vst v63  }
0x105: {  	_ =	swait.ge [sflag:s17], $0x8000  }
0x106: {  	[sflag:s17] =	ssyncset.done $0x0  }
0x107: {  	[sflag:s17] =	ssyncadd.s32 $0xFFFF8000  }
0x108: {  	[hbm4b:s25+s2] =	stream.linear.scatter [tilespmem:s12], [sflag:$0x6], $0x8000, $0x38;
	[tilespmem:$0x18000] =	vst v63  }
0x109: {  	_ =	swait.ge [sflag:s10], $0x8000  }
0x10a: {  	[sflag:s10] =	ssyncset.done $0x0  }
0x10b: {  	[sflag:s10] =	ssyncadd.s32 $0xFFFF8000  }
0x10c: {  	[tilespmem:s12], [sflag:$0x3] =	stream.linear.gather [hbm4b:s24+s2], $0x8000, $0x38;
	[tilespmem:$0x18000] =	vst v63  }
0x10d: {  	_ =	swait.ge [sflag:s14], $0x8000  }
0x10e: {  	[sflag:s14] =	ssyncset.done $0x0  }
0x10f: {  	[sflag:s14] =	ssyncadd.s32 $0xFFFF8000  }
0x110: {  	[hbm4b:s23+s2] =	stream.linear.scatter [tilespmem:s2], [sflag:$0x4], $0x8000, $0x38;
	[tilespmem:$0x18000] =	vst v63  }
0x111: {  	_ =	swait.ge [sflag:s6], $0x8000  }
0x112: {  	[sflag:s6] =	ssyncset.done $0x0  }
0x113: {  	[sflag:s6] =	ssyncadd.s32 $0xFFFF8000  }
0x114: {  	[tilespmem:s2], [sflag:$0x1] =	stream.linear.gather [hbm4b:s22+s2], $0x8000, $0x38;
	[tilespmem:$0x18000] =	vst v63  }
0x115: {  	_ =	swait.ge [sflag:s11], $0x8000  }
0x116: {  	[sflag:s11] =	ssyncset.done $0x0  }
0x117: {  	[sflag:s11] =	ssyncadd.s32 $0xFFFF8000  }
0x118: {  	[hbm4b:s21+s2] =	stream.linear.scatter [tilespmem:s5], [sflag:$0x5], $0x8000, $0x38;
	[tilespmem:$0x18000] =	vst v63  }
0x119: {  	_ =	swait.ge [sflag:s4], $0x8000  }
0x11a: {  	[sflag:s4] =	ssyncset.done $0x0  }
0x11b: {  	[sflag:s4] =	ssyncadd.s32 $0xFFFF8000  }
0x11c: {  	[tilespmem:s5], [sflag:$0x2] =	stream.linear.gather [hbm4b:s20+s2], $0x8000, $0x38;
	[tilespmem:$0x18000] =	vst v63  }
0x11d: {  	_ =	swait.ge [sflag:s17], $0x8000  }
0x11e: {  	[sflag:s17] =	ssyncset.done $0x0  }
0x11f: {  	[sflag:s17] =	ssyncadd.s32 $0xFFFF8000  }
0x120: {  	[hbm4b:s19+s2] =	stream.linear.scatter [tilespmem:s12], [sflag:$0x6], $0x8000, $0x38;
	[tilespmem:$0x18000] =	vst v63  }
0x121: {  	_ =	swait.ge [sflag:s10], $0x8000  }
0x122: {  	[sflag:s10] =	ssyncset.done $0x0  }
0x123: {  	[sflag:s10] =	ssyncadd.s32 $0xFFFF8000  }
0x124: {  	[tilespmem:s12], [sflag:$0x3] =	stream.linear.gather [hbm4b:s18+s2], $0x8000, $0x38;
	[tilespmem:$0x18000] =	vst v63  }
0x125: {  	_ =	swait.ge [sflag:s14], $0x8000  }
0x126: {  	[sflag:s14] =	ssyncset.done $0x0  }
0x127: {  	[sflag:s14] =	ssyncadd.s32 $0xFFFF8000  }
0x128: {  	[hbm4b:s16+s2] =	stream.linear.scatter [tilespmem:s2], [sflag:$0x4], $0x8000, $0x38;
	[tilespmem:$0x18000] =	vst v63  }
0x129: {  	_ =	swait.ge [sflag:s6], $0x8000  }
0x12a: {  	[sflag:s6] =	ssyncset.done $0x0  }
0x12b: {  	[sflag:s6] =	ssyncadd.s32 $0xFFFF8000  }
0x12c: {  	[tilespmem:s2], [sflag:$0x1] =	stream.linear.gather [hbm4b:s15+s2], $0x8000, $0x38;
	[tilespmem:$0x18000] =	vst v63  }
0x12d: {  	_ =	swait.ge [sflag:s11], $0x8000  }
0x12e: {  	[sflag:s11] =	ssyncset.done $0x0  }
0x12f: {  	[sflag:s11] =	ssyncadd.s32 $0xFFFF8000  }
0x130: {  	[hbm4b:s13+s2] =	stream.linear.scatter [tilespmem:s5], [sflag:$0x5], $0x8000, $0x38;
	[tilespmem:$0x18000] =	vst v63  }
0x131: {  	_ =	swait.ge [sflag:s4], $0x8000  }
0x132: {  	[sflag:s4] =	ssyncset.done $0x0  }
0x133: {  	[sflag:s4] =	ssyncadd.s32 $0xFFFF8000  }
0x134: {  	[tilespmem:s5], [sflag:$0x2] =	stream.linear.gather [hbm4b:s9+s2], $0x8000, $0x38;
	[tilespmem:$0x18000] =	vst v63  }
0x135: {  	_ =	swait.ge [sflag:s17], $0x8000  }
0x136: {  	[sflag:s17] =	ssyncset.done $0x0  }
0x137: {  	[sflag:s17] =	ssyncadd.s32 $0xFFFF8000  }
0x138: {  	[hbm4b:s8+s2] =	stream.linear.scatter [tilespmem:s12], [sflag:$0x6], $0x8000, $0x38;
	[tilespmem:$0x18000] =	vst v63  }
0x139: {  	_ =	swait.ge [sflag:s14], $0x8000  }
0x13a: {  	[sflag:s14] =	ssyncset.done $0x0  }
0x13b: {  	[sflag:s14] =	ssyncadd.s32 $0xFFFF8000  }
0x13c: {  	[hbm4b:s7+s2] =	stream.linear.scatter [tilespmem:s2], [sflag:$0x4], $0x8000, $0x38;
	[tilespmem:$0x18000] =	vst v63  }
0x13d: {  	_ =	swait.ge [sflag:s11], $0x8000  }
0x13e: {  	[sflag:s11] =	ssyncset.done $0x0  }
0x13f: {  	[sflag:s11] =	ssyncadd.s32 $0xFFFF8000  }
0x140: {  	[hbm4b:s3+s2] =	stream.linear.scatter [tilespmem:s5], [sflag:$0x5], $0x8000, $0x38;
	[tilespmem:$0x18000] =	vst v63  }
0x141: {  	_ =	swait.ge [sflag:s10], $0x8000  }
0x142: {  	[sflag:s10] =	ssyncset.done $0x0  }
0x143: {  	[sflag:s10] =	ssyncadd.s32 $0xFFFF8000  }
0x144: {  	_ =	swait.ge [sflag:s6], $0x8000  }
0x145: {  	s1 =	sld [smem:$0x7EE];
	_ =	sdelay $0x2  }
0x146: {  	p1 =	sne.s32 s1, $0x1  }
.Ltmp1:
0x147: {  	_ = 	snop;
	(pc) =	sbr.rel @!p1 .LBB2_3-.Ltmp1, $4  }
0x148: {  	[sflag:s6] =	ssyncset.done $0x0  }
0x149: {  	[sflag:s6] =	ssyncadd.s32 $0xFFFF8000  }
0x14a: {  	_ =	swait.ge [sflag:s4], $0x8000  }
0x14b: {  	p0 =	por $0x1, $0x1;
	s1 =	sadd.s32 $0xFFFFFFFF, s1;
	[sflag:s4] =	ssyncset.done $0x0  }
.LBB2_2:
0x14c: {  	s0 =	rddreg [dreg:$0x3]  }
0x14d: {  	[sflag:s4] =	ssyncadd.s32 $0xFFFF8000;
	s10 =	simm.s32 $0x8000;
	s5 =	simm.s32 $0x10000  }
0x14e: {  	[tilespmem:s2], [sflag:$0x1] =	stream.linear.gather [hbm4b:s31+s2], $0x8000, $0x38;
	[tilespmem:$0x18000] =	vst v63  }
0x14f: {  	s12 =	smov.u32 s31;
	s31 =	smov.u32 s30;
	s30 =	smov.u32 s29  }
0x150: {  	s29 =	smov.u32 s28;
	s28 =	smov.u32 s26;
	s26 =	smov.u32 s25  }
0x151: {  	s25 =	smov.u32 s24;
	s24 =	smov.u32 s23;
	s23 =	smov.u32 s22  }
0x152: {  	s22 =	smov.u32 s21;
	s21 =	smov.u32 s20;
	s20 =	smov.u32 s19  }
0x153: {  	s19 =	smov.u32 s18;
	s18 =	smov.u32 s16;
	s16 =	smov.u32 s15  }
0x154: {  	s15 =	smov.u32 s13;
	s13 =	smov.u32 s9;
	s9 =	smov.u32 s8  }
0x155: {  	[tilespmem:s10], [sflag:$0x2] =	stream.linear.gather [hbm4b:s0+s2], $0x8000, $0x38;
	[tilespmem:$0x18000] =	vst v63  }
0x156: {  	s8 =	smov.u32 s7;
	s7 =	smov.u32 s3;
	s3 =	rddreg [dreg:$0x4]  }
0x157: {  	[tilespmem:s5], [sflag:$0x3] =	stream.linear.gather [hbm4b:s3+s2], $0x8000, $0x38;
	[tilespmem:$0x18000] =	vst v63  }
0x158: {  	s3 =	smov.u32 s7  }
0x159: {  	s7 =	smov.u32 s8;
	s8 =	smov.u32 s9;
	s9 =	smov.u32 s13  }
0x15a: {  	s13 =	smov.u32 s15;
	s15 =	smov.u32 s16;
	s16 =	smov.u32 s18  }
0x15b: {  	s18 =	smov.u32 s19;
	s19 =	smov.u32 s20;
	s20 =	smov.u32 s21  }
0x15c: {  	s21 =	smov.u32 s22;
	s22 =	smov.u32 s23;
	s23 =	smov.u32 s24  }
0x15d: {  	s24 =	smov.u32 s25;
	s25 =	smov.u32 s26;
	_ =	swait.ge [sflag:s14], $0x8000  }
0x15e: {  	s26 =	smov.u32 s28;
	s28 =	smov.u32 s29;
	[sflag:s14] =	ssyncset.done $0x0  }
0x15f: {  	s29 =	smov.u32 s30;
	s30 =	smov.u32 s31;
	[sflag:s14] =	ssyncadd.s32 $0xFFFF8000  }
0x160: {  	[hbm4b:s30+s2] =	stream.linear.scatter [tilespmem:s2], [sflag:$0x4], $0x8000, $0x38;
	[tilespmem:$0x18000] =	vst v63  }
0x161: {  	_ =	swait.ge [sflag:s6], $0x8000  }
0x162: {  	[sflag:s6] =	ssyncset.done $0x0  }
0x163: {  	s0 =	rddreg [dreg:$0x5];
	[sflag:s6] =	ssyncadd.s32 $0xFFFF8000  }
0x164: {  	[tilespmem:s2], [sflag:$0x1] =	stream.linear.gather [hbm4b:s0+s2], $0x8000, $0x38;
	[tilespmem:$0x18000] =	vst v63  }
0x165: {  	_ =	swait.ge [sflag:s11], $0x8000  }
0x166: {  	[sflag:s11] =	ssyncset.done $0x0  }
0x167: {  	s5 =	simm.s32 $0x8000;
	s0 =	rddreg [dreg:$0x6];
	[sflag:s11] =	ssyncadd.s32 $0xFFFF8000  }
0x168: {  	[hbm4b:s0+s2] =	stream.linear.scatter [tilespmem:s5], [sflag:$0x5], $0x8000, $0x38;
	[tilespmem:$0x18000] =	vst v63  }
0x169: {  	_ =	swait.ge [sflag:s4], $0x8000  }
0x16a: {  	[sflag:s4] =	ssyncset.done $0x0  }
0x16b: {  	s0 =	rddreg [dreg:$0x7];
	[sflag:s4] =	ssyncadd.s32 $0xFFFF8000  }
0x16c: {  	[tilespmem:s5], [sflag:$0x2] =	stream.linear.gather [hbm4b:s0+s2], $0x8000, $0x38;
	[tilespmem:$0x18000] =	vst v63  }
0x16d: {  	_ =	swait.ge [sflag:s17], $0x8000  }
0x16e: {  	s10 =	simm.s32 $0x6;
	s31 =	smov.u32 s12;
	[sflag:s17] =	ssyncset.done $0x0  }
0x16f: {  	s12 =	simm.s32 $0x10000;
	s0 =	rddreg [dreg:$0x8];
	[sflag:s17] =	ssyncadd.s32 $0xFFFF8000  }
0x170: {  	[hbm4b:s0+s2] =	stream.linear.scatter [tilespmem:s12], [sflag:$0x6], $0x8000, $0x38;
	[tilespmem:$0x18000] =	vst v63  }
0x171: {  	_ =	swait.ge [sflag:s10], $0x8000  }
0x172: {  	[sflag:s10] =	ssyncset.done $0x0  }
0x173: {  	s0 =	rddreg [dreg:$0x9];
	[sflag:s10] =	ssyncadd.s32 $0xFFFF8000  }
0x174: {  	[tilespmem:s12], [sflag:$0x3] =	stream.linear.gather [hbm4b:s0+s2], $0x8000, $0x38;
	[tilespmem:$0x18000] =	vst v63  }
0x175: {  	_ =	swait.ge [sflag:s14], $0x8000  }
0x176: {  	[sflag:s14] =	ssyncset.done $0x0  }
0x177: {  	s0 =	rddreg [dreg:$0xa];
	[sflag:s14] =	ssyncadd.s32 $0xFFFF8000  }
0x178: {  	[hbm4b:s0+s2] =	stream.linear.scatter [tilespmem:s2], [sflag:$0x4], $0x8000, $0x38;
	[tilespmem:$0x18000] =	vst v63  }
0x179: {  	_ =	swait.ge [sflag:s6], $0x8000  }
0x17a: {  	[sflag:s6] =	ssyncset.done $0x0  }
0x17b: {  	s0 =	rddreg [dreg:$0xb];
	[sflag:s6] =	ssyncadd.s32 $0xFFFF8000  }
0x17c: {  	[tilespmem:s2], [sflag:$0x1] =	stream.linear.gather [hbm4b:s0+s2], $0x8000, $0x38;
	[tilespmem:$0x18000] =	vst v63  }
0x17d: {  	_ =	swait.ge [sflag:s11], $0x8000  }
0x17e: {  	[sflag:s11] =	ssyncset.done $0x0  }
0x17f: {  	s0 =	rddreg [dreg:$0xc];
	[sflag:s11] =	ssyncadd.s32 $0xFFFF8000  }
0x180: {  	[hbm4b:s0+s2] =	stream.linear.scatter [tilespmem:s5], [sflag:$0x5], $0x8000, $0x38;
	[tilespmem:$0x18000] =	vst v63  }
0x181: {  	_ =	swait.ge [sflag:s4], $0x8000  }
0x182: {  	[sflag:s4] =	ssyncset.done $0x0  }
0x183: {  	s0 =	rddreg [dreg:$0xd];
	[sflag:s4] =	ssyncadd.s32 $0xFFFF8000  }
0x184: {  	[tilespmem:s5], [sflag:$0x2] =	stream.linear.gather [hbm4b:s0+s2], $0x8000, $0x38;
	[tilespmem:$0x18000] =	vst v63  }
0x185: {  	_ =	swait.ge [sflag:s17], $0x8000  }
0x186: {  	[sflag:s17] =	ssyncset.done $0x0  }
0x187: {  	s0 =	rddreg [dreg:$0xe];
	[sflag:s17] =	ssyncadd.s32 $0xFFFF8000  }
0x188: {  	[hbm4b:s0+s2] =	stream.linear.scatter [tilespmem:s12], [sflag:$0x6], $0x8000, $0x38;
	[tilespmem:$0x18000] =	vst v63  }
0x189: {  	_ =	swait.ge [sflag:s10], $0x8000  }
0x18a: {  	[sflag:s10] =	ssyncset.done $0x0  }
0x18b: {  	s0 =	rddreg [dreg:$0xf];
	[sflag:s10] =	ssyncadd.s32 $0xFFFF8000  }
0x18c: {  	[tilespmem:s12], [sflag:$0x3] =	stream.linear.gather [hbm4b:s0+s2], $0x8000, $0x38;
	[tilespmem:$0x18000] =	vst v63  }
0x18d: {  	_ =	swait.ge [sflag:s14], $0x8000  }
0x18e: {  	[sflag:s14] =	ssyncset.done $0x0  }
0x18f: {  	s0 =	rddreg [dreg:$0x10];
	[sflag:s14] =	ssyncadd.s32 $0xFFFF8000  }
0x190: {  	[hbm4b:s0+s2] =	stream.linear.scatter [tilespmem:s2], [sflag:$0x4], $0x8000, $0x38;
	[tilespmem:$0x18000] =	vst v63  }
0x191: {  	_ =	swait.ge [sflag:s6], $0x8000  }
0x192: {  	[sflag:s6] =	ssyncset.done $0x0  }
0x193: {  	s0 =	rddreg [dreg:$0x11];
	[sflag:s6] =	ssyncadd.s32 $0xFFFF8000  }
0x194: {  	[tilespmem:s2], [sflag:$0x1] =	stream.linear.gather [hbm4b:s0+s2], $0x8000, $0x38;
	[tilespmem:$0x18000] =	vst v63  }
0x195: {  	_ =	swait.ge [sflag:s11], $0x8000  }
0x196: {  	[sflag:s11] =	ssyncset.done $0x0  }
0x197: {  	s0 =	rddreg [dreg:$0x12];
	[sflag:s11] =	ssyncadd.s32 $0xFFFF8000  }
0x198: {  	[hbm4b:s0+s2] =	stream.linear.scatter [tilespmem:s5], [sflag:$0x5], $0x8000, $0x38;
	[tilespmem:$0x18000] =	vst v63  }
0x199: {  	_ =	swait.ge [sflag:s4], $0x8000  }
0x19a: {  	[sflag:s4] =	ssyncset.done $0x0  }
0x19b: {  	s0 =	rddreg [dreg:$0x13];
	[sflag:s4] =	ssyncadd.s32 $0xFFFF8000  }
0x19c: {  	[tilespmem:s5], [sflag:$0x2] =	stream.linear.gather [hbm4b:s0+s2], $0x8000, $0x38;
	[tilespmem:$0x18000] =	vst v63  }
0x19d: {  	_ =	swait.ge [sflag:s17], $0x8000  }
0x19e: {  	[sflag:s17] =	ssyncset.done $0x0  }
0x19f: {  	s0 =	rddreg [dreg:$0x14];
	[sflag:s17] =	ssyncadd.s32 $0xFFFF8000  }
0x1a0: {  	[hbm4b:s0+s2] =	stream.linear.scatter [tilespmem:s12], [sflag:$0x6], $0x8000, $0x38;
	[tilespmem:$0x18000] =	vst v63  }
0x1a1: {  	_ =	swait.ge [sflag:s10], $0x8000  }
0x1a2: {  	[sflag:s10] =	ssyncset.done $0x0  }
0x1a3: {  	s0 =	rddreg [dreg:$0x15];
	[sflag:s10] =	ssyncadd.s32 $0xFFFF8000  }
0x1a4: {  	[tilespmem:s12], [sflag:$0x3] =	stream.linear.gather [hbm4b:s0+s2], $0x8000, $0x38;
	[tilespmem:$0x18000] =	vst v63  }
0x1a5: {  	_ =	swait.ge [sflag:s14], $0x8000  }
0x1a6: {  	[sflag:s14] =	ssyncset.done $0x0  }
0x1a7: {  	s0 =	rddreg [dreg:$0x16];
	[sflag:s14] =	ssyncadd.s32 $0xFFFF8000  }
0x1a8: {  	[hbm4b:s0+s2] =	stream.linear.scatter [tilespmem:s2], [sflag:$0x4], $0x8000, $0x38;
	[tilespmem:$0x18000] =	vst v63  }
0x1a9: {  	_ =	swait.ge [sflag:s6], $0x8000  }
0x1aa: {  	[sflag:s6] =	ssyncset.done $0x0  }
0x1ab: {  	s0 =	rddreg [dreg:$0x17];
	[sflag:s6] =	ssyncadd.s32 $0xFFFF8000  }
0x1ac: {  	[tilespmem:s2], [sflag:$0x1] =	stream.linear.gather [hbm4b:s0+s2], $0x8000, $0x38;
	[tilespmem:$0x18000] =	vst v63  }
0x1ad: {  	_ =	swait.ge [sflag:s11], $0x8000  }
0x1ae: {  	[sflag:s11] =	ssyncset.done $0x0  }
0x1af: {  	s0 =	rddreg [dreg:$0x18];
	[sflag:s11] =	ssyncadd.s32 $0xFFFF8000  }
0x1b0: {  	[hbm4b:s0+s2] =	stream.linear.scatter [tilespmem:s5], [sflag:$0x5], $0x8000, $0x38;
	[tilespmem:$0x18000] =	vst v63  }
0x1b1: {  	_ =	swait.ge [sflag:s4], $0x8000  }
0x1b2: {  	[sflag:s4] =	ssyncset.done $0x0  }
0x1b3: {  	s0 =	rddreg [dreg:$0x19];
	[sflag:s4] =	ssyncadd.s32 $0xFFFF8000  }
0x1b4: {  	[tilespmem:s5], [sflag:$0x2] =	stream.linear.gather [hbm4b:s0+s2], $0x8000, $0x38;
	[tilespmem:$0x18000] =	vst v63  }
0x1b5: {  	_ =	swait.ge [sflag:s17], $0x8000  }
0x1b6: {  	[sflag:s17] =	ssyncset.done $0x0  }
0x1b7: {  	s0 =	rddreg [dreg:$0x1a];
	[sflag:s17] =	ssyncadd.s32 $0xFFFF8000  }
0x1b8: {  	[hbm4b:s0+s2] =	stream.linear.scatter [tilespmem:s12], [sflag:$0x6], $0x8000, $0x38;
	[tilespmem:$0x18000] =	vst v63  }
0x1b9: {  	_ =	swait.ge [sflag:s10], $0x8000  }
0x1ba: {  	[sflag:s10] =	ssyncset.done $0x0  }
0x1bb: {  	s0 =	rddreg [dreg:$0x1b];
	[sflag:s10] =	ssyncadd.s32 $0xFFFF8000  }
0x1bc: {  	[tilespmem:s12], [sflag:$0x3] =	stream.linear.gather [hbm4b:s0+s2], $0x8000, $0x38;
	[tilespmem:$0x18000] =	vst v63  }
0x1bd: {  	_ =	swait.ge [sflag:s14], $0x8000  }
0x1be: {  	[sflag:s14] =	ssyncset.done $0x0  }
0x1bf: {  	s0 =	rddreg [dreg:$0x1c];
	[sflag:s14] =	ssyncadd.s32 $0xFFFF8000  }
0x1c0: {  	[hbm4b:s0+s2] =	stream.linear.scatter [tilespmem:s2], [sflag:$0x4], $0x8000, $0x38;
	[tilespmem:$0x18000] =	vst v63  }
0x1c1: {  	_ =	swait.ge [sflag:s6], $0x8000  }
0x1c2: {  	[sflag:s6] =	ssyncset.done $0x0  }
0x1c3: {  	s0 =	rddreg [dreg:$0x1d];
	[sflag:s6] =	ssyncadd.s32 $0xFFFF8000  }
0x1c4: {  	[tilespmem:s2], [sflag:$0x1] =	stream.linear.gather [hbm4b:s0+s2], $0x8000, $0x38;
	[tilespmem:$0x18000] =	vst v63  }
0x1c5: {  	_ =	swait.ge [sflag:s11], $0x8000  }
0x1c6: {  	[sflag:s11] =	ssyncset.done $0x0  }
0x1c7: {  	s0 =	rddreg [dreg:$0x1e];
	[sflag:s11] =	ssyncadd.s32 $0xFFFF8000  }
0x1c8: {  	[hbm4b:s0+s2] =	stream.linear.scatter [tilespmem:s5], [sflag:$0x5], $0x8000, $0x38;
	[tilespmem:$0x18000] =	vst v63  }
0x1c9: {  	_ =	swait.ge [sflag:s4], $0x8000  }
0x1ca: {  	[sflag:s4] =	ssyncset.done $0x0  }
0x1cb: {  	s0 =	rddreg [dreg:$0x1f];
	[sflag:s4] =	ssyncadd.s32 $0xFFFF8000  }
0x1cc: {  	[tilespmem:s5], [sflag:$0x2] =	stream.linear.gather [hbm4b:s0+s2], $0x8000, $0x38;
	[tilespmem:$0x18000] =	vst v63  }
0x1cd: {  	_ =	swait.ge [sflag:s17], $0x8000  }
0x1ce: {  	s0 =	sld [smem:$0x7EF]  }
0x1cf: {  	[sflag:s17] =	ssyncset.done $0x0  }
0x1d0: {  	[sflag:s17] =	ssyncadd.s32 $0xFFFF8000  }
0x1d1: {  	[hbm4b:s0+s2] =	stream.linear.scatter [tilespmem:s12], [sflag:$0x6], $0x8000, $0x38;
	[tilespmem:$0x18000] =	vst v63  }
0x1d2: {  	_ =	swait.ge [sflag:s10], $0x8000  }
0x1d3: {  	s0 =	sld [smem:$0x7F0]  }
0x1d4: {  	[sflag:s10] =	ssyncset.done $0x0  }
0x1d5: {  	[sflag:s10] =	ssyncadd.s32 $0xFFFF8000  }
0x1d6: {  	[tilespmem:s12], [sflag:$0x3] =	stream.linear.gather [hbm4b:s0+s2], $0x8000, $0x38;
	[tilespmem:$0x18000] =	vst v63  }
0x1d7: {  	_ =	swait.ge [sflag:s14], $0x8000  }
0x1d8: {  	s0 =	sld [smem:$0x7F1]  }
0x1d9: {  	[sflag:s14] =	ssyncset.done $0x0  }
0x1da: {  	[sflag:s14] =	ssyncadd.s32 $0xFFFF8000  }
0x1db: {  	[hbm4b:s0+s2] =	stream.linear.scatter [tilespmem:s2], [sflag:$0x4], $0x8000, $0x38;
	[tilespmem:$0x18000] =	vst v63  }
0x1dc: {  	_ =	swait.ge [sflag:s6], $0x8000  }
0x1dd: {  	s0 =	sld [smem:$0x7F2]  }
0x1de: {  	[sflag:s6] =	ssyncset.done $0x0  }
0x1df: {  	[sflag:s6] =	ssyncadd.s32 $0xFFFF8000  }
0x1e0: {  	[tilespmem:s2], [sflag:$0x1] =	stream.linear.gather [hbm4b:s0+s2], $0x8000, $0x38;
	[tilespmem:$0x18000] =	vst v63  }
0x1e1: {  	_ =	swait.ge [sflag:s11], $0x8000  }
0x1e2: {  	s0 =	sld [smem:$0x7F3]  }
0x1e3: {  	[sflag:s11] =	ssyncset.done $0x0  }
0x1e4: {  	[sflag:s11] =	ssyncadd.s32 $0xFFFF8000  }
0x1e5: {  	[hbm4b:s0+s2] =	stream.linear.scatter [tilespmem:s5], [sflag:$0x5], $0x8000, $0x38;
	[tilespmem:$0x18000] =	vst v63  }
0x1e6: {  	_ =	swait.ge [sflag:s4], $0x8000  }
0x1e7: {  	s0 =	sld [smem:$0x7F4]  }
0x1e8: {  	[sflag:s4] =	ssyncset.done $0x0  }
0x1e9: {  	[sflag:s4] =	ssyncadd.s32 $0xFFFF8000  }
0x1ea: {  	[tilespmem:s5], [sflag:$0x2] =	stream.linear.gather [hbm4b:s0+s2], $0x8000, $0x38;
	[tilespmem:$0x18000] =	vst v63  }
0x1eb: {  	_ =	swait.ge [sflag:s17], $0x8000  }
0x1ec: {  	s0 =	sld [smem:$0x7F5]  }
0x1ed: {  	[sflag:s17] =	ssyncset.done $0x0  }
0x1ee: {  	[sflag:s17] =	ssyncadd.s32 $0xFFFF8000  }
0x1ef: {  	[hbm4b:s0+s2] =	stream.linear.scatter [tilespmem:s12], [sflag:$0x6], $0x8000, $0x38;
	[tilespmem:$0x18000] =	vst v63  }
0x1f0: {  	_ =	swait.ge [sflag:s10], $0x8000  }
0x1f1: {  	s0 =	sld [smem:$0x7F6]  }
0x1f2: {  	[sflag:s10] =	ssyncset.done $0x0  }
0x1f3: {  	[sflag:s10] =	ssyncadd.s32 $0xFFFF8000  }
0x1f4: {  	[tilespmem:s12], [sflag:$0x3] =	stream.linear.gather [hbm4b:s0+s2], $0x8000, $0x38;
	[tilespmem:$0x18000] =	vst v63  }
0x1f5: {  	_ =	swait.ge [sflag:s14], $0x8000  }
0x1f6: {  	s0 =	sld [smem:$0x7F7]  }
0x1f7: {  	[sflag:s14] =	ssyncset.done $0x0  }
0x1f8: {  	[sflag:s14] =	ssyncadd.s32 $0xFFFF8000  }
0x1f9: {  	[hbm4b:s0+s2] =	stream.linear.scatter [tilespmem:s2], [sflag:$0x4], $0x8000, $0x38;
	[tilespmem:$0x18000] =	vst v63  }
0x1fa: {  	_ =	swait.ge [sflag:s6], $0x8000  }
0x1fb: {  	s0 =	sld [smem:$0x7F8]  }
0x1fc: {  	[sflag:s6] =	ssyncset.done $0x0  }
0x1fd: {  	[sflag:s6] =	ssyncadd.s32 $0xFFFF8000  }
0x1fe: {  	[tilespmem:s2], [sflag:$0x1] =	stream.linear.gather [hbm4b:s0+s2], $0x8000, $0x38;
	[tilespmem:$0x18000] =	vst v63  }
0x1ff: {  	_ =	swait.ge [sflag:s11], $0x8000  }
0x200: {  	s0 =	sld [smem:$0x7F9]  }
0x201: {  	[sflag:s11] =	ssyncset.done $0x0  }
0x202: {  	[sflag:s11] =	ssyncadd.s32 $0xFFFF8000  }
0x203: {  	[hbm4b:s0+s2] =	stream.linear.scatter [tilespmem:s5], [sflag:$0x5], $0x8000, $0x38;
	[tilespmem:$0x18000] =	vst v63  }
0x204: {  	_ =	swait.ge [sflag:s4], $0x8000  }
0x205: {  	s0 =	sld [smem:$0x7FA]  }
0x206: {  	[sflag:s4] =	ssyncset.done $0x0  }
0x207: {  	[sflag:s4] =	ssyncadd.s32 $0xFFFF8000  }
0x208: {  	[tilespmem:s5], [sflag:$0x2] =	stream.linear.gather [hbm4b:s0+s2], $0x8000, $0x38;
	[tilespmem:$0x18000] =	vst v63  }
0x209: {  	_ =	swait.ge [sflag:s17], $0x8000  }
0x20a: {  	s0 =	sld [smem:$0x7FB]  }
0x20b: {  	[sflag:s17] =	ssyncset.done $0x0  }
0x20c: {  	[sflag:s17] =	ssyncadd.s32 $0xFFFF8000  }
0x20d: {  	[hbm4b:s0+s2] =	stream.linear.scatter [tilespmem:s12], [sflag:$0x6], $0x8000, $0x38;
	[tilespmem:$0x18000] =	vst v63  }
0x20e: {  	_ =	swait.ge [sflag:s10], $0x8000  }
0x20f: {  	s0 =	sld [smem:$0x7FC]  }
0x210: {  	[sflag:s10] =	ssyncset.done $0x0  }
0x211: {  	[sflag:s10] =	ssyncadd.s32 $0xFFFF8000  }
0x212: {  	[tilespmem:s12], [sflag:$0x3] =	stream.linear.gather [hbm4b:s0+s2], $0x8000, $0x38;
	[tilespmem:$0x18000] =	vst v63  }
0x213: {  	_ =	swait.ge [sflag:s14], $0x8000  }
0x214: {  	s0 =	sld [smem:$0x7FD]  }
0x215: {  	[sflag:s14] =	ssyncset.done $0x0  }
0x216: {  	[sflag:s14] =	ssyncadd.s32 $0xFFFF8000  }
0x217: {  	[hbm4b:s0+s2] =	stream.linear.scatter [tilespmem:s2], [sflag:$0x4], $0x8000, $0x38;
	[tilespmem:$0x18000] =	vst v63  }
0x218: {  	_ =	swait.ge [sflag:s6], $0x8000  }
0x219: {  	[sflag:s6] =	ssyncset.done $0x0  }
0x21a: {  	[sflag:s6] =	ssyncadd.s32 $0xFFFF8000  }
0x21b: {  	[tilespmem:s2], [sflag:$0x1] =	stream.linear.gather [hbm4b:s29+s2], $0x8000, $0x38;
	[tilespmem:$0x18000] =	vst v63  }
0x21c: {  	_ =	swait.ge [sflag:s11], $0x8000  }
0x21d: {  	[sflag:s11] =	ssyncset.done $0x0  }
0x21e: {  	[sflag:s11] =	ssyncadd.s32 $0xFFFF8000  }
0x21f: {  	[hbm4b:s28+s2] =	stream.linear.scatter [tilespmem:s5], [sflag:$0x5], $0x8000, $0x38;
	[tilespmem:$0x18000] =	vst v63  }
0x220: {  	_ =	swait.ge [sflag:s4], $0x8000  }
0x221: {  	[sflag:s4] =	ssyncset.done $0x0  }
0x222: {  	[sflag:s4] =	ssyncadd.s32 $0xFFFF8000  }
0x223: {  	[tilespmem:s5], [sflag:$0x2] =	stream.linear.gather [hbm4b:s26+s2], $0x8000, $0x38;
	[tilespmem:$0x18000] =	vst v63  }
0x224: {  	_ =	swait.ge [sflag:s17], $0x8000  }
0x225: {  	[sflag:s17] =	ssyncset.done $0x0  }
0x226: {  	[sflag:s17] =	ssyncadd.s32 $0xFFFF8000  }
0x227: {  	[hbm4b:s25+s2] =	stream.linear.scatter [tilespmem:s12], [sflag:$0x6], $0x8000, $0x38;
	[tilespmem:$0x18000] =	vst v63  }
0x228: {  	_ =	swait.ge [sflag:s10], $0x8000  }
0x229: {  	[sflag:s10] =	ssyncset.done $0x0  }
0x22a: {  	[sflag:s10] =	ssyncadd.s32 $0xFFFF8000  }
0x22b: {  	[tilespmem:s12], [sflag:$0x3] =	stream.linear.gather [hbm4b:s24+s2], $0x8000, $0x38;
	[tilespmem:$0x18000] =	vst v63  }
0x22c: {  	_ =	swait.ge [sflag:s14], $0x8000  }
0x22d: {  	[sflag:s14] =	ssyncset.done $0x0  }
0x22e: {  	[sflag:s14] =	ssyncadd.s32 $0xFFFF8000  }
0x22f: {  	[hbm4b:s23+s2] =	stream.linear.scatter [tilespmem:s2], [sflag:$0x4], $0x8000, $0x38;
	[tilespmem:$0x18000] =	vst v63  }
0x230: {  	_ =	swait.ge [sflag:s6], $0x8000  }
0x231: {  	[sflag:s6] =	ssyncset.done $0x0  }
0x232: {  	[sflag:s6] =	ssyncadd.s32 $0xFFFF8000  }
0x233: {  	[tilespmem:s2], [sflag:$0x1] =	stream.linear.gather [hbm4b:s22+s2], $0x8000, $0x38;
	[tilespmem:$0x18000] =	vst v63  }
0x234: {  	_ =	swait.ge [sflag:s11], $0x8000  }
0x235: {  	[sflag:s11] =	ssyncset.done $0x0  }
0x236: {  	[sflag:s11] =	ssyncadd.s32 $0xFFFF8000  }
0x237: {  	[hbm4b:s21+s2] =	stream.linear.scatter [tilespmem:s5], [sflag:$0x5], $0x8000, $0x38;
	[tilespmem:$0x18000] =	vst v63  }
0x238: {  	_ =	swait.ge [sflag:s4], $0x8000  }
0x239: {  	[sflag:s4] =	ssyncset.done $0x0  }
0x23a: {  	[sflag:s4] =	ssyncadd.s32 $0xFFFF8000  }
0x23b: {  	[tilespmem:s5], [sflag:$0x2] =	stream.linear.gather [hbm4b:s20+s2], $0x8000, $0x38;
	[tilespmem:$0x18000] =	vst v63  }
0x23c: {  	_ =	swait.ge [sflag:s17], $0x8000  }
0x23d: {  	[sflag:s17] =	ssyncset.done $0x0  }
0x23e: {  	[sflag:s17] =	ssyncadd.s32 $0xFFFF8000  }
0x23f: {  	[hbm4b:s19+s2] =	stream.linear.scatter [tilespmem:s12], [sflag:$0x6], $0x8000, $0x38;
	[tilespmem:$0x18000] =	vst v63  }
0x240: {  	_ =	swait.ge [sflag:s10], $0x8000  }
0x241: {  	[sflag:s10] =	ssyncset.done $0x0  }
0x242: {  	[sflag:s10] =	ssyncadd.s32 $0xFFFF8000  }
0x243: {  	[tilespmem:s12], [sflag:$0x3] =	stream.linear.gather [hbm4b:s18+s2], $0x8000, $0x38;
	[tilespmem:$0x18000] =	vst v63  }
0x244: {  	_ =	swait.ge [sflag:s14], $0x8000  }
0x245: {  	[sflag:s14] =	ssyncset.done $0x0  }
0x246: {  	[sflag:s14] =	ssyncadd.s32 $0xFFFF8000  }
0x247: {  	[hbm4b:s16+s2] =	stream.linear.scatter [tilespmem:s2], [sflag:$0x4], $0x8000, $0x38;
	[tilespmem:$0x18000] =	vst v63  }
0x248: {  	_ =	swait.ge [sflag:s6], $0x8000  }
0x249: {  	[sflag:s6] =	ssyncset.done $0x0  }
0x24a: {  	[sflag:s6] =	ssyncadd.s32 $0xFFFF8000  }
0x24b: {  	[tilespmem:s2], [sflag:$0x1] =	stream.linear.gather [hbm4b:s15+s2], $0x8000, $0x38;
	[tilespmem:$0x18000] =	vst v63  }
0x24c: {  	_ =	swait.ge [sflag:s11], $0x8000  }
0x24d: {  	[sflag:s11] =	ssyncset.done $0x0  }
0x24e: {  	[sflag:s11] =	ssyncadd.s32 $0xFFFF8000  }
0x24f: {  	[hbm4b:s13+s2] =	stream.linear.scatter [tilespmem:s5], [sflag:$0x5], $0x8000, $0x38;
	[tilespmem:$0x18000] =	vst v63  }
0x250: {  	_ =	swait.ge [sflag:s4], $0x8000  }
0x251: {  	[sflag:s4] =	ssyncset.done $0x0  }
0x252: {  	[sflag:s4] =	ssyncadd.s32 $0xFFFF8000  }
0x253: {  	[tilespmem:s5], [sflag:$0x2] =	stream.linear.gather [hbm4b:s9+s2], $0x8000, $0x38;
	[tilespmem:$0x18000] =	vst v63  }
0x254: {  	_ =	swait.ge [sflag:s17], $0x8000  }
0x255: {  	[sflag:s17] =	ssyncset.done $0x0  }
0x256: {  	[sflag:s17] =	ssyncadd.s32 $0xFFFF8000  }
0x257: {  	[hbm4b:s8+s2] =	stream.linear.scatter [tilespmem:s12], [sflag:$0x6], $0x8000, $0x38;
	[tilespmem:$0x18000] =	vst v63  }
0x258: {  	_ =	swait.ge [sflag:s14], $0x8000  }
0x259: {  	[sflag:s14] =	ssyncset.done $0x0  }
0x25a: {  	[sflag:s14] =	ssyncadd.s32 $0xFFFF8000  }
0x25b: {  	[hbm4b:s7+s2] =	stream.linear.scatter [tilespmem:s2], [sflag:$0x4], $0x8000, $0x38;
	[tilespmem:$0x18000] =	vst v63  }
0x25c: {  	_ =	swait.ge [sflag:s11], $0x8000  }
0x25d: {  	[sflag:s11] =	ssyncset.done $0x0  }
0x25e: {  	[sflag:s11] =	ssyncadd.s32 $0xFFFF8000  }
0x25f: {  	[hbm4b:s3+s2] =	stream.linear.scatter [tilespmem:s5], [sflag:$0x5], $0x8000, $0x38;
	[tilespmem:$0x18000] =	vst v63  }
0x260: {  	_ =	swait.ge [sflag:s10], $0x8000  }
0x261: {  	[sflag:s10] =	ssyncset.done $0x0  }
0x262: {  	p1 =	sne.s32 s1, $0x1;
	[sflag:s10] =	ssyncadd.s32 $0xFFFF8000  }
.Ltmp2:
0x263: {  	_ =	swait.ge [sflag:s6], $0x8000;
	(pc) =	sbr.rel @p1 .LBB2_2-.Ltmp2, $4  }
0x264: {  	[sflag:s6] =	ssyncset.done $0x0  }
0x265: {  	[sflag:s6] =	ssyncadd.s32 $0xFFFF8000  }
0x266: {  	_ =	swait.ge [sflag:s4], $0x8000  }
0x267: {  	s1 =	sadd.s32 $0xFFFFFFFF, s1;
	[sflag:s4] =	ssyncset.done $0x0  }
.LBB2_3:
0x268: {  	[sflag:s4] =	ssyncadd.s32 @p0 $0xFFFF8000  }
0x269: {  	[tilespmem:s2], [sflag:$0x1] =	stream.linear.gather [hbm4b:s31+s2], $0x8000, $0x38;
	[tilespmem:$0x18000] =	vst v63  }
0x26a: {  	s0 =	rddreg [dreg:$0x3]  }
0x26b: {  	[tilespmem:s5], [sflag:$0x2] =	stream.linear.gather [hbm4b:s0+s2], $0x8000, $0x38;
	[tilespmem:$0x18000] =	vst v63  }
0x26c: {  	s1 =	rddreg [dreg:$0x4]  }
0x26d: {  	[tilespmem:s12], [sflag:$0x3] =	stream.linear.gather [hbm4b:s1+s2], $0x8000, $0x38;
	[tilespmem:$0x18000] =	vst v63  }
0x26e: {  	_ =	swait.ge [sflag:s14], $0x8000  }
0x26f: {  	[sflag:s14] =	ssyncset.done $0x0  }
0x270: {  	[sflag:s14] =	ssyncadd.s32 $0xFFFF8000  }
0x271: {  	[hbm4b:s30+s2] =	stream.linear.scatter [tilespmem:s2], [sflag:$0x4], $0x8000, $0x38;
	[tilespmem:$0x18000] =	vst v63  }
0x272: {  	_ =	swait.ge [sflag:s6], $0x8000  }
0x273: {  	[sflag:s6] =	ssyncset.done $0x0  }
0x274: {  	s31 =	rddreg [dreg:$0x5];
	[sflag:s6] =	ssyncadd.s32 $0xFFFF8000  }
0x275: {  	[tilespmem:s2], [sflag:$0x1] =	stream.linear.gather [hbm4b:s31+s2], $0x8000, $0x38;
	[tilespmem:$0x18000] =	vst v63  }
0x276: {  	_ =	swait.ge [sflag:s11], $0x8000  }
0x277: {  	[sflag:s11] =	ssyncset.done $0x0  }
0x278: {  	s1 =	rddreg [dreg:$0x6];
	[sflag:s11] =	ssyncadd.s32 $0xFFFF8000  }
0x279: {  	[hbm4b:s1+s2] =	stream.linear.scatter [tilespmem:s5], [sflag:$0x5], $0x8000, $0x38;
	[tilespmem:$0x18000] =	vst v63  }
0x27a: {  	_ =	swait.ge [sflag:s4], $0x8000  }
0x27b: {  	[sflag:s4] =	ssyncset.done $0x0  }
0x27c: {  	s30 =	rddreg [dreg:$0x7];
	[sflag:s4] =	ssyncadd.s32 $0xFFFF8000  }
0x27d: {  	[tilespmem:s5], [sflag:$0x2] =	stream.linear.gather [hbm4b:s30+s2], $0x8000, $0x38;
	[tilespmem:$0x18000] =	vst v63  }
0x27e: {  	_ =	swait.ge [sflag:s17], $0x8000  }
0x27f: {  	[sflag:s17] =	ssyncset.done $0x0  }
0x280: {  	s31 =	rddreg [dreg:$0x8];
	[sflag:s17] =	ssyncadd.s32 $0xFFFF8000  }
0x281: {  	[hbm4b:s31+s2] =	stream.linear.scatter [tilespmem:s12], [sflag:$0x6], $0x8000, $0x38;
	[tilespmem:$0x18000] =	vst v63  }
0x282: {  	_ =	swait.ge [sflag:s10], $0x8000  }
0x283: {  	[sflag:s10] =	ssyncset.done $0x0  }
0x284: {  	s1 =	rddreg [dreg:$0x9];
	[sflag:s10] =	ssyncadd.s32 $0xFFFF8000  }
0x285: {  	[tilespmem:s12], [sflag:$0x3] =	stream.linear.gather [hbm4b:s1+s2], $0x8000, $0x38;
	[tilespmem:$0x18000] =	vst v63  }
0x286: {  	_ =	swait.ge [sflag:s14], $0x8000  }
0x287: {  	[sflag:s14] =	ssyncset.done $0x0  }
0x288: {  	s30 =	rddreg [dreg:$0xa];
	[sflag:s14] =	ssyncadd.s32 $0xFFFF8000  }
0x289: {  	[hbm4b:s30+s2] =	stream.linear.scatter [tilespmem:s2], [sflag:$0x4], $0x8000, $0x38;
	[tilespmem:$0x18000] =	vst v63  }
0x28a: {  	_ =	swait.ge [sflag:s6], $0x8000  }
0x28b: {  	[sflag:s6] =	ssyncset.done $0x0  }
0x28c: {  	s31 =	rddreg [dreg:$0xb];
	[sflag:s6] =	ssyncadd.s32 $0xFFFF8000  }
0x28d: {  	[tilespmem:s2], [sflag:$0x1] =	stream.linear.gather [hbm4b:s31+s2], $0x8000, $0x38;
	[tilespmem:$0x18000] =	vst v63  }
0x28e: {  	_ =	swait.ge [sflag:s11], $0x8000  }
0x28f: {  	[sflag:s11] =	ssyncset.done $0x0  }
0x290: {  	s1 =	rddreg [dreg:$0xc];
	[sflag:s11] =	ssyncadd.s32 $0xFFFF8000  }
0x291: {  	[hbm4b:s1+s2] =	stream.linear.scatter [tilespmem:s5], [sflag:$0x5], $0x8000, $0x38;
	[tilespmem:$0x18000] =	vst v63  }
0x292: {  	_ =	swait.ge [sflag:s4], $0x8000  }
0x293: {  	[sflag:s4] =	ssyncset.done $0x0  }
0x294: {  	s30 =	rddreg [dreg:$0xd];
	[sflag:s4] =	ssyncadd.s32 $0xFFFF8000  }
0x295: {  	[tilespmem:s5], [sflag:$0x2] =	stream.linear.gather [hbm4b:s30+s2], $0x8000, $0x38;
	[tilespmem:$0x18000] =	vst v63  }
0x296: {  	_ =	swait.ge [sflag:s17], $0x8000  }
0x297: {  	[sflag:s17] =	ssyncset.done $0x0  }
0x298: {  	s31 =	rddreg [dreg:$0xe];
	[sflag:s17] =	ssyncadd.s32 $0xFFFF8000  }
0x299: {  	[hbm4b:s31+s2] =	stream.linear.scatter [tilespmem:s12], [sflag:$0x6], $0x8000, $0x38;
	[tilespmem:$0x18000] =	vst v63  }
0x29a: {  	_ =	swait.ge [sflag:s10], $0x8000  }
0x29b: {  	[sflag:s10] =	ssyncset.done $0x0  }
0x29c: {  	s1 =	rddreg [dreg:$0xf];
	[sflag:s10] =	ssyncadd.s32 $0xFFFF8000  }
0x29d: {  	[tilespmem:s12], [sflag:$0x3] =	stream.linear.gather [hbm4b:s1+s2], $0x8000, $0x38;
	[tilespmem:$0x18000] =	vst v63  }
0x29e: {  	_ =	swait.ge [sflag:s14], $0x8000  }
0x29f: {  	[sflag:s14] =	ssyncset.done $0x0  }
0x2a0: {  	s30 =	rddreg [dreg:$0x10];
	[sflag:s14] =	ssyncadd.s32 $0xFFFF8000  }
0x2a1: {  	[hbm4b:s30+s2] =	stream.linear.scatter [tilespmem:s2], [sflag:$0x4], $0x8000, $0x38;
	[tilespmem:$0x18000] =	vst v63  }
0x2a2: {  	_ =	swait.ge [sflag:s6], $0x8000  }
0x2a3: {  	[sflag:s6] =	ssyncset.done $0x0  }
0x2a4: {  	s31 =	rddreg [dreg:$0x11];
	[sflag:s6] =	ssyncadd.s32 $0xFFFF8000  }
0x2a5: {  	[tilespmem:s2], [sflag:$0x1] =	stream.linear.gather [hbm4b:s31+s2], $0x8000, $0x38;
	[tilespmem:$0x18000] =	vst v63  }
0x2a6: {  	_ =	swait.ge [sflag:s11], $0x8000  }
0x2a7: {  	[sflag:s11] =	ssyncset.done $0x0  }
0x2a8: {  	s1 =	rddreg [dreg:$0x12];
	[sflag:s11] =	ssyncadd.s32 $0xFFFF8000  }
0x2a9: {  	[hbm4b:s1+s2] =	stream.linear.scatter [tilespmem:s5], [sflag:$0x5], $0x8000, $0x38;
	[tilespmem:$0x18000] =	vst v63  }
0x2aa: {  	_ =	swait.ge [sflag:s4], $0x8000  }
0x2ab: {  	[sflag:s4] =	ssyncset.done $0x0  }
0x2ac: {  	s30 =	rddreg [dreg:$0x13];
	[sflag:s4] =	ssyncadd.s32 $0xFFFF8000  }
0x2ad: {  	[tilespmem:s5], [sflag:$0x2] =	stream.linear.gather [hbm4b:s30+s2], $0x8000, $0x38;
	[tilespmem:$0x18000] =	vst v63  }
0x2ae: {  	_ =	swait.ge [sflag:s17], $0x8000  }
0x2af: {  	[sflag:s17] =	ssyncset.done $0x0  }
0x2b0: {  	s31 =	rddreg [dreg:$0x14];
	[sflag:s17] =	ssyncadd.s32 $0xFFFF8000  }
0x2b1: {  	[hbm4b:s31+s2] =	stream.linear.scatter [tilespmem:s12], [sflag:$0x6], $0x8000, $0x38;
	[tilespmem:$0x18000] =	vst v63  }
0x2b2: {  	_ =	swait.ge [sflag:s10], $0x8000  }
0x2b3: {  	[sflag:s10] =	ssyncset.done $0x0  }
0x2b4: {  	s1 =	rddreg [dreg:$0x15];
	[sflag:s10] =	ssyncadd.s32 $0xFFFF8000  }
0x2b5: {  	[tilespmem:s12], [sflag:$0x3] =	stream.linear.gather [hbm4b:s1+s2], $0x8000, $0x38;
	[tilespmem:$0x18000] =	vst v63  }
0x2b6: {  	_ =	swait.ge [sflag:s14], $0x8000  }
0x2b7: {  	[sflag:s14] =	ssyncset.done $0x0  }
0x2b8: {  	s30 =	rddreg [dreg:$0x16];
	[sflag:s14] =	ssyncadd.s32 $0xFFFF8000  }
0x2b9: {  	[hbm4b:s30+s2] =	stream.linear.scatter [tilespmem:s2], [sflag:$0x4], $0x8000, $0x38;
	[tilespmem:$0x18000] =	vst v63  }
0x2ba: {  	_ =	swait.ge [sflag:s6], $0x8000  }
0x2bb: {  	[sflag:s6] =	ssyncset.done $0x0  }
0x2bc: {  	s31 =	rddreg [dreg:$0x17];
	[sflag:s6] =	ssyncadd.s32 $0xFFFF8000  }
0x2bd: {  	[tilespmem:s2], [sflag:$0x1] =	stream.linear.gather [hbm4b:s31+s2], $0x8000, $0x38;
	[tilespmem:$0x18000] =	vst v63  }
0x2be: {  	_ =	swait.ge [sflag:s11], $0x8000  }
0x2bf: {  	[sflag:s11] =	ssyncset.done $0x0  }
0x2c0: {  	s1 =	rddreg [dreg:$0x18];
	[sflag:s11] =	ssyncadd.s32 $0xFFFF8000  }
0x2c1: {  	[hbm4b:s1+s2] =	stream.linear.scatter [tilespmem:s5], [sflag:$0x5], $0x8000, $0x38;
	[tilespmem:$0x18000] =	vst v63  }
0x2c2: {  	_ =	swait.ge [sflag:s4], $0x8000  }
0x2c3: {  	[sflag:s4] =	ssyncset.done $0x0  }
0x2c4: {  	s30 =	rddreg [dreg:$0x19];
	[sflag:s4] =	ssyncadd.s32 $0xFFFF8000  }
0x2c5: {  	[tilespmem:s5], [sflag:$0x2] =	stream.linear.gather [hbm4b:s30+s2], $0x8000, $0x38;
	[tilespmem:$0x18000] =	vst v63  }
0x2c6: {  	_ =	swait.ge [sflag:s17], $0x8000  }
0x2c7: {  	[sflag:s17] =	ssyncset.done $0x0  }
0x2c8: {  	s31 =	rddreg [dreg:$0x1a];
	[sflag:s17] =	ssyncadd.s32 $0xFFFF8000  }
0x2c9: {  	[hbm4b:s31+s2] =	stream.linear.scatter [tilespmem:s12], [sflag:$0x6], $0x8000, $0x38;
	[tilespmem:$0x18000] =	vst v63  }
0x2ca: {  	_ =	swait.ge [sflag:s10], $0x8000  }
0x2cb: {  	[sflag:s10] =	ssyncset.done $0x0  }
0x2cc: {  	s1 =	rddreg [dreg:$0x1b];
	[sflag:s10] =	ssyncadd.s32 $0xFFFF8000  }
0x2cd: {  	[tilespmem:s12], [sflag:$0x3] =	stream.linear.gather [hbm4b:s1+s2], $0x8000, $0x38;
	[tilespmem:$0x18000] =	vst v63  }
0x2ce: {  	_ =	swait.ge [sflag:s14], $0x8000  }
0x2cf: {  	[sflag:s14] =	ssyncset.done $0x0  }
0x2d0: {  	s30 =	rddreg [dreg:$0x1c];
	[sflag:s14] =	ssyncadd.s32 $0xFFFF8000  }
0x2d1: {  	[hbm4b:s30+s2] =	stream.linear.scatter [tilespmem:s2], [sflag:$0x4], $0x8000, $0x38;
	[tilespmem:$0x18000] =	vst v63  }
0x2d2: {  	_ =	swait.ge [sflag:s6], $0x8000  }
0x2d3: {  	[sflag:s6] =	ssyncset.done $0x0  }
0x2d4: {  	s31 =	rddreg [dreg:$0x1d];
	[sflag:s6] =	ssyncadd.s32 $0xFFFF8000  }
0x2d5: {  	[tilespmem:s2], [sflag:$0x1] =	stream.linear.gather [hbm4b:s31+s2], $0x8000, $0x38;
	[tilespmem:$0x18000] =	vst v63  }
0x2d6: {  	_ =	swait.ge [sflag:s11], $0x8000  }
0x2d7: {  	[sflag:s11] =	ssyncset.done $0x0  }
0x2d8: {  	s1 =	rddreg [dreg:$0x1e];
	[sflag:s11] =	ssyncadd.s32 $0xFFFF8000  }
0x2d9: {  	[hbm4b:s1+s2] =	stream.linear.scatter [tilespmem:s5], [sflag:$0x5], $0x8000, $0x38;
	[tilespmem:$0x18000] =	vst v63  }
0x2da: {  	_ =	swait.ge [sflag:s4], $0x8000  }
0x2db: {  	[sflag:s4] =	ssyncset.done $0x0  }
0x2dc: {  	s30 =	rddreg [dreg:$0x1f];
	[sflag:s4] =	ssyncadd.s32 $0xFFFF8000  }
0x2dd: {  	[tilespmem:s5], [sflag:$0x2] =	stream.linear.gather [hbm4b:s30+s2], $0x8000, $0x38;
	[tilespmem:$0x18000] =	vst v63  }
0x2de: {  	_ =	swait.ge [sflag:s17], $0x8000  }
0x2df: {  	s31 =	sld [smem:$0x7EF]  }
0x2e0: {  	[sflag:s17] =	ssyncset.done $0x0  }
0x2e1: {  	[sflag:s17] =	ssyncadd.s32 $0xFFFF8000  }
0x2e2: {  	[hbm4b:s31+s2] =	stream.linear.scatter [tilespmem:s12], [sflag:$0x6], $0x8000, $0x38;
	[tilespmem:$0x18000] =	vst v63  }
0x2e3: {  	_ =	swait.ge [sflag:s10], $0x8000  }
0x2e4: {  	s1 =	sld [smem:$0x7F0]  }
0x2e5: {  	[sflag:s10] =	ssyncset.done $0x0  }
0x2e6: {  	[sflag:s10] =	ssyncadd.s32 $0xFFFF8000  }
0x2e7: {  	[tilespmem:s12], [sflag:$0x3] =	stream.linear.gather [hbm4b:s1+s2], $0x8000, $0x38;
	[tilespmem:$0x18000] =	vst v63  }
0x2e8: {  	_ =	swait.ge [sflag:s14], $0x8000  }
0x2e9: {  	s30 =	sld [smem:$0x7F1]  }
0x2ea: {  	[sflag:s14] =	ssyncset.done $0x0  }
0x2eb: {  	[sflag:s14] =	ssyncadd.s32 $0xFFFF8000  }
0x2ec: {  	[hbm4b:s30+s2] =	stream.linear.scatter [tilespmem:s2], [sflag:$0x4], $0x8000, $0x38;
	[tilespmem:$0x18000] =	vst v63  }
0x2ed: {  	_ =	swait.ge [sflag:s6], $0x8000  }
0x2ee: {  	s31 =	sld [smem:$0x7F2]  }
0x2ef: {  	[sflag:s6] =	ssyncset.done $0x0  }
0x2f0: {  	[sflag:s6] =	ssyncadd.s32 $0xFFFF8000  }
0x2f1: {  	[tilespmem:s2], [sflag:$0x1] =	stream.linear.gather [hbm4b:s31+s2], $0x8000, $0x38;
	[tilespmem:$0x18000] =	vst v63  }
0x2f2: {  	_ =	swait.ge [sflag:s11], $0x8000  }
0x2f3: {  	s1 =	sld [smem:$0x7F3]  }
0x2f4: {  	[sflag:s11] =	ssyncset.done $0x0  }
0x2f5: {  	[sflag:s11] =	ssyncadd.s32 $0xFFFF8000  }
0x2f6: {  	[hbm4b:s1+s2] =	stream.linear.scatter [tilespmem:s5], [sflag:$0x5], $0x8000, $0x38;
	[tilespmem:$0x18000] =	vst v63  }
0x2f7: {  	_ =	swait.ge [sflag:s4], $0x8000  }
0x2f8: {  	s30 =	sld [smem:$0x7F4]  }
0x2f9: {  	[sflag:s4] =	ssyncset.done $0x0  }
0x2fa: {  	[sflag:s4] =	ssyncadd.s32 $0xFFFF8000  }
0x2fb: {  	[tilespmem:s5], [sflag:$0x2] =	stream.linear.gather [hbm4b:s30+s2], $0x8000, $0x38;
	[tilespmem:$0x18000] =	vst v63  }
0x2fc: {  	_ =	swait.ge [sflag:s17], $0x8000  }
0x2fd: {  	s31 =	sld [smem:$0x7F5]  }
0x2fe: {  	[sflag:s17] =	ssyncset.done $0x0  }
0x2ff: {  	[sflag:s17] =	ssyncadd.s32 $0xFFFF8000  }
0x300: {  	[hbm4b:s31+s2] =	stream.linear.scatter [tilespmem:s12], [sflag:$0x6], $0x8000, $0x38;
	[tilespmem:$0x18000] =	vst v63  }
0x301: {  	_ =	swait.ge [sflag:s10], $0x8000  }
0x302: {  	s1 =	sld [smem:$0x7F6]  }
0x303: {  	[sflag:s10] =	ssyncset.done $0x0  }
0x304: {  	[sflag:s10] =	ssyncadd.s32 $0xFFFF8000  }
0x305: {  	[tilespmem:s12], [sflag:$0x3] =	stream.linear.gather [hbm4b:s1+s2], $0x8000, $0x38;
	[tilespmem:$0x18000] =	vst v63  }
0x306: {  	_ =	swait.ge [sflag:s14], $0x8000  }
0x307: {  	s30 =	sld [smem:$0x7F7]  }
0x308: {  	[sflag:s14] =	ssyncset.done $0x0  }
0x309: {  	[sflag:s14] =	ssyncadd.s32 $0xFFFF8000  }
0x30a: {  	[hbm4b:s30+s2] =	stream.linear.scatter [tilespmem:s2], [sflag:$0x4], $0x8000, $0x38;
	[tilespmem:$0x18000] =	vst v63  }
0x30b: {  	_ =	swait.ge [sflag:s6], $0x8000  }
0x30c: {  	s31 =	sld [smem:$0x7F8]  }
0x30d: {  	[sflag:s6] =	ssyncset.done $0x0  }
0x30e: {  	[sflag:s6] =	ssyncadd.s32 $0xFFFF8000  }
0x30f: {  	[tilespmem:s2], [sflag:$0x1] =	stream.linear.gather [hbm4b:s31+s2], $0x8000, $0x38;
	[tilespmem:$0x18000] =	vst v63  }
0x310: {  	_ =	swait.ge [sflag:s11], $0x8000  }
0x311: {  	s1 =	sld [smem:$0x7F9]  }
0x312: {  	[sflag:s11] =	ssyncset.done $0x0  }
0x313: {  	[sflag:s11] =	ssyncadd.s32 $0xFFFF8000  }
0x314: {  	[hbm4b:s1+s2] =	stream.linear.scatter [tilespmem:s5], [sflag:$0x5], $0x8000, $0x38;
	[tilespmem:$0x18000] =	vst v63  }
0x315: {  	_ =	swait.ge [sflag:s4], $0x8000  }
0x316: {  	s30 =	sld [smem:$0x7FA]  }
0x317: {  	[sflag:s4] =	ssyncset.done $0x0  }
0x318: {  	[sflag:s4] =	ssyncadd.s32 $0xFFFF8000  }
0x319: {  	[tilespmem:s5], [sflag:$0x2] =	stream.linear.gather [hbm4b:s30+s2], $0x8000, $0x38;
	[tilespmem:$0x18000] =	vst v63  }
0x31a: {  	_ =	swait.ge [sflag:s17], $0x8000  }
0x31b: {  	s31 =	sld [smem:$0x7FB]  }
0x31c: {  	[sflag:s17] =	ssyncset.done $0x0  }
0x31d: {  	[sflag:s17] =	ssyncadd.s32 $0xFFFF8000  }
0x31e: {  	[hbm4b:s31+s2] =	stream.linear.scatter [tilespmem:s12], [sflag:$0x6], $0x8000, $0x38;
	[tilespmem:$0x18000] =	vst v63  }
0x31f: {  	_ =	swait.ge [sflag:s10], $0x8000  }
0x320: {  	s1 =	sld [smem:$0x7FC]  }
0x321: {  	[sflag:s10] =	ssyncset.done $0x0  }
0x322: {  	[sflag:s10] =	ssyncadd.s32 $0xFFFF8000  }
0x323: {  	[tilespmem:s12], [sflag:$0x3] =	stream.linear.gather [hbm4b:s1+s2], $0x8000, $0x38;
	[tilespmem:$0x18000] =	vst v63  }
0x324: {  	_ =	swait.ge [sflag:s14], $0x8000  }
0x325: {  	s30 =	sld [smem:$0x7FD]  }
0x326: {  	[sflag:s14] =	ssyncset.done $0x0  }
0x327: {  	[sflag:s14] =	ssyncadd.s32 $0xFFFF8000  }
0x328: {  	[hbm4b:s30+s2] =	stream.linear.scatter [tilespmem:s2], [sflag:$0x4], $0x8000, $0x38;
	[tilespmem:$0x18000] =	vst v63  }
0x329: {  	_ =	swait.ge [sflag:s6], $0x8000  }
0x32a: {  	[sflag:s6] =	ssyncset.done $0x0  }
0x32b: {  	[sflag:s6] =	ssyncadd.s32 $0xFFFF8000  }
0x32c: {  	[tilespmem:s2], [sflag:$0x1] =	stream.linear.gather [hbm4b:s29+s2], $0x8000, $0x38;
	[tilespmem:$0x18000] =	vst v63  }
0x32d: {  	_ =	swait.ge [sflag:s11], $0x8000  }
0x32e: {  	[sflag:s11] =	ssyncset.done $0x0  }
0x32f: {  	[sflag:s11] =	ssyncadd.s32 $0xFFFF8000  }
0x330: {  	[hbm4b:s28+s2] =	stream.linear.scatter [tilespmem:s5], [sflag:$0x5], $0x8000, $0x38;
	[tilespmem:$0x18000] =	vst v63  }
0x331: {  	_ =	swait.ge [sflag:s4], $0x8000  }
0x332: {  	[sflag:s4] =	ssyncset.done $0x0  }
0x333: {  	[sflag:s4] =	ssyncadd.s32 $0xFFFF8000  }
0x334: {  	[tilespmem:s5], [sflag:$0x2] =	stream.linear.gather [hbm4b:s26+s2], $0x8000, $0x38;
	[tilespmem:$0x18000] =	vst v63  }
0x335: {  	_ =	swait.ge [sflag:s17], $0x8000  }
0x336: {  	[sflag:s17] =	ssyncset.done $0x0  }
0x337: {  	[sflag:s17] =	ssyncadd.s32 $0xFFFF8000  }
0x338: {  	[hbm4b:s25+s2] =	stream.linear.scatter [tilespmem:s12], [sflag:$0x6], $0x8000, $0x38;
	[tilespmem:$0x18000] =	vst v63  }
0x339: {  	_ =	swait.ge [sflag:s10], $0x8000  }
0x33a: {  	[sflag:s10] =	ssyncset.done $0x0  }
0x33b: {  	[sflag:s10] =	ssyncadd.s32 $0xFFFF8000  }
0x33c: {  	[tilespmem:s12], [sflag:$0x3] =	stream.linear.gather [hbm4b:s24+s2], $0x8000, $0x38;
	[tilespmem:$0x18000] =	vst v63  }
0x33d: {  	_ =	swait.ge [sflag:s14], $0x8000  }
0x33e: {  	[sflag:s14] =	ssyncset.done $0x0  }
0x33f: {  	[sflag:s14] =	ssyncadd.s32 $0xFFFF8000  }
0x340: {  	[hbm4b:s23+s2] =	stream.linear.scatter [tilespmem:s2], [sflag:$0x4], $0x8000, $0x38;
	[tilespmem:$0x18000] =	vst v63  }
0x341: {  	_ =	swait.ge [sflag:s6], $0x8000  }
0x342: {  	[sflag:s6] =	ssyncset.done $0x0  }
0x343: {  	[sflag:s6] =	ssyncadd.s32 $0xFFFF8000  }
0x344: {  	[tilespmem:s2], [sflag:$0x1] =	stream.linear.gather [hbm4b:s22+s2], $0x8000, $0x38;
	[tilespmem:$0x18000] =	vst v63  }
0x345: {  	_ =	swait.ge [sflag:s11], $0x8000  }
0x346: {  	[sflag:s11] =	ssyncset.done $0x0  }
0x347: {  	[sflag:s11] =	ssyncadd.s32 $0xFFFF8000  }
0x348: {  	[hbm4b:s21+s2] =	stream.linear.scatter [tilespmem:s5], [sflag:$0x5], $0x8000, $0x38;
	[tilespmem:$0x18000] =	vst v63  }
0x349: {  	_ =	swait.ge [sflag:s4], $0x8000  }
0x34a: {  	[sflag:s4] =	ssyncset.done $0x0  }
0x34b: {  	[sflag:s4] =	ssyncadd.s32 $0xFFFF8000  }
0x34c: {  	[tilespmem:s5], [sflag:$0x2] =	stream.linear.gather [hbm4b:s20+s2], $0x8000, $0x38;
	[tilespmem:$0x18000] =	vst v63  }
0x34d: {  	_ =	swait.ge [sflag:s17], $0x8000  }
0x34e: {  	[sflag:s17] =	ssyncset.done $0x0  }
0x34f: {  	[sflag:s17] =	ssyncadd.s32 $0xFFFF8000  }
0x350: {  	[hbm4b:s19+s2] =	stream.linear.scatter [tilespmem:s12], [sflag:$0x6], $0x8000, $0x38;
	[tilespmem:$0x18000] =	vst v63  }
0x351: {  	_ =	swait.ge [sflag:s10], $0x8000  }
0x352: {  	[sflag:s10] =	ssyncset.done $0x0  }
0x353: {  	[sflag:s10] =	ssyncadd.s32 $0xFFFF8000  }
0x354: {  	[tilespmem:s12], [sflag:$0x3] =	stream.linear.gather [hbm4b:s18+s2], $0x8000, $0x38;
	[tilespmem:$0x18000] =	vst v63  }
0x355: {  	_ =	swait.ge [sflag:s14], $0x8000  }
0x356: {  	[sflag:s14] =	ssyncset.done $0x0  }
0x357: {  	[sflag:s14] =	ssyncadd.s32 $0xFFFF8000  }
0x358: {  	[hbm4b:s16+s2] =	stream.linear.scatter [tilespmem:s2], [sflag:$0x4], $0x8000, $0x38;
	[tilespmem:$0x18000] =	vst v63  }
0x359: {  	_ =	swait.ge [sflag:s6], $0x8000  }
0x35a: {  	[sflag:s6] =	ssyncset.done $0x0  }
0x35b: {  	[sflag:s6] =	ssyncadd.s32 $0xFFFF8000  }
0x35c: {  	[tilespmem:s2], [sflag:$0x1] =	stream.linear.gather [hbm4b:s15+s2], $0x8000, $0x38;
	[tilespmem:$0x18000] =	vst v63  }
0x35d: {  	_ =	swait.ge [sflag:s11], $0x8000  }
0x35e: {  	[sflag:s11] =	ssyncset.done $0x0  }
0x35f: {  	[sflag:s11] =	ssyncadd.s32 $0xFFFF8000  }
0x360: {  	[hbm4b:s13+s2] =	stream.linear.scatter [tilespmem:s5], [sflag:$0x5], $0x8000, $0x38;
	[tilespmem:$0x18000] =	vst v63  }
0x361: {  	_ =	swait.ge [sflag:s4], $0x8000  }
0x362: {  	[sflag:s4] =	ssyncset.done $0x0  }
0x363: {  	[sflag:s4] =	ssyncadd.s32 $0xFFFF8000  }
0x364: {  	[tilespmem:s5], [sflag:$0x2] =	stream.linear.gather [hbm4b:s9+s2], $0x8000, $0x38;
	[tilespmem:$0x18000] =	vst v63  }
0x365: {  	_ =	swait.ge [sflag:s17], $0x8000  }
0x366: {  	[sflag:s17] =	ssyncset.done $0x0  }
0x367: {  	[sflag:s17] =	ssyncadd.s32 $0xFFFF8000  }
0x368: {  	[hbm4b:s8+s2] =	stream.linear.scatter [tilespmem:s12], [sflag:$0x6], $0x8000, $0x38;
	[tilespmem:$0x18000] =	vst v63  }
0x369: {  	_ =	swait.ge [sflag:s14], $0x8000  }
0x36a: {  	[sflag:s14] =	ssyncset.done $0x0  }
0x36b: {  	[sflag:s14] =	ssyncadd.s32 $0xFFFF8000  }
0x36c: {  	[hbm4b:s7+s2] =	stream.linear.scatter [tilespmem:s2], [sflag:$0x4], $0x8000, $0x38;
	[tilespmem:$0x18000] =	vst v63  }
0x36d: {  	_ =	swait.ge [sflag:s11], $0x8000  }
0x36e: {  	[sflag:s11] =	ssyncset.done $0x0  }
0x36f: {  	[sflag:s11] =	ssyncadd.s32 $0xFFFF8000  }
0x370: {  	[hbm4b:s3+s2] =	stream.linear.scatter [tilespmem:s5], [sflag:$0x5], $0x8000, $0x38;
	[tilespmem:$0x18000] =	vst v63  }
0x371: {  	_ =	swait.ge [sflag:s10], $0x8000  }
0x372: {  	[sflag:s10] =	ssyncset.done $0x0  }
0x373: {  	[sflag:s10] =	ssyncadd.s32 $0xFFFF8000  }
0x374: {  	_ =	swait.ge [sflag:s6], $0x8000  }
0x375: {  	[sflag:s6] =	ssyncset.done $0x0  }
0x376: {  	[sflag:s6] =	ssyncadd.s32 $0xFFFF8000  }
0x377: {  	_ =	swait.ge [sflag:s4], $0x8000  }
0x378: {  	[sflag:s4] =	ssyncset.done $0x0  }
0x379: {  	[sflag:s4] =	ssyncadd.s32 $0xFFFF8000  }
0x37a: {  	_ =	sfence.sel $0x180000  }
0x37b: {  	[bflag:$0x0] =	sbarrier.arrive $0xFFFF  }
0x37c: {  	_ =	strace $0x90000047  }
0x37d: {  	s31 =	stileid.u32;
	[bflag:$0x2] =	sbarrier.arrive $0xFFFF  }
0x37e: {  	p0 =	sne.s32 s31, $0x0;
	s0 =	rddreg [dreg:$0x2]  }
0x37f: {  	s0 =	sadd.s32 @!p0 $0x100000, s0  }
0x380: {  	[sflag:s0] =	ssyncadd.tile.s32 @!p0 $0x1;
	_ =	shalt  }
.Lfunc_end2:
_tile_overlayer_lowered:
.L_overlay_start_2:
0x381: {  	(tag) =	ssettag $0x2  }
0x382: {  	s0 =	rddreg [dreg:$0x0];
	s2 =	stileid.u32  }
0x383: {  	s1 =	rddreg [dreg:$0x1];
	p0 =	sne.s32 s2, $0x0  }
0x384: {  	s3 =	rddreg [dreg:$0x2];
	[bflag:$0x3] =	sbarrier.arrive $0xFFFF;
	s2 =	simm.s32 @!p0 $0x1C07  }
0x385: {  	[timem:s3], [sflag:s2] =	dma.local @!p0 [hbm:s0], s1  }
0x386: {  	s0 =	simm.s32 @!p0 $0x7  }
0x387: {  	_ =	swait.ge @!p0 [sflag:s0], s1  }
0x388: {  	s1 =	ssub.s32 @!p0 $0x0, s1;
	[sflag:s0] =	ssyncset.done @!p0 $0x0  }
0x389: {  	[sflag:s0] =	ssyncadd.s32 @!p0 s1  }
0x38a: {  	[bflag:$0x3] =	sbarrier.arrive $0xFFFF  }
0x38b: {  	_ =	shalt  }

</sc_bundles>
